<compile_context>
chip_gen: v7x
topology: tpu7x:2x2x1
jax: 0.10.2.dev20260603
libtpu: 0.0.44.dev20260713+nightly
codegen_flags: <defaults>
</compile_context>

<pallas_src>
import functools

import jax
import jax.numpy as jnp
from jax import lax
from jax.experimental import pallas as pl
from jax.experimental.pallas import tpu as pltpu
from jax.experimental.pallas import tpu_sc as plsc

N = 100000
E = 3200000
NC = 2
NS = 16
NW = NC * NS
LANE = 128

SLICES_PER_TILE = 800
SUPER = 16
N_ITERS = SLICES_PER_TILE // SUPER
EPAD = NW * SLICES_PER_TILE * LANE
NPAD = 100352
SEG = NPAD // NS
NEPAD = 131072
EMB_SLICES = NEPAD // (NW * LANE)
EMB_CHUNK = 8

TCB = 2048
UB = 489
UROWS = UB * 128
GBASE = 2 * UROWS
GB = 312
PROWS = GBASE + GB * 128

_mesh = plsc.VectorSubcoreMesh(core_axis_name="c", subcore_axis_name="s")


def _wid():
    return lax.axis_index("c") * NS + lax.axis_index("s")


def _sc_deg_emb(dst2d, grow2d, p2, z1):
    @functools.partial(
        pl.kernel,
        out_type=(
            jax.ShapeDtypeStruct((NC * NPAD,), jnp.float32),
            jax.ShapeDtypeStruct((NEPAD, 16), jnp.float32),
        ),
        mesh=_mesh,
        compiler_params=pltpu.CompilerParams(use_tc_tiling_on_sc=False),
        scratch_types=[
            pltpu.VMEM((SUPER, LANE), jnp.int32),
            pltpu.VMEM((EMB_CHUNK, LANE), jnp.int32),
            pltpu.VMEM((EMB_CHUNK * LANE, 16), jnp.float32),
            pltpu.VMEM((LANE,), jnp.float32),
            pltpu.VMEM_SHARED((NPAD,), jnp.float32),
            pltpu.SemaphoreType.DMA,
            pltpu.SemaphoreType.DMA,
        ],
    )
    def k(dst_h, grow_h, p2_h, z1_h, degp_h, raw_h,
          dv, gv, rbuf, ones, deg_sp, gsem, ssem):
        c = lax.axis_index("c")
        s = lax.axis_index("s")
        wid = c * NS + s

        pltpu.sync_copy(z1_h.at[pl.ds(s * SEG, SEG)], deg_sp.at[pl.ds(s * SEG, SEG)])

        @pl.loop(0, EMB_SLICES // EMB_CHUNK)
        def _(i):
            sbase = wid * EMB_SLICES + i * EMB_CHUNK
            pltpu.sync_copy(grow_h.at[pl.ds(sbase, EMB_CHUNK)], gv)
            descs = []
            for j in range(EMB_CHUNK):
                descs.append(pltpu.async_copy(
                    p2_h.at[gv.at[j]], rbuf.at[pl.ds(j * LANE, LANE)], gsem))
            for d in descs:
                d.wait()
            pltpu.sync_copy(rbuf, raw_h.at[pl.ds(sbase * LANE, EMB_CHUNK * LANE)])

        for t in range(LANE // 16):
            ones[pl.ds(t * 16, 16)] = jnp.full((16,), 1.0, jnp.float32)

        plsc.subcore_barrier()

        @pl.loop(0, N_ITERS)
        def _(i):
            base = wid * SLICES_PER_TILE + i * SUPER
            pltpu.sync_copy(dst_h.at[pl.ds(base, SUPER)], dv)
            sdescs = []
            for j in range(SUPER):
                sdescs.append(pltpu.async_copy(
                    ones, deg_sp.at[dv.at[j]], ssem, add=True))
            for d in sdescs:
                d.wait()

        plsc.subcore_barrier()
        pltpu.sync_copy(deg_sp.at[pl.ds(s * SEG, SEG)],
                        degp_h.at[pl.ds(c * NPAD + s * SEG, SEG)])

    return k(dst2d, grow2d, p2, z1)


def _sc_edge_pass(src2d, dst2d, table, zeros, C):
    tshape = (NPAD, C) if C > 1 else (NPAD,)
    rshape = (SUPER, LANE, C) if C > 1 else (SUPER, LANE)
    oshape = (NC, NPAD, C) if C > 1 else (NC * NPAD,)

    @functools.partial(
        pl.kernel,
        out_type=jax.ShapeDtypeStruct(oshape, jnp.float32),
        mesh=_mesh,
        compiler_params=pltpu.CompilerParams(use_tc_tiling_on_sc=False),
        scratch_types=[
            pltpu.VMEM((SUPER, LANE), jnp.int32),
            pltpu.VMEM((SUPER, LANE), jnp.int32),
            pltpu.VMEM(rshape, jnp.float32),
            pltpu.VMEM_SHARED(tshape, jnp.float32),
            pltpu.SemaphoreType.DMA,
            pltpu.SemaphoreType.DMA,
        ],
    )
    def k(src_h, dst_h, tab_h, z_h, accp_h, sv, dv, rows, acc_sp, gsem, ssem):
        c = lax.axis_index("c")
        s = lax.axis_index("s")
        wid = c * NS + s

        pltpu.sync_copy(z_h.at[pl.ds(s * SEG, SEG)], acc_sp.at[pl.ds(s * SEG, SEG)])
        plsc.subcore_barrier()

        @pl.loop(0, N_ITERS)
        def _(i):
            base = wid * SLICES_PER_TILE + i * SUPER
            pltpu.sync_copy(src_h.at[pl.ds(base, SUPER)], sv)
            pltpu.sync_copy(dst_h.at[pl.ds(base, SUPER)], dv)
            gdescs = []
            for j in range(SUPER):
                gdescs.append(pltpu.async_copy(
                    tab_h.at[sv.at[j]], rows.at[j], gsem))
            for d in gdescs:
                d.wait()
            sdescs = []
            for j in range(SUPER):
                sdescs.append(pltpu.async_copy(
                    rows.at[j], acc_sp.at[dv.at[j]], ssem, add=True))
            for d in sdescs:
                d.wait()

        plsc.subcore_barrier()
        if C > 1:
            pltpu.sync_copy(acc_sp.at[pl.ds(s * SEG, SEG)],
                            accp_h.at[c, pl.ds(s * SEG, SEG)])
        else:
            pltpu.sync_copy(acc_sp.at[pl.ds(s * SEG, SEG)],
                            accp_h.at[pl.ds(c * NPAD + s * SEG, SEG)])

    return k(src2d, dst2d, table, zeros)


_TCB = 2000


def _stack16(h):
    return jnp.concatenate([h[:, m * 128:(m + 1) * 128] for m in range(16)],
                           axis=0)


def _tc_table_user(uT, kT, Wbig):
    def body(x, k, w, o):
        t = pl.program_id(0)
        kcol = jnp.where(t == 0, k[:, 0:1], k[:, 1:2])
        h = jnp.maximum(x[...] + kcol, 0.0)
        o[...] = lax.dot_general(_stack16(h), w[...], (((0,), (0,)), ((), ())),
                                 preferred_element_type=jnp.float32)

    return pl.pallas_call(
        body,
        grid=(2, UB),
        in_specs=[pl.BlockSpec((8, TCB), lambda t, i: (0, i)),
                  pl.BlockSpec((8, 2), lambda t, i: (0, 0)),
                  pl.BlockSpec((128, 128), lambda t, i: (0, 0))],
        out_specs=pl.BlockSpec((128, 128), lambda t, i: (t * UB + i, 0)),
        out_shape=jax.ShapeDtypeStruct((PROWS, 128), jnp.float32),
    )(uT, kT, Wbig)


def _tc_table_group(p2u, gT, Wbig):
    def body(_, x, w, o):
        h = jnp.maximum(x[...], 0.0)
        o[...] = lax.dot_general(_stack16(h), w[...], (((0,), (0,)), ((), ())),
                                 preferred_element_type=jnp.float32)

    return pl.pallas_call(
        body,
        grid=(GB,),
        in_specs=[pl.BlockSpec(memory_space=pl.ANY),
                  pl.BlockSpec((4, TCB), lambda i: (0, i)),
                  pl.BlockSpec((64, 128), lambda i: (0, 0))],
        out_specs=pl.BlockSpec((128, 128), lambda i: (GBASE // 128 + i, 0)),
        out_shape=jax.ShapeDtypeStruct((PROWS, 128), jnp.float32),
        input_output_aliases={0: 0},
    )(p2u, gT, Wbig)


def _tc1_body(raw, feats, loffc, p0, p1, bu, bg, xs_o, dinv_o):
    ntype = feats[:, 2:3]
    deg = 1.0 + p0[...] + p1[...]
    dinv = lax.rsqrt(deg)
    r = raw[...]
    lo = loffc[...]
    feat = jnp.where(lo == 0, r[:, 0:8], r[:, 8:16])
    x = feat + jnp.where(ntype == 0, bu[...], bg[...])
    xs_o[...] = dinv * x
    dinv_o[...] = dinv


def _tc1(raw, feats, loffc, p0, p1, bu, bg):
    row = lambda c: pl.BlockSpec((_TCB, c), lambda i: (i, 0))
    full = lambda a: pl.BlockSpec(a.shape, lambda i: (0, 0))
    return pl.pallas_call(
        _tc1_body,
        grid=(N // _TCB,),
        in_specs=[row(16), row(3), row(1), row(1), row(1),
                  full(bu), full(bg)],
        out_specs=[row(8), row(1)],
        out_shape=[jax.ShapeDtypeStruct((N, 8), jnp.float32),
                   jax.ShapeDtypeStruct((N, 1), jnp.float32)],
    )(raw, feats, loffc, p0, p1, bu, bg)


def _tc2_body(a0, a1, xs, dinv, W0, b0, W2, zs_o):
    y = dinv[...] * (a0[...] + a1[...] + xs[...])
    h = jnp.maximum(jnp.dot(y, W0[...], preferred_element_type=jnp.float32)
                    + b0[...], 0.0)
    z = jnp.dot(h, W2[...], preferred_element_type=jnp.float32)
    zs_o[...] = dinv[...] * z


def _tc2(a0, a1, xs, dinv, W0, b0, W2):
    row = lambda c: pl.BlockSpec((_TCB, c), lambda i: (i, 0))
    full = lambda a: pl.BlockSpec(a.shape, lambda i: (0, 0))
    return pl.pallas_call(
        _tc2_body,
        grid=(N // _TCB,),
        in_specs=[row(8), row(8), row(8), row(1), full(W0), full(b0), full(W2)],
        out_specs=row(1),
        out_shape=jax.ShapeDtypeStruct((N, 1), jnp.float32),
    )(a0, a1, xs, dinv, W0, b0, W2)


def _tc3_body(a0, a1, zs, dinv, b2, out_o):
    out_o[...] = dinv[...] * (a0[...] + a1[...] + zs[...]) + b2[...]


def _tc3(a0, a1, zs, dinv, b2):
    row = lambda c: pl.BlockSpec((_TCB, c), lambda i: (i, 0))
    full = lambda a: pl.BlockSpec(a.shape, lambda i: (0, 0))
    return pl.pallas_call(
        _tc3_body,
        grid=(N // _TCB,),
        in_specs=[row(1), row(1), row(1), row(1), full(b2)],
        out_specs=row(1),
        out_shape=jax.ShapeDtypeStruct((N, 1), jnp.float32),
    )(a0, a1, zs, dinv, b2)


def kernel(edges, features, user_emb, known_emb, group_emb, user_proj_W,
           user_proj_b, group_proj_W, group_proj_b, W0, b0, W1, b1, W2, b2):
    del W1, b1

    node_idx = features[:, 0]

    pad = EPAD - E
    ar = jnp.arange(pad, dtype=jnp.int32)
    src_p = jnp.concatenate([edges[0], N + ar % (NPAD - N)])
    dst_p = jnp.concatenate([edges[1], ar % N])
    dstdeg_p = jnp.concatenate([edges[1], N + ar % (NPAD - N)])
    src2d = src_p.reshape(EPAD // LANE, LANE)
    dst2d = dst_p.reshape(EPAD // LANE, LANE)
    dstdeg2d = dstdeg_p.reshape(EPAD // LANE, LANE)

    p2u = _tc_table_user(user_emb.T, known_emb.T,
                         jnp.kron(jnp.eye(16, dtype=jnp.float32), user_proj_W))
    p2 = _tc_table_group(p2u, group_emb.T,
                         jnp.kron(jnp.eye(16, dtype=jnp.float32), group_proj_W))
    p2v = p2.reshape(PROWS * 8, 16)

    known_v = features[:, 1]
    ntype_v = features[:, 2]
    slabbase = jnp.where(ntype_v == 0, known_v * UROWS, GBASE)
    m = (node_idx % TCB) // 128
    grow = (slabbase + (node_idx // TCB) * 128 + (node_idx % 128)) * 8 + m // 2
    loff = (m % 2) * 8
    grow2d = jnp.pad(grow, (0, NEPAD - N)).reshape(NEPAD // LANE, LANE)

    z1 = jnp.zeros((NPAD,), jnp.float32)
    z8 = jnp.zeros((NPAD, 8), jnp.float32)

    degp, raw = _sc_deg_emb(dstdeg2d, grow2d, p2v, z1)
    degp = degp.reshape(NC, NPAD)

    xs, dinv = _tc1(raw[:N], features, loff[:, None],
                    degp[0, :N, None], degp[1, :N, None],
                    user_proj_b.reshape(1, 8), group_proj_b.reshape(1, 8))

    xs_pad = jnp.pad(xs, ((0, NPAD - N), (0, 0)))
    accp = _sc_edge_pass(src2d, dst2d, xs_pad, z8, 8)

    zs = _tc2(accp[0, :N], accp[1, :N], xs, dinv,
              W0, b0.reshape(1, 16), W2)

    zs_pad = jnp.pad(zs[:, 0], (0, NPAD - N))
    accp2 = _sc_edge_pass(src2d, dst2d, zs_pad, z1, 1).reshape(NC, NPAD)

    return _tc3(accp2[0, :N, None], accp2[1, :N, None], zs, dinv,
                b2.reshape(1, 1))

# --- scband reference (transcript-rebuilt; emitter-appended) ---
"""Pipeline reference for scband-stacked-gcnyahoo-3307124818591 (READ-ONLY COPY).

The authoritative reference and input builder live on the scoring server;
editing this copy changes nothing except your own understanding.
"""

import jax, jax.numpy as jnp
import numpy as np

N_NODES = 100000
N_EDGES = 3200000
USER_SIZE = 999745
GROUP_SIZE = 638125
USER_DIM = 8
GROUP_DIM = 4
IN_CH = 8
OUT_CH = 1
HID = 16


def setup_inputs(seed: int = 0) -> dict:
    key = jax.random.key(seed)
    ks = jax.random.split(key, 20)
    edges = jax.random.randint(ks[0], (2, N_EDGES), 0, N_NODES, dtype=jnp.int32)
    node_idx = jax.random.randint(ks[1], (N_NODES,), 0, GROUP_SIZE, dtype=jnp.int32)
    known = jax.random.randint(ks[2], (N_NODES,), 0, 2, dtype=jnp.int32)
    ntype = jax.random.randint(ks[3], (N_NODES,), 0, 2, dtype=jnp.int32)
    features = jnp.stack([node_idx, known, ntype], axis=1)
    s = 0.02
    return {
        "edges": edges,
        "features": features,
        "user_emb": s * jax.random.normal(ks[4], (USER_SIZE, USER_DIM), jnp.float32),
        "known_emb": s * jax.random.normal(ks[5], (2, USER_DIM), jnp.float32),
        "group_emb": s * jax.random.normal(ks[6], (GROUP_SIZE, GROUP_DIM), jnp.float32),
        "user_proj_W": s * jax.random.normal(ks[7], (USER_DIM, IN_CH), jnp.float32),
        "user_proj_b": jnp.zeros((IN_CH,), jnp.float32),
        "group_proj_W": s * jax.random.normal(ks[8], (GROUP_DIM, IN_CH), jnp.float32),
        "group_proj_b": jnp.zeros((IN_CH,), jnp.float32),
        "W0": s * jax.random.normal(ks[9], (IN_CH, HID), jnp.float32),
        "b0": jnp.zeros((HID,), jnp.float32),
        "W1": s * jax.random.normal(ks[10], (HID, HID), jnp.float32),
        "b1": jnp.zeros((HID,), jnp.float32),
        "W2": s * jax.random.normal(ks[11], (HID, OUT_CH), jnp.float32),
        "b2": jnp.zeros((OUT_CH,), jnp.float32),
    }


def _forward(edges, features, user_emb, known_emb, group_emb, user_proj_W, user_proj_b,
             group_proj_W, group_proj_b, W0, b0, W1, b1, W2, b2):
    n = features.shape[0]
    node_idx = features[:, 0]
    known = features[:, 1]
    ntype = features[:, -1]
    # per-node embedding paths (mask-selected, equivalent to boolean-index fill in torch)
    u_idx = jnp.clip(node_idx, 0, user_emb.shape[0] - 1)
    k_idx = jnp.clip(known, 0, 1)
    g_idx = jnp.clip(node_idx, 0, group_emb.shape[0] - 1)
    user_feature = jax.nn.relu(user_emb[u_idx] + known_emb[k_idx]) @ user_proj_W + user_proj_b
    group_feature = jax.nn.relu(group_emb[g_idx]) @ group_proj_W + group_proj_b
    x = jnp.where((ntype == 0)[:, None], user_feature, group_feature)
    # GCN normalization with self loops (computed per conv in PyG; identical graph each layer)
    src = edges[0]
    dst = edges[1]
    loop = jnp.arange(n, dtype=src.dtype)
    src2 = jnp.concatenate([src, loop])
    dst2 = jnp.concatenate([dst, loop])
    deg = jax.ops.segment_sum(jnp.ones(src2.shape[0], jnp.float32), dst2, num_segments=n)
    dinv = jnp.where(deg > 0, 1.0 / jnp.sqrt(deg), 0.0)
    norm = dinv[src2] * dinv[dst2]

    def gcn_conv(h, W, b):
        hw = h @ W
        msg = hw[src2] * norm[:, None]
        return jax.ops.segment_sum(msg, dst2, num_segments=n) + b

    # original forward: loop over layers[:-2] (only layer 0 with relu), then layers[-1];
    # layer 1 (W1, b1) is constructed but never applied — kept faithful.
    h = jax.nn.relu(gcn_conv(x, W0, b0))
    _ = (W1, b1)
    out = gcn_conv(h, W2, b2)
    return out


def reference(edges, features, user_emb, known_emb, group_emb, user_proj_W, user_proj_b,
              group_proj_W, group_proj_b, W0, b0, W1, b1, W2, b2):
    return _forward(edges, features, user_emb, known_emb, group_emb, user_proj_W, user_proj_b,
                    group_proj_W, group_proj_b, W0, b0, W1, b1, W2, b2)

if __name__ == "__main__":
    import jax
    _d = setup_inputs()
    print(jax.jit(kernel)(*tuple(_d.values())))

</pallas_src>

<mosaic_0001>
#map = affine_map<(d0, d1) -> (0, 0)>
#map1 = affine_map<(d0, d1) -> (0)>
module attributes {stable_mosaic.version = 14 : i64} {
  func.func @k(%arg0: i32, %arg1: i32, %arg2: memref<25600x128xi32, #tpu.memory_space<hbm>>, %arg3: memref<1024x128xi32, #tpu.memory_space<hbm>>, %arg4: memref<1320960x16xf32, #tpu.memory_space<hbm>>, %arg5: memref<100352xf32, #tpu.memory_space<hbm>>, %arg6: memref<200704xf32, #tpu.memory_space<hbm>>, %arg7: memref<131072x16xf32, #tpu.memory_space<hbm>>, %arg8: memref<16x128xi32, #tpu.memory_space<vmem>>, %arg9: memref<8x128xi32, #tpu.memory_space<vmem>>, %arg10: memref<1024x16xf32, #tpu.memory_space<vmem>>, %arg11: memref<128xf32, #tpu.memory_space<vmem>>, %arg12: memref<100352xf32, #tpu.memory_space<vmem_shared>>, %arg13: memref<!tpu.dma_semaphore, #tpu.memory_space<semaphore_mem>>, %arg14: memref<!tpu.dma_semaphore, #tpu.memory_space<semaphore_mem>>) attributes {dimension_semantics = [#tpu.dimension_semantics<core_parallel>, #tpu.dimension_semantics<subcore_parallel>], iteration_bounds = array<i64: 2, 16>, scalar_prefetch = 0 : i64, scratch_operands = 7 : i64, tpu.core_type = #tpu.core_type<sc_vector_subcore>, window_params = [{transform_indices = #map}, {transform_indices = #map}, {transform_indices = #map}, {transform_indices = #map1}, {transform_indices = #map1}, {transform_indices = #map}]} {
    %mul3A = arith.constant 16 : i32
    %mul3A_0 = arith.muli %arg0, %mul3A : i32
    %add3A = arith.addi %mul3A_0, %arg1 : i32
    %mul3A_1 = arith.constant 6272 : i32
    %mul3A_2 = arith.muli %arg1, %mul3A_1 : i32
    %mul3A_3 = arith.constant 6272 : i32
    %mul3A_4 = arith.muli %arg1, %mul3A_3 : i32
    "tpu.region"() ({
      %run_scoped3A = tpu.sem_alloc : memref<!tpu.dma_semaphore, #tpu.memory_space<semaphore_mem>>
      %dma_start3A = tpu.memref_slice %arg12[%mul3A_4] : memref<100352xf32, #tpu.memory_space<vmem_shared>> -> memref<6272xf32, #tpu.memory_space<vmem_shared>>
      %dma_start3A_68 = tpu.memref_slice %arg5[%mul3A_2] : memref<100352xf32, #tpu.memory_space<hbm>> -> memref<6272xf32, #tpu.memory_space<hbm>>
      tpu.enqueue_dma source(%dma_start3A_68 : memref<6272xf32, #tpu.memory_space<hbm>>) target(%dma_start3A : memref<6272xf32, #tpu.memory_space<vmem_shared>>) target_semaphore(%run_scoped3A : memref<!tpu.dma_semaphore, #tpu.memory_space<semaphore_mem>>)
      %dma_wait3A = tpu.memref_slice %arg12[%mul3A_4] : memref<100352xf32, #tpu.memory_space<vmem_shared>> -> memref<6272xf32, #tpu.memory_space<vmem_shared>>
      %dma_wait3A_69 = tpu.memref_slice %arg5[%mul3A_2] : memref<100352xf32, #tpu.memory_space<hbm>> -> memref<6272xf32, #tpu.memory_space<hbm>>
      tpu.wait_dma2 semaphore(%run_scoped3A : memref<!tpu.dma_semaphore, #tpu.memory_space<semaphore_mem>>) src(%dma_wait3A_69 : memref<6272xf32, #tpu.memory_space<hbm>>) dst(%dma_wait3A : memref<6272xf32, #tpu.memory_space<vmem_shared>>)
      tpu.yield
    }) : () -> ()
    %scan3A = arith.constant 0 : i32
    %scan3A_5 = arith.constant 4 : i32
    %scan3A_6 = arith.addi %scan3A, %scan3A_5 : i32
    %scan3A_7 = arith.constant 1 : i32
    scf.for %scan3A_68 = %scan3A to %scan3A_6 step %scan3A_7  : i32 {
      %mul3A_69 = arith.constant 1 : i32
      %mul3A_70 = arith.muli %scan3A_68, %mul3A_69 : i32
      %add3A_71 = arith.constant 0 : i32
      %add3A_72 = arith.addi %add3A_71, %mul3A_70 : i32
      %mul3A_73 = arith.constant 32 : i32
      %mul3A_74 = arith.muli %add3A, %mul3A_73 : i32
      %mul3A_75 = arith.constant 8 : i32
      %mul3A_76 = arith.muli %add3A_72, %mul3A_75 : i32
      %add3A_77 = arith.addi %mul3A_74, %mul3A_76 : i32
      "tpu.region"() ({
        %run_scoped3A = tpu.sem_alloc : memref<!tpu.dma_semaphore, #tpu.memory_space<semaphore_mem>>
        %dma_start3A_238 = arith.constant 0 : i32
        %dma_start3A_239 = tpu.memref_slice %arg3[%add3A_77, %dma_start3A_238] : memref<1024x128xi32, #tpu.memory_space<hbm>> -> memref<8x128xi32, #tpu.memory_space<hbm>>
        %dma_start3A_240 = arith.constant 0 : i32
        %dma_start3A_241 = tpu.memref_slice %arg3[%add3A_77, %dma_start3A_240] : memref<1024x128xi32, #tpu.memory_space<hbm>> -> memref<8x128xi32, #tpu.memory_space<hbm>>
        tpu.enqueue_dma source(%dma_start3A_241 : memref<8x128xi32, #tpu.memory_space<hbm>>) target(%arg9 : memref<8x128xi32, #tpu.memory_space<vmem>>) target_semaphore(%run_scoped3A : memref<!tpu.dma_semaphore, #tpu.memory_space<semaphore_mem>>)
        %dma_wait3A_242 = arith.constant 0 : i32
        %dma_wait3A_243 = tpu.memref_slice %arg3[%add3A_77, %dma_wait3A_242] : memref<1024x128xi32, #tpu.memory_space<hbm>> -> memref<8x128xi32, #tpu.memory_space<hbm>>
        %dma_wait3A_244 = arith.constant 0 : i32
        %dma_wait3A_245 = tpu.memref_slice %arg3[%add3A_77, %dma_wait3A_244] : memref<1024x128xi32, #tpu.memory_space<hbm>> -> memref<8x128xi32, #tpu.memory_space<hbm>>
        tpu.wait_dma2 semaphore(%run_scoped3A : memref<!tpu.dma_semaphore, #tpu.memory_space<semaphore_mem>>) src(%dma_wait3A_245 : memref<8x128xi32, #tpu.memory_space<hbm>>) dst(%arg9 : memref<8x128xi32, #tpu.memory_space<vmem>>)
        tpu.yield
      }) : () -> ()
      %dma_start3A = arith.constant 0 : i32
      %dma_start3A_78 = arith.constant 0 : i32
      %dma_start3A_79 = arith.constant 0 : i32
      %dma_start3A_80 = tpu.memref_slice %arg10[%dma_start3A_78, %dma_start3A_79] : memref<1024x16xf32, #tpu.memory_space<vmem>> -> memref<128x16xf32, #tpu.memory_space<vmem>>
      %dma_start3A_81 = arith.constant 0 : i32
      %dma_start3A_82 = tpu.memref_slice %arg9[%dma_start3A, %dma_start3A_81] : memref<8x128xi32, #tpu.memory_space<vmem>> -> memref<1x128xi32, #tpu.memory_space<vmem>>
      %dma_start3A_83 = tpu.memref_squeeze %dma_start3A_82 : memref<1x128xi32, #tpu.memory_space<vmem>> -> memref<128xi32, #tpu.memory_space<vmem>>
      %dma_start3A_84 = arith.constant 0 : i32
      %dma_start3A_85 = arith.constant 0 : i32
      %dma_start3A_86 = tpu.memref_slice %arg4[%dma_start3A_84, %dma_start3A_85] : memref<1320960x16xf32, #tpu.memory_space<hbm>> -> memref<1320960x16xf32, #tpu.memory_space<hbm>>
      tpu.enqueue_indirect_dma source(%dma_start3A_86 : memref<1320960x16xf32, #tpu.memory_space<hbm>>) target(%dma_start3A_80 : memref<128x16xf32, #tpu.memory_space<vmem>>) offsets(%dma_start3A_83 : memref<128xi32, #tpu.memory_space<vmem>>) semaphore(%arg13 : memref<!tpu.dma_semaphore, #tpu.memory_space<semaphore_mem>>)
      %dma_start3A_87 = arith.constant 1 : i32
      %dma_start3A_88 = arith.constant 128 : i32
      %dma_start3A_89 = arith.constant 0 : i32
      %dma_start3A_90 = tpu.memref_slice %arg10[%dma_start3A_88, %dma_start3A_89] : memref<1024x16xf32, #tpu.memory_space<vmem>> -> memref<128x16xf32, #tpu.memory_space<vmem>>
      %dma_start3A_91 = arith.constant 0 : i32
      %dma_start3A_92 = tpu.memref_slice %arg9[%dma_start3A_87, %dma_start3A_91] : memref<8x128xi32, #tpu.memory_space<vmem>> -> memref<1x128xi32, #tpu.memory_space<vmem>>
      %dma_start3A_93 = tpu.memref_squeeze %dma_start3A_92 : memref<1x128xi32, #tpu.memory_space<vmem>> -> memref<128xi32, #tpu.memory_space<vmem>>
      %dma_start3A_94 = arith.constant 0 : i32
      %dma_start3A_95 = arith.constant 0 : i32
      %dma_start3A_96 = tpu.memref_slice %arg4[%dma_start3A_94, %dma_start3A_95] : memref<1320960x16xf32, #tpu.memory_space<hbm>> -> memref<1320960x16xf32, #tpu.memory_space<hbm>>
      tpu.enqueue_indirect_dma source(%dma_start3A_96 : memref<1320960x16xf32, #tpu.memory_space<hbm>>) target(%dma_start3A_90 : memref<128x16xf32, #tpu.memory_space<vmem>>) offsets(%dma_start3A_93 : memref<128xi32, #tpu.memory_space<vmem>>) semaphore(%arg13 : memref<!tpu.dma_semaphore, #tpu.memory_space<semaphore_mem>>)
      %dma_start3A_97 = arith.constant 2 : i32
      %dma_start3A_98 = arith.constant 256 : i32
      %dma_start3A_99 = arith.constant 0 : i32
      %dma_start3A_100 = tpu.memref_slice %arg10[%dma_start3A_98, %dma_start3A_99] : memref<1024x16xf32, #tpu.memory_space<vmem>> -> memref<128x16xf32, #tpu.memory_space<vmem>>
      %dma_start3A_101 = arith.constant 0 : i32
      %dma_start3A_102 = tpu.memref_slice %arg9[%dma_start3A_97, %dma_start3A_101] : memref<8x128xi32, #tpu.memory_space<vmem>> -> memref<1x128xi32, #tpu.memory_space<vmem>>
      %dma_start3A_103 = tpu.memref_squeeze %dma_start3A_102 : memref<1x128xi32, #tpu.memory_space<vmem>> -> memref<128xi32, #tpu.memory_space<vmem>>
      %dma_start3A_104 = arith.constant 0 : i32
      %dma_start3A_105 = arith.constant 0 : i32
      %dma_start3A_106 = tpu.memref_slice %arg4[%dma_start3A_104, %dma_start3A_105] : memref<1320960x16xf32, #tpu.memory_space<hbm>> -> memref<1320960x16xf32, #tpu.memory_space<hbm>>
      tpu.enqueue_indirect_dma source(%dma_start3A_106 : memref<1320960x16xf32, #tpu.memory_space<hbm>>) target(%dma_start3A_100 : memref<128x16xf32, #tpu.memory_space<vmem>>) offsets(%dma_start3A_103 : memref<128xi32, #tpu.memory_space<vmem>>) semaphore(%arg13 : memref<!tpu.dma_semaphore, #tpu.memory_space<semaphore_mem>>)
      %dma_start3A_107 = arith.constant 3 : i32
      %dma_start3A_108 = arith.constant 384 : i32
      %dma_start3A_109 = arith.constant 0 : i32
      %dma_start3A_110 = tpu.memref_slice %arg10[%dma_start3A_108, %dma_start3A_109] : memref<1024x16xf32, #tpu.memory_space<vmem>> -> memref<128x16xf32, #tpu.memory_space<vmem>>
      %dma_start3A_111 = arith.constant 0 : i32
      %dma_start3A_112 = tpu.memref_slice %arg9[%dma_start3A_107, %dma_start3A_111] : memref<8x128xi32, #tpu.memory_space<vmem>> -> memref<1x128xi32, #tpu.memory_space<vmem>>
      %dma_start3A_113 = tpu.memref_squeeze %dma_start3A_112 : memref<1x128xi32, #tpu.memory_space<vmem>> -> memref<128xi32, #tpu.memory_space<vmem>>
      %dma_start3A_114 = arith.constant 0 : i32
      %dma_start3A_115 = arith.constant 0 : i32
      %dma_start3A_116 = tpu.memref_slice %arg4[%dma_start3A_114, %dma_start3A_115] : memref<1320960x16xf32, #tpu.memory_space<hbm>> -> memref<1320960x16xf32, #tpu.memory_space<hbm>>
      tpu.enqueue_indirect_dma source(%dma_start3A_116 : memref<1320960x16xf32, #tpu.memory_space<hbm>>) target(%dma_start3A_110 : memref<128x16xf32, #tpu.memory_space<vmem>>) offsets(%dma_start3A_113 : memref<128xi32, #tpu.memory_space<vmem>>) semaphore(%arg13 : memref<!tpu.dma_semaphore, #tpu.memory_space<semaphore_mem>>)
      %dma_start3A_117 = arith.constant 4 : i32
      %dma_start3A_118 = arith.constant 512 : i32
      %dma_start3A_119 = arith.constant 0 : i32
      %dma_start3A_120 = tpu.memref_slice %arg10[%dma_start3A_118, %dma_start3A_119] : memref<1024x16xf32, #tpu.memory_space<vmem>> -> memref<128x16xf32, #tpu.memory_space<vmem>>
      %dma_start3A_121 = arith.constant 0 : i32
      %dma_start3A_122 = tpu.memref_slice %arg9[%dma_start3A_117, %dma_start3A_121] : memref<8x128xi32, #tpu.memory_space<vmem>> -> memref<1x128xi32, #tpu.memory_space<vmem>>
      %dma_start3A_123 = tpu.memref_squeeze %dma_start3A_122 : memref<1x128xi32, #tpu.memory_space<vmem>> -> memref<128xi32, #tpu.memory_space<vmem>>
      %dma_start3A_124 = arith.constant 0 : i32
      %dma_start3A_125 = arith.constant 0 : i32
      %dma_start3A_126 = tpu.memref_slice %arg4[%dma_start3A_124, %dma_start3A_125] : memref<1320960x16xf32, #tpu.memory_space<hbm>> -> memref<1320960x16xf32, #tpu.memory_space<hbm>>
      tpu.enqueue_indirect_dma source(%dma_start3A_126 : memref<1320960x16xf32, #tpu.memory_space<hbm>>) target(%dma_start3A_120 : memref<128x16xf32, #tpu.memory_space<vmem>>) offsets(%dma_start3A_123 : memref<128xi32, #tpu.memory_space<vmem>>) semaphore(%arg13 : memref<!tpu.dma_semaphore, #tpu.memory_space<semaphore_mem>>)
      %dma_start3A_127 = arith.constant 5 : i32
      %dma_start3A_128 = arith.constant 640 : i32
      %dma_start3A_129 = arith.constant 0 : i32
      %dma_start3A_130 = tpu.memref_slice %arg10[%dma_start3A_128, %dma_start3A_129] : memref<1024x16xf32, #tpu.memory_space<vmem>> -> memref<128x16xf32, #tpu.memory_space<vmem>>
      %dma_start3A_131 = arith.constant 0 : i32
      %dma_start3A_132 = tpu.memref_slice %arg9[%dma_start3A_127, %dma_start3A_131] : memref<8x128xi32, #tpu.memory_space<vmem>> -> memref<1x128xi32, #tpu.memory_space<vmem>>
      %dma_start3A_133 = tpu.memref_squeeze %dma_start3A_132 : memref<1x128xi32, #tpu.memory_space<vmem>> -> memref<128xi32, #tpu.memory_space<vmem>>
      %dma_start3A_134 = arith.constant 0 : i32
      %dma_start3A_135 = arith.constant 0 : i32
      %dma_start3A_136 = tpu.memref_slice %arg4[%dma_start3A_134, %dma_start3A_135] : memref<1320960x16xf32, #tpu.memory_space<hbm>> -> memref<1320960x16xf32, #tpu.memory_space<hbm>>
      tpu.enqueue_indirect_dma source(%dma_start3A_136 : memref<1320960x16xf32, #tpu.memory_space<hbm>>) target(%dma_start3A_130 : memref<128x16xf32, #tpu.memory_space<vmem>>) offsets(%dma_start3A_133 : memref<128xi32, #tpu.memory_space<vmem>>) semaphore(%arg13 : memref<!tpu.dma_semaphore, #tpu.memory_space<semaphore_mem>>)
      %dma_start3A_137 = arith.constant 6 : i32
      %dma_start3A_138 = arith.constant 768 : i32
      %dma_start3A_139 = arith.constant 0 : i32
      %dma_start3A_140 = tpu.memref_slice %arg10[%dma_start3A_138, %dma_start3A_139] : memref<1024x16xf32, #tpu.memory_space<vmem>> -> memref<128x16xf32, #tpu.memory_space<vmem>>
      %dma_start3A_141 = arith.constant 0 : i32
      %dma_start3A_142 = tpu.memref_slice %arg9[%dma_start3A_137, %dma_start3A_141] : memref<8x128xi32, #tpu.memory_space<vmem>> -> memref<1x128xi32, #tpu.memory_space<vmem>>
      %dma_start3A_143 = tpu.memref_squeeze %dma_start3A_142 : memref<1x128xi32, #tpu.memory_space<vmem>> -> memref<128xi32, #tpu.memory_space<vmem>>
      %dma_start3A_144 = arith.constant 0 : i32
      %dma_start3A_145 = arith.constant 0 : i32
      %dma_start3A_146 = tpu.memref_slice %arg4[%dma_start3A_144, %dma_start3A_145] : memref<1320960x16xf32, #tpu.memory_space<hbm>> -> memref<1320960x16xf32, #tpu.memory_space<hbm>>
      tpu.enqueue_indirect_dma source(%dma_start3A_146 : memref<1320960x16xf32, #tpu.memory_space<hbm>>) target(%dma_start3A_140 : memref<128x16xf32, #tpu.memory_space<vmem>>) offsets(%dma_start3A_143 : memref<128xi32, #tpu.memory_space<vmem>>) semaphore(%arg13 : memref<!tpu.dma_semaphore, #tpu.memory_space<semaphore_mem>>)
      %dma_start3A_147 = arith.constant 7 : i32
      %dma_start3A_148 = arith.constant 896 : i32
      %dma_start3A_149 = arith.constant 0 : i32
      %dma_start3A_150 = tpu.memref_slice %arg10[%dma_start3A_148, %dma_start3A_149] : memref<1024x16xf32, #tpu.memory_space<vmem>> -> memref<128x16xf32, #tpu.memory_space<vmem>>
      %dma_start3A_151 = arith.constant 0 : i32
      %dma_start3A_152 = tpu.memref_slice %arg9[%dma_start3A_147, %dma_start3A_151] : memref<8x128xi32, #tpu.memory_space<vmem>> -> memref<1x128xi32, #tpu.memory_space<vmem>>
      %dma_start3A_153 = tpu.memref_squeeze %dma_start3A_152 : memref<1x128xi32, #tpu.memory_space<vmem>> -> memref<128xi32, #tpu.memory_space<vmem>>
      %dma_start3A_154 = arith.constant 0 : i32
      %dma_start3A_155 = arith.constant 0 : i32
      %dma_start3A_156 = tpu.memref_slice %arg4[%dma_start3A_154, %dma_start3A_155] : memref<1320960x16xf32, #tpu.memory_space<hbm>> -> memref<1320960x16xf32, #tpu.memory_space<hbm>>
      tpu.enqueue_indirect_dma source(%dma_start3A_156 : memref<1320960x16xf32, #tpu.memory_space<hbm>>) target(%dma_start3A_150 : memref<128x16xf32, #tpu.memory_space<vmem>>) offsets(%dma_start3A_153 : memref<128xi32, #tpu.memory_space<vmem>>) semaphore(%arg13 : memref<!tpu.dma_semaphore, #tpu.memory_space<semaphore_mem>>)
      %dma_wait3A = arith.constant 0 : i32
      %dma_wait3A_157 = arith.constant 0 : i32
      %dma_wait3A_158 = arith.constant 0 : i32
      %dma_wait3A_159 = tpu.memref_slice %arg10[%dma_wait3A_157, %dma_wait3A_158] : memref<1024x16xf32, #tpu.memory_space<vmem>> -> memref<128x16xf32, #tpu.memory_space<vmem>>
      %dma_wait3A_160 = arith.constant 0 : i32
      %dma_wait3A_161 = tpu.memref_slice %arg9[%dma_wait3A, %dma_wait3A_160] : memref<8x128xi32, #tpu.memory_space<vmem>> -> memref<1x128xi32, #tpu.memory_space<vmem>>
      %dma_wait3A_162 = tpu.memref_squeeze %dma_wait3A_161 : memref<1x128xi32, #tpu.memory_space<vmem>> -> memref<128xi32, #tpu.memory_space<vmem>>
      %dma_wait3A_163 = arith.constant 0 : i32
      %dma_wait3A_164 = arith.constant 0 : i32
      %dma_wait3A_165 = tpu.memref_slice %arg4[%dma_wait3A_163, %dma_wait3A_164] : memref<1320960x16xf32, #tpu.memory_space<hbm>> -> memref<1320960x16xf32, #tpu.memory_space<hbm>>
      tpu.wait_indirect_dma semaphore(%arg13 : memref<!tpu.dma_semaphore, #tpu.memory_space<semaphore_mem>>) src(%dma_wait3A_165 : memref<1320960x16xf32, #tpu.memory_space<hbm>>) dst(%dma_wait3A_159 : memref<128x16xf32, #tpu.memory_space<vmem>>)
      %dma_wait3A_166 = arith.constant 1 : i32
      %dma_wait3A_167 = arith.constant 128 : i32
      %dma_wait3A_168 = arith.constant 0 : i32
      %dma_wait3A_169 = tpu.memref_slice %arg10[%dma_wait3A_167, %dma_wait3A_168] : memref<1024x16xf32, #tpu.memory_space<vmem>> -> memref<128x16xf32, #tpu.memory_space<vmem>>
      %dma_wait3A_170 = arith.constant 0 : i32
      %dma_wait3A_171 = tpu.memref_slice %arg9[%dma_wait3A_166, %dma_wait3A_170] : memref<8x128xi32, #tpu.memory_space<vmem>> -> memref<1x128xi32, #tpu.memory_space<vmem>>
      %dma_wait3A_172 = tpu.memref_squeeze %dma_wait3A_171 : memref<1x128xi32, #tpu.memory_space<vmem>> -> memref<128xi32, #tpu.memory_space<vmem>>
      %dma_wait3A_173 = arith.constant 0 : i32
      %dma_wait3A_174 = arith.constant 0 : i32
      %dma_wait3A_175 = tpu.memref_slice %arg4[%dma_wait3A_173, %dma_wait3A_174] : memref<1320960x16xf32, #tpu.memory_space<hbm>> -> memref<1320960x16xf32, #tpu.memory_space<hbm>>
      tpu.wait_indirect_dma semaphore(%arg13 : memref<!tpu.dma_semaphore, #tpu.memory_space<semaphore_mem>>) src(%dma_wait3A_175 : memref<1320960x16xf32, #tpu.memory_space<hbm>>) dst(%dma_wait3A_169 : memref<128x16xf32, #tpu.memory_space<vmem>>)
      %dma_wait3A_176 = arith.constant 2 : i32
      %dma_wait3A_177 = arith.constant 256 : i32
      %dma_wait3A_178 = arith.constant 0 : i32
      %dma_wait3A_179 = tpu.memref_slice %arg10[%dma_wait3A_177, %dma_wait3A_178] : memref<1024x16xf32, #tpu.memory_space<vmem>> -> memref<128x16xf32, #tpu.memory_space<vmem>>
      %dma_wait3A_180 = arith.constant 0 : i32
      %dma_wait3A_181 = tpu.memref_slice %arg9[%dma_wait3A_176, %dma_wait3A_180] : memref<8x128xi32, #tpu.memory_space<vmem>> -> memref<1x128xi32, #tpu.memory_space<vmem>>
      %dma_wait3A_182 = tpu.memref_squeeze %dma_wait3A_181 : memref<1x128xi32, #tpu.memory_space<vmem>> -> memref<128xi32, #tpu.memory_space<vmem>>
      %dma_wait3A_183 = arith.constant 0 : i32
      %dma_wait3A_184 = arith.constant 0 : i32
      %dma_wait3A_185 = tpu.memref_slice %arg4[%dma_wait3A_183, %dma_wait3A_184] : memref<1320960x16xf32, #tpu.memory_space<hbm>> -> memref<1320960x16xf32, #tpu.memory_space<hbm>>
      tpu.wait_indirect_dma semaphore(%arg13 : memref<!tpu.dma_semaphore, #tpu.memory_space<semaphore_mem>>) src(%dma_wait3A_185 : memref<1320960x16xf32, #tpu.memory_space<hbm>>) dst(%dma_wait3A_179 : memref<128x16xf32, #tpu.memory_space<vmem>>)
      %dma_wait3A_186 = arith.constant 3 : i32
      %dma_wait3A_187 = arith.constant 384 : i32
      %dma_wait3A_188 = arith.constant 0 : i32
      %dma_wait3A_189 = tpu.memref_slice %arg10[%dma_wait3A_187, %dma_wait3A_188] : memref<1024x16xf32, #tpu.memory_space<vmem>> -> memref<128x16xf32, #tpu.memory_space<vmem>>
      %dma_wait3A_190 = arith.constant 0 : i32
      %dma_wait3A_191 = tpu.memref_slice %arg9[%dma_wait3A_186, %dma_wait3A_190] : memref<8x128xi32, #tpu.memory_space<vmem>> -> memref<1x128xi32, #tpu.memory_space<vmem>>
      %dma_wait3A_192 = tpu.memref_squeeze %dma_wait3A_191 : memref<1x128xi32, #tpu.memory_space<vmem>> -> memref<128xi32, #tpu.memory_space<vmem>>
      %dma_wait3A_193 = arith.constant 0 : i32
      %dma_wait3A_194 = arith.constant 0 : i32
      %dma_wait3A_195 = tpu.memref_slice %arg4[%dma_wait3A_193, %dma_wait3A_194] : memref<1320960x16xf32, #tpu.memory_space<hbm>> -> memref<1320960x16xf32, #tpu.memory_space<hbm>>
      tpu.wait_indirect_dma semaphore(%arg13 : memref<!tpu.dma_semaphore, #tpu.memory_space<semaphore_mem>>) src(%dma_wait3A_195 : memref<1320960x16xf32, #tpu.memory_space<hbm>>) dst(%dma_wait3A_189 : memref<128x16xf32, #tpu.memory_space<vmem>>)
      %dma_wait3A_196 = arith.constant 4 : i32
      %dma_wait3A_197 = arith.constant 512 : i32
      %dma_wait3A_198 = arith.constant 0 : i32
      %dma_wait3A_199 = tpu.memref_slice %arg10[%dma_wait3A_197, %dma_wait3A_198] : memref<1024x16xf32, #tpu.memory_space<vmem>> -> memref<128x16xf32, #tpu.memory_space<vmem>>
      %dma_wait3A_200 = arith.constant 0 : i32
      %dma_wait3A_201 = tpu.memref_slice %arg9[%dma_wait3A_196, %dma_wait3A_200] : memref<8x128xi32, #tpu.memory_space<vmem>> -> memref<1x128xi32, #tpu.memory_space<vmem>>
      %dma_wait3A_202 = tpu.memref_squeeze %dma_wait3A_201 : memref<1x128xi32, #tpu.memory_space<vmem>> -> memref<128xi32, #tpu.memory_space<vmem>>
      %dma_wait3A_203 = arith.constant 0 : i32
      %dma_wait3A_204 = arith.constant 0 : i32
      %dma_wait3A_205 = tpu.memref_slice %arg4[%dma_wait3A_203, %dma_wait3A_204] : memref<1320960x16xf32, #tpu.memory_space<hbm>> -> memref<1320960x16xf32, #tpu.memory_space<hbm>>
      tpu.wait_indirect_dma semaphore(%arg13 : memref<!tpu.dma_semaphore, #tpu.memory_space<semaphore_mem>>) src(%dma_wait3A_205 : memref<1320960x16xf32, #tpu.memory_space<hbm>>) dst(%dma_wait3A_199 : memref<128x16xf32, #tpu.memory_space<vmem>>)
      %dma_wait3A_206 = arith.constant 5 : i32
      %dma_wait3A_207 = arith.constant 640 : i32
      %dma_wait3A_208 = arith.constant 0 : i32
      %dma_wait3A_209 = tpu.memref_slice %arg10[%dma_wait3A_207, %dma_wait3A_208] : memref<1024x16xf32, #tpu.memory_space<vmem>> -> memref<128x16xf32, #tpu.memory_space<vmem>>
      %dma_wait3A_210 = arith.constant 0 : i32
      %dma_wait3A_211 = tpu.memref_slice %arg9[%dma_wait3A_206, %dma_wait3A_210] : memref<8x128xi32, #tpu.memory_space<vmem>> -> memref<1x128xi32, #tpu.memory_space<vmem>>
      %dma_wait3A_212 = tpu.memref_squeeze %dma_wait3A_211 : memref<1x128xi32, #tpu.memory_space<vmem>> -> memref<128xi32, #tpu.memory_space<vmem>>
      %dma_wait3A_213 = arith.constant 0 : i32
      %dma_wait3A_214 = arith.constant 0 : i32
      %dma_wait3A_215 = tpu.memref_slice %arg4[%dma_wait3A_213, %dma_wait3A_214] : memref<1320960x16xf32, #tpu.memory_space<hbm>> -> memref<1320960x16xf32, #tpu.memory_space<hbm>>
      tpu.wait_indirect_dma semaphore(%arg13 : memref<!tpu.dma_semaphore, #tpu.memory_space<semaphore_mem>>) src(%dma_wait3A_215 : memref<1320960x16xf32, #tpu.memory_space<hbm>>) dst(%dma_wait3A_209 : memref<128x16xf32, #tpu.memory_space<vmem>>)
      %dma_wait3A_216 = arith.constant 6 : i32
      %dma_wait3A_217 = arith.constant 768 : i32
      %dma_wait3A_218 = arith.constant 0 : i32
      %dma_wait3A_219 = tpu.memref_slice %arg10[%dma_wait3A_217, %dma_wait3A_218] : memref<1024x16xf32, #tpu.memory_space<vmem>> -> memref<128x16xf32, #tpu.memory_space<vmem>>
      %dma_wait3A_220 = arith.constant 0 : i32
      %dma_wait3A_221 = tpu.memref_slice %arg9[%dma_wait3A_216, %dma_wait3A_220] : memref<8x128xi32, #tpu.memory_space<vmem>> -> memref<1x128xi32, #tpu.memory_space<vmem>>
      %dma_wait3A_222 = tpu.memref_squeeze %dma_wait3A_221 : memref<1x128xi32, #tpu.memory_space<vmem>> -> memref<128xi32, #tpu.memory_space<vmem>>
      %dma_wait3A_223 = arith.constant 0 : i32
      %dma_wait3A_224 = arith.constant 0 : i32
      %dma_wait3A_225 = tpu.memref_slice %arg4[%dma_wait3A_223, %dma_wait3A_224] : memref<1320960x16xf32, #tpu.memory_space<hbm>> -> memref<1320960x16xf32, #tpu.memory_space<hbm>>
      tpu.wait_indirect_dma semaphore(%arg13 : memref<!tpu.dma_semaphore, #tpu.memory_space<semaphore_mem>>) src(%dma_wait3A_225 : memref<1320960x16xf32, #tpu.memory_space<hbm>>) dst(%dma_wait3A_219 : memref<128x16xf32, #tpu.memory_space<vmem>>)
      %dma_wait3A_226 = arith.constant 7 : i32
      %dma_wait3A_227 = arith.constant 896 : i32
      %dma_wait3A_228 = arith.constant 0 : i32
      %dma_wait3A_229 = tpu.memref_slice %arg10[%dma_wait3A_227, %dma_wait3A_228] : memref<1024x16xf32, #tpu.memory_space<vmem>> -> memref<128x16xf32, #tpu.memory_space<vmem>>
      %dma_wait3A_230 = arith.constant 0 : i32
      %dma_wait3A_231 = tpu.memref_slice %arg9[%dma_wait3A_226, %dma_wait3A_230] : memref<8x128xi32, #tpu.memory_space<vmem>> -> memref<1x128xi32, #tpu.memory_space<vmem>>
      %dma_wait3A_232 = tpu.memref_squeeze %dma_wait3A_231 : memref<1x128xi32, #tpu.memory_space<vmem>> -> memref<128xi32, #tpu.memory_space<vmem>>
      %dma_wait3A_233 = arith.constant 0 : i32
      %dma_wait3A_234 = arith.constant 0 : i32
      %dma_wait3A_235 = tpu.memref_slice %arg4[%dma_wait3A_233, %dma_wait3A_234] : memref<1320960x16xf32, #tpu.memory_space<hbm>> -> memref<1320960x16xf32, #tpu.memory_space<hbm>>
      tpu.wait_indirect_dma semaphore(%arg13 : memref<!tpu.dma_semaphore, #tpu.memory_space<semaphore_mem>>) src(%dma_wait3A_235 : memref<1320960x16xf32, #tpu.memory_space<hbm>>) dst(%dma_wait3A_229 : memref<128x16xf32, #tpu.memory_space<vmem>>)
      %mul3A_236 = arith.constant 128 : i32
      %mul3A_237 = arith.muli %add3A_77, %mul3A_236 : i32
      "tpu.region"() ({
        %run_scoped3A = tpu.sem_alloc : memref<!tpu.dma_semaphore, #tpu.memory_space<semaphore_mem>>
        %dma_start3A_238 = arith.constant 0 : i32
        %dma_start3A_239 = tpu.memref_slice %arg7[%mul3A_237, %dma_start3A_238] : memref<131072x16xf32, #tpu.memory_space<hbm>> -> memref<1024x16xf32, #tpu.memory_space<hbm>>
        %dma_start3A_240 = arith.constant 0 : i32
        %dma_start3A_241 = tpu.memref_slice %arg7[%mul3A_237, %dma_start3A_240] : memref<131072x16xf32, #tpu.memory_space<hbm>> -> memref<1024x16xf32, #tpu.memory_space<hbm>>
        tpu.enqueue_dma source(%arg10 : memref<1024x16xf32, #tpu.memory_space<vmem>>) target(%dma_start3A_241 : memref<1024x16xf32, #tpu.memory_space<hbm>>) target_semaphore(%run_scoped3A : memref<!tpu.dma_semaphore, #tpu.memory_space<semaphore_mem>>)
        %dma_wait3A_242 = arith.constant 0 : i32
        %dma_wait3A_243 = tpu.memref_slice %arg7[%mul3A_237, %dma_wait3A_242] : memref<131072x16xf32, #tpu.memory_space<hbm>> -> memref<1024x16xf32, #tpu.memory_space<hbm>>
        %dma_wait3A_244 = arith.constant 0 : i32
        %dma_wait3A_245 = tpu.memref_slice %arg7[%mul3A_237, %dma_wait3A_244] : memref<131072x16xf32, #tpu.memory_space<hbm>> -> memref<1024x16xf32, #tpu.memory_space<hbm>>
        tpu.wait_dma2 semaphore(%run_scoped3A : memref<!tpu.dma_semaphore, #tpu.memory_space<semaphore_mem>>) src(%arg10 : memref<1024x16xf32, #tpu.memory_space<vmem>>) dst(%dma_wait3A_245 : memref<1024x16xf32, #tpu.memory_space<hbm>>)
        tpu.yield
      }) : () -> ()
    }
    %scan3A_8 = arith.constant 4 : i32
    %broadcast_in_dim3A = arith.constant 1.000000e+00 : f32
    %broadcast_in_dim3A_9 = vector.broadcast %broadcast_in_dim3A : f32 to vector<16xf32>
    %swap3A = arith.constant 0 : index
    %swap3A_10 = tpu.vector_load %arg11[%swap3A] {strides = array<i32>} : memref<128xf32, #tpu.memory_space<vmem>>, vector<16xf32>,
    %swap3A_11 = vector.shape_cast %swap3A_10 : vector<16xf32> to vector<16xf32>
    %swap3A_12 = vector.shape_cast %broadcast_in_dim3A_9 : vector<16xf32> to vector<16xf32>
    tpu.vector_store %arg11[%swap3A], %swap3A_12 {strides = array<i32>} : memref<128xf32, #tpu.memory_space<vmem>>, vector<16xf32>,
    %broadcast_in_dim3A_13 = arith.constant 1.000000e+00 : f32
    %broadcast_in_dim3A_14 = vector.broadcast %broadcast_in_dim3A_13 : f32 to vector<16xf32>
    %swap3A_15 = arith.constant 16 : index
    %swap3A_16 = tpu.vector_load %arg11[%swap3A_15] {strides = array<i32>} : memref<128xf32, #tpu.memory_space<vmem>>, vector<16xf32>,
    %swap3A_17 = vector.shape_cast %swap3A_16 : vector<16xf32> to vector<16xf32>
    %swap3A_18 = vector.shape_cast %broadcast_in_dim3A_14 : vector<16xf32> to vector<16xf32>
    tpu.vector_store %arg11[%swap3A_15], %swap3A_18 {strides = array<i32>} : memref<128xf32, #tpu.memory_space<vmem>>, vector<16xf32>,
    %broadcast_in_dim3A_19 = arith.constant 1.000000e+00 : f32
    %broadcast_in_dim3A_20 = vector.broadcast %broadcast_in_dim3A_19 : f32 to vector<16xf32>
    %swap3A_21 = arith.constant 32 : index
    %swap3A_22 = tpu.vector_load %arg11[%swap3A_21] {strides = array<i32>} : memref<128xf32, #tpu.memory_space<vmem>>, vector<16xf32>,
    %swap3A_23 = vector.shape_cast %swap3A_22 : vector<16xf32> to vector<16xf32>
    %swap3A_24 = vector.shape_cast %broadcast_in_dim3A_20 : vector<16xf32> to vector<16xf32>
    tpu.vector_store %arg11[%swap3A_21], %swap3A_24 {strides = array<i32>} : memref<128xf32, #tpu.memory_space<vmem>>, vector<16xf32>,
    %broadcast_in_dim3A_25 = arith.constant 1.000000e+00 : f32
    %broadcast_in_dim3A_26 = vector.broadcast %broadcast_in_dim3A_25 : f32 to vector<16xf32>
    %swap3A_27 = arith.constant 48 : index
    %swap3A_28 = tpu.vector_load %arg11[%swap3A_27] {strides = array<i32>} : memref<128xf32, #tpu.memory_space<vmem>>, vector<16xf32>,
    %swap3A_29 = vector.shape_cast %swap3A_28 : vector<16xf32> to vector<16xf32>
    %swap3A_30 = vector.shape_cast %broadcast_in_dim3A_26 : vector<16xf32> to vector<16xf32>
    tpu.vector_store %arg11[%swap3A_27], %swap3A_30 {strides = array<i32>} : memref<128xf32, #tpu.memory_space<vmem>>, vector<16xf32>,
    %broadcast_in_dim3A_31 = arith.constant 1.000000e+00 : f32
    %broadcast_in_dim3A_32 = vector.broadcast %broadcast_in_dim3A_31 : f32 to vector<16xf32>
    %swap3A_33 = arith.constant 64 : index
    %swap3A_34 = tpu.vector_load %arg11[%swap3A_33] {strides = array<i32>} : memref<128xf32, #tpu.memory_space<vmem>>, vector<16xf32>,
    %swap3A_35 = vector.shape_cast %swap3A_34 : vector<16xf32> to vector<16xf32>
    %swap3A_36 = vector.shape_cast %broadcast_in_dim3A_32 : vector<16xf32> to vector<16xf32>
    tpu.vector_store %arg11[%swap3A_33], %swap3A_36 {strides = array<i32>} : memref<128xf32, #tpu.memory_space<vmem>>, vector<16xf32>,
    %broadcast_in_dim3A_37 = arith.constant 1.000000e+00 : f32
    %broadcast_in_dim3A_38 = vector.broadcast %broadcast_in_dim3A_37 : f32 to vector<16xf32>
    %swap3A_39 = arith.constant 80 : index
    %swap3A_40 = tpu.vector_load %arg11[%swap3A_39] {strides = array<i32>} : memref<128xf32, #tpu.memory_space<vmem>>, vector<16xf32>,
    %swap3A_41 = vector.shape_cast %swap3A_40 : vector<16xf32> to vector<16xf32>
    %swap3A_42 = vector.shape_cast %broadcast_in_dim3A_38 : vector<16xf32> to vector<16xf32>
    tpu.vector_store %arg11[%swap3A_39], %swap3A_42 {strides = array<i32>} : memref<128xf32, #tpu.memory_space<vmem>>, vector<16xf32>,
    %broadcast_in_dim3A_43 = arith.constant 1.000000e+00 : f32
    %broadcast_in_dim3A_44 = vector.broadcast %broadcast_in_dim3A_43 : f32 to vector<16xf32>
    %swap3A_45 = arith.constant 96 : index
    %swap3A_46 = tpu.vector_load %arg11[%swap3A_45] {strides = array<i32>} : memref<128xf32, #tpu.memory_space<vmem>>, vector<16xf32>,
    %swap3A_47 = vector.shape_cast %swap3A_46 : vector<16xf32> to vector<16xf32>
    %swap3A_48 = vector.shape_cast %broadcast_in_dim3A_44 : vector<16xf32> to vector<16xf32>
    tpu.vector_store %arg11[%swap3A_45], %swap3A_48 {strides = array<i32>} : memref<128xf32, #tpu.memory_space<vmem>>, vector<16xf32>,
    %broadcast_in_dim3A_49 = arith.constant 1.000000e+00 : f32
    %broadcast_in_dim3A_50 = vector.broadcast %broadcast_in_dim3A_49 : f32 to vector<16xf32>
    %swap3A_51 = arith.constant 112 : index
    %swap3A_52 = tpu.vector_load %arg11[%swap3A_51] {strides = array<i32>} : memref<128xf32, #tpu.memory_space<vmem>>, vector<16xf32>,
    %swap3A_53 = vector.shape_cast %swap3A_52 : vector<16xf32> to vector<16xf32>
    %swap3A_54 = vector.shape_cast %broadcast_in_dim3A_50 : vector<16xf32> to vector<16xf32>
    tpu.vector_store %arg11[%swap3A_51], %swap3A_54 {strides = array<i32>} : memref<128xf32, #tpu.memory_space<vmem>>, vector<16xf32>,
    %barrier3A = arith.constant 0 : index
    tpu.barrier barrier_id(%barrier3A)
    %scan3A_55 = arith.constant 0 : i32
    %scan3A_56 = arith.constant 50 : i32
    %scan3A_57 = arith.addi %scan3A_55, %scan3A_56 : i32
    %scan3A_58 = arith.constant 1 : i32
    scf.for %scan3A_68 = %scan3A_55 to %scan3A_57 step %scan3A_58  : i32 {
      %mul3A_69 = arith.constant 1 : i32
      %mul3A_70 = arith.muli %scan3A_68, %mul3A_69 : i32
      %add3A_71 = arith.constant 0 : i32
      %add3A_72 = arith.addi %add3A_71, %mul3A_70 : i32
      %mul3A_73 = arith.constant 800 : i32
      %mul3A_74 = arith.muli %add3A, %mul3A_73 : i32
      %mul3A_75 = arith.constant 16 : i32
      %mul3A_76 = arith.muli %add3A_72, %mul3A_75 : i32
      %add3A_77 = arith.addi %mul3A_74, %mul3A_76 : i32
      "tpu.region"() ({
        %run_scoped3A = tpu.sem_alloc : memref<!tpu.dma_semaphore, #tpu.memory_space<semaphore_mem>>
        %dma_start3A_268 = arith.constant 0 : i32
        %dma_start3A_269 = tpu.memref_slice %arg2[%add3A_77, %dma_start3A_268] : memref<25600x128xi32, #tpu.memory_space<hbm>> -> memref<16x128xi32, #tpu.memory_space<hbm>>
        %dma_start3A_270 = arith.constant 0 : i32
        %dma_start3A_271 = tpu.memref_slice %arg2[%add3A_77, %dma_start3A_270] : memref<25600x128xi32, #tpu.memory_space<hbm>> -> memref<16x128xi32, #tpu.memory_space<hbm>>
        tpu.enqueue_dma source(%dma_start3A_271 : memref<16x128xi32, #tpu.memory_space<hbm>>) target(%arg8 : memref<16x128xi32, #tpu.memory_space<vmem>>) target_semaphore(%run_scoped3A : memref<!tpu.dma_semaphore, #tpu.memory_space<semaphore_mem>>)
        %dma_wait3A_272 = arith.constant 0 : i32
        %dma_wait3A_273 = tpu.memref_slice %arg2[%add3A_77, %dma_wait3A_272] : memref<25600x128xi32, #tpu.memory_space<hbm>> -> memref<16x128xi32, #tpu.memory_space<hbm>>
        %dma_wait3A_274 = arith.constant 0 : i32
        %dma_wait3A_275 = tpu.memref_slice %arg2[%add3A_77, %dma_wait3A_274] : memref<25600x128xi32, #tpu.memory_space<hbm>> -> memref<16x128xi32, #tpu.memory_space<hbm>>
        tpu.wait_dma2 semaphore(%run_scoped3A : memref<!tpu.dma_semaphore, #tpu.memory_space<semaphore_mem>>) src(%dma_wait3A_275 : memref<16x128xi32, #tpu.memory_space<hbm>>) dst(%arg8 : memref<16x128xi32, #tpu.memory_space<vmem>>)
        tpu.yield
      }) : () -> ()
      %dma_start3A = arith.constant 0 : i32
      %dma_start3A_78 = arith.constant 0 : i32
      %dma_start3A_79 = tpu.memref_slice %arg8[%dma_start3A, %dma_start3A_78] : memref<16x128xi32, #tpu.memory_space<vmem>> -> memref<1x128xi32, #tpu.memory_space<vmem>>
      %dma_start3A_80 = tpu.memref_squeeze %dma_start3A_79 : memref<1x128xi32, #tpu.memory_space<vmem>> -> memref<128xi32, #tpu.memory_space<vmem>>
      %dma_start3A_81 = arith.constant 0 : i32
      %dma_start3A_82 = tpu.memref_slice %arg12[%dma_start3A_81] : memref<100352xf32, #tpu.memory_space<vmem_shared>> -> memref<100352xf32, #tpu.memory_space<vmem_shared>>
      tpu.enqueue_indirect_dma source(%arg11 : memref<128xf32, #tpu.memory_space<vmem>>) target(%dma_start3A_82 : memref<100352xf32, #tpu.memory_space<vmem_shared>>) offsets(%dma_start3A_80 : memref<128xi32, #tpu.memory_space<vmem>>) semaphore(%arg14 : memref<!tpu.dma_semaphore, #tpu.memory_space<semaphore_mem>>) {add = true}
      %dma_start3A_83 = arith.constant 1 : i32
      %dma_start3A_84 = arith.constant 0 : i32
      %dma_start3A_85 = tpu.memref_slice %arg8[%dma_start3A_83, %dma_start3A_84] : memref<16x128xi32, #tpu.memory_space<vmem>> -> memref<1x128xi32, #tpu.memory_space<vmem>>
      %dma_start3A_86 = tpu.memref_squeeze %dma_start3A_85 : memref<1x128xi32, #tpu.memory_space<vmem>> -> memref<128xi32, #tpu.memory_space<vmem>>
      %dma_start3A_87 = arith.constant 0 : i32
      %dma_start3A_88 = tpu.memref_slice %arg12[%dma_start3A_87] : memref<100352xf32, #tpu.memory_space<vmem_shared>> -> memref<100352xf32, #tpu.memory_space<vmem_shared>>
      tpu.enqueue_indirect_dma source(%arg11 : memref<128xf32, #tpu.memory_space<vmem>>) target(%dma_start3A_88 : memref<100352xf32, #tpu.memory_space<vmem_shared>>) offsets(%dma_start3A_86 : memref<128xi32, #tpu.memory_space<vmem>>) semaphore(%arg14 : memref<!tpu.dma_semaphore, #tpu.memory_space<semaphore_mem>>) {add = true}
      %dma_start3A_89 = arith.constant 2 : i32
      %dma_start3A_90 = arith.constant 0 : i32
      %dma_start3A_91 = tpu.memref_slice %arg8[%dma_start3A_89, %dma_start3A_90] : memref<16x128xi32, #tpu.memory_space<vmem>> -> memref<1x128xi32, #tpu.memory_space<vmem>>
      %dma_start3A_92 = tpu.memref_squeeze %dma_start3A_91 : memref<1x128xi32, #tpu.memory_space<vmem>> -> memref<128xi32, #tpu.memory_space<vmem>>
      %dma_start3A_93 = arith.constant 0 : i32
      %dma_start3A_94 = tpu.memref_slice %arg12[%dma_start3A_93] : memref<100352xf32, #tpu.memory_space<vmem_shared>> -> memref<100352xf32, #tpu.memory_space<vmem_shared>>
      tpu.enqueue_indirect_dma source(%arg11 : memref<128xf32, #tpu.memory_space<vmem>>) target(%dma_start3A_94 : memref<100352xf32, #tpu.memory_space<vmem_shared>>) offsets(%dma_start3A_92 : memref<128xi32, #tpu.memory_space<vmem>>) semaphore(%arg14 : memref<!tpu.dma_semaphore, #tpu.memory_space<semaphore_mem>>) {add = true}
      %dma_start3A_95 = arith.constant 3 : i32
      %dma_start3A_96 = arith.constant 0 : i32
      %dma_start3A_97 = tpu.memref_slice %arg8[%dma_start3A_95, %dma_start3A_96] : memref<16x128xi32, #tpu.memory_space<vmem>> -> memref<1x128xi32, #tpu.memory_space<vmem>>
      %dma_start3A_98 = tpu.memref_squeeze %dma_start3A_97 : memref<1x128xi32, #tpu.memory_space<vmem>> -> memref<128xi32, #tpu.memory_space<vmem>>
      %dma_start3A_99 = arith.constant 0 : i32
      %dma_start3A_100 = tpu.memref_slice %arg12[%dma_start3A_99] : memref<100352xf32, #tpu.memory_space<vmem_shared>> -> memref<100352xf32, #tpu.memory_space<vmem_shared>>
      tpu.enqueue_indirect_dma source(%arg11 : memref<128xf32, #tpu.memory_space<vmem>>) target(%dma_start3A_100 : memref<100352xf32, #tpu.memory_space<vmem_shared>>) offsets(%dma_start3A_98 : memref<128xi32, #tpu.memory_space<vmem>>) semaphore(%arg14 : memref<!tpu.dma_semaphore, #tpu.memory_space<semaphore_mem>>) {add = true}
      %dma_start3A_101 = arith.constant 4 : i32
      %dma_start3A_102 = arith.constant 0 : i32
      %dma_start3A_103 = tpu.memref_slice %arg8[%dma_start3A_101, %dma_start3A_102] : memref<16x128xi32, #tpu.memory_space<vmem>> -> memref<1x128xi32, #tpu.memory_space<vmem>>
      %dma_start3A_104 = tpu.memref_squeeze %dma_start3A_103 : memref<1x128xi32, #tpu.memory_space<vmem>> -> memref<128xi32, #tpu.memory_space<vmem>>
      %dma_start3A_105 = arith.constant 0 : i32
      %dma_start3A_106 = tpu.memref_slice %arg12[%dma_start3A_105] : memref<100352xf32, #tpu.memory_space<vmem_shared>> -> memref<100352xf32, #tpu.memory_space<vmem_shared>>
      tpu.enqueue_indirect_dma source(%arg11 : memref<128xf32, #tpu.memory_space<vmem>>) target(%dma_start3A_106 : memref<100352xf32, #tpu.memory_space<vmem_shared>>) offsets(%dma_start3A_104 : memref<128xi32, #tpu.memory_space<vmem>>) semaphore(%arg14 : memref<!tpu.dma_semaphore, #tpu.memory_space<semaphore_mem>>) {add = true}
      %dma_start3A_107 = arith.constant 5 : i32
      %dma_start3A_108 = arith.constant 0 : i32
      %dma_start3A_109 = tpu.memref_slice %arg8[%dma_start3A_107, %dma_start3A_108] : memref<16x128xi32, #tpu.memory_space<vmem>> -> memref<1x128xi32, #tpu.memory_space<vmem>>
      %dma_start3A_110 = tpu.memref_squeeze %dma_start3A_109 : memref<1x128xi32, #tpu.memory_space<vmem>> -> memref<128xi32, #tpu.memory_space<vmem>>
      %dma_start3A_111 = arith.constant 0 : i32
      %dma_start3A_112 = tpu.memref_slice %arg12[%dma_start3A_111] : memref<100352xf32, #tpu.memory_space<vmem_shared>> -> memref<100352xf32, #tpu.memory_space<vmem_shared>>
      tpu.enqueue_indirect_dma source(%arg11 : memref<128xf32, #tpu.memory_space<vmem>>) target(%dma_start3A_112 : memref<100352xf32, #tpu.memory_space<vmem_shared>>) offsets(%dma_start3A_110 : memref<128xi32, #tpu.memory_space<vmem>>) semaphore(%arg14 : memref<!tpu.dma_semaphore, #tpu.memory_space<semaphore_mem>>) {add = true}
      %dma_start3A_113 = arith.constant 6 : i32
      %dma_start3A_114 = arith.constant 0 : i32
      %dma_start3A_115 = tpu.memref_slice %arg8[%dma_start3A_113, %dma_start3A_114] : memref<16x128xi32, #tpu.memory_space<vmem>> -> memref<1x128xi32, #tpu.memory_space<vmem>>
      %dma_start3A_116 = tpu.memref_squeeze %dma_start3A_115 : memref<1x128xi32, #tpu.memory_space<vmem>> -> memref<128xi32, #tpu.memory_space<vmem>>
      %dma_start3A_117 = arith.constant 0 : i32
      %dma_start3A_118 = tpu.memref_slice %arg12[%dma_start3A_117] : memref<100352xf32, #tpu.memory_space<vmem_shared>> -> memref<100352xf32, #tpu.memory_space<vmem_shared>>
      tpu.enqueue_indirect_dma source(%arg11 : memref<128xf32, #tpu.memory_space<vmem>>) target(%dma_start3A_118 : memref<100352xf32, #tpu.memory_space<vmem_shared>>) offsets(%dma_start3A_116 : memref<128xi32, #tpu.memory_space<vmem>>) semaphore(%arg14 : memref<!tpu.dma_semaphore, #tpu.memory_space<semaphore_mem>>) {add = true}
      %dma_start3A_119 = arith.constant 7 : i32
      %dma_start3A_120 = arith.constant 0 : i32
      %dma_start3A_121 = tpu.memref_slice %arg8[%dma_start3A_119, %dma_start3A_120] : memref<16x128xi32, #tpu.memory_space<vmem>> -> memref<1x128xi32, #tpu.memory_space<vmem>>
      %dma_start3A_122 = tpu.memref_squeeze %dma_start3A_121 : memref<1x128xi32, #tpu.memory_space<vmem>> -> memref<128xi32, #tpu.memory_space<vmem>>
      %dma_start3A_123 = arith.constant 0 : i32
      %dma_start3A_124 = tpu.memref_slice %arg12[%dma_start3A_123] : memref<100352xf32, #tpu.memory_space<vmem_shared>> -> memref<100352xf32, #tpu.memory_space<vmem_shared>>
      tpu.enqueue_indirect_dma source(%arg11 : memref<128xf32, #tpu.memory_space<vmem>>) target(%dma_start3A_124 : memref<100352xf32, #tpu.memory_space<vmem_shared>>) offsets(%dma_start3A_122 : memref<128xi32, #tpu.memory_space<vmem>>) semaphore(%arg14 : memref<!tpu.dma_semaphore, #tpu.memory_space<semaphore_mem>>) {add = true}
      %dma_start3A_125 = arith.constant 8 : i32
      %dma_start3A_126 = arith.constant 0 : i32
      %dma_start3A_127 = tpu.memref_slice %arg8[%dma_start3A_125, %dma_start3A_126] : memref<16x128xi32, #tpu.memory_space<vmem>> -> memref<1x128xi32, #tpu.memory_space<vmem>>
      %dma_start3A_128 = tpu.memref_squeeze %dma_start3A_127 : memref<1x128xi32, #tpu.memory_space<vmem>> -> memref<128xi32, #tpu.memory_space<vmem>>
      %dma_start3A_129 = arith.constant 0 : i32
      %dma_start3A_130 = tpu.memref_slice %arg12[%dma_start3A_129] : memref<100352xf32, #tpu.memory_space<vmem_shared>> -> memref<100352xf32, #tpu.memory_space<vmem_shared>>
      tpu.enqueue_indirect_dma source(%arg11 : memref<128xf32, #tpu.memory_space<vmem>>) target(%dma_start3A_130 : memref<100352xf32, #tpu.memory_space<vmem_shared>>) offsets(%dma_start3A_128 : memref<128xi32, #tpu.memory_space<vmem>>) semaphore(%arg14 : memref<!tpu.dma_semaphore, #tpu.memory_space<semaphore_mem>>) {add = true}
      %dma_start3A_131 = arith.constant 9 : i32
      %dma_start3A_132 = arith.constant 0 : i32
      %dma_start3A_133 = tpu.memref_slice %arg8[%dma_start3A_131, %dma_start3A_132] : memref<16x128xi32, #tpu.memory_space<vmem>> -> memref<1x128xi32, #tpu.memory_space<vmem>>
      %dma_start3A_134 = tpu.memref_squeeze %dma_start3A_133 : memref<1x128xi32, #tpu.memory_space<vmem>> -> memref<128xi32, #tpu.memory_space<vmem>>
      %dma_start3A_135 = arith.constant 0 : i32
      %dma_start3A_136 = tpu.memref_slice %arg12[%dma_start3A_135] : memref<100352xf32, #tpu.memory_space<vmem_shared>> -> memref<100352xf32, #tpu.memory_space<vmem_shared>>
      tpu.enqueue_indirect_dma source(%arg11 : memref<128xf32, #tpu.memory_space<vmem>>) target(%dma_start3A_136 : memref<100352xf32, #tpu.memory_space<vmem_shared>>) offsets(%dma_start3A_134 : memref<128xi32, #tpu.memory_space<vmem>>) semaphore(%arg14 : memref<!tpu.dma_semaphore, #tpu.memory_space<semaphore_mem>>) {add = true}
      %dma_start3A_137 = arith.constant 10 : i32
      %dma_start3A_138 = arith.constant 0 : i32
      %dma_start3A_139 = tpu.memref_slice %arg8[%dma_start3A_137, %dma_start3A_138] : memref<16x128xi32, #tpu.memory_space<vmem>> -> memref<1x128xi32, #tpu.memory_space<vmem>>
      %dma_start3A_140 = tpu.memref_squeeze %dma_start3A_139 : memref<1x128xi32, #tpu.memory_space<vmem>> -> memref<128xi32, #tpu.memory_space<vmem>>
      %dma_start3A_141 = arith.constant 0 : i32
      %dma_start3A_142 = tpu.memref_slice %arg12[%dma_start3A_141] : memref<100352xf32, #tpu.memory_space<vmem_shared>> -> memref<100352xf32, #tpu.memory_space<vmem_shared>>
      tpu.enqueue_indirect_dma source(%arg11 : memref<128xf32, #tpu.memory_space<vmem>>) target(%dma_start3A_142 : memref<100352xf32, #tpu.memory_space<vmem_shared>>) offsets(%dma_start3A_140 : memref<128xi32, #tpu.memory_space<vmem>>) semaphore(%arg14 : memref<!tpu.dma_semaphore, #tpu.memory_space<semaphore_mem>>) {add = true}
      %dma_start3A_143 = arith.constant 11 : i32
      %dma_start3A_144 = arith.constant 0 : i32
      %dma_start3A_145 = tpu.memref_slice %arg8[%dma_start3A_143, %dma_start3A_144] : memref<16x128xi32, #tpu.memory_space<vmem>> -> memref<1x128xi32, #tpu.memory_space<vmem>>
      %dma_start3A_146 = tpu.memref_squeeze %dma_start3A_145 : memref<1x128xi32, #tpu.memory_space<vmem>> -> memref<128xi32, #tpu.memory_space<vmem>>
      %dma_start3A_147 = arith.constant 0 : i32
      %dma_start3A_148 = tpu.memref_slice %arg12[%dma_start3A_147] : memref<100352xf32, #tpu.memory_space<vmem_shared>> -> memref<100352xf32, #tpu.memory_space<vmem_shared>>
      tpu.enqueue_indirect_dma source(%arg11 : memref<128xf32, #tpu.memory_space<vmem>>) target(%dma_start3A_148 : memref<100352xf32, #tpu.memory_space<vmem_shared>>) offsets(%dma_start3A_146 : memref<128xi32, #tpu.memory_space<vmem>>) semaphore(%arg14 : memref<!tpu.dma_semaphore, #tpu.memory_space<semaphore_mem>>) {add = true}
      %dma_start3A_149 = arith.constant 12 : i32
      %dma_start3A_150 = arith.constant 0 : i32
      %dma_start3A_151 = tpu.memref_slice %arg8[%dma_start3A_149, %dma_start3A_150] : memref<16x128xi32, #tpu.memory_space<vmem>> -> memref<1x128xi32, #tpu.memory_space<vmem>>
      %dma_start3A_152 = tpu.memref_squeeze %dma_start3A_151 : memref<1x128xi32, #tpu.memory_space<vmem>> -> memref<128xi32, #tpu.memory_space<vmem>>
      %dma_start3A_153 = arith.constant 0 : i32
      %dma_start3A_154 = tpu.memref_slice %arg12[%dma_start3A_153] : memref<100352xf32, #tpu.memory_space<vmem_shared>> -> memref<100352xf32, #tpu.memory_space<vmem_shared>>
      tpu.enqueue_indirect_dma source(%arg11 : memref<128xf32, #tpu.memory_space<vmem>>) target(%dma_start3A_154 : memref<100352xf32, #tpu.memory_space<vmem_shared>>) offsets(%dma_start3A_152 : memref<128xi32, #tpu.memory_space<vmem>>) semaphore(%arg14 : memref<!tpu.dma_semaphore, #tpu.memory_space<semaphore_mem>>) {add = true}
      %dma_start3A_155 = arith.constant 13 : i32
      %dma_start3A_156 = arith.constant 0 : i32
      %dma_start3A_157 = tpu.memref_slice %arg8[%dma_start3A_155, %dma_start3A_156] : memref<16x128xi32, #tpu.memory_space<vmem>> -> memref<1x128xi32, #tpu.memory_space<vmem>>
      %dma_start3A_158 = tpu.memref_squeeze %dma_start3A_157 : memref<1x128xi32, #tpu.memory_space<vmem>> -> memref<128xi32, #tpu.memory_space<vmem>>
      %dma_start3A_159 = arith.constant 0 : i32
      %dma_start3A_160 = tpu.memref_slice %arg12[%dma_start3A_159] : memref<100352xf32, #tpu.memory_space<vmem_shared>> -> memref<100352xf32, #tpu.memory_space<vmem_shared>>
      tpu.enqueue_indirect_dma source(%arg11 : memref<128xf32, #tpu.memory_space<vmem>>) target(%dma_start3A_160 : memref<100352xf32, #tpu.memory_space<vmem_shared>>) offsets(%dma_start3A_158 : memref<128xi32, #tpu.memory_space<vmem>>) semaphore(%arg14 : memref<!tpu.dma_semaphore, #tpu.memory_space<semaphore_mem>>) {add = true}
      %dma_start3A_161 = arith.constant 14 : i32
      %dma_start3A_162 = arith.constant 0 : i32
      %dma_start3A_163 = tpu.memref_slice %arg8[%dma_start3A_161, %dma_start3A_162] : memref<16x128xi32, #tpu.memory_space<vmem>> -> memref<1x128xi32, #tpu.memory_space<vmem>>
      %dma_start3A_164 = tpu.memref_squeeze %dma_start3A_163 : memref<1x128xi32, #tpu.memory_space<vmem>> -> memref<128xi32, #tpu.memory_space<vmem>>
      %dma_start3A_165 = arith.constant 0 : i32
      %dma_start3A_166 = tpu.memref_slice %arg12[%dma_start3A_165] : memref<100352xf32, #tpu.memory_space<vmem_shared>> -> memref<100352xf32, #tpu.memory_space<vmem_shared>>
      tpu.enqueue_indirect_dma source(%arg11 : memref<128xf32, #tpu.memory_space<vmem>>) target(%dma_start3A_166 : memref<100352xf32, #tpu.memory_space<vmem_shared>>) offsets(%dma_start3A_164 : memref<128xi32, #tpu.memory_space<vmem>>) semaphore(%arg14 : memref<!tpu.dma_semaphore, #tpu.memory_space<semaphore_mem>>) {add = true}
      %dma_start3A_167 = arith.constant 15 : i32
      %dma_start3A_168 = arith.constant 0 : i32
      %dma_start3A_169 = tpu.memref_slice %arg8[%dma_start3A_167, %dma_start3A_168] : memref<16x128xi32, #tpu.memory_space<vmem>> -> memref<1x128xi32, #tpu.memory_space<vmem>>
      %dma_start3A_170 = tpu.memref_squeeze %dma_start3A_169 : memref<1x128xi32, #tpu.memory_space<vmem>> -> memref<128xi32, #tpu.memory_space<vmem>>
      %dma_start3A_171 = arith.constant 0 : i32
      %dma_start3A_172 = tpu.memref_slice %arg12[%dma_start3A_171] : memref<100352xf32, #tpu.memory_space<vmem_shared>> -> memref<100352xf32, #tpu.memory_space<vmem_shared>>
      tpu.enqueue_indirect_dma source(%arg11 : memref<128xf32, #tpu.memory_space<vmem>>) target(%dma_start3A_172 : memref<100352xf32, #tpu.memory_space<vmem_shared>>) offsets(%dma_start3A_170 : memref<128xi32, #tpu.memory_space<vmem>>) semaphore(%arg14 : memref<!tpu.dma_semaphore, #tpu.memory_space<semaphore_mem>>) {add = true}
      %dma_wait3A = arith.constant 0 : i32
      %dma_wait3A_173 = arith.constant 0 : i32
      %dma_wait3A_174 = tpu.memref_slice %arg8[%dma_wait3A, %dma_wait3A_173] : memref<16x128xi32, #tpu.memory_space<vmem>> -> memref<1x128xi32, #tpu.memory_space<vmem>>
      %dma_wait3A_175 = tpu.memref_squeeze %dma_wait3A_174 : memref<1x128xi32, #tpu.memory_space<vmem>> -> memref<128xi32, #tpu.memory_space<vmem>>
      %dma_wait3A_176 = arith.constant 0 : i32
      %dma_wait3A_177 = tpu.memref_slice %arg12[%dma_wait3A_176] : memref<100352xf32, #tpu.memory_space<vmem_shared>> -> memref<100352xf32, #tpu.memory_space<vmem_shared>>
      tpu.wait_indirect_dma semaphore(%arg14 : memref<!tpu.dma_semaphore, #tpu.memory_space<semaphore_mem>>) src(%arg11 : memref<128xf32, #tpu.memory_space<vmem>>) dst(%dma_wait3A_177 : memref<100352xf32, #tpu.memory_space<vmem_shared>>)
      %dma_wait3A_178 = arith.constant 1 : i32
      %dma_wait3A_179 = arith.constant 0 : i32
      %dma_wait3A_180 = tpu.memref_slice %arg8[%dma_wait3A_178, %dma_wait3A_179] : memref<16x128xi32, #tpu.memory_space<vmem>> -> memref<1x128xi32, #tpu.memory_space<vmem>>
      %dma_wait3A_181 = tpu.memref_squeeze %dma_wait3A_180 : memref<1x128xi32, #tpu.memory_space<vmem>> -> memref<128xi32, #tpu.memory_space<vmem>>
      %dma_wait3A_182 = arith.constant 0 : i32
      %dma_wait3A_183 = tpu.memref_slice %arg12[%dma_wait3A_182] : memref<100352xf32, #tpu.memory_space<vmem_shared>> -> memref<100352xf32, #tpu.memory_space<vmem_shared>>
      tpu.wait_indirect_dma semaphore(%arg14 : memref<!tpu.dma_semaphore, #tpu.memory_space<semaphore_mem>>) src(%arg11 : memref<128xf32, #tpu.memory_space<vmem>>) dst(%dma_wait3A_183 : memref<100352xf32, #tpu.memory_space<vmem_shared>>)
      %dma_wait3A_184 = arith.constant 2 : i32
      %dma_wait3A_185 = arith.constant 0 : i32
      %dma_wait3A_186 = tpu.memref_slice %arg8[%dma_wait3A_184, %dma_wait3A_185] : memref<16x128xi32, #tpu.memory_space<vmem>> -> memref<1x128xi32, #tpu.memory_space<vmem>>
      %dma_wait3A_187 = tpu.memref_squeeze %dma_wait3A_186 : memref<1x128xi32, #tpu.memory_space<vmem>> -> memref<128xi32, #tpu.memory_space<vmem>>
      %dma_wait3A_188 = arith.constant 0 : i32
      %dma_wait3A_189 = tpu.memref_slice %arg12[%dma_wait3A_188] : memref<100352xf32, #tpu.memory_space<vmem_shared>> -> memref<100352xf32, #tpu.memory_space<vmem_shared>>
      tpu.wait_indirect_dma semaphore(%arg14 : memref<!tpu.dma_semaphore, #tpu.memory_space<semaphore_mem>>) src(%arg11 : memref<128xf32, #tpu.memory_space<vmem>>) dst(%dma_wait3A_189 : memref<100352xf32, #tpu.memory_space<vmem_shared>>)
      %dma_wait3A_190 = arith.constant 3 : i32
      %dma_wait3A_191 = arith.constant 0 : i32
      %dma_wait3A_192 = tpu.memref_slice %arg8[%dma_wait3A_190, %dma_wait3A_191] : memref<16x128xi32, #tpu.memory_space<vmem>> -> memref<1x128xi32, #tpu.memory_space<vmem>>
      %dma_wait3A_193 = tpu.memref_squeeze %dma_wait3A_192 : memref<1x128xi32, #tpu.memory_space<vmem>> -> memref<128xi32, #tpu.memory_space<vmem>>
      %dma_wait3A_194 = arith.constant 0 : i32
      %dma_wait3A_195 = tpu.memref_slice %arg12[%dma_wait3A_194] : memref<100352xf32, #tpu.memory_space<vmem_shared>> -> memref<100352xf32, #tpu.memory_space<vmem_shared>>
      tpu.wait_indirect_dma semaphore(%arg14 : memref<!tpu.dma_semaphore, #tpu.memory_space<semaphore_mem>>) src(%arg11 : memref<128xf32, #tpu.memory_space<vmem>>) dst(%dma_wait3A_195 : memref<100352xf32, #tpu.memory_space<vmem_shared>>)
      %dma_wait3A_196 = arith.constant 4 : i32
      %dma_wait3A_197 = arith.constant 0 : i32
      %dma_wait3A_198 = tpu.memref_slice %arg8[%dma_wait3A_196, %dma_wait3A_197] : memref<16x128xi32, #tpu.memory_space<vmem>> -> memref<1x128xi32, #tpu.memory_space<vmem>>
      %dma_wait3A_199 = tpu.memref_squeeze %dma_wait3A_198 : memref<1x128xi32, #tpu.memory_space<vmem>> -> memref<128xi32, #tpu.memory_space<vmem>>
      %dma_wait3A_200 = arith.constant 0 : i32
      %dma_wait3A_201 = tpu.memref_slice %arg12[%dma_wait3A_200] : memref<100352xf32, #tpu.memory_space<vmem_shared>> -> memref<100352xf32, #tpu.memory_space<vmem_shared>>
      tpu.wait_indirect_dma semaphore(%arg14 : memref<!tpu.dma_semaphore, #tpu.memory_space<semaphore_mem>>) src(%arg11 : memref<128xf32, #tpu.memory_space<vmem>>) dst(%dma_wait3A_201 : memref<100352xf32, #tpu.memory_space<vmem_shared>>)
      %dma_wait3A_202 = arith.constant 5 : i32
      %dma_wait3A_203 = arith.constant 0 : i32
      %dma_wait3A_204 = tpu.memref_slice %arg8[%dma_wait3A_202, %dma_wait3A_203] : memref<16x128xi32, #tpu.memory_space<vmem>> -> memref<1x128xi32, #tpu.memory_space<vmem>>
      %dma_wait3A_205 = tpu.memref_squeeze %dma_wait3A_204 : memref<1x128xi32, #tpu.memory_space<vmem>> -> memref<128xi32, #tpu.memory_space<vmem>>
      %dma_wait3A_206 = arith.constant 0 : i32
      %dma_wait3A_207 = tpu.memref_slice %arg12[%dma_wait3A_206] : memref<100352xf32, #tpu.memory_space<vmem_shared>> -> memref<100352xf32, #tpu.memory_space<vmem_shared>>
      tpu.wait_indirect_dma semaphore(%arg14 : memref<!tpu.dma_semaphore, #tpu.memory_space<semaphore_mem>>) src(%arg11 : memref<128xf32, #tpu.memory_space<vmem>>) dst(%dma_wait3A_207 : memref<100352xf32, #tpu.memory_space<vmem_shared>>)
      %dma_wait3A_208 = arith.constant 6 : i32
      %dma_wait3A_209 = arith.constant 0 : i32
      %dma_wait3A_210 = tpu.memref_slice %arg8[%dma_wait3A_208, %dma_wait3A_209] : memref<16x128xi32, #tpu.memory_space<vmem>> -> memref<1x128xi32, #tpu.memory_space<vmem>>
      %dma_wait3A_211 = tpu.memref_squeeze %dma_wait3A_210 : memref<1x128xi32, #tpu.memory_space<vmem>> -> memref<128xi32, #tpu.memory_space<vmem>>
      %dma_wait3A_212 = arith.constant 0 : i32
      %dma_wait3A_213 = tpu.memref_slice %arg12[%dma_wait3A_212] : memref<100352xf32, #tpu.memory_space<vmem_shared>> -> memref<100352xf32, #tpu.memory_space<vmem_shared>>
      tpu.wait_indirect_dma semaphore(%arg14 : memref<!tpu.dma_semaphore, #tpu.memory_space<semaphore_mem>>) src(%arg11 : memref<128xf32, #tpu.memory_space<vmem>>) dst(%dma_wait3A_213 : memref<100352xf32, #tpu.memory_space<vmem_shared>>)
      %dma_wait3A_214 = arith.constant 7 : i32
      %dma_wait3A_215 = arith.constant 0 : i32
      %dma_wait3A_216 = tpu.memref_slice %arg8[%dma_wait3A_214, %dma_wait3A_215] : memref<16x128xi32, #tpu.memory_space<vmem>> -> memref<1x128xi32, #tpu.memory_space<vmem>>
      %dma_wait3A_217 = tpu.memref_squeeze %dma_wait3A_216 : memref<1x128xi32, #tpu.memory_space<vmem>> -> memref<128xi32, #tpu.memory_space<vmem>>
      %dma_wait3A_218 = arith.constant 0 : i32
      %dma_wait3A_219 = tpu.memref_slice %arg12[%dma_wait3A_218] : memref<100352xf32, #tpu.memory_space<vmem_shared>> -> memref<100352xf32, #tpu.memory_space<vmem_shared>>
      tpu.wait_indirect_dma semaphore(%arg14 : memref<!tpu.dma_semaphore, #tpu.memory_space<semaphore_mem>>) src(%arg11 : memref<128xf32, #tpu.memory_space<vmem>>) dst(%dma_wait3A_219 : memref<100352xf32, #tpu.memory_space<vmem_shared>>)
      %dma_wait3A_220 = arith.constant 8 : i32
      %dma_wait3A_221 = arith.constant 0 : i32
      %dma_wait3A_222 = tpu.memref_slice %arg8[%dma_wait3A_220, %dma_wait3A_221] : memref<16x128xi32, #tpu.memory_space<vmem>> -> memref<1x128xi32, #tpu.memory_space<vmem>>
      %dma_wait3A_223 = tpu.memref_squeeze %dma_wait3A_222 : memref<1x128xi32, #tpu.memory_space<vmem>> -> memref<128xi32, #tpu.memory_space<vmem>>
      %dma_wait3A_224 = arith.constant 0 : i32
      %dma_wait3A_225 = tpu.memref_slice %arg12[%dma_wait3A_224] : memref<100352xf32, #tpu.memory_space<vmem_shared>> -> memref<100352xf32, #tpu.memory_space<vmem_shared>>
      tpu.wait_indirect_dma semaphore(%arg14 : memref<!tpu.dma_semaphore, #tpu.memory_space<semaphore_mem>>) src(%arg11 : memref<128xf32, #tpu.memory_space<vmem>>) dst(%dma_wait3A_225 : memref<100352xf32, #tpu.memory_space<vmem_shared>>)
      %dma_wait3A_226 = arith.constant 9 : i32
      %dma_wait3A_227 = arith.constant 0 : i32
      %dma_wait3A_228 = tpu.memref_slice %arg8[%dma_wait3A_226, %dma_wait3A_227] : memref<16x128xi32, #tpu.memory_space<vmem>> -> memref<1x128xi32, #tpu.memory_space<vmem>>
      %dma_wait3A_229 = tpu.memref_squeeze %dma_wait3A_228 : memref<1x128xi32, #tpu.memory_space<vmem>> -> memref<128xi32, #tpu.memory_space<vmem>>
      %dma_wait3A_230 = arith.constant 0 : i32
      %dma_wait3A_231 = tpu.memref_slice %arg12[%dma_wait3A_230] : memref<100352xf32, #tpu.memory_space<vmem_shared>> -> memref<100352xf32, #tpu.memory_space<vmem_shared>>
      tpu.wait_indirect_dma semaphore(%arg14 : memref<!tpu.dma_semaphore, #tpu.memory_space<semaphore_mem>>) src(%arg11 : memref<128xf32, #tpu.memory_space<vmem>>) dst(%dma_wait3A_231 : memref<100352xf32, #tpu.memory_space<vmem_shared>>)
      %dma_wait3A_232 = arith.constant 10 : i32
      %dma_wait3A_233 = arith.constant 0 : i32
      %dma_wait3A_234 = tpu.memref_slice %arg8[%dma_wait3A_232, %dma_wait3A_233] : memref<16x128xi32, #tpu.memory_space<vmem>> -> memref<1x128xi32, #tpu.memory_space<vmem>>
      %dma_wait3A_235 = tpu.memref_squeeze %dma_wait3A_234 : memref<1x128xi32, #tpu.memory_space<vmem>> -> memref<128xi32, #tpu.memory_space<vmem>>
      %dma_wait3A_236 = arith.constant 0 : i32
      %dma_wait3A_237 = tpu.memref_slice %arg12[%dma_wait3A_236] : memref<100352xf32, #tpu.memory_space<vmem_shared>> -> memref<100352xf32, #tpu.memory_space<vmem_shared>>
      tpu.wait_indirect_dma semaphore(%arg14 : memref<!tpu.dma_semaphore, #tpu.memory_space<semaphore_mem>>) src(%arg11 : memref<128xf32, #tpu.memory_space<vmem>>) dst(%dma_wait3A_237 : memref<100352xf32, #tpu.memory_space<vmem_shared>>)
      %dma_wait3A_238 = arith.constant 11 : i32
      %dma_wait3A_239 = arith.constant 0 : i32
      %dma_wait3A_240 = tpu.memref_slice %arg8[%dma_wait3A_238, %dma_wait3A_239] : memref<16x128xi32, #tpu.memory_space<vmem>> -> memref<1x128xi32, #tpu.memory_space<vmem>>
      %dma_wait3A_241 = tpu.memref_squeeze %dma_wait3A_240 : memref<1x128xi32, #tpu.memory_space<vmem>> -> memref<128xi32, #tpu.memory_space<vmem>>
      %dma_wait3A_242 = arith.constant 0 : i32
      %dma_wait3A_243 = tpu.memref_slice %arg12[%dma_wait3A_242] : memref<100352xf32, #tpu.memory_space<vmem_shared>> -> memref<100352xf32, #tpu.memory_space<vmem_shared>>
      tpu.wait_indirect_dma semaphore(%arg14 : memref<!tpu.dma_semaphore, #tpu.memory_space<semaphore_mem>>) src(%arg11 : memref<128xf32, #tpu.memory_space<vmem>>) dst(%dma_wait3A_243 : memref<100352xf32, #tpu.memory_space<vmem_shared>>)
      %dma_wait3A_244 = arith.constant 12 : i32
      %dma_wait3A_245 = arith.constant 0 : i32
      %dma_wait3A_246 = tpu.memref_slice %arg8[%dma_wait3A_244, %dma_wait3A_245] : memref<16x128xi32, #tpu.memory_space<vmem>> -> memref<1x128xi32, #tpu.memory_space<vmem>>
      %dma_wait3A_247 = tpu.memref_squeeze %dma_wait3A_246 : memref<1x128xi32, #tpu.memory_space<vmem>> -> memref<128xi32, #tpu.memory_space<vmem>>
      %dma_wait3A_248 = arith.constant 0 : i32
      %dma_wait3A_249 = tpu.memref_slice %arg12[%dma_wait3A_248] : memref<100352xf32, #tpu.memory_space<vmem_shared>> -> memref<100352xf32, #tpu.memory_space<vmem_shared>>
      tpu.wait_indirect_dma semaphore(%arg14 : memref<!tpu.dma_semaphore, #tpu.memory_space<semaphore_mem>>) src(%arg11 : memref<128xf32, #tpu.memory_space<vmem>>) dst(%dma_wait3A_249 : memref<100352xf32, #tpu.memory_space<vmem_shared>>)
      %dma_wait3A_250 = arith.constant 13 : i32
      %dma_wait3A_251 = arith.constant 0 : i32
      %dma_wait3A_252 = tpu.memref_slice %arg8[%dma_wait3A_250, %dma_wait3A_251] : memref<16x128xi32, #tpu.memory_space<vmem>> -> memref<1x128xi32, #tpu.memory_space<vmem>>
      %dma_wait3A_253 = tpu.memref_squeeze %dma_wait3A_252 : memref<1x128xi32, #tpu.memory_space<vmem>> -> memref<128xi32, #tpu.memory_space<vmem>>
      %dma_wait3A_254 = arith.constant 0 : i32
      %dma_wait3A_255 = tpu.memref_slice %arg12[%dma_wait3A_254] : memref<100352xf32, #tpu.memory_space<vmem_shared>> -> memref<100352xf32, #tpu.memory_space<vmem_shared>>
      tpu.wait_indirect_dma semaphore(%arg14 : memref<!tpu.dma_semaphore, #tpu.memory_space<semaphore_mem>>) src(%arg11 : memref<128xf32, #tpu.memory_space<vmem>>) dst(%dma_wait3A_255 : memref<100352xf32, #tpu.memory_space<vmem_shared>>)
      %dma_wait3A_256 = arith.constant 14 : i32
      %dma_wait3A_257 = arith.constant 0 : i32
      %dma_wait3A_258 = tpu.memref_slice %arg8[%dma_wait3A_256, %dma_wait3A_257] : memref<16x128xi32, #tpu.memory_space<vmem>> -> memref<1x128xi32, #tpu.memory_space<vmem>>
      %dma_wait3A_259 = tpu.memref_squeeze %dma_wait3A_258 : memref<1x128xi32, #tpu.memory_space<vmem>> -> memref<128xi32, #tpu.memory_space<vmem>>
      %dma_wait3A_260 = arith.constant 0 : i32
      %dma_wait3A_261 = tpu.memref_slice %arg12[%dma_wait3A_260] : memref<100352xf32, #tpu.memory_space<vmem_shared>> -> memref<100352xf32, #tpu.memory_space<vmem_shared>>
      tpu.wait_indirect_dma semaphore(%arg14 : memref<!tpu.dma_semaphore, #tpu.memory_space<semaphore_mem>>) src(%arg11 : memref<128xf32, #tpu.memory_space<vmem>>) dst(%dma_wait3A_261 : memref<100352xf32, #tpu.memory_space<vmem_shared>>)
      %dma_wait3A_262 = arith.constant 15 : i32
      %dma_wait3A_263 = arith.constant 0 : i32
      %dma_wait3A_264 = tpu.memref_slice %arg8[%dma_wait3A_262, %dma_wait3A_263] : memref<16x128xi32, #tpu.memory_space<vmem>> -> memref<1x128xi32, #tpu.memory_space<vmem>>
      %dma_wait3A_265 = tpu.memref_squeeze %dma_wait3A_264 : memref<1x128xi32, #tpu.memory_space<vmem>> -> memref<128xi32, #tpu.memory_space<vmem>>
      %dma_wait3A_266 = arith.constant 0 : i32
      %dma_wait3A_267 = tpu.memref_slice %arg12[%dma_wait3A_266] : memref<100352xf32, #tpu.memory_space<vmem_shared>> -> memref<100352xf32, #tpu.memory_space<vmem_shared>>
      tpu.wait_indirect_dma semaphore(%arg14 : memref<!tpu.dma_semaphore, #tpu.memory_space<semaphore_mem>>) src(%arg11 : memref<128xf32, #tpu.memory_space<vmem>>) dst(%dma_wait3A_267 : memref<100352xf32, #tpu.memory_space<vmem_shared>>)
    }
    %scan3A_59 = arith.constant 50 : i32
    %barrier3A_60 = arith.constant 0 : index
    tpu.barrier barrier_id(%barrier3A_60)
    %mul3A_61 = arith.constant 6272 : i32
    %mul3A_62 = arith.muli %arg1, %mul3A_61 : i32
    %mul3A_63 = arith.constant 100352 : i32
    %mul3A_64 = arith.muli %arg0, %mul3A_63 : i32
    %mul3A_65 = arith.constant 6272 : i32
    %mul3A_66 = arith.muli %arg1, %mul3A_65 : i32
    %add3A_67 = arith.addi %mul3A_64, %mul3A_66 : i32
    "tpu.region"() ({
      %run_scoped3A = tpu.sem_alloc : memref<!tpu.dma_semaphore, #tpu.memory_space<semaphore_mem>>
      %dma_start3A = tpu.memref_slice %arg6[%add3A_67] : memref<200704xf32, #tpu.memory_space<hbm>> -> memref<6272xf32, #tpu.memory_space<hbm>>
      %dma_start3A_68 = tpu.memref_slice %arg12[%mul3A_62] : memref<100352xf32, #tpu.memory_space<vmem_shared>> -> memref<6272xf32, #tpu.memory_space<vmem_shared>>
      tpu.enqueue_dma source(%dma_start3A_68 : memref<6272xf32, #tpu.memory_space<vmem_shared>>) target(%dma_start3A : memref<6272xf32, #tpu.memory_space<hbm>>) target_semaphore(%run_scoped3A : memref<!tpu.dma_semaphore, #tpu.memory_space<semaphore_mem>>)
      %dma_wait3A = tpu.memref_slice %arg6[%add3A_67] : memref<200704xf32, #tpu.memory_space<hbm>> -> memref<6272xf32, #tpu.memory_space<hbm>>
      %dma_wait3A_69 = tpu.memref_slice %arg12[%mul3A_62] : memref<100352xf32, #tpu.memory_space<vmem_shared>> -> memref<6272xf32, #tpu.memory_space<vmem_shared>>
      tpu.wait_dma2 semaphore(%run_scoped3A : memref<!tpu.dma_semaphore, #tpu.memory_space<semaphore_mem>>) src(%dma_wait3A_69 : memref<6272xf32, #tpu.memory_space<vmem_shared>>) dst(%dma_wait3A : memref<6272xf32, #tpu.memory_space<hbm>>)
      tpu.yield
    }) : () -> ()
    return
  }
}

#map = affine_map<(d0, d1) -> (0, 0)>
#map1 = affine_map<(d0, d1) -> (0)>
module attributes {stable_mosaic.version = 14 : i64} {
  func.func @k(%arg0: i32, %arg1: i32, %arg2: memref<25600x128xi32, #tpu.memory_space<hbm>>, %arg3: memref<25600x128xi32, #tpu.memory_space<hbm>>, %arg4: memref<100352xf32, #tpu.memory_space<hbm>>, %arg5: memref<100352xf32, #tpu.memory_space<hbm>>, %arg6: memref<200704xf32, #tpu.memory_space<hbm>>, %arg7: memref<16x128xi32, #tpu.memory_space<vmem>>, %arg8: memref<16x128xi32, #tpu.memory_space<vmem>>, %arg9: memref<16x128xf32, #tpu.memory_space<vmem>>, %arg10: memref<100352xf32, #tpu.memory_space<vmem_shared>>, %arg11: memref<!tpu.dma_semaphore, #tpu.memory_space<semaphore_mem>>, %arg12: memref<!tpu.dma_semaphore, #tpu.memory_space<semaphore_mem>>) attributes {dimension_semantics = [#tpu.dimension_semantics<core_parallel>, #tpu.dimension_semantics<subcore_parallel>], iteration_bounds = array<i64: 2, 16>, scalar_prefetch = 0 : i64, scratch_operands = 6 : i64, tpu.core_type = #tpu.core_type<sc_vector_subcore>, window_params = [{transform_indices = #map}, {transform_indices = #map}, {transform_indices = #map1}, {transform_indices = #map1}, {transform_indices = #map1}]} {
    %mul3A = arith.constant 16 : i32
    %mul3A_0 = arith.muli %arg0, %mul3A : i32
    %add3A = arith.addi %mul3A_0, %arg1 : i32
    %mul3A_1 = arith.constant 6272 : i32
    %mul3A_2 = arith.muli %arg1, %mul3A_1 : i32
    %mul3A_3 = arith.constant 6272 : i32
    %mul3A_4 = arith.muli %arg1, %mul3A_3 : i32
    "tpu.region"() ({
      %run_scoped3A = tpu.sem_alloc : memref<!tpu.dma_semaphore, #tpu.memory_space<semaphore_mem>>
      %dma_start3A = tpu.memref_slice %arg10[%mul3A_4] : memref<100352xf32, #tpu.memory_space<vmem_shared>> -> memref<6272xf32, #tpu.memory_space<vmem_shared>>
      %dma_start3A_17 = tpu.memref_slice %arg5[%mul3A_2] : memref<100352xf32, #tpu.memory_space<hbm>> -> memref<6272xf32, #tpu.memory_space<hbm>>
      tpu.enqueue_dma source(%dma_start3A_17 : memref<6272xf32, #tpu.memory_space<hbm>>) target(%dma_start3A : memref<6272xf32, #tpu.memory_space<vmem_shared>>) target_semaphore(%run_scoped3A : memref<!tpu.dma_semaphore, #tpu.memory_space<semaphore_mem>>)
      %dma_wait3A = tpu.memref_slice %arg10[%mul3A_4] : memref<100352xf32, #tpu.memory_space<vmem_shared>> -> memref<6272xf32, #tpu.memory_space<vmem_shared>>
      %dma_wait3A_18 = tpu.memref_slice %arg5[%mul3A_2] : memref<100352xf32, #tpu.memory_space<hbm>> -> memref<6272xf32, #tpu.memory_space<hbm>>
      tpu.wait_dma2 semaphore(%run_scoped3A : memref<!tpu.dma_semaphore, #tpu.memory_space<semaphore_mem>>) src(%dma_wait3A_18 : memref<6272xf32, #tpu.memory_space<hbm>>) dst(%dma_wait3A : memref<6272xf32, #tpu.memory_space<vmem_shared>>)
      tpu.yield
    }) : () -> ()
    %barrier3A = arith.constant 0 : index
    tpu.barrier barrier_id(%barrier3A)
    %scan3A = arith.constant 0 : i32
    %scan3A_5 = arith.constant 50 : i32
    %scan3A_6 = arith.addi %scan3A, %scan3A_5 : i32
    %scan3A_7 = arith.constant 1 : i32
    scf.for %scan3A_17 = %scan3A to %scan3A_6 step %scan3A_7  : i32 {
      %mul3A_18 = arith.constant 1 : i32
      %mul3A_19 = arith.muli %scan3A_17, %mul3A_18 : i32
      %add3A_20 = arith.constant 0 : i32
      %add3A_21 = arith.addi %add3A_20, %mul3A_19 : i32
      %mul3A_22 = arith.constant 800 : i32
      %mul3A_23 = arith.muli %add3A, %mul3A_22 : i32
      %mul3A_24 = arith.constant 16 : i32
      %mul3A_25 = arith.muli %add3A_21, %mul3A_24 : i32
      %add3A_26 = arith.addi %mul3A_23, %mul3A_25 : i32
      "tpu.region"() ({
        %run_scoped3A = tpu.sem_alloc : memref<!tpu.dma_semaphore, #tpu.memory_space<semaphore_mem>>
        %dma_start3A_665 = arith.constant 0 : i32
        %dma_start3A_666 = tpu.memref_slice %arg2[%add3A_26, %dma_start3A_665] : memref<25600x128xi32, #tpu.memory_space<hbm>> -> memref<16x128xi32, #tpu.memory_space<hbm>>
        %dma_start3A_667 = arith.constant 0 : i32
        %dma_start3A_668 = tpu.memref_slice %arg2[%add3A_26, %dma_start3A_667] : memref<25600x128xi32, #tpu.memory_space<hbm>> -> memref<16x128xi32, #tpu.memory_space<hbm>>
        tpu.enqueue_dma source(%dma_start3A_668 : memref<16x128xi32, #tpu.memory_space<hbm>>) target(%arg7 : memref<16x128xi32, #tpu.memory_space<vmem>>) target_semaphore(%run_scoped3A : memref<!tpu.dma_semaphore, #tpu.memory_space<semaphore_mem>>)
        %dma_wait3A_669 = arith.constant 0 : i32
        %dma_wait3A_670 = tpu.memref_slice %arg2[%add3A_26, %dma_wait3A_669] : memref<25600x128xi32, #tpu.memory_space<hbm>> -> memref<16x128xi32, #tpu.memory_space<hbm>>
        %dma_wait3A_671 = arith.constant 0 : i32
        %dma_wait3A_672 = tpu.memref_slice %arg2[%add3A_26, %dma_wait3A_671] : memref<25600x128xi32, #tpu.memory_space<hbm>> -> memref<16x128xi32, #tpu.memory_space<hbm>>
        tpu.wait_dma2 semaphore(%run_scoped3A : memref<!tpu.dma_semaphore, #tpu.memory_space<semaphore_mem>>) src(%dma_wait3A_672 : memref<16x128xi32, #tpu.memory_space<hbm>>) dst(%arg7 : memref<16x128xi32, #tpu.memory_space<vmem>>)
        tpu.yield
      }) : () -> ()
      "tpu.region"() ({
        %run_scoped3A = tpu.sem_alloc : memref<!tpu.dma_semaphore, #tpu.memory_space<semaphore_mem>>
        %dma_start3A_665 = arith.constant 0 : i32
        %dma_start3A_666 = tpu.memref_slice %arg3[%add3A_26, %dma_start3A_665] : memref<25600x128xi32, #tpu.memory_space<hbm>> -> memref<16x128xi32, #tpu.memory_space<hbm>>
        %dma_start3A_667 = arith.constant 0 : i32
        %dma_start3A_668 = tpu.memref_slice %arg3[%add3A_26, %dma_start3A_667] : memref<25600x128xi32, #tpu.memory_space<hbm>> -> memref<16x128xi32, #tpu.memory_space<hbm>>
        tpu.enqueue_dma source(%dma_start3A_668 : memref<16x128xi32, #tpu.memory_space<hbm>>) target(%arg8 : memref<16x128xi32, #tpu.memory_space<vmem>>) target_semaphore(%run_scoped3A : memref<!tpu.dma_semaphore, #tpu.memory_space<semaphore_mem>>)
        %dma_wait3A_669 = arith.constant 0 : i32
        %dma_wait3A_670 = tpu.memref_slice %arg3[%add3A_26, %dma_wait3A_669] : memref<25600x128xi32, #tpu.memory_space<hbm>> -> memref<16x128xi32, #tpu.memory_space<hbm>>
        %dma_wait3A_671 = arith.constant 0 : i32
        %dma_wait3A_672 = tpu.memref_slice %arg3[%add3A_26, %dma_wait3A_671] : memref<25600x128xi32, #tpu.memory_space<hbm>> -> memref<16x128xi32, #tpu.memory_space<hbm>>
        tpu.wait_dma2 semaphore(%run_scoped3A : memref<!tpu.dma_semaphore, #tpu.memory_space<semaphore_mem>>) src(%dma_wait3A_672 : memref<16x128xi32, #tpu.memory_space<hbm>>) dst(%arg8 : memref<16x128xi32, #tpu.memory_space<vmem>>)
        tpu.yield
      }) : () -> ()
      %dma_start3A = arith.constant 0 : i32
      %dma_start3A_27 = arith.constant 0 : i32
      %dma_start3A_28 = arith.constant 0 : i32
      %dma_start3A_29 = tpu.memref_slice %arg9[%dma_start3A_27, %dma_start3A_28] : memref<16x128xf32, #tpu.memory_space<vmem>> -> memref<1x128xf32, #tpu.memory_space<vmem>>
      %dma_start3A_30 = tpu.memref_squeeze %dma_start3A_29 : memref<1x128xf32, #tpu.memory_space<vmem>> -> memref<128xf32, #tpu.memory_space<vmem>>
      %dma_start3A_31 = arith.constant 0 : i32
      %dma_start3A_32 = tpu.memref_slice %arg7[%dma_start3A, %dma_start3A_31] : memref<16x128xi32, #tpu.memory_space<vmem>> -> memref<1x128xi32, #tpu.memory_space<vmem>>
      %dma_start3A_33 = tpu.memref_squeeze %dma_start3A_32 : memref<1x128xi32, #tpu.memory_space<vmem>> -> memref<128xi32, #tpu.memory_space<vmem>>
      %dma_start3A_34 = arith.constant 0 : i32
      %dma_start3A_35 = tpu.memref_slice %arg4[%dma_start3A_34] : memref<100352xf32, #tpu.memory_space<hbm>> -> memref<100352xf32, #tpu.memory_space<hbm>>
      tpu.enqueue_indirect_dma source(%dma_start3A_35 : memref<100352xf32, #tpu.memory_space<hbm>>) target(%dma_start3A_30 : memref<128xf32, #tpu.memory_space<vmem>>) offsets(%dma_start3A_33 : memref<128xi32, #tpu.memory_space<vmem>>) semaphore(%arg11 : memref<!tpu.dma_semaphore, #tpu.memory_space<semaphore_mem>>)
      %dma_start3A_36 = arith.constant 1 : i32
      %dma_start3A_37 = arith.constant 1 : i32
      %dma_start3A_38 = arith.constant 0 : i32
      %dma_start3A_39 = tpu.memref_slice %arg9[%dma_start3A_37, %dma_start3A_38] : memref<16x128xf32, #tpu.memory_space<vmem>> -> memref<1x128xf32, #tpu.memory_space<vmem>>
      %dma_start3A_40 = tpu.memref_squeeze %dma_start3A_39 : memref<1x128xf32, #tpu.memory_space<vmem>> -> memref<128xf32, #tpu.memory_space<vmem>>
      %dma_start3A_41 = arith.constant 0 : i32
      %dma_start3A_42 = tpu.memref_slice %arg7[%dma_start3A_36, %dma_start3A_41] : memref<16x128xi32, #tpu.memory_space<vmem>> -> memref<1x128xi32, #tpu.memory_space<vmem>>
      %dma_start3A_43 = tpu.memref_squeeze %dma_start3A_42 : memref<1x128xi32, #tpu.memory_space<vmem>> -> memref<128xi32, #tpu.memory_space<vmem>>
      %dma_start3A_44 = arith.constant 0 : i32
      %dma_start3A_45 = tpu.memref_slice %arg4[%dma_start3A_44] : memref<100352xf32, #tpu.memory_space<hbm>> -> memref<100352xf32, #tpu.memory_space<hbm>>
      tpu.enqueue_indirect_dma source(%dma_start3A_45 : memref<100352xf32, #tpu.memory_space<hbm>>) target(%dma_start3A_40 : memref<128xf32, #tpu.memory_space<vmem>>) offsets(%dma_start3A_43 : memref<128xi32, #tpu.memory_space<vmem>>) semaphore(%arg11 : memref<!tpu.dma_semaphore, #tpu.memory_space<semaphore_mem>>)
      %dma_start3A_46 = arith.constant 2 : i32
      %dma_start3A_47 = arith.constant 2 : i32
      %dma_start3A_48 = arith.constant 0 : i32
      %dma_start3A_49 = tpu.memref_slice %arg9[%dma_start3A_47, %dma_start3A_48] : memref<16x128xf32, #tpu.memory_space<vmem>> -> memref<1x128xf32, #tpu.memory_space<vmem>>
      %dma_start3A_50 = tpu.memref_squeeze %dma_start3A_49 : memref<1x128xf32, #tpu.memory_space<vmem>> -> memref<128xf32, #tpu.memory_space<vmem>>
      %dma_start3A_51 = arith.constant 0 : i32
      %dma_start3A_52 = tpu.memref_slice %arg7[%dma_start3A_46, %dma_start3A_51] : memref<16x128xi32, #tpu.memory_space<vmem>> -> memref<1x128xi32, #tpu.memory_space<vmem>>
      %dma_start3A_53 = tpu.memref_squeeze %dma_start3A_52 : memref<1x128xi32, #tpu.memory_space<vmem>> -> memref<128xi32, #tpu.memory_space<vmem>>
      %dma_start3A_54 = arith.constant 0 : i32
      %dma_start3A_55 = tpu.memref_slice %arg4[%dma_start3A_54] : memref<100352xf32, #tpu.memory_space<hbm>> -> memref<100352xf32, #tpu.memory_space<hbm>>
      tpu.enqueue_indirect_dma source(%dma_start3A_55 : memref<100352xf32, #tpu.memory_space<hbm>>) target(%dma_start3A_50 : memref<128xf32, #tpu.memory_space<vmem>>) offsets(%dma_start3A_53 : memref<128xi32, #tpu.memory_space<vmem>>) semaphore(%arg11 : memref<!tpu.dma_semaphore, #tpu.memory_space<semaphore_mem>>)
      %dma_start3A_56 = arith.constant 3 : i32
      %dma_start3A_57 = arith.constant 3 : i32
      %dma_start3A_58 = arith.constant 0 : i32
      %dma_start3A_59 = tpu.memref_slice %arg9[%dma_start3A_57, %dma_start3A_58] : memref<16x128xf32, #tpu.memory_space<vmem>> -> memref<1x128xf32, #tpu.memory_space<vmem>>
      %dma_start3A_60 = tpu.memref_squeeze %dma_start3A_59 : memref<1x128xf32, #tpu.memory_space<vmem>> -> memref<128xf32, #tpu.memory_space<vmem>>
      %dma_start3A_61 = arith.constant 0 : i32
      %dma_start3A_62 = tpu.memref_slice %arg7[%dma_start3A_56, %dma_start3A_61] : memref<16x128xi32, #tpu.memory_space<vmem>> -> memref<1x128xi32, #tpu.memory_space<vmem>>
      %dma_start3A_63 = tpu.memref_squeeze %dma_start3A_62 : memref<1x128xi32, #tpu.memory_space<vmem>> -> memref<128xi32, #tpu.memory_space<vmem>>
      %dma_start3A_64 = arith.constant 0 : i32
      %dma_start3A_65 = tpu.memref_slice %arg4[%dma_start3A_64] : memref<100352xf32, #tpu.memory_space<hbm>> -> memref<100352xf32, #tpu.memory_space<hbm>>
      tpu.enqueue_indirect_dma source(%dma_start3A_65 : memref<100352xf32, #tpu.memory_space<hbm>>) target(%dma_start3A_60 : memref<128xf32, #tpu.memory_space<vmem>>) offsets(%dma_start3A_63 : memref<128xi32, #tpu.memory_space<vmem>>) semaphore(%arg11 : memref<!tpu.dma_semaphore, #tpu.memory_space<semaphore_mem>>)
      %dma_start3A_66 = arith.constant 4 : i32
      %dma_start3A_67 = arith.constant 4 : i32
      %dma_start3A_68 = arith.constant 0 : i32
      %dma_start3A_69 = tpu.memref_slice %arg9[%dma_start3A_67, %dma_start3A_68] : memref<16x128xf32, #tpu.memory_space<vmem>> -> memref<1x128xf32, #tpu.memory_space<vmem>>
      %dma_start3A_70 = tpu.memref_squeeze %dma_start3A_69 : memref<1x128xf32, #tpu.memory_space<vmem>> -> memref<128xf32, #tpu.memory_space<vmem>>
      %dma_start3A_71 = arith.constant 0 : i32
      %dma_start3A_72 = tpu.memref_slice %arg7[%dma_start3A_66, %dma_start3A_71] : memref<16x128xi32, #tpu.memory_space<vmem>> -> memref<1x128xi32, #tpu.memory_space<vmem>>
      %dma_start3A_73 = tpu.memref_squeeze %dma_start3A_72 : memref<1x128xi32, #tpu.memory_space<vmem>> -> memref<128xi32, #tpu.memory_space<vmem>>
      %dma_start3A_74 = arith.constant 0 : i32
      %dma_start3A_75 = tpu.memref_slice %arg4[%dma_start3A_74] : memref<100352xf32, #tpu.memory_space<hbm>> -> memref<100352xf32, #tpu.memory_space<hbm>>
      tpu.enqueue_indirect_dma source(%dma_start3A_75 : memref<100352xf32, #tpu.memory_space<hbm>>) target(%dma_start3A_70 : memref<128xf32, #tpu.memory_space<vmem>>) offsets(%dma_start3A_73 : memref<128xi32, #tpu.memory_space<vmem>>) semaphore(%arg11 : memref<!tpu.dma_semaphore, #tpu.memory_space<semaphore_mem>>)
      %dma_start3A_76 = arith.constant 5 : i32
      %dma_start3A_77 = arith.constant 5 : i32
      %dma_start3A_78 = arith.constant 0 : i32
      %dma_start3A_79 = tpu.memref_slice %arg9[%dma_start3A_77, %dma_start3A_78] : memref<16x128xf32, #tpu.memory_space<vmem>> -> memref<1x128xf32, #tpu.memory_space<vmem>>
      %dma_start3A_80 = tpu.memref_squeeze %dma_start3A_79 : memref<1x128xf32, #tpu.memory_space<vmem>> -> memref<128xf32, #tpu.memory_space<vmem>>
      %dma_start3A_81 = arith.constant 0 : i32
      %dma_start3A_82 = tpu.memref_slice %arg7[%dma_start3A_76, %dma_start3A_81] : memref<16x128xi32, #tpu.memory_space<vmem>> -> memref<1x128xi32, #tpu.memory_space<vmem>>
      %dma_start3A_83 = tpu.memref_squeeze %dma_start3A_82 : memref<1x128xi32, #tpu.memory_space<vmem>> -> memref<128xi32, #tpu.memory_space<vmem>>
      %dma_start3A_84 = arith.constant 0 : i32
      %dma_start3A_85 = tpu.memref_slice %arg4[%dma_start3A_84] : memref<100352xf32, #tpu.memory_space<hbm>> -> memref<100352xf32, #tpu.memory_space<hbm>>
      tpu.enqueue_indirect_dma source(%dma_start3A_85 : memref<100352xf32, #tpu.memory_space<hbm>>) target(%dma_start3A_80 : memref<128xf32, #tpu.memory_space<vmem>>) offsets(%dma_start3A_83 : memref<128xi32, #tpu.memory_space<vmem>>) semaphore(%arg11 : memref<!tpu.dma_semaphore, #tpu.memory_space<semaphore_mem>>)
      %dma_start3A_86 = arith.constant 6 : i32
      %dma_start3A_87 = arith.constant 6 : i32
      %dma_start3A_88 = arith.constant 0 : i32
      %dma_start3A_89 = tpu.memref_slice %arg9[%dma_start3A_87, %dma_start3A_88] : memref<16x128xf32, #tpu.memory_space<vmem>> -> memref<1x128xf32, #tpu.memory_space<vmem>>
      %dma_start3A_90 = tpu.memref_squeeze %dma_start3A_89 : memref<1x128xf32, #tpu.memory_space<vmem>> -> memref<128xf32, #tpu.memory_space<vmem>>
      %dma_start3A_91 = arith.constant 0 : i32
      %dma_start3A_92 = tpu.memref_slice %arg7[%dma_start3A_86, %dma_start3A_91] : memref<16x128xi32, #tpu.memory_space<vmem>> -> memref<1x128xi32, #tpu.memory_space<vmem>>
      %dma_start3A_93 = tpu.memref_squeeze %dma_start3A_92 : memref<1x128xi32, #tpu.memory_space<vmem>> -> memref<128xi32, #tpu.memory_space<vmem>>
      %dma_start3A_94 = arith.constant 0 : i32
      %dma_start3A_95 = tpu.memref_slice %arg4[%dma_start3A_94] : memref<100352xf32, #tpu.memory_space<hbm>> -> memref<100352xf32, #tpu.memory_space<hbm>>
      tpu.enqueue_indirect_dma source(%dma_start3A_95 : memref<100352xf32, #tpu.memory_space<hbm>>) target(%dma_start3A_90 : memref<128xf32, #tpu.memory_space<vmem>>) offsets(%dma_start3A_93 : memref<128xi32, #tpu.memory_space<vmem>>) semaphore(%arg11 : memref<!tpu.dma_semaphore, #tpu.memory_space<semaphore_mem>>)
      %dma_start3A_96 = arith.constant 7 : i32
      %dma_start3A_97 = arith.constant 7 : i32
      %dma_start3A_98 = arith.constant 0 : i32
      %dma_start3A_99 = tpu.memref_slice %arg9[%dma_start3A_97, %dma_start3A_98] : memref<16x128xf32, #tpu.memory_space<vmem>> -> memref<1x128xf32, #tpu.memory_space<vmem>>
      %dma_start3A_100 = tpu.memref_squeeze %dma_start3A_99 : memref<1x128xf32, #tpu.memory_space<vmem>> -> memref<128xf32, #tpu.memory_space<vmem>>
      %dma_start3A_101 = arith.constant 0 : i32
      %dma_start3A_102 = tpu.memref_slice %arg7[%dma_start3A_96, %dma_start3A_101] : memref<16x128xi32, #tpu.memory_space<vmem>> -> memref<1x128xi32, #tpu.memory_space<vmem>>
      %dma_start3A_103 = tpu.memref_squeeze %dma_start3A_102 : memref<1x128xi32, #tpu.memory_space<vmem>> -> memref<128xi32, #tpu.memory_space<vmem>>
      %dma_start3A_104 = arith.constant 0 : i32
      %dma_start3A_105 = tpu.memref_slice %arg4[%dma_start3A_104] : memref<100352xf32, #tpu.memory_space<hbm>> -> memref<100352xf32, #tpu.memory_space<hbm>>
      tpu.enqueue_indirect_dma source(%dma_start3A_105 : memref<100352xf32, #tpu.memory_space<hbm>>) target(%dma_start3A_100 : memref<128xf32, #tpu.memory_space<vmem>>) offsets(%dma_start3A_103 : memref<128xi32, #tpu.memory_space<vmem>>) semaphore(%arg11 : memref<!tpu.dma_semaphore, #tpu.memory_space<semaphore_mem>>)
      %dma_start3A_106 = arith.constant 8 : i32
      %dma_start3A_107 = arith.constant 8 : i32
      %dma_start3A_108 = arith.constant 0 : i32
      %dma_start3A_109 = tpu.memref_slice %arg9[%dma_start3A_107, %dma_start3A_108] : memref<16x128xf32, #tpu.memory_space<vmem>> -> memref<1x128xf32, #tpu.memory_space<vmem>>
      %dma_start3A_110 = tpu.memref_squeeze %dma_start3A_109 : memref<1x128xf32, #tpu.memory_space<vmem>> -> memref<128xf32, #tpu.memory_space<vmem>>
      %dma_start3A_111 = arith.constant 0 : i32
      %dma_start3A_112 = tpu.memref_slice %arg7[%dma_start3A_106, %dma_start3A_111] : memref<16x128xi32, #tpu.memory_space<vmem>> -> memref<1x128xi32, #tpu.memory_space<vmem>>
      %dma_start3A_113 = tpu.memref_squeeze %dma_start3A_112 : memref<1x128xi32, #tpu.memory_space<vmem>> -> memref<128xi32, #tpu.memory_space<vmem>>
      %dma_start3A_114 = arith.constant 0 : i32
      %dma_start3A_115 = tpu.memref_slice %arg4[%dma_start3A_114] : memref<100352xf32, #tpu.memory_space<hbm>> -> memref<100352xf32, #tpu.memory_space<hbm>>
      tpu.enqueue_indirect_dma source(%dma_start3A_115 : memref<100352xf32, #tpu.memory_space<hbm>>) target(%dma_start3A_110 : memref<128xf32, #tpu.memory_space<vmem>>) offsets(%dma_start3A_113 : memref<128xi32, #tpu.memory_space<vmem>>) semaphore(%arg11 : memref<!tpu.dma_semaphore, #tpu.memory_space<semaphore_mem>>)
      %dma_start3A_116 = arith.constant 9 : i32
      %dma_start3A_117 = arith.constant 9 : i32
      %dma_start3A_118 = arith.constant 0 : i32
      %dma_start3A_119 = tpu.memref_slice %arg9[%dma_start3A_117, %dma_start3A_118] : memref<16x128xf32, #tpu.memory_space<vmem>> -> memref<1x128xf32, #tpu.memory_space<vmem>>
      %dma_start3A_120 = tpu.memref_squeeze %dma_start3A_119 : memref<1x128xf32, #tpu.memory_space<vmem>> -> memref<128xf32, #tpu.memory_space<vmem>>
      %dma_start3A_121 = arith.constant 0 : i32
      %dma_start3A_122 = tpu.memref_slice %arg7[%dma_start3A_116, %dma_start3A_121] : memref<16x128xi32, #tpu.memory_space<vmem>> -> memref<1x128xi32, #tpu.memory_space<vmem>>
      %dma_start3A_123 = tpu.memref_squeeze %dma_start3A_122 : memref<1x128xi32, #tpu.memory_space<vmem>> -> memref<128xi32, #tpu.memory_space<vmem>>
      %dma_start3A_124 = arith.constant 0 : i32
      %dma_start3A_125 = tpu.memref_slice %arg4[%dma_start3A_124] : memref<100352xf32, #tpu.memory_space<hbm>> -> memref<100352xf32, #tpu.memory_space<hbm>>
      tpu.enqueue_indirect_dma source(%dma_start3A_125 : memref<100352xf32, #tpu.memory_space<hbm>>) target(%dma_start3A_120 : memref<128xf32, #tpu.memory_space<vmem>>) offsets(%dma_start3A_123 : memref<128xi32, #tpu.memory_space<vmem>>) semaphore(%arg11 : memref<!tpu.dma_semaphore, #tpu.memory_space<semaphore_mem>>)
      %dma_start3A_126 = arith.constant 10 : i32
      %dma_start3A_127 = arith.constant 10 : i32
      %dma_start3A_128 = arith.constant 0 : i32
      %dma_start3A_129 = tpu.memref_slice %arg9[%dma_start3A_127, %dma_start3A_128] : memref<16x128xf32, #tpu.memory_space<vmem>> -> memref<1x128xf32, #tpu.memory_space<vmem>>
      %dma_start3A_130 = tpu.memref_squeeze %dma_start3A_129 : memref<1x128xf32, #tpu.memory_space<vmem>> -> memref<128xf32, #tpu.memory_space<vmem>>
      %dma_start3A_131 = arith.constant 0 : i32
      %dma_start3A_132 = tpu.memref_slice %arg7[%dma_start3A_126, %dma_start3A_131] : memref<16x128xi32, #tpu.memory_space<vmem>> -> memref<1x128xi32, #tpu.memory_space<vmem>>
      %dma_start3A_133 = tpu.memref_squeeze %dma_start3A_132 : memref<1x128xi32, #tpu.memory_space<vmem>> -> memref<128xi32, #tpu.memory_space<vmem>>
      %dma_start3A_134 = arith.constant 0 : i32
      %dma_start3A_135 = tpu.memref_slice %arg4[%dma_start3A_134] : memref<100352xf32, #tpu.memory_space<hbm>> -> memref<100352xf32, #tpu.memory_space<hbm>>
      tpu.enqueue_indirect_dma source(%dma_start3A_135 : memref<100352xf32, #tpu.memory_space<hbm>>) target(%dma_start3A_130 : memref<128xf32, #tpu.memory_space<vmem>>) offsets(%dma_start3A_133 : memref<128xi32, #tpu.memory_space<vmem>>) semaphore(%arg11 : memref<!tpu.dma_semaphore, #tpu.memory_space<semaphore_mem>>)
      %dma_start3A_136 = arith.constant 11 : i32
      %dma_start3A_137 = arith.constant 11 : i32
      %dma_start3A_138 = arith.constant 0 : i32
      %dma_start3A_139 = tpu.memref_slice %arg9[%dma_start3A_137, %dma_start3A_138] : memref<16x128xf32, #tpu.memory_space<vmem>> -> memref<1x128xf32, #tpu.memory_space<vmem>>
      %dma_start3A_140 = tpu.memref_squeeze %dma_start3A_139 : memref<1x128xf32, #tpu.memory_space<vmem>> -> memref<128xf32, #tpu.memory_space<vmem>>
      %dma_start3A_141 = arith.constant 0 : i32
      %dma_start3A_142 = tpu.memref_slice %arg7[%dma_start3A_136, %dma_start3A_141] : memref<16x128xi32, #tpu.memory_space<vmem>> -> memref<1x128xi32, #tpu.memory_space<vmem>>
      %dma_start3A_143 = tpu.memref_squeeze %dma_start3A_142 : memref<1x128xi32, #tpu.memory_space<vmem>> -> memref<128xi32, #tpu.memory_space<vmem>>
      %dma_start3A_144 = arith.constant 0 : i32
      %dma_start3A_145 = tpu.memref_slice %arg4[%dma_start3A_144] : memref<100352xf32, #tpu.memory_space<hbm>> -> memref<100352xf32, #tpu.memory_space<hbm>>
      tpu.enqueue_indirect_dma source(%dma_start3A_145 : memref<100352xf32, #tpu.memory_space<hbm>>) target(%dma_start3A_140 : memref<128xf32, #tpu.memory_space<vmem>>) offsets(%dma_start3A_143 : memref<128xi32, #tpu.memory_space<vmem>>) semaphore(%arg11 : memref<!tpu.dma_semaphore, #tpu.memory_space<semaphore_mem>>)
      %dma_start3A_146 = arith.constant 12 : i32
      %dma_start3A_147 = arith.constant 12 : i32
      %dma_start3A_148 = arith.constant 0 : i32
      %dma_start3A_149 = tpu.memref_slice %arg9[%dma_start3A_147, %dma_start3A_148] : memref<16x128xf32, #tpu.memory_space<vmem>> -> memref<1x128xf32, #tpu.memory_space<vmem>>
      %dma_start3A_150 = tpu.memref_squeeze %dma_start3A_149 : memref<1x128xf32, #tpu.memory_space<vmem>> -> memref<128xf32, #tpu.memory_space<vmem>>
      %dma_start3A_151 = arith.constant 0 : i32
      %dma_start3A_152 = tpu.memref_slice %arg7[%dma_start3A_146, %dma_start3A_151] : memref<16x128xi32, #tpu.memory_space<vmem>> -> memref<1x128xi32, #tpu.memory_space<vmem>>
      %dma_start3A_153 = tpu.memref_squeeze %dma_start3A_152 : memref<1x128xi32, #tpu.memory_space<vmem>> -> memref<128xi32, #tpu.memory_space<vmem>>
      %dma_start3A_154 = arith.constant 0 : i32
      %dma_start3A_155 = tpu.memref_slice %arg4[%dma_start3A_154] : memref<100352xf32, #tpu.memory_space<hbm>> -> memref<100352xf32, #tpu.memory_space<hbm>>
      tpu.enqueue_indirect_dma source(%dma_start3A_155 : memref<100352xf32, #tpu.memory_space<hbm>>) target(%dma_start3A_150 : memref<128xf32, #tpu.memory_space<vmem>>) offsets(%dma_start3A_153 : memref<128xi32, #tpu.memory_space<vmem>>) semaphore(%arg11 : memref<!tpu.dma_semaphore, #tpu.memory_space<semaphore_mem>>)
      %dma_start3A_156 = arith.constant 13 : i32
      %dma_start3A_157 = arith.constant 13 : i32
      %dma_start3A_158 = arith.constant 0 : i32
      %dma_start3A_159 = tpu.memref_slice %arg9[%dma_start3A_157, %dma_start3A_158] : memref<16x128xf32, #tpu.memory_space<vmem>> -> memref<1x128xf32, #tpu.memory_space<vmem>>
      %dma_start3A_160 = tpu.memref_squeeze %dma_start3A_159 : memref<1x128xf32, #tpu.memory_space<vmem>> -> memref<128xf32, #tpu.memory_space<vmem>>
      %dma_start3A_161 = arith.constant 0 : i32
      %dma_start3A_162 = tpu.memref_slice %arg7[%dma_start3A_156, %dma_start3A_161] : memref<16x128xi32, #tpu.memory_space<vmem>> -> memref<1x128xi32, #tpu.memory_space<vmem>>
      %dma_start3A_163 = tpu.memref_squeeze %dma_start3A_162 : memref<1x128xi32, #tpu.memory_space<vmem>> -> memref<128xi32, #tpu.memory_space<vmem>>
      %dma_start3A_164 = arith.constant 0 : i32
      %dma_start3A_165 = tpu.memref_slice %arg4[%dma_start3A_164] : memref<100352xf32, #tpu.memory_space<hbm>> -> memref<100352xf32, #tpu.memory_space<hbm>>
      tpu.enqueue_indirect_dma source(%dma_start3A_165 : memref<100352xf32, #tpu.memory_space<hbm>>) target(%dma_start3A_160 : memref<128xf32, #tpu.memory_space<vmem>>) offsets(%dma_start3A_163 : memref<128xi32, #tpu.memory_space<vmem>>) semaphore(%arg11 : memref<!tpu.dma_semaphore, #tpu.memory_space<semaphore_mem>>)
      %dma_start3A_166 = arith.constant 14 : i32
      %dma_start3A_167 = arith.constant 14 : i32
      %dma_start3A_168 = arith.constant 0 : i32
      %dma_start3A_169 = tpu.memref_slice %arg9[%dma_start3A_167, %dma_start3A_168] : memref<16x128xf32, #tpu.memory_space<vmem>> -> memref<1x128xf32, #tpu.memory_space<vmem>>
      %dma_start3A_170 = tpu.memref_squeeze %dma_start3A_169 : memref<1x128xf32, #tpu.memory_space<vmem>> -> memref<128xf32, #tpu.memory_space<vmem>>
      %dma_start3A_171 = arith.constant 0 : i32
      %dma_start3A_172 = tpu.memref_slice %arg7[%dma_start3A_166, %dma_start3A_171] : memref<16x128xi32, #tpu.memory_space<vmem>> -> memref<1x128xi32, #tpu.memory_space<vmem>>
      %dma_start3A_173 = tpu.memref_squeeze %dma_start3A_172 : memref<1x128xi32, #tpu.memory_space<vmem>> -> memref<128xi32, #tpu.memory_space<vmem>>
      %dma_start3A_174 = arith.constant 0 : i32
      %dma_start3A_175 = tpu.memref_slice %arg4[%dma_start3A_174] : memref<100352xf32, #tpu.memory_space<hbm>> -> memref<100352xf32, #tpu.memory_space<hbm>>
      tpu.enqueue_indirect_dma source(%dma_start3A_175 : memref<100352xf32, #tpu.memory_space<hbm>>) target(%dma_start3A_170 : memref<128xf32, #tpu.memory_space<vmem>>) offsets(%dma_start3A_173 : memref<128xi32, #tpu.memory_space<vmem>>) semaphore(%arg11 : memref<!tpu.dma_semaphore, #tpu.memory_space<semaphore_mem>>)
      %dma_start3A_176 = arith.constant 15 : i32
      %dma_start3A_177 = arith.constant 15 : i32
      %dma_start3A_178 = arith.constant 0 : i32
      %dma_start3A_179 = tpu.memref_slice %arg9[%dma_start3A_177, %dma_start3A_178] : memref<16x128xf32, #tpu.memory_space<vmem>> -> memref<1x128xf32, #tpu.memory_space<vmem>>
      %dma_start3A_180 = tpu.memref_squeeze %dma_start3A_179 : memref<1x128xf32, #tpu.memory_space<vmem>> -> memref<128xf32, #tpu.memory_space<vmem>>
      %dma_start3A_181 = arith.constant 0 : i32
      %dma_start3A_182 = tpu.memref_slice %arg7[%dma_start3A_176, %dma_start3A_181] : memref<16x128xi32, #tpu.memory_space<vmem>> -> memref<1x128xi32, #tpu.memory_space<vmem>>
      %dma_start3A_183 = tpu.memref_squeeze %dma_start3A_182 : memref<1x128xi32, #tpu.memory_space<vmem>> -> memref<128xi32, #tpu.memory_space<vmem>>
      %dma_start3A_184 = arith.constant 0 : i32
      %dma_start3A_185 = tpu.memref_slice %arg4[%dma_start3A_184] : memref<100352xf32, #tpu.memory_space<hbm>> -> memref<100352xf32, #tpu.memory_space<hbm>>
      tpu.enqueue_indirect_dma source(%dma_start3A_185 : memref<100352xf32, #tpu.memory_space<hbm>>) target(%dma_start3A_180 : memref<128xf32, #tpu.memory_space<vmem>>) offsets(%dma_start3A_183 : memref<128xi32, #tpu.memory_space<vmem>>) semaphore(%arg11 : memref<!tpu.dma_semaphore, #tpu.memory_space<semaphore_mem>>)
      %dma_wait3A = arith.constant 0 : i32
      %dma_wait3A_186 = arith.constant 0 : i32
      %dma_wait3A_187 = arith.constant 0 : i32
      %dma_wait3A_188 = tpu.memref_slice %arg9[%dma_wait3A_186, %dma_wait3A_187] : memref<16x128xf32, #tpu.memory_space<vmem>> -> memref<1x128xf32, #tpu.memory_space<vmem>>
      %dma_wait3A_189 = tpu.memref_squeeze %dma_wait3A_188 : memref<1x128xf32, #tpu.memory_space<vmem>> -> memref<128xf32, #tpu.memory_space<vmem>>
      %dma_wait3A_190 = arith.constant 0 : i32
      %dma_wait3A_191 = tpu.memref_slice %arg7[%dma_wait3A, %dma_wait3A_190] : memref<16x128xi32, #tpu.memory_space<vmem>> -> memref<1x128xi32, #tpu.memory_space<vmem>>
      %dma_wait3A_192 = tpu.memref_squeeze %dma_wait3A_191 : memref<1x128xi32, #tpu.memory_space<vmem>> -> memref<128xi32, #tpu.memory_space<vmem>>
      %dma_wait3A_193 = arith.constant 0 : i32
      %dma_wait3A_194 = tpu.memref_slice %arg4[%dma_wait3A_193] : memref<100352xf32, #tpu.memory_space<hbm>> -> memref<100352xf32, #tpu.memory_space<hbm>>
      tpu.wait_indirect_dma semaphore(%arg11 : memref<!tpu.dma_semaphore, #tpu.memory_space<semaphore_mem>>) src(%dma_wait3A_194 : memref<100352xf32, #tpu.memory_space<hbm>>) dst(%dma_wait3A_189 : memref<128xf32, #tpu.memory_space<vmem>>)
      %dma_wait3A_195 = arith.constant 1 : i32
      %dma_wait3A_196 = arith.constant 1 : i32
      %dma_wait3A_197 = arith.constant 0 : i32
      %dma_wait3A_198 = tpu.memref_slice %arg9[%dma_wait3A_196, %dma_wait3A_197] : memref<16x128xf32, #tpu.memory_space<vmem>> -> memref<1x128xf32, #tpu.memory_space<vmem>>
      %dma_wait3A_199 = tpu.memref_squeeze %dma_wait3A_198 : memref<1x128xf32, #tpu.memory_space<vmem>> -> memref<128xf32, #tpu.memory_space<vmem>>
      %dma_wait3A_200 = arith.constant 0 : i32
      %dma_wait3A_201 = tpu.memref_slice %arg7[%dma_wait3A_195, %dma_wait3A_200] : memref<16x128xi32, #tpu.memory_space<vmem>> -> memref<1x128xi32, #tpu.memory_space<vmem>>
      %dma_wait3A_202 = tpu.memref_squeeze %dma_wait3A_201 : memref<1x128xi32, #tpu.memory_space<vmem>> -> memref<128xi32, #tpu.memory_space<vmem>>
      %dma_wait3A_203 = arith.constant 0 : i32
      %dma_wait3A_204 = tpu.memref_slice %arg4[%dma_wait3A_203] : memref<100352xf32, #tpu.memory_space<hbm>> -> memref<100352xf32, #tpu.memory_space<hbm>>
      tpu.wait_indirect_dma semaphore(%arg11 : memref<!tpu.dma_semaphore, #tpu.memory_space<semaphore_mem>>) src(%dma_wait3A_204 : memref<100352xf32, #tpu.memory_space<hbm>>) dst(%dma_wait3A_199 : memref<128xf32, #tpu.memory_space<vmem>>)
      %dma_wait3A_205 = arith.constant 2 : i32
      %dma_wait3A_206 = arith.constant 2 : i32
      %dma_wait3A_207 = arith.constant 0 : i32
      %dma_wait3A_208 = tpu.memref_slice %arg9[%dma_wait3A_206, %dma_wait3A_207] : memref<16x128xf32, #tpu.memory_space<vmem>> -> memref<1x128xf32, #tpu.memory_space<vmem>>
      %dma_wait3A_209 = tpu.memref_squeeze %dma_wait3A_208 : memref<1x128xf32, #tpu.memory_space<vmem>> -> memref<128xf32, #tpu.memory_space<vmem>>
      %dma_wait3A_210 = arith.constant 0 : i32
      %dma_wait3A_211 = tpu.memref_slice %arg7[%dma_wait3A_205, %dma_wait3A_210] : memref<16x128xi32, #tpu.memory_space<vmem>> -> memref<1x128xi32, #tpu.memory_space<vmem>>
      %dma_wait3A_212 = tpu.memref_squeeze %dma_wait3A_211 : memref<1x128xi32, #tpu.memory_space<vmem>> -> memref<128xi32, #tpu.memory_space<vmem>>
      %dma_wait3A_213 = arith.constant 0 : i32
      %dma_wait3A_214 = tpu.memref_slice %arg4[%dma_wait3A_213] : memref<100352xf32, #tpu.memory_space<hbm>> -> memref<100352xf32, #tpu.memory_space<hbm>>
      tpu.wait_indirect_dma semaphore(%arg11 : memref<!tpu.dma_semaphore, #tpu.memory_space<semaphore_mem>>) src(%dma_wait3A_214 : memref<100352xf32, #tpu.memory_space<hbm>>) dst(%dma_wait3A_209 : memref<128xf32, #tpu.memory_space<vmem>>)
      %dma_wait3A_215 = arith.constant 3 : i32
      %dma_wait3A_216 = arith.constant 3 : i32
      %dma_wait3A_217 = arith.constant 0 : i32
      %dma_wait3A_218 = tpu.memref_slice %arg9[%dma_wait3A_216, %dma_wait3A_217] : memref<16x128xf32, #tpu.memory_space<vmem>> -> memref<1x128xf32, #tpu.memory_space<vmem>>
      %dma_wait3A_219 = tpu.memref_squeeze %dma_wait3A_218 : memref<1x128xf32, #tpu.memory_space<vmem>> -> memref<128xf32, #tpu.memory_space<vmem>>
      %dma_wait3A_220 = arith.constant 0 : i32
      %dma_wait3A_221 = tpu.memref_slice %arg7[%dma_wait3A_215, %dma_wait3A_220] : memref<16x128xi32, #tpu.memory_space<vmem>> -> memref<1x128xi32, #tpu.memory_space<vmem>>
      %dma_wait3A_222 = tpu.memref_squeeze %dma_wait3A_221 : memref<1x128xi32, #tpu.memory_space<vmem>> -> memref<128xi32, #tpu.memory_space<vmem>>
      %dma_wait3A_223 = arith.constant 0 : i32
      %dma_wait3A_224 = tpu.memref_slice %arg4[%dma_wait3A_223] : memref<100352xf32, #tpu.memory_space<hbm>> -> memref<100352xf32, #tpu.memory_space<hbm>>
      tpu.wait_indirect_dma semaphore(%arg11 : memref<!tpu.dma_semaphore, #tpu.memory_space<semaphore_mem>>) src(%dma_wait3A_224 : memref<100352xf32, #tpu.memory_space<hbm>>) dst(%dma_wait3A_219 : memref<128xf32, #tpu.memory_space<vmem>>)
      %dma_wait3A_225 = arith.constant 4 : i32
      %dma_wait3A_226 = arith.constant 4 : i32
      %dma_wait3A_227 = arith.constant 0 : i32
      %dma_wait3A_228 = tpu.memref_slice %arg9[%dma_wait3A_226, %dma_wait3A_227] : memref<16x128xf32, #tpu.memory_space<vmem>> -> memref<1x128xf32, #tpu.memory_space<vmem>>
      %dma_wait3A_229 = tpu.memref_squeeze %dma_wait3A_228 : memref<1x128xf32, #tpu.memory_space<vmem>> -> memref<128xf32, #tpu.memory_space<vmem>>
      %dma_wait3A_230 = arith.constant 0 : i32
      %dma_wait3A_231 = tpu.memref_slice %arg7[%dma_wait3A_225, %dma_wait3A_230] : memref<16x128xi32, #tpu.memory_space<vmem>> -> memref<1x128xi32, #tpu.memory_space<vmem>>
      %dma_wait3A_232 = tpu.memref_squeeze %dma_wait3A_231 : memref<1x128xi32, #tpu.memory_space<vmem>> -> memref<128xi32, #tpu.memory_space<vmem>>
      %dma_wait3A_233 = arith.constant 0 : i32
      %dma_wait3A_234 = tpu.memref_slice %arg4[%dma_wait3A_233] : memref<100352xf32, #tpu.memory_space<hbm>> -> memref<100352xf32, #tpu.memory_space<hbm>>
      tpu.wait_indirect_dma semaphore(%arg11 : memref<!tpu.dma_semaphore, #tpu.memory_space<semaphore_mem>>) src(%dma_wait3A_234 : memref<100352xf32, #tpu.memory_space<hbm>>) dst(%dma_wait3A_229 : memref<128xf32, #tpu.memory_space<vmem>>)
      %dma_wait3A_235 = arith.constant 5 : i32
      %dma_wait3A_236 = arith.constant 5 : i32
      %dma_wait3A_237 = arith.constant 0 : i32
      %dma_wait3A_238 = tpu.memref_slice %arg9[%dma_wait3A_236, %dma_wait3A_237] : memref<16x128xf32, #tpu.memory_space<vmem>> -> memref<1x128xf32, #tpu.memory_space<vmem>>
      %dma_wait3A_239 = tpu.memref_squeeze %dma_wait3A_238 : memref<1x128xf32, #tpu.memory_space<vmem>> -> memref<128xf32, #tpu.memory_space<vmem>>
      %dma_wait3A_240 = arith.constant 0 : i32
      %dma_wait3A_241 = tpu.memref_slice %arg7[%dma_wait3A_235, %dma_wait3A_240] : memref<16x128xi32, #tpu.memory_space<vmem>> -> memref<1x128xi32, #tpu.memory_space<vmem>>
      %dma_wait3A_242 = tpu.memref_squeeze %dma_wait3A_241 : memref<1x128xi32, #tpu.memory_space<vmem>> -> memref<128xi32, #tpu.memory_space<vmem>>
      %dma_wait3A_243 = arith.constant 0 : i32
      %dma_wait3A_244 = tpu.memref_slice %arg4[%dma_wait3A_243] : memref<100352xf32, #tpu.memory_space<hbm>> -> memref<100352xf32, #tpu.memory_space<hbm>>
      tpu.wait_indirect_dma semaphore(%arg11 : memref<!tpu.dma_semaphore, #tpu.memory_space<semaphore_mem>>) src(%dma_wait3A_244 : memref<100352xf32, #tpu.memory_space<hbm>>) dst(%dma_wait3A_239 : memref<128xf32, #tpu.memory_space<vmem>>)
      %dma_wait3A_245 = arith.constant 6 : i32
      %dma_wait3A_246 = arith.constant 6 : i32
      %dma_wait3A_247 = arith.constant 0 : i32
      %dma_wait3A_248 = tpu.memref_slice %arg9[%dma_wait3A_246, %dma_wait3A_247] : memref<16x128xf32, #tpu.memory_space<vmem>> -> memref<1x128xf32, #tpu.memory_space<vmem>>
      %dma_wait3A_249 = tpu.memref_squeeze %dma_wait3A_248 : memref<1x128xf32, #tpu.memory_space<vmem>> -> memref<128xf32, #tpu.memory_space<vmem>>
      %dma_wait3A_250 = arith.constant 0 : i32
      %dma_wait3A_251 = tpu.memref_slice %arg7[%dma_wait3A_245, %dma_wait3A_250] : memref<16x128xi32, #tpu.memory_space<vmem>> -> memref<1x128xi32, #tpu.memory_space<vmem>>
      %dma_wait3A_252 = tpu.memref_squeeze %dma_wait3A_251 : memref<1x128xi32, #tpu.memory_space<vmem>> -> memref<128xi32, #tpu.memory_space<vmem>>
      %dma_wait3A_253 = arith.constant 0 : i32
      %dma_wait3A_254 = tpu.memref_slice %arg4[%dma_wait3A_253] : memref<100352xf32, #tpu.memory_space<hbm>> -> memref<100352xf32, #tpu.memory_space<hbm>>
      tpu.wait_indirect_dma semaphore(%arg11 : memref<!tpu.dma_semaphore, #tpu.memory_space<semaphore_mem>>) src(%dma_wait3A_254 : memref<100352xf32, #tpu.memory_space<hbm>>) dst(%dma_wait3A_249 : memref<128xf32, #tpu.memory_space<vmem>>)
      %dma_wait3A_255 = arith.constant 7 : i32
      %dma_wait3A_256 = arith.constant 7 : i32
      %dma_wait3A_257 = arith.constant 0 : i32
      %dma_wait3A_258 = tpu.memref_slice %arg9[%dma_wait3A_256, %dma_wait3A_257] : memref<16x128xf32, #tpu.memory_space<vmem>> -> memref<1x128xf32, #tpu.memory_space<vmem>>
      %dma_wait3A_259 = tpu.memref_squeeze %dma_wait3A_258 : memref<1x128xf32, #tpu.memory_space<vmem>> -> memref<128xf32, #tpu.memory_space<vmem>>
      %dma_wait3A_260 = arith.constant 0 : i32
      %dma_wait3A_261 = tpu.memref_slice %arg7[%dma_wait3A_255, %dma_wait3A_260] : memref<16x128xi32, #tpu.memory_space<vmem>> -> memref<1x128xi32, #tpu.memory_space<vmem>>
      %dma_wait3A_262 = tpu.memref_squeeze %dma_wait3A_261 : memref<1x128xi32, #tpu.memory_space<vmem>> -> memref<128xi32, #tpu.memory_space<vmem>>
      %dma_wait3A_263 = arith.constant 0 : i32
      %dma_wait3A_264 = tpu.memref_slice %arg4[%dma_wait3A_263] : memref<100352xf32, #tpu.memory_space<hbm>> -> memref<100352xf32, #tpu.memory_space<hbm>>
      tpu.wait_indirect_dma semaphore(%arg11 : memref<!tpu.dma_semaphore, #tpu.memory_space<semaphore_mem>>) src(%dma_wait3A_264 : memref<100352xf32, #tpu.memory_space<hbm>>) dst(%dma_wait3A_259 : memref<128xf32, #tpu.memory_space<vmem>>)
      %dma_wait3A_265 = arith.constant 8 : i32
      %dma_wait3A_266 = arith.constant 8 : i32
      %dma_wait3A_267 = arith.constant 0 : i32
      %dma_wait3A_268 = tpu.memref_slice %arg9[%dma_wait3A_266, %dma_wait3A_267] : memref<16x128xf32, #tpu.memory_space<vmem>> -> memref<1x128xf32, #tpu.memory_space<vmem>>
      %dma_wait3A_269 = tpu.memref_squeeze %dma_wait3A_268 : memref<1x128xf32, #tpu.memory_space<vmem>> -> memref<128xf32, #tpu.memory_space<vmem>>
      %dma_wait3A_270 = arith.constant 0 : i32
      %dma_wait3A_271 = tpu.memref_slice %arg7[%dma_wait3A_265, %dma_wait3A_270] : memref<16x128xi32, #tpu.memory_space<vmem>> -> memref<1x128xi32, #tpu.memory_space<vmem>>
      %dma_wait3A_272 = tpu.memref_squeeze %dma_wait3A_271 : memref<1x128xi32, #tpu.memory_space<vmem>> -> memref<128xi32, #tpu.memory_space<vmem>>
      %dma_wait3A_273 = arith.constant 0 : i32
      %dma_wait3A_274 = tpu.memref_slice %arg4[%dma_wait3A_273] : memref<100352xf32, #tpu.memory_space<hbm>> -> memref<100352xf32, #tpu.memory_space<hbm>>
      tpu.wait_indirect_dma semaphore(%arg11 : memref<!tpu.dma_semaphore, #tpu.memory_space<semaphore_mem>>) src(%dma_wait3A_274 : memref<100352xf32, #tpu.memory_space<hbm>>) dst(%dma_wait3A_269 : memref<128xf32, #tpu.memory_space<vmem>>)
      %dma_wait3A_275 = arith.constant 9 : i32
      %dma_wait3A_276 = arith.constant 9 : i32
      %dma_wait3A_277 = arith.constant 0 : i32
      %dma_wait3A_278 = tpu.memref_slice %arg9[%dma_wait3A_276, %dma_wait3A_277] : memref<16x128xf32, #tpu.memory_space<vmem>> -> memref<1x128xf32, #tpu.memory_space<vmem>>
      %dma_wait3A_279 = tpu.memref_squeeze %dma_wait3A_278 : memref<1x128xf32, #tpu.memory_space<vmem>> -> memref<128xf32, #tpu.memory_space<vmem>>
      %dma_wait3A_280 = arith.constant 0 : i32
      %dma_wait3A_281 = tpu.memref_slice %arg7[%dma_wait3A_275, %dma_wait3A_280] : memref<16x128xi32, #tpu.memory_space<vmem>> -> memref<1x128xi32, #tpu.memory_space<vmem>>
      %dma_wait3A_282 = tpu.memref_squeeze %dma_wait3A_281 : memref<1x128xi32, #tpu.memory_space<vmem>> -> memref<128xi32, #tpu.memory_space<vmem>>
      %dma_wait3A_283 = arith.constant 0 : i32
      %dma_wait3A_284 = tpu.memref_slice %arg4[%dma_wait3A_283] : memref<100352xf32, #tpu.memory_space<hbm>> -> memref<100352xf32, #tpu.memory_space<hbm>>
      tpu.wait_indirect_dma semaphore(%arg11 : memref<!tpu.dma_semaphore, #tpu.memory_space<semaphore_mem>>) src(%dma_wait3A_284 : memref<100352xf32, #tpu.memory_space<hbm>>) dst(%dma_wait3A_279 : memref<128xf32, #tpu.memory_space<vmem>>)
      %dma_wait3A_285 = arith.constant 10 : i32
      %dma_wait3A_286 = arith.constant 10 : i32
      %dma_wait3A_287 = arith.constant 0 : i32
      %dma_wait3A_288 = tpu.memref_slice %arg9[%dma_wait3A_286, %dma_wait3A_287] : memref<16x128xf32, #tpu.memory_space<vmem>> -> memref<1x128xf32, #tpu.memory_space<vmem>>
      %dma_wait3A_289 = tpu.memref_squeeze %dma_wait3A_288 : memref<1x128xf32, #tpu.memory_space<vmem>> -> memref<128xf32, #tpu.memory_space<vmem>>
      %dma_wait3A_290 = arith.constant 0 : i32
      %dma_wait3A_291 = tpu.memref_slice %arg7[%dma_wait3A_285, %dma_wait3A_290] : memref<16x128xi32, #tpu.memory_space<vmem>> -> memref<1x128xi32, #tpu.memory_space<vmem>>
      %dma_wait3A_292 = tpu.memref_squeeze %dma_wait3A_291 : memref<1x128xi32, #tpu.memory_space<vmem>> -> memref<128xi32, #tpu.memory_space<vmem>>
      %dma_wait3A_293 = arith.constant 0 : i32
      %dma_wait3A_294 = tpu.memref_slice %arg4[%dma_wait3A_293] : memref<100352xf32, #tpu.memory_space<hbm>> -> memref<100352xf32, #tpu.memory_space<hbm>>
      tpu.wait_indirect_dma semaphore(%arg11 : memref<!tpu.dma_semaphore, #tpu.memory_space<semaphore_mem>>) src(%dma_wait3A_294 : memref<100352xf32, #tpu.memory_space<hbm>>) dst(%dma_wait3A_289 : memref<128xf32, #tpu.memory_space<vmem>>)
      %dma_wait3A_295 = arith.constant 11 : i32
      %dma_wait3A_296 = arith.constant 11 : i32
      %dma_wait3A_297 = arith.constant 0 : i32
      %dma_wait3A_298 = tpu.memref_slice %arg9[%dma_wait3A_296, %dma_wait3A_297] : memref<16x128xf32, #tpu.memory_space<vmem>> -> memref<1x128xf32, #tpu.memory_space<vmem>>
      %dma_wait3A_299 = tpu.memref_squeeze %dma_wait3A_298 : memref<1x128xf32, #tpu.memory_space<vmem>> -> memref<128xf32, #tpu.memory_space<vmem>>
      %dma_wait3A_300 = arith.constant 0 : i32
      %dma_wait3A_301 = tpu.memref_slice %arg7[%dma_wait3A_295, %dma_wait3A_300] : memref<16x128xi32, #tpu.memory_space<vmem>> -> memref<1x128xi32, #tpu.memory_space<vmem>>
      %dma_wait3A_302 = tpu.memref_squeeze %dma_wait3A_301 : memref<1x128xi32, #tpu.memory_space<vmem>> -> memref<128xi32, #tpu.memory_space<vmem>>
      %dma_wait3A_303 = arith.constant 0 : i32
      %dma_wait3A_304 = tpu.memref_slice %arg4[%dma_wait3A_303] : memref<100352xf32, #tpu.memory_space<hbm>> -> memref<100352xf32, #tpu.memory_space<hbm>>
      tpu.wait_indirect_dma semaphore(%arg11 : memref<!tpu.dma_semaphore, #tpu.memory_space<semaphore_mem>>) src(%dma_wait3A_304 : memref<100352xf32, #tpu.memory_space<hbm>>) dst(%dma_wait3A_299 : memref<128xf32, #tpu.memory_space<vmem>>)
      %dma_wait3A_305 = arith.constant 12 : i32
      %dma_wait3A_306 = arith.constant 12 : i32
      %dma_wait3A_307 = arith.constant 0 : i32
      %dma_wait3A_308 = tpu.memref_slice %arg9[%dma_wait3A_306, %dma_wait3A_307] : memref<16x128xf32, #tpu.memory_space<vmem>> -> memref<1x128xf32, #tpu.memory_space<vmem>>
      %dma_wait3A_309 = tpu.memref_squeeze %dma_wait3A_308 : memref<1x128xf32, #tpu.memory_space<vmem>> -> memref<128xf32, #tpu.memory_space<vmem>>
      %dma_wait3A_310 = arith.constant 0 : i32
      %dma_wait3A_311 = tpu.memref_slice %arg7[%dma_wait3A_305, %dma_wait3A_310] : memref<16x128xi32, #tpu.memory_space<vmem>> -> memref<1x128xi32, #tpu.memory_space<vmem>>
      %dma_wait3A_312 = tpu.memref_squeeze %dma_wait3A_311 : memref<1x128xi32, #tpu.memory_space<vmem>> -> memref<128xi32, #tpu.memory_space<vmem>>
      %dma_wait3A_313 = arith.constant 0 : i32
      %dma_wait3A_314 = tpu.memref_slice %arg4[%dma_wait3A_313] : memref<100352xf32, #tpu.memory_space<hbm>> -> memref<100352xf32, #tpu.memory_space<hbm>>
      tpu.wait_indirect_dma semaphore(%arg11 : memref<!tpu.dma_semaphore, #tpu.memory_space<semaphore_mem>>) src(%dma_wait3A_314 : memref<100352xf32, #tpu.memory_space<hbm>>) dst(%dma_wait3A_309 : memref<128xf32, #tpu.memory_space<vmem>>)
      %dma_wait3A_315 = arith.constant 13 : i32
      %dma_wait3A_316 = arith.constant 13 : i32
      %dma_wait3A_317 = arith.constant 0 : i32
      %dma_wait3A_318 = tpu.memref_slice %arg9[%dma_wait3A_316, %dma_wait3A_317] : memref<16x128xf32, #tpu.memory_space<vmem>> -> memref<1x128xf32, #tpu.memory_space<vmem>>
      %dma_wait3A_319 = tpu.memref_squeeze %dma_wait3A_318 : memref<1x128xf32, #tpu.memory_space<vmem>> -> memref<128xf32, #tpu.memory_space<vmem>>
      %dma_wait3A_320 = arith.constant 0 : i32
      %dma_wait3A_321 = tpu.memref_slice %arg7[%dma_wait3A_315, %dma_wait3A_320] : memref<16x128xi32, #tpu.memory_space<vmem>> -> memref<1x128xi32, #tpu.memory_space<vmem>>
      %dma_wait3A_322 = tpu.memref_squeeze %dma_wait3A_321 : memref<1x128xi32, #tpu.memory_space<vmem>> -> memref<128xi32, #tpu.memory_space<vmem>>
      %dma_wait3A_323 = arith.constant 0 : i32
      %dma_wait3A_324 = tpu.memref_slice %arg4[%dma_wait3A_323] : memref<100352xf32, #tpu.memory_space<hbm>> -> memref<100352xf32, #tpu.memory_space<hbm>>
      tpu.wait_indirect_dma semaphore(%arg11 : memref<!tpu.dma_semaphore, #tpu.memory_space<semaphore_mem>>) src(%dma_wait3A_324 : memref<100352xf32, #tpu.memory_space<hbm>>) dst(%dma_wait3A_319 : memref<128xf32, #tpu.memory_space<vmem>>)
      %dma_wait3A_325 = arith.constant 14 : i32
      %dma_wait3A_326 = arith.constant 14 : i32
      %dma_wait3A_327 = arith.constant 0 : i32
      %dma_wait3A_328 = tpu.memref_slice %arg9[%dma_wait3A_326, %dma_wait3A_327] : memref<16x128xf32, #tpu.memory_space<vmem>> -> memref<1x128xf32, #tpu.memory_space<vmem>>
      %dma_wait3A_329 = tpu.memref_squeeze %dma_wait3A_328 : memref<1x128xf32, #tpu.memory_space<vmem>> -> memref<128xf32, #tpu.memory_space<vmem>>
      %dma_wait3A_330 = arith.constant 0 : i32
      %dma_wait3A_331 = tpu.memref_slice %arg7[%dma_wait3A_325, %dma_wait3A_330] : memref<16x128xi32, #tpu.memory_space<vmem>> -> memref<1x128xi32, #tpu.memory_space<vmem>>
      %dma_wait3A_332 = tpu.memref_squeeze %dma_wait3A_331 : memref<1x128xi32, #tpu.memory_space<vmem>> -> memref<128xi32, #tpu.memory_space<vmem>>
      %dma_wait3A_333 = arith.constant 0 : i32
      %dma_wait3A_334 = tpu.memref_slice %arg4[%dma_wait3A_333] : memref<100352xf32, #tpu.memory_space<hbm>> -> memref<100352xf32, #tpu.memory_space<hbm>>
      tpu.wait_indirect_dma semaphore(%arg11 : memref<!tpu.dma_semaphore, #tpu.memory_space<semaphore_mem>>) src(%dma_wait3A_334 : memref<100352xf32, #tpu.memory_space<hbm>>) dst(%dma_wait3A_329 : memref<128xf32, #tpu.memory_space<vmem>>)
      %dma_wait3A_335 = arith.constant 15 : i32
      %dma_wait3A_336 = arith.constant 15 : i32
      %dma_wait3A_337 = arith.constant 0 : i32
      %dma_wait3A_338 = tpu.memref_slice %arg9[%dma_wait3A_336, %dma_wait3A_337] : memref<16x128xf32, #tpu.memory_space<vmem>> -> memref<1x128xf32, #tpu.memory_space<vmem>>
      %dma_wait3A_339 = tpu.memref_squeeze %dma_wait3A_338 : memref<1x128xf32, #tpu.memory_space<vmem>> -> memref<128xf32, #tpu.memory_space<vmem>>
      %dma_wait3A_340 = arith.constant 0 : i32
      %dma_wait3A_341 = tpu.memref_slice %arg7[%dma_wait3A_335, %dma_wait3A_340] : memref<16x128xi32, #tpu.memory_space<vmem>> -> memref<1x128xi32, #tpu.memory_space<vmem>>
      %dma_wait3A_342 = tpu.memref_squeeze %dma_wait3A_341 : memref<1x128xi32, #tpu.memory_space<vmem>> -> memref<128xi32, #tpu.memory_space<vmem>>
      %dma_wait3A_343 = arith.constant 0 : i32
      %dma_wait3A_344 = tpu.memref_slice %arg4[%dma_wait3A_343] : memref<100352xf32, #tpu.memory_space<hbm>> -> memref<100352xf32, #tpu.memory_space<hbm>>
      tpu.wait_indirect_dma semaphore(%arg11 : memref<!tpu.dma_semaphore, #tpu.memory_space<semaphore_mem>>) src(%dma_wait3A_344 : memref<100352xf32, #tpu.memory_space<hbm>>) dst(%dma_wait3A_339 : memref<128xf32, #tpu.memory_space<vmem>>)
      %dma_start3A_345 = arith.constant 0 : i32
      %dma_start3A_346 = arith.constant 0 : i32
      %dma_start3A_347 = arith.constant 0 : i32
      %dma_start3A_348 = tpu.memref_slice %arg9[%dma_start3A_345, %dma_start3A_347] : memref<16x128xf32, #tpu.memory_space<vmem>> -> memref<1x128xf32, #tpu.memory_space<vmem>>
      %dma_start3A_349 = tpu.memref_squeeze %dma_start3A_348 : memref<1x128xf32, #tpu.memory_space<vmem>> -> memref<128xf32, #tpu.memory_space<vmem>>
      %dma_start3A_350 = arith.constant 0 : i32
      %dma_start3A_351 = tpu.memref_slice %arg8[%dma_start3A_346, %dma_start3A_350] : memref<16x128xi32, #tpu.memory_space<vmem>> -> memref<1x128xi32, #tpu.memory_space<vmem>>
      %dma_start3A_352 = tpu.memref_squeeze %dma_start3A_351 : memref<1x128xi32, #tpu.memory_space<vmem>> -> memref<128xi32, #tpu.memory_space<vmem>>
      %dma_start3A_353 = arith.constant 0 : i32
      %dma_start3A_354 = tpu.memref_slice %arg10[%dma_start3A_353] : memref<100352xf32, #tpu.memory_space<vmem_shared>> -> memref<100352xf32, #tpu.memory_space<vmem_shared>>
      tpu.enqueue_indirect_dma source(%dma_start3A_349 : memref<128xf32, #tpu.memory_space<vmem>>) target(%dma_start3A_354 : memref<100352xf32, #tpu.memory_space<vmem_shared>>) offsets(%dma_start3A_352 : memref<128xi32, #tpu.memory_space<vmem>>) semaphore(%arg12 : memref<!tpu.dma_semaphore, #tpu.memory_space<semaphore_mem>>) {add = true}
      %dma_start3A_355 = arith.constant 1 : i32
      %dma_start3A_356 = arith.constant 1 : i32
      %dma_start3A_357 = arith.constant 0 : i32
      %dma_start3A_358 = tpu.memref_slice %arg9[%dma_start3A_355, %dma_start3A_357] : memref<16x128xf32, #tpu.memory_space<vmem>> -> memref<1x128xf32, #tpu.memory_space<vmem>>
      %dma_start3A_359 = tpu.memref_squeeze %dma_start3A_358 : memref<1x128xf32, #tpu.memory_space<vmem>> -> memref<128xf32, #tpu.memory_space<vmem>>
      %dma_start3A_360 = arith.constant 0 : i32
      %dma_start3A_361 = tpu.memref_slice %arg8[%dma_start3A_356, %dma_start3A_360] : memref<16x128xi32, #tpu.memory_space<vmem>> -> memref<1x128xi32, #tpu.memory_space<vmem>>
      %dma_start3A_362 = tpu.memref_squeeze %dma_start3A_361 : memref<1x128xi32, #tpu.memory_space<vmem>> -> memref<128xi32, #tpu.memory_space<vmem>>
      %dma_start3A_363 = arith.constant 0 : i32
      %dma_start3A_364 = tpu.memref_slice %arg10[%dma_start3A_363] : memref<100352xf32, #tpu.memory_space<vmem_shared>> -> memref<100352xf32, #tpu.memory_space<vmem_shared>>
      tpu.enqueue_indirect_dma source(%dma_start3A_359 : memref<128xf32, #tpu.memory_space<vmem>>) target(%dma_start3A_364 : memref<100352xf32, #tpu.memory_space<vmem_shared>>) offsets(%dma_start3A_362 : memref<128xi32, #tpu.memory_space<vmem>>) semaphore(%arg12 : memref<!tpu.dma_semaphore, #tpu.memory_space<semaphore_mem>>) {add = true}
      %dma_start3A_365 = arith.constant 2 : i32
      %dma_start3A_366 = arith.constant 2 : i32
      %dma_start3A_367 = arith.constant 0 : i32
      %dma_start3A_368 = tpu.memref_slice %arg9[%dma_start3A_365, %dma_start3A_367] : memref<16x128xf32, #tpu.memory_space<vmem>> -> memref<1x128xf32, #tpu.memory_space<vmem>>
      %dma_start3A_369 = tpu.memref_squeeze %dma_start3A_368 : memref<1x128xf32, #tpu.memory_space<vmem>> -> memref<128xf32, #tpu.memory_space<vmem>>
      %dma_start3A_370 = arith.constant 0 : i32
      %dma_start3A_371 = tpu.memref_slice %arg8[%dma_start3A_366, %dma_start3A_370] : memref<16x128xi32, #tpu.memory_space<vmem>> -> memref<1x128xi32, #tpu.memory_space<vmem>>
      %dma_start3A_372 = tpu.memref_squeeze %dma_start3A_371 : memref<1x128xi32, #tpu.memory_space<vmem>> -> memref<128xi32, #tpu.memory_space<vmem>>
      %dma_start3A_373 = arith.constant 0 : i32
      %dma_start3A_374 = tpu.memref_slice %arg10[%dma_start3A_373] : memref<100352xf32, #tpu.memory_space<vmem_shared>> -> memref<100352xf32, #tpu.memory_space<vmem_shared>>
      tpu.enqueue_indirect_dma source(%dma_start3A_369 : memref<128xf32, #tpu.memory_space<vmem>>) target(%dma_start3A_374 : memref<100352xf32, #tpu.memory_space<vmem_shared>>) offsets(%dma_start3A_372 : memref<128xi32, #tpu.memory_space<vmem>>) semaphore(%arg12 : memref<!tpu.dma_semaphore, #tpu.memory_space<semaphore_mem>>) {add = true}
      %dma_start3A_375 = arith.constant 3 : i32
      %dma_start3A_376 = arith.constant 3 : i32
      %dma_start3A_377 = arith.constant 0 : i32
      %dma_start3A_378 = tpu.memref_slice %arg9[%dma_start3A_375, %dma_start3A_377] : memref<16x128xf32, #tpu.memory_space<vmem>> -> memref<1x128xf32, #tpu.memory_space<vmem>>
      %dma_start3A_379 = tpu.memref_squeeze %dma_start3A_378 : memref<1x128xf32, #tpu.memory_space<vmem>> -> memref<128xf32, #tpu.memory_space<vmem>>
      %dma_start3A_380 = arith.constant 0 : i32
      %dma_start3A_381 = tpu.memref_slice %arg8[%dma_start3A_376, %dma_start3A_380] : memref<16x128xi32, #tpu.memory_space<vmem>> -> memref<1x128xi32, #tpu.memory_space<vmem>>
      %dma_start3A_382 = tpu.memref_squeeze %dma_start3A_381 : memref<1x128xi32, #tpu.memory_space<vmem>> -> memref<128xi32, #tpu.memory_space<vmem>>
      %dma_start3A_383 = arith.constant 0 : i32
      %dma_start3A_384 = tpu.memref_slice %arg10[%dma_start3A_383] : memref<100352xf32, #tpu.memory_space<vmem_shared>> -> memref<100352xf32, #tpu.memory_space<vmem_shared>>
      tpu.enqueue_indirect_dma source(%dma_start3A_379 : memref<128xf32, #tpu.memory_space<vmem>>) target(%dma_start3A_384 : memref<100352xf32, #tpu.memory_space<vmem_shared>>) offsets(%dma_start3A_382 : memref<128xi32, #tpu.memory_space<vmem>>) semaphore(%arg12 : memref<!tpu.dma_semaphore, #tpu.memory_space<semaphore_mem>>) {add = true}
      %dma_start3A_385 = arith.constant 4 : i32
      %dma_start3A_386 = arith.constant 4 : i32
      %dma_start3A_387 = arith.constant 0 : i32
      %dma_start3A_388 = tpu.memref_slice %arg9[%dma_start3A_385, %dma_start3A_387] : memref<16x128xf32, #tpu.memory_space<vmem>> -> memref<1x128xf32, #tpu.memory_space<vmem>>
      %dma_start3A_389 = tpu.memref_squeeze %dma_start3A_388 : memref<1x128xf32, #tpu.memory_space<vmem>> -> memref<128xf32, #tpu.memory_space<vmem>>
      %dma_start3A_390 = arith.constant 0 : i32
      %dma_start3A_391 = tpu.memref_slice %arg8[%dma_start3A_386, %dma_start3A_390] : memref<16x128xi32, #tpu.memory_space<vmem>> -> memref<1x128xi32, #tpu.memory_space<vmem>>
      %dma_start3A_392 = tpu.memref_squeeze %dma_start3A_391 : memref<1x128xi32, #tpu.memory_space<vmem>> -> memref<128xi32, #tpu.memory_space<vmem>>
      %dma_start3A_393 = arith.constant 0 : i32
      %dma_start3A_394 = tpu.memref_slice %arg10[%dma_start3A_393] : memref<100352xf32, #tpu.memory_space<vmem_shared>> -> memref<100352xf32, #tpu.memory_space<vmem_shared>>
      tpu.enqueue_indirect_dma source(%dma_start3A_389 : memref<128xf32, #tpu.memory_space<vmem>>) target(%dma_start3A_394 : memref<100352xf32, #tpu.memory_space<vmem_shared>>) offsets(%dma_start3A_392 : memref<128xi32, #tpu.memory_space<vmem>>) semaphore(%arg12 : memref<!tpu.dma_semaphore, #tpu.memory_space<semaphore_mem>>) {add = true}
      %dma_start3A_395 = arith.constant 5 : i32
      %dma_start3A_396 = arith.constant 5 : i32
      %dma_start3A_397 = arith.constant 0 : i32
      %dma_start3A_398 = tpu.memref_slice %arg9[%dma_start3A_395, %dma_start3A_397] : memref<16x128xf32, #tpu.memory_space<vmem>> -> memref<1x128xf32, #tpu.memory_space<vmem>>
      %dma_start3A_399 = tpu.memref_squeeze %dma_start3A_398 : memref<1x128xf32, #tpu.memory_space<vmem>> -> memref<128xf32, #tpu.memory_space<vmem>>
      %dma_start3A_400 = arith.constant 0 : i32
      %dma_start3A_401 = tpu.memref_slice %arg8[%dma_start3A_396, %dma_start3A_400] : memref<16x128xi32, #tpu.memory_space<vmem>> -> memref<1x128xi32, #tpu.memory_space<vmem>>
      %dma_start3A_402 = tpu.memref_squeeze %dma_start3A_401 : memref<1x128xi32, #tpu.memory_space<vmem>> -> memref<128xi32, #tpu.memory_space<vmem>>
      %dma_start3A_403 = arith.constant 0 : i32
      %dma_start3A_404 = tpu.memref_slice %arg10[%dma_start3A_403] : memref<100352xf32, #tpu.memory_space<vmem_shared>> -> memref<100352xf32, #tpu.memory_space<vmem_shared>>
      tpu.enqueue_indirect_dma source(%dma_start3A_399 : memref<128xf32, #tpu.memory_space<vmem>>) target(%dma_start3A_404 : memref<100352xf32, #tpu.memory_space<vmem_shared>>) offsets(%dma_start3A_402 : memref<128xi32, #tpu.memory_space<vmem>>) semaphore(%arg12 : memref<!tpu.dma_semaphore, #tpu.memory_space<semaphore_mem>>) {add = true}
      %dma_start3A_405 = arith.constant 6 : i32
      %dma_start3A_406 = arith.constant 6 : i32
      %dma_start3A_407 = arith.constant 0 : i32
      %dma_start3A_408 = tpu.memref_slice %arg9[%dma_start3A_405, %dma_start3A_407] : memref<16x128xf32, #tpu.memory_space<vmem>> -> memref<1x128xf32, #tpu.memory_space<vmem>>
      %dma_start3A_409 = tpu.memref_squeeze %dma_start3A_408 : memref<1x128xf32, #tpu.memory_space<vmem>> -> memref<128xf32, #tpu.memory_space<vmem>>
      %dma_start3A_410 = arith.constant 0 : i32
      %dma_start3A_411 = tpu.memref_slice %arg8[%dma_start3A_406, %dma_start3A_410] : memref<16x128xi32, #tpu.memory_space<vmem>> -> memref<1x128xi32, #tpu.memory_space<vmem>>
      %dma_start3A_412 = tpu.memref_squeeze %dma_start3A_411 : memref<1x128xi32, #tpu.memory_space<vmem>> -> memref<128xi32, #tpu.memory_space<vmem>>
      %dma_start3A_413 = arith.constant 0 : i32
      %dma_start3A_414 = tpu.memref_slice %arg10[%dma_start3A_413] : memref<100352xf32, #tpu.memory_space<vmem_shared>> -> memref<100352xf32, #tpu.memory_space<vmem_shared>>
      tpu.enqueue_indirect_dma source(%dma_start3A_409 : memref<128xf32, #tpu.memory_space<vmem>>) target(%dma_start3A_414 : memref<100352xf32, #tpu.memory_space<vmem_shared>>) offsets(%dma_start3A_412 : memref<128xi32, #tpu.memory_space<vmem>>) semaphore(%arg12 : memref<!tpu.dma_semaphore, #tpu.memory_space<semaphore_mem>>) {add = true}
      %dma_start3A_415 = arith.constant 7 : i32
      %dma_start3A_416 = arith.constant 7 : i32
      %dma_start3A_417 = arith.constant 0 : i32
      %dma_start3A_418 = tpu.memref_slice %arg9[%dma_start3A_415, %dma_start3A_417] : memref<16x128xf32, #tpu.memory_space<vmem>> -> memref<1x128xf32, #tpu.memory_space<vmem>>
      %dma_start3A_419 = tpu.memref_squeeze %dma_start3A_418 : memref<1x128xf32, #tpu.memory_space<vmem>> -> memref<128xf32, #tpu.memory_space<vmem>>
      %dma_start3A_420 = arith.constant 0 : i32
      %dma_start3A_421 = tpu.memref_slice %arg8[%dma_start3A_416, %dma_start3A_420] : memref<16x128xi32, #tpu.memory_space<vmem>> -> memref<1x128xi32, #tpu.memory_space<vmem>>
      %dma_start3A_422 = tpu.memref_squeeze %dma_start3A_421 : memref<1x128xi32, #tpu.memory_space<vmem>> -> memref<128xi32, #tpu.memory_space<vmem>>
      %dma_start3A_423 = arith.constant 0 : i32
      %dma_start3A_424 = tpu.memref_slice %arg10[%dma_start3A_423] : memref<100352xf32, #tpu.memory_space<vmem_shared>> -> memref<100352xf32, #tpu.memory_space<vmem_shared>>
      tpu.enqueue_indirect_dma source(%dma_start3A_419 : memref<128xf32, #tpu.memory_space<vmem>>) target(%dma_start3A_424 : memref<100352xf32, #tpu.memory_space<vmem_shared>>) offsets(%dma_start3A_422 : memref<128xi32, #tpu.memory_space<vmem>>) semaphore(%arg12 : memref<!tpu.dma_semaphore, #tpu.memory_space<semaphore_mem>>) {add = true}
      %dma_start3A_425 = arith.constant 8 : i32
      %dma_start3A_426 = arith.constant 8 : i32
      %dma_start3A_427 = arith.constant 0 : i32
      %dma_start3A_428 = tpu.memref_slice %arg9[%dma_start3A_425, %dma_start3A_427] : memref<16x128xf32, #tpu.memory_space<vmem>> -> memref<1x128xf32, #tpu.memory_space<vmem>>
      %dma_start3A_429 = tpu.memref_squeeze %dma_start3A_428 : memref<1x128xf32, #tpu.memory_space<vmem>> -> memref<128xf32, #tpu.memory_space<vmem>>
      %dma_start3A_430 = arith.constant 0 : i32
      %dma_start3A_431 = tpu.memref_slice %arg8[%dma_start3A_426, %dma_start3A_430] : memref<16x128xi32, #tpu.memory_space<vmem>> -> memref<1x128xi32, #tpu.memory_space<vmem>>
      %dma_start3A_432 = tpu.memref_squeeze %dma_start3A_431 : memref<1x128xi32, #tpu.memory_space<vmem>> -> memref<128xi32, #tpu.memory_space<vmem>>
      %dma_start3A_433 = arith.constant 0 : i32
      %dma_start3A_434 = tpu.memref_slice %arg10[%dma_start3A_433] : memref<100352xf32, #tpu.memory_space<vmem_shared>> -> memref<100352xf32, #tpu.memory_space<vmem_shared>>
      tpu.enqueue_indirect_dma source(%dma_start3A_429 : memref<128xf32, #tpu.memory_space<vmem>>) target(%dma_start3A_434 : memref<100352xf32, #tpu.memory_space<vmem_shared>>) offsets(%dma_start3A_432 : memref<128xi32, #tpu.memory_space<vmem>>) semaphore(%arg12 : memref<!tpu.dma_semaphore, #tpu.memory_space<semaphore_mem>>) {add = true}
      %dma_start3A_435 = arith.constant 9 : i32
      %dma_start3A_436 = arith.constant 9 : i32
      %dma_start3A_437 = arith.constant 0 : i32
      %dma_start3A_438 = tpu.memref_slice %arg9[%dma_start3A_435, %dma_start3A_437] : memref<16x128xf32, #tpu.memory_space<vmem>> -> memref<1x128xf32, #tpu.memory_space<vmem>>
      %dma_start3A_439 = tpu.memref_squeeze %dma_start3A_438 : memref<1x128xf32, #tpu.memory_space<vmem>> -> memref<128xf32, #tpu.memory_space<vmem>>
      %dma_start3A_440 = arith.constant 0 : i32
      %dma_start3A_441 = tpu.memref_slice %arg8[%dma_start3A_436, %dma_start3A_440] : memref<16x128xi32, #tpu.memory_space<vmem>> -> memref<1x128xi32, #tpu.memory_space<vmem>>
      %dma_start3A_442 = tpu.memref_squeeze %dma_start3A_441 : memref<1x128xi32, #tpu.memory_space<vmem>> -> memref<128xi32, #tpu.memory_space<vmem>>
      %dma_start3A_443 = arith.constant 0 : i32
      %dma_start3A_444 = tpu.memref_slice %arg10[%dma_start3A_443] : memref<100352xf32, #tpu.memory_space<vmem_shared>> -> memref<100352xf32, #tpu.memory_space<vmem_shared>>
      tpu.enqueue_indirect_dma source(%dma_start3A_439 : memref<128xf32, #tpu.memory_space<vmem>>) target(%dma_start3A_444 : memref<100352xf32, #tpu.memory_space<vmem_shared>>) offsets(%dma_start3A_442 : memref<128xi32, #tpu.memory_space<vmem>>) semaphore(%arg12 : memref<!tpu.dma_semaphore, #tpu.memory_space<semaphore_mem>>) {add = true}
      %dma_start3A_445 = arith.constant 10 : i32
      %dma_start3A_446 = arith.constant 10 : i32
      %dma_start3A_447 = arith.constant 0 : i32
      %dma_start3A_448 = tpu.memref_slice %arg9[%dma_start3A_445, %dma_start3A_447] : memref<16x128xf32, #tpu.memory_space<vmem>> -> memref<1x128xf32, #tpu.memory_space<vmem>>
      %dma_start3A_449 = tpu.memref_squeeze %dma_start3A_448 : memref<1x128xf32, #tpu.memory_space<vmem>> -> memref<128xf32, #tpu.memory_space<vmem>>
      %dma_start3A_450 = arith.constant 0 : i32
      %dma_start3A_451 = tpu.memref_slice %arg8[%dma_start3A_446, %dma_start3A_450] : memref<16x128xi32, #tpu.memory_space<vmem>> -> memref<1x128xi32, #tpu.memory_space<vmem>>
      %dma_start3A_452 = tpu.memref_squeeze %dma_start3A_451 : memref<1x128xi32, #tpu.memory_space<vmem>> -> memref<128xi32, #tpu.memory_space<vmem>>
      %dma_start3A_453 = arith.constant 0 : i32
      %dma_start3A_454 = tpu.memref_slice %arg10[%dma_start3A_453] : memref<100352xf32, #tpu.memory_space<vmem_shared>> -> memref<100352xf32, #tpu.memory_space<vmem_shared>>
      tpu.enqueue_indirect_dma source(%dma_start3A_449 : memref<128xf32, #tpu.memory_space<vmem>>) target(%dma_start3A_454 : memref<100352xf32, #tpu.memory_space<vmem_shared>>) offsets(%dma_start3A_452 : memref<128xi32, #tpu.memory_space<vmem>>) semaphore(%arg12 : memref<!tpu.dma_semaphore, #tpu.memory_space<semaphore_mem>>) {add = true}
      %dma_start3A_455 = arith.constant 11 : i32
      %dma_start3A_456 = arith.constant 11 : i32
      %dma_start3A_457 = arith.constant 0 : i32
      %dma_start3A_458 = tpu.memref_slice %arg9[%dma_start3A_455, %dma_start3A_457] : memref<16x128xf32, #tpu.memory_space<vmem>> -> memref<1x128xf32, #tpu.memory_space<vmem>>
      %dma_start3A_459 = tpu.memref_squeeze %dma_start3A_458 : memref<1x128xf32, #tpu.memory_space<vmem>> -> memref<128xf32, #tpu.memory_space<vmem>>
      %dma_start3A_460 = arith.constant 0 : i32
      %dma_start3A_461 = tpu.memref_slice %arg8[%dma_start3A_456, %dma_start3A_460] : memref<16x128xi32, #tpu.memory_space<vmem>> -> memref<1x128xi32, #tpu.memory_space<vmem>>
      %dma_start3A_462 = tpu.memref_squeeze %dma_start3A_461 : memref<1x128xi32, #tpu.memory_space<vmem>> -> memref<128xi32, #tpu.memory_space<vmem>>
      %dma_start3A_463 = arith.constant 0 : i32
      %dma_start3A_464 = tpu.memref_slice %arg10[%dma_start3A_463] : memref<100352xf32, #tpu.memory_space<vmem_shared>> -> memref<100352xf32, #tpu.memory_space<vmem_shared>>
      tpu.enqueue_indirect_dma source(%dma_start3A_459 : memref<128xf32, #tpu.memory_space<vmem>>) target(%dma_start3A_464 : memref<100352xf32, #tpu.memory_space<vmem_shared>>) offsets(%dma_start3A_462 : memref<128xi32, #tpu.memory_space<vmem>>) semaphore(%arg12 : memref<!tpu.dma_semaphore, #tpu.memory_space<semaphore_mem>>) {add = true}
      %dma_start3A_465 = arith.constant 12 : i32
      %dma_start3A_466 = arith.constant 12 : i32
      %dma_start3A_467 = arith.constant 0 : i32
      %dma_start3A_468 = tpu.memref_slice %arg9[%dma_start3A_465, %dma_start3A_467] : memref<16x128xf32, #tpu.memory_space<vmem>> -> memref<1x128xf32, #tpu.memory_space<vmem>>
      %dma_start3A_469 = tpu.memref_squeeze %dma_start3A_468 : memref<1x128xf32, #tpu.memory_space<vmem>> -> memref<128xf32, #tpu.memory_space<vmem>>
      %dma_start3A_470 = arith.constant 0 : i32
      %dma_start3A_471 = tpu.memref_slice %arg8[%dma_start3A_466, %dma_start3A_470] : memref<16x128xi32, #tpu.memory_space<vmem>> -> memref<1x128xi32, #tpu.memory_space<vmem>>
      %dma_start3A_472 = tpu.memref_squeeze %dma_start3A_471 : memref<1x128xi32, #tpu.memory_space<vmem>> -> memref<128xi32, #tpu.memory_space<vmem>>
      %dma_start3A_473 = arith.constant 0 : i32
      %dma_start3A_474 = tpu.memref_slice %arg10[%dma_start3A_473] : memref<100352xf32, #tpu.memory_space<vmem_shared>> -> memref<100352xf32, #tpu.memory_space<vmem_shared>>
      tpu.enqueue_indirect_dma source(%dma_start3A_469 : memref<128xf32, #tpu.memory_space<vmem>>) target(%dma_start3A_474 : memref<100352xf32, #tpu.memory_space<vmem_shared>>) offsets(%dma_start3A_472 : memref<128xi32, #tpu.memory_space<vmem>>) semaphore(%arg12 : memref<!tpu.dma_semaphore, #tpu.memory_space<semaphore_mem>>) {add = true}
      %dma_start3A_475 = arith.constant 13 : i32
      %dma_start3A_476 = arith.constant 13 : i32
      %dma_start3A_477 = arith.constant 0 : i32
      %dma_start3A_478 = tpu.memref_slice %arg9[%dma_start3A_475, %dma_start3A_477] : memref<16x128xf32, #tpu.memory_space<vmem>> -> memref<1x128xf32, #tpu.memory_space<vmem>>
      %dma_start3A_479 = tpu.memref_squeeze %dma_start3A_478 : memref<1x128xf32, #tpu.memory_space<vmem>> -> memref<128xf32, #tpu.memory_space<vmem>>
      %dma_start3A_480 = arith.constant 0 : i32
      %dma_start3A_481 = tpu.memref_slice %arg8[%dma_start3A_476, %dma_start3A_480] : memref<16x128xi32, #tpu.memory_space<vmem>> -> memref<1x128xi32, #tpu.memory_space<vmem>>
      %dma_start3A_482 = tpu.memref_squeeze %dma_start3A_481 : memref<1x128xi32, #tpu.memory_space<vmem>> -> memref<128xi32, #tpu.memory_space<vmem>>
      %dma_start3A_483 = arith.constant 0 : i32
      %dma_start3A_484 = tpu.memref_slice %arg10[%dma_start3A_483] : memref<100352xf32, #tpu.memory_space<vmem_shared>> -> memref<100352xf32, #tpu.memory_space<vmem_shared>>
      tpu.enqueue_indirect_dma source(%dma_start3A_479 : memref<128xf32, #tpu.memory_space<vmem>>) target(%dma_start3A_484 : memref<100352xf32, #tpu.memory_space<vmem_shared>>) offsets(%dma_start3A_482 : memref<128xi32, #tpu.memory_space<vmem>>) semaphore(%arg12 : memref<!tpu.dma_semaphore, #tpu.memory_space<semaphore_mem>>) {add = true}
      %dma_start3A_485 = arith.constant 14 : i32
      %dma_start3A_486 = arith.constant 14 : i32
      %dma_start3A_487 = arith.constant 0 : i32
      %dma_start3A_488 = tpu.memref_slice %arg9[%dma_start3A_485, %dma_start3A_487] : memref<16x128xf32, #tpu.memory_space<vmem>> -> memref<1x128xf32, #tpu.memory_space<vmem>>
      %dma_start3A_489 = tpu.memref_squeeze %dma_start3A_488 : memref<1x128xf32, #tpu.memory_space<vmem>> -> memref<128xf32, #tpu.memory_space<vmem>>
      %dma_start3A_490 = arith.constant 0 : i32
      %dma_start3A_491 = tpu.memref_slice %arg8[%dma_start3A_486, %dma_start3A_490] : memref<16x128xi32, #tpu.memory_space<vmem>> -> memref<1x128xi32, #tpu.memory_space<vmem>>
      %dma_start3A_492 = tpu.memref_squeeze %dma_start3A_491 : memref<1x128xi32, #tpu.memory_space<vmem>> -> memref<128xi32, #tpu.memory_space<vmem>>
      %dma_start3A_493 = arith.constant 0 : i32
      %dma_start3A_494 = tpu.memref_slice %arg10[%dma_start3A_493] : memref<100352xf32, #tpu.memory_space<vmem_shared>> -> memref<100352xf32, #tpu.memory_space<vmem_shared>>
      tpu.enqueue_indirect_dma source(%dma_start3A_489 : memref<128xf32, #tpu.memory_space<vmem>>) target(%dma_start3A_494 : memref<100352xf32, #tpu.memory_space<vmem_shared>>) offsets(%dma_start3A_492 : memref<128xi32, #tpu.memory_space<vmem>>) semaphore(%arg12 : memref<!tpu.dma_semaphore, #tpu.memory_space<semaphore_mem>>) {add = true}
      %dma_start3A_495 = arith.constant 15 : i32
      %dma_start3A_496 = arith.constant 15 : i32
      %dma_start3A_497 = arith.constant 0 : i32
      %dma_start3A_498 = tpu.memref_slice %arg9[%dma_start3A_495, %dma_start3A_497] : memref<16x128xf32, #tpu.memory_space<vmem>> -> memref<1x128xf32, #tpu.memory_space<vmem>>
      %dma_start3A_499 = tpu.memref_squeeze %dma_start3A_498 : memref<1x128xf32, #tpu.memory_space<vmem>> -> memref<128xf32, #tpu.memory_space<vmem>>
      %dma_start3A_500 = arith.constant 0 : i32
      %dma_start3A_501 = tpu.memref_slice %arg8[%dma_start3A_496, %dma_start3A_500] : memref<16x128xi32, #tpu.memory_space<vmem>> -> memref<1x128xi32, #tpu.memory_space<vmem>>
      %dma_start3A_502 = tpu.memref_squeeze %dma_start3A_501 : memref<1x128xi32, #tpu.memory_space<vmem>> -> memref<128xi32, #tpu.memory_space<vmem>>
      %dma_start3A_503 = arith.constant 0 : i32
      %dma_start3A_504 = tpu.memref_slice %arg10[%dma_start3A_503] : memref<100352xf32, #tpu.memory_space<vmem_shared>> -> memref<100352xf32, #tpu.memory_space<vmem_shared>>
      tpu.enqueue_indirect_dma source(%dma_start3A_499 : memref<128xf32, #tpu.memory_space<vmem>>) target(%dma_start3A_504 : memref<100352xf32, #tpu.memory_space<vmem_shared>>) offsets(%dma_start3A_502 : memref<128xi32, #tpu.memory_space<vmem>>) semaphore(%arg12 : memref<!tpu.dma_semaphore, #tpu.memory_space<semaphore_mem>>) {add = true}
      %dma_wait3A_505 = arith.constant 0 : i32
      %dma_wait3A_506 = arith.constant 0 : i32
      %dma_wait3A_507 = arith.constant 0 : i32
      %dma_wait3A_508 = tpu.memref_slice %arg9[%dma_wait3A_505, %dma_wait3A_507] : memref<16x128xf32, #tpu.memory_space<vmem>> -> memref<1x128xf32, #tpu.memory_space<vmem>>
      %dma_wait3A_509 = tpu.memref_squeeze %dma_wait3A_508 : memref<1x128xf32, #tpu.memory_space<vmem>> -> memref<128xf32, #tpu.memory_space<vmem>>
      %dma_wait3A_510 = arith.constant 0 : i32
      %dma_wait3A_511 = tpu.memref_slice %arg8[%dma_wait3A_506, %dma_wait3A_510] : memref<16x128xi32, #tpu.memory_space<vmem>> -> memref<1x128xi32, #tpu.memory_space<vmem>>
      %dma_wait3A_512 = tpu.memref_squeeze %dma_wait3A_511 : memref<1x128xi32, #tpu.memory_space<vmem>> -> memref<128xi32, #tpu.memory_space<vmem>>
      %dma_wait3A_513 = arith.constant 0 : i32
      %dma_wait3A_514 = tpu.memref_slice %arg10[%dma_wait3A_513] : memref<100352xf32, #tpu.memory_space<vmem_shared>> -> memref<100352xf32, #tpu.memory_space<vmem_shared>>
      tpu.wait_indirect_dma semaphore(%arg12 : memref<!tpu.dma_semaphore, #tpu.memory_space<semaphore_mem>>) src(%dma_wait3A_509 : memref<128xf32, #tpu.memory_space<vmem>>) dst(%dma_wait3A_514 : memref<100352xf32, #tpu.memory_space<vmem_shared>>)
      %dma_wait3A_515 = arith.constant 1 : i32
      %dma_wait3A_516 = arith.constant 1 : i32
      %dma_wait3A_517 = arith.constant 0 : i32
      %dma_wait3A_518 = tpu.memref_slice %arg9[%dma_wait3A_515, %dma_wait3A_517] : memref<16x128xf32, #tpu.memory_space<vmem>> -> memref<1x128xf32, #tpu.memory_space<vmem>>
      %dma_wait3A_519 = tpu.memref_squeeze %dma_wait3A_518 : memref<1x128xf32, #tpu.memory_space<vmem>> -> memref<128xf32, #tpu.memory_space<vmem>>
      %dma_wait3A_520 = arith.constant 0 : i32
      %dma_wait3A_521 = tpu.memref_slice %arg8[%dma_wait3A_516, %dma_wait3A_520] : memref<16x128xi32, #tpu.memory_space<vmem>> -> memref<1x128xi32, #tpu.memory_space<vmem>>
      %dma_wait3A_522 = tpu.memref_squeeze %dma_wait3A_521 : memref<1x128xi32, #tpu.memory_space<vmem>> -> memref<128xi32, #tpu.memory_space<vmem>>
      %dma_wait3A_523 = arith.constant 0 : i32
      %dma_wait3A_524 = tpu.memref_slice %arg10[%dma_wait3A_523] : memref<100352xf32, #tpu.memory_space<vmem_shared>> -> memref<100352xf32, #tpu.memory_space<vmem_shared>>
      tpu.wait_indirect_dma semaphore(%arg12 : memref<!tpu.dma_semaphore, #tpu.memory_space<semaphore_mem>>) src(%dma_wait3A_519 : memref<128xf32, #tpu.memory_space<vmem>>) dst(%dma_wait3A_524 : memref<100352xf32, #tpu.memory_space<vmem_shared>>)
      %dma_wait3A_525 = arith.constant 2 : i32
      %dma_wait3A_526 = arith.constant 2 : i32
      %dma_wait3A_527 = arith.constant 0 : i32
      %dma_wait3A_528 = tpu.memref_slice %arg9[%dma_wait3A_525, %dma_wait3A_527] : memref<16x128xf32, #tpu.memory_space<vmem>> -> memref<1x128xf32, #tpu.memory_space<vmem>>
      %dma_wait3A_529 = tpu.memref_squeeze %dma_wait3A_528 : memref<1x128xf32, #tpu.memory_space<vmem>> -> memref<128xf32, #tpu.memory_space<vmem>>
      %dma_wait3A_530 = arith.constant 0 : i32
      %dma_wait3A_531 = tpu.memref_slice %arg8[%dma_wait3A_526, %dma_wait3A_530] : memref<16x128xi32, #tpu.memory_space<vmem>> -> memref<1x128xi32, #tpu.memory_space<vmem>>
      %dma_wait3A_532 = tpu.memref_squeeze %dma_wait3A_531 : memref<1x128xi32, #tpu.memory_space<vmem>> -> memref<128xi32, #tpu.memory_space<vmem>>
      %dma_wait3A_533 = arith.constant 0 : i32
      %dma_wait3A_534 = tpu.memref_slice %arg10[%dma_wait3A_533] : memref<100352xf32, #tpu.memory_space<vmem_shared>> -> memref<100352xf32, #tpu.memory_space<vmem_shared>>
      tpu.wait_indirect_dma semaphore(%arg12 : memref<!tpu.dma_semaphore, #tpu.memory_space<semaphore_mem>>) src(%dma_wait3A_529 : memref<128xf32, #tpu.memory_space<vmem>>) dst(%dma_wait3A_534 : memref<100352xf32, #tpu.memory_space<vmem_shared>>)
      %dma_wait3A_535 = arith.constant 3 : i32
      %dma_wait3A_536 = arith.constant 3 : i32
      %dma_wait3A_537 = arith.constant 0 : i32
      %dma_wait3A_538 = tpu.memref_slice %arg9[%dma_wait3A_535, %dma_wait3A_537] : memref<16x128xf32, #tpu.memory_space<vmem>> -> memref<1x128xf32, #tpu.memory_space<vmem>>
      %dma_wait3A_539 = tpu.memref_squeeze %dma_wait3A_538 : memref<1x128xf32, #tpu.memory_space<vmem>> -> memref<128xf32, #tpu.memory_space<vmem>>
      %dma_wait3A_540 = arith.constant 0 : i32
      %dma_wait3A_541 = tpu.memref_slice %arg8[%dma_wait3A_536, %dma_wait3A_540] : memref<16x128xi32, #tpu.memory_space<vmem>> -> memref<1x128xi32, #tpu.memory_space<vmem>>
      %dma_wait3A_542 = tpu.memref_squeeze %dma_wait3A_541 : memref<1x128xi32, #tpu.memory_space<vmem>> -> memref<128xi32, #tpu.memory_space<vmem>>
      %dma_wait3A_543 = arith.constant 0 : i32
      %dma_wait3A_544 = tpu.memref_slice %arg10[%dma_wait3A_543] : memref<100352xf32, #tpu.memory_space<vmem_shared>> -> memref<100352xf32, #tpu.memory_space<vmem_shared>>
      tpu.wait_indirect_dma semaphore(%arg12 : memref<!tpu.dma_semaphore, #tpu.memory_space<semaphore_mem>>) src(%dma_wait3A_539 : memref<128xf32, #tpu.memory_space<vmem>>) dst(%dma_wait3A_544 : memref<100352xf32, #tpu.memory_space<vmem_shared>>)
      %dma_wait3A_545 = arith.constant 4 : i32
      %dma_wait3A_546 = arith.constant 4 : i32
      %dma_wait3A_547 = arith.constant 0 : i32
      %dma_wait3A_548 = tpu.memref_slice %arg9[%dma_wait3A_545, %dma_wait3A_547] : memref<16x128xf32, #tpu.memory_space<vmem>> -> memref<1x128xf32, #tpu.memory_space<vmem>>
      %dma_wait3A_549 = tpu.memref_squeeze %dma_wait3A_548 : memref<1x128xf32, #tpu.memory_space<vmem>> -> memref<128xf32, #tpu.memory_space<vmem>>
      %dma_wait3A_550 = arith.constant 0 : i32
      %dma_wait3A_551 = tpu.memref_slice %arg8[%dma_wait3A_546, %dma_wait3A_550] : memref<16x128xi32, #tpu.memory_space<vmem>> -> memref<1x128xi32, #tpu.memory_space<vmem>>
      %dma_wait3A_552 = tpu.memref_squeeze %dma_wait3A_551 : memref<1x128xi32, #tpu.memory_space<vmem>> -> memref<128xi32, #tpu.memory_space<vmem>>
      %dma_wait3A_553 = arith.constant 0 : i32
      %dma_wait3A_554 = tpu.memref_slice %arg10[%dma_wait3A_553] : memref<100352xf32, #tpu.memory_space<vmem_shared>> -> memref<100352xf32, #tpu.memory_space<vmem_shared>>
      tpu.wait_indirect_dma semaphore(%arg12 : memref<!tpu.dma_semaphore, #tpu.memory_space<semaphore_mem>>) src(%dma_wait3A_549 : memref<128xf32, #tpu.memory_space<vmem>>) dst(%dma_wait3A_554 : memref<100352xf32, #tpu.memory_space<vmem_shared>>)
      %dma_wait3A_555 = arith.constant 5 : i32
      %dma_wait3A_556 = arith.constant 5 : i32
      %dma_wait3A_557 = arith.constant 0 : i32
      %dma_wait3A_558 = tpu.memref_slice %arg9[%dma_wait3A_555, %dma_wait3A_557] : memref<16x128xf32, #tpu.memory_space<vmem>> -> memref<1x128xf32, #tpu.memory_space<vmem>>
      %dma_wait3A_559 = tpu.memref_squeeze %dma_wait3A_558 : memref<1x128xf32, #tpu.memory_space<vmem>> -> memref<128xf32, #tpu.memory_space<vmem>>
      %dma_wait3A_560 = arith.constant 0 : i32
      %dma_wait3A_561 = tpu.memref_slice %arg8[%dma_wait3A_556, %dma_wait3A_560] : memref<16x128xi32, #tpu.memory_space<vmem>> -> memref<1x128xi32, #tpu.memory_space<vmem>>
      %dma_wait3A_562 = tpu.memref_squeeze %dma_wait3A_561 : memref<1x128xi32, #tpu.memory_space<vmem>> -> memref<128xi32, #tpu.memory_space<vmem>>
      %dma_wait3A_563 = arith.constant 0 : i32
      %dma_wait3A_564 = tpu.memref_slice %arg10[%dma_wait3A_563] : memref<100352xf32, #tpu.memory_space<vmem_shared>> -> memref<100352xf32, #tpu.memory_space<vmem_shared>>
      tpu.wait_indirect_dma semaphore(%arg12 : memref<!tpu.dma_semaphore, #tpu.memory_space<semaphore_mem>>) src(%dma_wait3A_559 : memref<128xf32, #tpu.memory_space<vmem>>) dst(%dma_wait3A_564 : memref<100352xf32, #tpu.memory_space<vmem_shared>>)
      %dma_wait3A_565 = arith.constant 6 : i32
      %dma_wait3A_566 = arith.constant 6 : i32
      %dma_wait3A_567 = arith.constant 0 : i32
      %dma_wait3A_568 = tpu.memref_slice %arg9[%dma_wait3A_565, %dma_wait3A_567] : memref<16x128xf32, #tpu.memory_space<vmem>> -> memref<1x128xf32, #tpu.memory_space<vmem>>
      %dma_wait3A_569 = tpu.memref_squeeze %dma_wait3A_568 : memref<1x128xf32, #tpu.memory_space<vmem>> -> memref<128xf32, #tpu.memory_space<vmem>>
      %dma_wait3A_570 = arith.constant 0 : i32
      %dma_wait3A_571 = tpu.memref_slice %arg8[%dma_wait3A_566, %dma_wait3A_570] : memref<16x128xi32, #tpu.memory_space<vmem>> -> memref<1x128xi32, #tpu.memory_space<vmem>>
      %dma_wait3A_572 = tpu.memref_squeeze %dma_wait3A_571 : memref<1x128xi32, #tpu.memory_space<vmem>> -> memref<128xi32, #tpu.memory_space<vmem>>
      %dma_wait3A_573 = arith.constant 0 : i32
      %dma_wait3A_574 = tpu.memref_slice %arg10[%dma_wait3A_573] : memref<100352xf32, #tpu.memory_space<vmem_shared>> -> memref<100352xf32, #tpu.memory_space<vmem_shared>>
      tpu.wait_indirect_dma semaphore(%arg12 : memref<!tpu.dma_semaphore, #tpu.memory_space<semaphore_mem>>) src(%dma_wait3A_569 : memref<128xf32, #tpu.memory_space<vmem>>) dst(%dma_wait3A_574 : memref<100352xf32, #tpu.memory_space<vmem_shared>>)
      %dma_wait3A_575 = arith.constant 7 : i32
      %dma_wait3A_576 = arith.constant 7 : i32
      %dma_wait3A_577 = arith.constant 0 : i32
      %dma_wait3A_578 = tpu.memref_slice %arg9[%dma_wait3A_575, %dma_wait3A_577] : memref<16x128xf32, #tpu.memory_space<vmem>> -> memref<1x128xf32, #tpu.memory_space<vmem>>
      %dma_wait3A_579 = tpu.memref_squeeze %dma_wait3A_578 : memref<1x128xf32, #tpu.memory_space<vmem>> -> memref<128xf32, #tpu.memory_space<vmem>>
      %dma_wait3A_580 = arith.constant 0 : i32
      %dma_wait3A_581 = tpu.memref_slice %arg8[%dma_wait3A_576, %dma_wait3A_580] : memref<16x128xi32, #tpu.memory_space<vmem>> -> memref<1x128xi32, #tpu.memory_space<vmem>>
      %dma_wait3A_582 = tpu.memref_squeeze %dma_wait3A_581 : memref<1x128xi32, #tpu.memory_space<vmem>> -> memref<128xi32, #tpu.memory_space<vmem>>
      %dma_wait3A_583 = arith.constant 0 : i32
      %dma_wait3A_584 = tpu.memref_slice %arg10[%dma_wait3A_583] : memref<100352xf32, #tpu.memory_space<vmem_shared>> -> memref<100352xf32, #tpu.memory_space<vmem_shared>>
      tpu.wait_indirect_dma semaphore(%arg12 : memref<!tpu.dma_semaphore, #tpu.memory_space<semaphore_mem>>) src(%dma_wait3A_579 : memref<128xf32, #tpu.memory_space<vmem>>) dst(%dma_wait3A_584 : memref<100352xf32, #tpu.memory_space<vmem_shared>>)
      %dma_wait3A_585 = arith.constant 8 : i32
      %dma_wait3A_586 = arith.constant 8 : i32
      %dma_wait3A_587 = arith.constant 0 : i32
      %dma_wait3A_588 = tpu.memref_slice %arg9[%dma_wait3A_585, %dma_wait3A_587] : memref<16x128xf32, #tpu.memory_space<vmem>> -> memref<1x128xf32, #tpu.memory_space<vmem>>
      %dma_wait3A_589 = tpu.memref_squeeze %dma_wait3A_588 : memref<1x128xf32, #tpu.memory_space<vmem>> -> memref<128xf32, #tpu.memory_space<vmem>>
      %dma_wait3A_590 = arith.constant 0 : i32
      %dma_wait3A_591 = tpu.memref_slice %arg8[%dma_wait3A_586, %dma_wait3A_590] : memref<16x128xi32, #tpu.memory_space<vmem>> -> memref<1x128xi32, #tpu.memory_space<vmem>>
      %dma_wait3A_592 = tpu.memref_squeeze %dma_wait3A_591 : memref<1x128xi32, #tpu.memory_space<vmem>> -> memref<128xi32, #tpu.memory_space<vmem>>
      %dma_wait3A_593 = arith.constant 0 : i32
      %dma_wait3A_594 = tpu.memref_slice %arg10[%dma_wait3A_593] : memref<100352xf32, #tpu.memory_space<vmem_shared>> -> memref<100352xf32, #tpu.memory_space<vmem_shared>>
      tpu.wait_indirect_dma semaphore(%arg12 : memref<!tpu.dma_semaphore, #tpu.memory_space<semaphore_mem>>) src(%dma_wait3A_589 : memref<128xf32, #tpu.memory_space<vmem>>) dst(%dma_wait3A_594 : memref<100352xf32, #tpu.memory_space<vmem_shared>>)
      %dma_wait3A_595 = arith.constant 9 : i32
      %dma_wait3A_596 = arith.constant 9 : i32
      %dma_wait3A_597 = arith.constant 0 : i32
      %dma_wait3A_598 = tpu.memref_slice %arg9[%dma_wait3A_595, %dma_wait3A_597] : memref<16x128xf32, #tpu.memory_space<vmem>> -> memref<1x128xf32, #tpu.memory_space<vmem>>
      %dma_wait3A_599 = tpu.memref_squeeze %dma_wait3A_598 : memref<1x128xf32, #tpu.memory_space<vmem>> -> memref<128xf32, #tpu.memory_space<vmem>>
      %dma_wait3A_600 = arith.constant 0 : i32
      %dma_wait3A_601 = tpu.memref_slice %arg8[%dma_wait3A_596, %dma_wait3A_600] : memref<16x128xi32, #tpu.memory_space<vmem>> -> memref<1x128xi32, #tpu.memory_space<vmem>>
      %dma_wait3A_602 = tpu.memref_squeeze %dma_wait3A_601 : memref<1x128xi32, #tpu.memory_space<vmem>> -> memref<128xi32, #tpu.memory_space<vmem>>
      %dma_wait3A_603 = arith.constant 0 : i32
      %dma_wait3A_604 = tpu.memref_slice %arg10[%dma_wait3A_603] : memref<100352xf32, #tpu.memory_space<vmem_shared>> -> memref<100352xf32, #tpu.memory_space<vmem_shared>>
      tpu.wait_indirect_dma semaphore(%arg12 : memref<!tpu.dma_semaphore, #tpu.memory_space<semaphore_mem>>) src(%dma_wait3A_599 : memref<128xf32, #tpu.memory_space<vmem>>) dst(%dma_wait3A_604 : memref<100352xf32, #tpu.memory_space<vmem_shared>>)
      %dma_wait3A_605 = arith.constant 10 : i32
      %dma_wait3A_606 = arith.constant 10 : i32
      %dma_wait3A_607 = arith.constant 0 : i32
      %dma_wait3A_608 = tpu.memref_slice %arg9[%dma_wait3A_605, %dma_wait3A_607] : memref<16x128xf32, #tpu.memory_space<vmem>> -> memref<1x128xf32, #tpu.memory_space<vmem>>
      %dma_wait3A_609 = tpu.memref_squeeze %dma_wait3A_608 : memref<1x128xf32, #tpu.memory_space<vmem>> -> memref<128xf32, #tpu.memory_space<vmem>>
      %dma_wait3A_610 = arith.constant 0 : i32
      %dma_wait3A_611 = tpu.memref_slice %arg8[%dma_wait3A_606, %dma_wait3A_610] : memref<16x128xi32, #tpu.memory_space<vmem>> -> memref<1x128xi32, #tpu.memory_space<vmem>>
      %dma_wait3A_612 = tpu.memref_squeeze %dma_wait3A_611 : memref<1x128xi32, #tpu.memory_space<vmem>> -> memref<128xi32, #tpu.memory_space<vmem>>
      %dma_wait3A_613 = arith.constant 0 : i32
      %dma_wait3A_614 = tpu.memref_slice %arg10[%dma_wait3A_613] : memref<100352xf32, #tpu.memory_space<vmem_shared>> -> memref<100352xf32, #tpu.memory_space<vmem_shared>>
      tpu.wait_indirect_dma semaphore(%arg12 : memref<!tpu.dma_semaphore, #tpu.memory_space<semaphore_mem>>) src(%dma_wait3A_609 : memref<128xf32, #tpu.memory_space<vmem>>) dst(%dma_wait3A_614 : memref<100352xf32, #tpu.memory_space<vmem_shared>>)
      %dma_wait3A_615 = arith.constant 11 : i32
      %dma_wait3A_616 = arith.constant 11 : i32
      %dma_wait3A_617 = arith.constant 0 : i32
      %dma_wait3A_618 = tpu.memref_slice %arg9[%dma_wait3A_615, %dma_wait3A_617] : memref<16x128xf32, #tpu.memory_space<vmem>> -> memref<1x128xf32, #tpu.memory_space<vmem>>
      %dma_wait3A_619 = tpu.memref_squeeze %dma_wait3A_618 : memref<1x128xf32, #tpu.memory_space<vmem>> -> memref<128xf32, #tpu.memory_space<vmem>>
      %dma_wait3A_620 = arith.constant 0 : i32
      %dma_wait3A_621 = tpu.memref_slice %arg8[%dma_wait3A_616, %dma_wait3A_620] : memref<16x128xi32, #tpu.memory_space<vmem>> -> memref<1x128xi32, #tpu.memory_space<vmem>>
      %dma_wait3A_622 = tpu.memref_squeeze %dma_wait3A_621 : memref<1x128xi32, #tpu.memory_space<vmem>> -> memref<128xi32, #tpu.memory_space<vmem>>
      %dma_wait3A_623 = arith.constant 0 : i32
      %dma_wait3A_624 = tpu.memref_slice %arg10[%dma_wait3A_623] : memref<100352xf32, #tpu.memory_space<vmem_shared>> -> memref<100352xf32, #tpu.memory_space<vmem_shared>>
      tpu.wait_indirect_dma semaphore(%arg12 : memref<!tpu.dma_semaphore, #tpu.memory_space<semaphore_mem>>) src(%dma_wait3A_619 : memref<128xf32, #tpu.memory_space<vmem>>) dst(%dma_wait3A_624 : memref<100352xf32, #tpu.memory_space<vmem_shared>>)
      %dma_wait3A_625 = arith.constant 12 : i32
      %dma_wait3A_626 = arith.constant 12 : i32
      %dma_wait3A_627 = arith.constant 0 : i32
      %dma_wait3A_628 = tpu.memref_slice %arg9[%dma_wait3A_625, %dma_wait3A_627] : memref<16x128xf32, #tpu.memory_space<vmem>> -> memref<1x128xf32, #tpu.memory_space<vmem>>
      %dma_wait3A_629 = tpu.memref_squeeze %dma_wait3A_628 : memref<1x128xf32, #tpu.memory_space<vmem>> -> memref<128xf32, #tpu.memory_space<vmem>>
      %dma_wait3A_630 = arith.constant 0 : i32
      %dma_wait3A_631 = tpu.memref_slice %arg8[%dma_wait3A_626, %dma_wait3A_630] : memref<16x128xi32, #tpu.memory_space<vmem>> -> memref<1x128xi32, #tpu.memory_space<vmem>>
      %dma_wait3A_632 = tpu.memref_squeeze %dma_wait3A_631 : memref<1x128xi32, #tpu.memory_space<vmem>> -> memref<128xi32, #tpu.memory_space<vmem>>
      %dma_wait3A_633 = arith.constant 0 : i32
      %dma_wait3A_634 = tpu.memref_slice %arg10[%dma_wait3A_633] : memref<100352xf32, #tpu.memory_space<vmem_shared>> -> memref<100352xf32, #tpu.memory_space<vmem_shared>>
      tpu.wait_indirect_dma semaphore(%arg12 : memref<!tpu.dma_semaphore, #tpu.memory_space<semaphore_mem>>) src(%dma_wait3A_629 : memref<128xf32, #tpu.memory_space<vmem>>) dst(%dma_wait3A_634 : memref<100352xf32, #tpu.memory_space<vmem_shared>>)
      %dma_wait3A_635 = arith.constant 13 : i32
      %dma_wait3A_636 = arith.constant 13 : i32
      %dma_wait3A_637 = arith.constant 0 : i32
      %dma_wait3A_638 = tpu.memref_slice %arg9[%dma_wait3A_635, %dma_wait3A_637] : memref<16x128xf32, #tpu.memory_space<vmem>> -> memref<1x128xf32, #tpu.memory_space<vmem>>
      %dma_wait3A_639 = tpu.memref_squeeze %dma_wait3A_638 : memref<1x128xf32, #tpu.memory_space<vmem>> -> memref<128xf32, #tpu.memory_space<vmem>>
      %dma_wait3A_640 = arith.constant 0 : i32
      %dma_wait3A_641 = tpu.memref_slice %arg8[%dma_wait3A_636, %dma_wait3A_640] : memref<16x128xi32, #tpu.memory_space<vmem>> -> memref<1x128xi32, #tpu.memory_space<vmem>>
      %dma_wait3A_642 = tpu.memref_squeeze %dma_wait3A_641 : memref<1x128xi32, #tpu.memory_space<vmem>> -> memref<128xi32, #tpu.memory_space<vmem>>
      %dma_wait3A_643 = arith.constant 0 : i32
      %dma_wait3A_644 = tpu.memref_slice %arg10[%dma_wait3A_643] : memref<100352xf32, #tpu.memory_space<vmem_shared>> -> memref<100352xf32, #tpu.memory_space<vmem_shared>>
      tpu.wait_indirect_dma semaphore(%arg12 : memref<!tpu.dma_semaphore, #tpu.memory_space<semaphore_mem>>) src(%dma_wait3A_639 : memref<128xf32, #tpu.memory_space<vmem>>) dst(%dma_wait3A_644 : memref<100352xf32, #tpu.memory_space<vmem_shared>>)
      %dma_wait3A_645 = arith.constant 14 : i32
      %dma_wait3A_646 = arith.constant 14 : i32
      %dma_wait3A_647 = arith.constant 0 : i32
      %dma_wait3A_648 = tpu.memref_slice %arg9[%dma_wait3A_645, %dma_wait3A_647] : memref<16x128xf32, #tpu.memory_space<vmem>> -> memref<1x128xf32, #tpu.memory_space<vmem>>
      %dma_wait3A_649 = tpu.memref_squeeze %dma_wait3A_648 : memref<1x128xf32, #tpu.memory_space<vmem>> -> memref<128xf32, #tpu.memory_space<vmem>>
      %dma_wait3A_650 = arith.constant 0 : i32
      %dma_wait3A_651 = tpu.memref_slice %arg8[%dma_wait3A_646, %dma_wait3A_650] : memref<16x128xi32, #tpu.memory_space<vmem>> -> memref<1x128xi32, #tpu.memory_space<vmem>>
      %dma_wait3A_652 = tpu.memref_squeeze %dma_wait3A_651 : memref<1x128xi32, #tpu.memory_space<vmem>> -> memref<128xi32, #tpu.memory_space<vmem>>
      %dma_wait3A_653 = arith.constant 0 : i32
      %dma_wait3A_654 = tpu.memref_slice %arg10[%dma_wait3A_653] : memref<100352xf32, #tpu.memory_space<vmem_shared>> -> memref<100352xf32, #tpu.memory_space<vmem_shared>>
      tpu.wait_indirect_dma semaphore(%arg12 : memref<!tpu.dma_semaphore, #tpu.memory_space<semaphore_mem>>) src(%dma_wait3A_649 : memref<128xf32, #tpu.memory_space<vmem>>) dst(%dma_wait3A_654 : memref<100352xf32, #tpu.memory_space<vmem_shared>>)
      %dma_wait3A_655 = arith.constant 15 : i32
      %dma_wait3A_656 = arith.constant 15 : i32
      %dma_wait3A_657 = arith.constant 0 : i32
      %dma_wait3A_658 = tpu.memref_slice %arg9[%dma_wait3A_655, %dma_wait3A_657] : memref<16x128xf32, #tpu.memory_space<vmem>> -> memref<1x128xf32, #tpu.memory_space<vmem>>
      %dma_wait3A_659 = tpu.memref_squeeze %dma_wait3A_658 : memref<1x128xf32, #tpu.memory_space<vmem>> -> memref<128xf32, #tpu.memory_space<vmem>>
      %dma_wait3A_660 = arith.constant 0 : i32
      %dma_wait3A_661 = tpu.memref_slice %arg8[%dma_wait3A_656, %dma_wait3A_660] : memref<16x128xi32, #tpu.memory_space<vmem>> -> memref<1x128xi32, #tpu.memory_space<vmem>>
      %dma_wait3A_662 = tpu.memref_squeeze %dma_wait3A_661 : memref<1x128xi32, #tpu.memory_space<vmem>> -> memref<128xi32, #tpu.memory_space<vmem>>
      %dma_wait3A_663 = arith.constant 0 : i32
      %dma_wait3A_664 = tpu.memref_slice %arg10[%dma_wait3A_663] : memref<100352xf32, #tpu.memory_space<vmem_shared>> -> memref<100352xf32, #tpu.memory_space<vmem_shared>>
      tpu.wait_indirect_dma semaphore(%arg12 : memref<!tpu.dma_semaphore, #tpu.memory_space<semaphore_mem>>) src(%dma_wait3A_659 : memref<128xf32, #tpu.memory_space<vmem>>) dst(%dma_wait3A_664 : memref<100352xf32, #tpu.memory_space<vmem_shared>>)
    }
    %scan3A_8 = arith.constant 50 : i32
    %barrier3A_9 = arith.constant 0 : index
    tpu.barrier barrier_id(%barrier3A_9)
    %mul3A_10 = arith.constant 6272 : i32
    %mul3A_11 = arith.muli %arg1, %mul3A_10 : i32
    %mul3A_12 = arith.constant 100352 : i32
    %mul3A_13 = arith.muli %arg0, %mul3A_12 : i32
    %mul3A_14 = arith.constant 6272 : i32
    %mul3A_15 = arith.muli %arg1, %mul3A_14 : i32
    %add3A_16 = arith.addi %mul3A_13, %mul3A_15 : i32
    "tpu.region"() ({
      %run_scoped3A = tpu.sem_alloc : memref<!tpu.dma_semaphore, #tpu.memory_space<semaphore_mem>>
      %dma_start3A = tpu.memref_slice %arg6[%add3A_16] : memref<200704xf32, #tpu.memory_space<hbm>> -> memref<6272xf32, #tpu.memory_space<hbm>>
      %dma_start3A_17 = tpu.memref_slice %arg10[%mul3A_11] : memref<100352xf32, #tpu.memory_space<vmem_shared>> -> memref<6272xf32, #tpu.memory_space<vmem_shared>>
      tpu.enqueue_dma source(%dma_start3A_17 : memref<6272xf32, #tpu.memory_space<vmem_shared>>) target(%dma_start3A : memref<6272xf32, #tpu.memory_space<hbm>>) target_semaphore(%run_scoped3A : memref<!tpu.dma_semaphore, #tpu.memory_space<semaphore_mem>>)
      %dma_wait3A = tpu.memref_slice %arg6[%add3A_16] : memref<200704xf32, #tpu.memory_space<hbm>> -> memref<6272xf32, #tpu.memory_space<hbm>>
      %dma_wait3A_18 = tpu.memref_slice %arg10[%mul3A_11] : memref<100352xf32, #tpu.memory_space<vmem_shared>> -> memref<6272xf32, #tpu.memory_space<vmem_shared>>
      tpu.wait_dma2 semaphore(%run_scoped3A : memref<!tpu.dma_semaphore, #tpu.memory_space<semaphore_mem>>) src(%dma_wait3A_18 : memref<6272xf32, #tpu.memory_space<vmem_shared>>) dst(%dma_wait3A : memref<6272xf32, #tpu.memory_space<hbm>>)
      tpu.yield
    }) : () -> ()
    return
  }
}

#map = affine_map<(d0, d1) -> (0, 0)>
#map1 = affine_map<(d0, d1) -> (0, 0, 0)>
module attributes {stable_mosaic.version = 14 : i64} {
  func.func @k(%arg0: i32, %arg1: i32, %arg2: memref<25600x128xi32, #tpu.memory_space<hbm>>, %arg3: memref<25600x128xi32, #tpu.memory_space<hbm>>, %arg4: memref<100352x8xf32, #tpu.memory_space<hbm>>, %arg5: memref<100352x8xf32, #tpu.memory_space<hbm>>, %arg6: memref<2x100352x8xf32, #tpu.memory_space<hbm>>, %arg7: memref<16x128xi32, #tpu.memory_space<vmem>>, %arg8: memref<16x128xi32, #tpu.memory_space<vmem>>, %arg9: memref<16x128x8xf32, #tpu.memory_space<vmem>>, %arg10: memref<100352x8xf32, #tpu.memory_space<vmem_shared>>, %arg11: memref<!tpu.dma_semaphore, #tpu.memory_space<semaphore_mem>>, %arg12: memref<!tpu.dma_semaphore, #tpu.memory_space<semaphore_mem>>) attributes {dimension_semantics = [#tpu.dimension_semantics<core_parallel>, #tpu.dimension_semantics<subcore_parallel>], iteration_bounds = array<i64: 2, 16>, scalar_prefetch = 0 : i64, scratch_operands = 6 : i64, tpu.core_type = #tpu.core_type<sc_vector_subcore>, window_params = [{transform_indices = #map}, {transform_indices = #map}, {transform_indices = #map}, {transform_indices = #map}, {transform_indices = #map1}]} {
    %mul3A = arith.constant 16 : i32
    %mul3A_0 = arith.muli %arg0, %mul3A : i32
    %add3A = arith.addi %mul3A_0, %arg1 : i32
    %mul3A_1 = arith.constant 6272 : i32
    %mul3A_2 = arith.muli %arg1, %mul3A_1 : i32
    %mul3A_3 = arith.constant 6272 : i32
    %mul3A_4 = arith.muli %arg1, %mul3A_3 : i32
    "tpu.region"() ({
      %run_scoped3A = tpu.sem_alloc : memref<!tpu.dma_semaphore, #tpu.memory_space<semaphore_mem>>
      %dma_start3A = arith.constant 0 : i32
      %dma_start3A_14 = tpu.memref_slice %arg10[%mul3A_4, %dma_start3A] : memref<100352x8xf32, #tpu.memory_space<vmem_shared>> -> memref<6272x8xf32, #tpu.memory_space<vmem_shared>>
      %dma_start3A_15 = arith.constant 0 : i32
      %dma_start3A_16 = tpu.memref_slice %arg5[%mul3A_2, %dma_start3A_15] : memref<100352x8xf32, #tpu.memory_space<hbm>> -> memref<6272x8xf32, #tpu.memory_space<hbm>>
      tpu.enqueue_dma source(%dma_start3A_16 : memref<6272x8xf32, #tpu.memory_space<hbm>>) target(%dma_start3A_14 : memref<6272x8xf32, #tpu.memory_space<vmem_shared>>) target_semaphore(%run_scoped3A : memref<!tpu.dma_semaphore, #tpu.memory_space<semaphore_mem>>)
      %dma_wait3A = arith.constant 0 : i32
      %dma_wait3A_17 = tpu.memref_slice %arg10[%mul3A_4, %dma_wait3A] : memref<100352x8xf32, #tpu.memory_space<vmem_shared>> -> memref<6272x8xf32, #tpu.memory_space<vmem_shared>>
      %dma_wait3A_18 = arith.constant 0 : i32
      %dma_wait3A_19 = tpu.memref_slice %arg5[%mul3A_2, %dma_wait3A_18] : memref<100352x8xf32, #tpu.memory_space<hbm>> -> memref<6272x8xf32, #tpu.memory_space<hbm>>
      tpu.wait_dma2 semaphore(%run_scoped3A : memref<!tpu.dma_semaphore, #tpu.memory_space<semaphore_mem>>) src(%dma_wait3A_19 : memref<6272x8xf32, #tpu.memory_space<hbm>>) dst(%dma_wait3A_17 : memref<6272x8xf32, #tpu.memory_space<vmem_shared>>)
      tpu.yield
    }) : () -> ()
    %barrier3A = arith.constant 0 : index
    tpu.barrier barrier_id(%barrier3A)
    %scan3A = arith.constant 0 : i32
    %scan3A_5 = arith.constant 50 : i32
    %scan3A_6 = arith.addi %scan3A, %scan3A_5 : i32
    %scan3A_7 = arith.constant 1 : i32
    scf.for %scan3A_14 = %scan3A to %scan3A_6 step %scan3A_7  : i32 {
      %mul3A_15 = arith.constant 1 : i32
      %mul3A_16 = arith.muli %scan3A_14, %mul3A_15 : i32
      %add3A_17 = arith.constant 0 : i32
      %add3A_18 = arith.addi %add3A_17, %mul3A_16 : i32
      %mul3A_19 = arith.constant 800 : i32
      %mul3A_20 = arith.muli %add3A, %mul3A_19 : i32
      %mul3A_21 = arith.constant 16 : i32
      %mul3A_22 = arith.muli %add3A_18, %mul3A_21 : i32
      %add3A_23 = arith.addi %mul3A_20, %mul3A_22 : i32
      "tpu.region"() ({
        %run_scoped3A = tpu.sem_alloc : memref<!tpu.dma_semaphore, #tpu.memory_space<semaphore_mem>>
        %dma_start3A_790 = arith.constant 0 : i32
        %dma_start3A_791 = tpu.memref_slice %arg2[%add3A_23, %dma_start3A_790] : memref<25600x128xi32, #tpu.memory_space<hbm>> -> memref<16x128xi32, #tpu.memory_space<hbm>>
        %dma_start3A_792 = arith.constant 0 : i32
        %dma_start3A_793 = tpu.memref_slice %arg2[%add3A_23, %dma_start3A_792] : memref<25600x128xi32, #tpu.memory_space<hbm>> -> memref<16x128xi32, #tpu.memory_space<hbm>>
        tpu.enqueue_dma source(%dma_start3A_793 : memref<16x128xi32, #tpu.memory_space<hbm>>) target(%arg7 : memref<16x128xi32, #tpu.memory_space<vmem>>) target_semaphore(%run_scoped3A : memref<!tpu.dma_semaphore, #tpu.memory_space<semaphore_mem>>)
        %dma_wait3A_794 = arith.constant 0 : i32
        %dma_wait3A_795 = tpu.memref_slice %arg2[%add3A_23, %dma_wait3A_794] : memref<25600x128xi32, #tpu.memory_space<hbm>> -> memref<16x128xi32, #tpu.memory_space<hbm>>
        %dma_wait3A_796 = arith.constant 0 : i32
        %dma_wait3A_797 = tpu.memref_slice %arg2[%add3A_23, %dma_wait3A_796] : memref<25600x128xi32, #tpu.memory_space<hbm>> -> memref<16x128xi32, #tpu.memory_space<hbm>>
        tpu.wait_dma2 semaphore(%run_scoped3A : memref<!tpu.dma_semaphore, #tpu.memory_space<semaphore_mem>>) src(%dma_wait3A_797 : memref<16x128xi32, #tpu.memory_space<hbm>>) dst(%arg7 : memref<16x128xi32, #tpu.memory_space<vmem>>)
        tpu.yield
      }) : () -> ()
      "tpu.region"() ({
        %run_scoped3A = tpu.sem_alloc : memref<!tpu.dma_semaphore, #tpu.memory_space<semaphore_mem>>
        %dma_start3A_790 = arith.constant 0 : i32
        %dma_start3A_791 = tpu.memref_slice %arg3[%add3A_23, %dma_start3A_790] : memref<25600x128xi32, #tpu.memory_space<hbm>> -> memref<16x128xi32, #tpu.memory_space<hbm>>
        %dma_start3A_792 = arith.constant 0 : i32
        %dma_start3A_793 = tpu.memref_slice %arg3[%add3A_23, %dma_start3A_792] : memref<25600x128xi32, #tpu.memory_space<hbm>> -> memref<16x128xi32, #tpu.memory_space<hbm>>
        tpu.enqueue_dma source(%dma_start3A_793 : memref<16x128xi32, #tpu.memory_space<hbm>>) target(%arg8 : memref<16x128xi32, #tpu.memory_space<vmem>>) target_semaphore(%run_scoped3A : memref<!tpu.dma_semaphore, #tpu.memory_space<semaphore_mem>>)
        %dma_wait3A_794 = arith.constant 0 : i32
        %dma_wait3A_795 = tpu.memref_slice %arg3[%add3A_23, %dma_wait3A_794] : memref<25600x128xi32, #tpu.memory_space<hbm>> -> memref<16x128xi32, #tpu.memory_space<hbm>>
        %dma_wait3A_796 = arith.constant 0 : i32
        %dma_wait3A_797 = tpu.memref_slice %arg3[%add3A_23, %dma_wait3A_796] : memref<25600x128xi32, #tpu.memory_space<hbm>> -> memref<16x128xi32, #tpu.memory_space<hbm>>
        tpu.wait_dma2 semaphore(%run_scoped3A : memref<!tpu.dma_semaphore, #tpu.memory_space<semaphore_mem>>) src(%dma_wait3A_797 : memref<16x128xi32, #tpu.memory_space<hbm>>) dst(%arg8 : memref<16x128xi32, #tpu.memory_space<vmem>>)
        tpu.yield
      }) : () -> ()
      %dma_start3A = arith.constant 0 : i32
      %dma_start3A_24 = arith.constant 0 : i32
      %dma_start3A_25 = arith.constant 0 : i32
      %dma_start3A_26 = arith.constant 0 : i32
      %dma_start3A_27 = tpu.memref_slice %arg9[%dma_start3A_24, %dma_start3A_25, %dma_start3A_26] : memref<16x128x8xf32, #tpu.memory_space<vmem>> -> memref<1x128x8xf32, #tpu.memory_space<vmem>>
      %dma_start3A_28 = tpu.memref_squeeze %dma_start3A_27 : memref<1x128x8xf32, #tpu.memory_space<vmem>> -> memref<128x8xf32, #tpu.memory_space<vmem>>
      %dma_start3A_29 = arith.constant 0 : i32
      %dma_start3A_30 = tpu.memref_slice %arg7[%dma_start3A, %dma_start3A_29] : memref<16x128xi32, #tpu.memory_space<vmem>> -> memref<1x128xi32, #tpu.memory_space<vmem>>
      %dma_start3A_31 = tpu.memref_squeeze %dma_start3A_30 : memref<1x128xi32, #tpu.memory_space<vmem>> -> memref<128xi32, #tpu.memory_space<vmem>>
      %dma_start3A_32 = arith.constant 0 : i32
      %dma_start3A_33 = arith.constant 0 : i32
      %dma_start3A_34 = tpu.memref_slice %arg4[%dma_start3A_32, %dma_start3A_33] : memref<100352x8xf32, #tpu.memory_space<hbm>> -> memref<100352x8xf32, #tpu.memory_space<hbm>>
      tpu.enqueue_indirect_dma source(%dma_start3A_34 : memref<100352x8xf32, #tpu.memory_space<hbm>>) target(%dma_start3A_28 : memref<128x8xf32, #tpu.memory_space<vmem>>) offsets(%dma_start3A_31 : memref<128xi32, #tpu.memory_space<vmem>>) semaphore(%arg11 : memref<!tpu.dma_semaphore, #tpu.memory_space<semaphore_mem>>)
      %dma_start3A_35 = arith.constant 1 : i32
      %dma_start3A_36 = arith.constant 1 : i32
      %dma_start3A_37 = arith.constant 0 : i32
      %dma_start3A_38 = arith.constant 0 : i32
      %dma_start3A_39 = tpu.memref_slice %arg9[%dma_start3A_36, %dma_start3A_37, %dma_start3A_38] : memref<16x128x8xf32, #tpu.memory_space<vmem>> -> memref<1x128x8xf32, #tpu.memory_space<vmem>>
      %dma_start3A_40 = tpu.memref_squeeze %dma_start3A_39 : memref<1x128x8xf32, #tpu.memory_space<vmem>> -> memref<128x8xf32, #tpu.memory_space<vmem>>
      %dma_start3A_41 = arith.constant 0 : i32
      %dma_start3A_42 = tpu.memref_slice %arg7[%dma_start3A_35, %dma_start3A_41] : memref<16x128xi32, #tpu.memory_space<vmem>> -> memref<1x128xi32, #tpu.memory_space<vmem>>
      %dma_start3A_43 = tpu.memref_squeeze %dma_start3A_42 : memref<1x128xi32, #tpu.memory_space<vmem>> -> memref<128xi32, #tpu.memory_space<vmem>>
      %dma_start3A_44 = arith.constant 0 : i32
      %dma_start3A_45 = arith.constant 0 : i32
      %dma_start3A_46 = tpu.memref_slice %arg4[%dma_start3A_44, %dma_start3A_45] : memref<100352x8xf32, #tpu.memory_space<hbm>> -> memref<100352x8xf32, #tpu.memory_space<hbm>>
      tpu.enqueue_indirect_dma source(%dma_start3A_46 : memref<100352x8xf32, #tpu.memory_space<hbm>>) target(%dma_start3A_40 : memref<128x8xf32, #tpu.memory_space<vmem>>) offsets(%dma_start3A_43 : memref<128xi32, #tpu.memory_space<vmem>>) semaphore(%arg11 : memref<!tpu.dma_semaphore, #tpu.memory_space<semaphore_mem>>)
      %dma_start3A_47 = arith.constant 2 : i32
      %dma_start3A_48 = arith.constant 2 : i32
      %dma_start3A_49 = arith.constant 0 : i32
      %dma_start3A_50 = arith.constant 0 : i32
      %dma_start3A_51 = tpu.memref_slice %arg9[%dma_start3A_48, %dma_start3A_49, %dma_start3A_50] : memref<16x128x8xf32, #tpu.memory_space<vmem>> -> memref<1x128x8xf32, #tpu.memory_space<vmem>>
      %dma_start3A_52 = tpu.memref_squeeze %dma_start3A_51 : memref<1x128x8xf32, #tpu.memory_space<vmem>> -> memref<128x8xf32, #tpu.memory_space<vmem>>
      %dma_start3A_53 = arith.constant 0 : i32
      %dma_start3A_54 = tpu.memref_slice %arg7[%dma_start3A_47, %dma_start3A_53] : memref<16x128xi32, #tpu.memory_space<vmem>> -> memref<1x128xi32, #tpu.memory_space<vmem>>
      %dma_start3A_55 = tpu.memref_squeeze %dma_start3A_54 : memref<1x128xi32, #tpu.memory_space<vmem>> -> memref<128xi32, #tpu.memory_space<vmem>>
      %dma_start3A_56 = arith.constant 0 : i32
      %dma_start3A_57 = arith.constant 0 : i32
      %dma_start3A_58 = tpu.memref_slice %arg4[%dma_start3A_56, %dma_start3A_57] : memref<100352x8xf32, #tpu.memory_space<hbm>> -> memref<100352x8xf32, #tpu.memory_space<hbm>>
      tpu.enqueue_indirect_dma source(%dma_start3A_58 : memref<100352x8xf32, #tpu.memory_space<hbm>>) target(%dma_start3A_52 : memref<128x8xf32, #tpu.memory_space<vmem>>) offsets(%dma_start3A_55 : memref<128xi32, #tpu.memory_space<vmem>>) semaphore(%arg11 : memref<!tpu.dma_semaphore, #tpu.memory_space<semaphore_mem>>)
      %dma_start3A_59 = arith.constant 3 : i32
      %dma_start3A_60 = arith.constant 3 : i32
      %dma_start3A_61 = arith.constant 0 : i32
      %dma_start3A_62 = arith.constant 0 : i32
      %dma_start3A_63 = tpu.memref_slice %arg9[%dma_start3A_60, %dma_start3A_61, %dma_start3A_62] : memref<16x128x8xf32, #tpu.memory_space<vmem>> -> memref<1x128x8xf32, #tpu.memory_space<vmem>>
      %dma_start3A_64 = tpu.memref_squeeze %dma_start3A_63 : memref<1x128x8xf32, #tpu.memory_space<vmem>> -> memref<128x8xf32, #tpu.memory_space<vmem>>
      %dma_start3A_65 = arith.constant 0 : i32
      %dma_start3A_66 = tpu.memref_slice %arg7[%dma_start3A_59, %dma_start3A_65] : memref<16x128xi32, #tpu.memory_space<vmem>> -> memref<1x128xi32, #tpu.memory_space<vmem>>
      %dma_start3A_67 = tpu.memref_squeeze %dma_start3A_66 : memref<1x128xi32, #tpu.memory_space<vmem>> -> memref<128xi32, #tpu.memory_space<vmem>>
      %dma_start3A_68 = arith.constant 0 : i32
      %dma_start3A_69 = arith.constant 0 : i32
      %dma_start3A_70 = tpu.memref_slice %arg4[%dma_start3A_68, %dma_start3A_69] : memref<100352x8xf32, #tpu.memory_space<hbm>> -> memref<100352x8xf32, #tpu.memory_space<hbm>>
      tpu.enqueue_indirect_dma source(%dma_start3A_70 : memref<100352x8xf32, #tpu.memory_space<hbm>>) target(%dma_start3A_64 : memref<128x8xf32, #tpu.memory_space<vmem>>) offsets(%dma_start3A_67 : memref<128xi32, #tpu.memory_space<vmem>>) semaphore(%arg11 : memref<!tpu.dma_semaphore, #tpu.memory_space<semaphore_mem>>)
      %dma_start3A_71 = arith.constant 4 : i32
      %dma_start3A_72 = arith.constant 4 : i32
      %dma_start3A_73 = arith.constant 0 : i32
      %dma_start3A_74 = arith.constant 0 : i32
      %dma_start3A_75 = tpu.memref_slice %arg9[%dma_start3A_72, %dma_start3A_73, %dma_start3A_74] : memref<16x128x8xf32, #tpu.memory_space<vmem>> -> memref<1x128x8xf32, #tpu.memory_space<vmem>>
      %dma_start3A_76 = tpu.memref_squeeze %dma_start3A_75 : memref<1x128x8xf32, #tpu.memory_space<vmem>> -> memref<128x8xf32, #tpu.memory_space<vmem>>
      %dma_start3A_77 = arith.constant 0 : i32
      %dma_start3A_78 = tpu.memref_slice %arg7[%dma_start3A_71, %dma_start3A_77] : memref<16x128xi32, #tpu.memory_space<vmem>> -> memref<1x128xi32, #tpu.memory_space<vmem>>
      %dma_start3A_79 = tpu.memref_squeeze %dma_start3A_78 : memref<1x128xi32, #tpu.memory_space<vmem>> -> memref<128xi32, #tpu.memory_space<vmem>>
      %dma_start3A_80 = arith.constant 0 : i32
      %dma_start3A_81 = arith.constant 0 : i32
      %dma_start3A_82 = tpu.memref_slice %arg4[%dma_start3A_80, %dma_start3A_81] : memref<100352x8xf32, #tpu.memory_space<hbm>> -> memref<100352x8xf32, #tpu.memory_space<hbm>>
      tpu.enqueue_indirect_dma source(%dma_start3A_82 : memref<100352x8xf32, #tpu.memory_space<hbm>>) target(%dma_start3A_76 : memref<128x8xf32, #tpu.memory_space<vmem>>) offsets(%dma_start3A_79 : memref<128xi32, #tpu.memory_space<vmem>>) semaphore(%arg11 : memref<!tpu.dma_semaphore, #tpu.memory_space<semaphore_mem>>)
      %dma_start3A_83 = arith.constant 5 : i32
      %dma_start3A_84 = arith.constant 5 : i32
      %dma_start3A_85 = arith.constant 0 : i32
      %dma_start3A_86 = arith.constant 0 : i32
      %dma_start3A_87 = tpu.memref_slice %arg9[%dma_start3A_84, %dma_start3A_85, %dma_start3A_86] : memref<16x128x8xf32, #tpu.memory_space<vmem>> -> memref<1x128x8xf32, #tpu.memory_space<vmem>>
      %dma_start3A_88 = tpu.memref_squeeze %dma_start3A_87 : memref<1x128x8xf32, #tpu.memory_space<vmem>> -> memref<128x8xf32, #tpu.memory_space<vmem>>
      %dma_start3A_89 = arith.constant 0 : i32
      %dma_start3A_90 = tpu.memref_slice %arg7[%dma_start3A_83, %dma_start3A_89] : memref<16x128xi32, #tpu.memory_space<vmem>> -> memref<1x128xi32, #tpu.memory_space<vmem>>
      %dma_start3A_91 = tpu.memref_squeeze %dma_start3A_90 : memref<1x128xi32, #tpu.memory_space<vmem>> -> memref<128xi32, #tpu.memory_space<vmem>>
      %dma_start3A_92 = arith.constant 0 : i32
      %dma_start3A_93 = arith.constant 0 : i32
      %dma_start3A_94 = tpu.memref_slice %arg4[%dma_start3A_92, %dma_start3A_93] : memref<100352x8xf32, #tpu.memory_space<hbm>> -> memref<100352x8xf32, #tpu.memory_space<hbm>>
      tpu.enqueue_indirect_dma source(%dma_start3A_94 : memref<100352x8xf32, #tpu.memory_space<hbm>>) target(%dma_start3A_88 : memref<128x8xf32, #tpu.memory_space<vmem>>) offsets(%dma_start3A_91 : memref<128xi32, #tpu.memory_space<vmem>>) semaphore(%arg11 : memref<!tpu.dma_semaphore, #tpu.memory_space<semaphore_mem>>)
      %dma_start3A_95 = arith.constant 6 : i32
      %dma_start3A_96 = arith.constant 6 : i32
      %dma_start3A_97 = arith.constant 0 : i32
      %dma_start3A_98 = arith.constant 0 : i32
      %dma_start3A_99 = tpu.memref_slice %arg9[%dma_start3A_96, %dma_start3A_97, %dma_start3A_98] : memref<16x128x8xf32, #tpu.memory_space<vmem>> -> memref<1x128x8xf32, #tpu.memory_space<vmem>>
      %dma_start3A_100 = tpu.memref_squeeze %dma_start3A_99 : memref<1x128x8xf32, #tpu.memory_space<vmem>> -> memref<128x8xf32, #tpu.memory_space<vmem>>
      %dma_start3A_101 = arith.constant 0 : i32
      %dma_start3A_102 = tpu.memref_slice %arg7[%dma_start3A_95, %dma_start3A_101] : memref<16x128xi32, #tpu.memory_space<vmem>> -> memref<1x128xi32, #tpu.memory_space<vmem>>
      %dma_start3A_103 = tpu.memref_squeeze %dma_start3A_102 : memref<1x128xi32, #tpu.memory_space<vmem>> -> memref<128xi32, #tpu.memory_space<vmem>>
      %dma_start3A_104 = arith.constant 0 : i32
      %dma_start3A_105 = arith.constant 0 : i32
      %dma_start3A_106 = tpu.memref_slice %arg4[%dma_start3A_104, %dma_start3A_105] : memref<100352x8xf32, #tpu.memory_space<hbm>> -> memref<100352x8xf32, #tpu.memory_space<hbm>>
      tpu.enqueue_indirect_dma source(%dma_start3A_106 : memref<100352x8xf32, #tpu.memory_space<hbm>>) target(%dma_start3A_100 : memref<128x8xf32, #tpu.memory_space<vmem>>) offsets(%dma_start3A_103 : memref<128xi32, #tpu.memory_space<vmem>>) semaphore(%arg11 : memref<!tpu.dma_semaphore, #tpu.memory_space<semaphore_mem>>)
      %dma_start3A_107 = arith.constant 7 : i32
      %dma_start3A_108 = arith.constant 7 : i32
      %dma_start3A_109 = arith.constant 0 : i32
      %dma_start3A_110 = arith.constant 0 : i32
      %dma_start3A_111 = tpu.memref_slice %arg9[%dma_start3A_108, %dma_start3A_109, %dma_start3A_110] : memref<16x128x8xf32, #tpu.memory_space<vmem>> -> memref<1x128x8xf32, #tpu.memory_space<vmem>>
      %dma_start3A_112 = tpu.memref_squeeze %dma_start3A_111 : memref<1x128x8xf32, #tpu.memory_space<vmem>> -> memref<128x8xf32, #tpu.memory_space<vmem>>
      %dma_start3A_113 = arith.constant 0 : i32
      %dma_start3A_114 = tpu.memref_slice %arg7[%dma_start3A_107, %dma_start3A_113] : memref<16x128xi32, #tpu.memory_space<vmem>> -> memref<1x128xi32, #tpu.memory_space<vmem>>
      %dma_start3A_115 = tpu.memref_squeeze %dma_start3A_114 : memref<1x128xi32, #tpu.memory_space<vmem>> -> memref<128xi32, #tpu.memory_space<vmem>>
      %dma_start3A_116 = arith.constant 0 : i32
      %dma_start3A_117 = arith.constant 0 : i32
      %dma_start3A_118 = tpu.memref_slice %arg4[%dma_start3A_116, %dma_start3A_117] : memref<100352x8xf32, #tpu.memory_space<hbm>> -> memref<100352x8xf32, #tpu.memory_space<hbm>>
      tpu.enqueue_indirect_dma source(%dma_start3A_118 : memref<100352x8xf32, #tpu.memory_space<hbm>>) target(%dma_start3A_112 : memref<128x8xf32, #tpu.memory_space<vmem>>) offsets(%dma_start3A_115 : memref<128xi32, #tpu.memory_space<vmem>>) semaphore(%arg11 : memref<!tpu.dma_semaphore, #tpu.memory_space<semaphore_mem>>)
      %dma_start3A_119 = arith.constant 8 : i32
      %dma_start3A_120 = arith.constant 8 : i32
      %dma_start3A_121 = arith.constant 0 : i32
      %dma_start3A_122 = arith.constant 0 : i32
      %dma_start3A_123 = tpu.memref_slice %arg9[%dma_start3A_120, %dma_start3A_121, %dma_start3A_122] : memref<16x128x8xf32, #tpu.memory_space<vmem>> -> memref<1x128x8xf32, #tpu.memory_space<vmem>>
      %dma_start3A_124 = tpu.memref_squeeze %dma_start3A_123 : memref<1x128x8xf32, #tpu.memory_space<vmem>> -> memref<128x8xf32, #tpu.memory_space<vmem>>
      %dma_start3A_125 = arith.constant 0 : i32
      %dma_start3A_126 = tpu.memref_slice %arg7[%dma_start3A_119, %dma_start3A_125] : memref<16x128xi32, #tpu.memory_space<vmem>> -> memref<1x128xi32, #tpu.memory_space<vmem>>
      %dma_start3A_127 = tpu.memref_squeeze %dma_start3A_126 : memref<1x128xi32, #tpu.memory_space<vmem>> -> memref<128xi32, #tpu.memory_space<vmem>>
      %dma_start3A_128 = arith.constant 0 : i32
      %dma_start3A_129 = arith.constant 0 : i32
      %dma_start3A_130 = tpu.memref_slice %arg4[%dma_start3A_128, %dma_start3A_129] : memref<100352x8xf32, #tpu.memory_space<hbm>> -> memref<100352x8xf32, #tpu.memory_space<hbm>>
      tpu.enqueue_indirect_dma source(%dma_start3A_130 : memref<100352x8xf32, #tpu.memory_space<hbm>>) target(%dma_start3A_124 : memref<128x8xf32, #tpu.memory_space<vmem>>) offsets(%dma_start3A_127 : memref<128xi32, #tpu.memory_space<vmem>>) semaphore(%arg11 : memref<!tpu.dma_semaphore, #tpu.memory_space<semaphore_mem>>)
      %dma_start3A_131 = arith.constant 9 : i32
      %dma_start3A_132 = arith.constant 9 : i32
      %dma_start3A_133 = arith.constant 0 : i32
      %dma_start3A_134 = arith.constant 0 : i32
      %dma_start3A_135 = tpu.memref_slice %arg9[%dma_start3A_132, %dma_start3A_133, %dma_start3A_134] : memref<16x128x8xf32, #tpu.memory_space<vmem>> -> memref<1x128x8xf32, #tpu.memory_space<vmem>>
      %dma_start3A_136 = tpu.memref_squeeze %dma_start3A_135 : memref<1x128x8xf32, #tpu.memory_space<vmem>> -> memref<128x8xf32, #tpu.memory_space<vmem>>
      %dma_start3A_137 = arith.constant 0 : i32
      %dma_start3A_138 = tpu.memref_slice %arg7[%dma_start3A_131, %dma_start3A_137] : memref<16x128xi32, #tpu.memory_space<vmem>> -> memref<1x128xi32, #tpu.memory_space<vmem>>
      %dma_start3A_139 = tpu.memref_squeeze %dma_start3A_138 : memref<1x128xi32, #tpu.memory_space<vmem>> -> memref<128xi32, #tpu.memory_space<vmem>>
      %dma_start3A_140 = arith.constant 0 : i32
      %dma_start3A_141 = arith.constant 0 : i32
      %dma_start3A_142 = tpu.memref_slice %arg4[%dma_start3A_140, %dma_start3A_141] : memref<100352x8xf32, #tpu.memory_space<hbm>> -> memref<100352x8xf32, #tpu.memory_space<hbm>>
      tpu.enqueue_indirect_dma source(%dma_start3A_142 : memref<100352x8xf32, #tpu.memory_space<hbm>>) target(%dma_start3A_136 : memref<128x8xf32, #tpu.memory_space<vmem>>) offsets(%dma_start3A_139 : memref<128xi32, #tpu.memory_space<vmem>>) semaphore(%arg11 : memref<!tpu.dma_semaphore, #tpu.memory_space<semaphore_mem>>)
      %dma_start3A_143 = arith.constant 10 : i32
      %dma_start3A_144 = arith.constant 10 : i32
      %dma_start3A_145 = arith.constant 0 : i32
      %dma_start3A_146 = arith.constant 0 : i32
      %dma_start3A_147 = tpu.memref_slice %arg9[%dma_start3A_144, %dma_start3A_145, %dma_start3A_146] : memref<16x128x8xf32, #tpu.memory_space<vmem>> -> memref<1x128x8xf32, #tpu.memory_space<vmem>>
      %dma_start3A_148 = tpu.memref_squeeze %dma_start3A_147 : memref<1x128x8xf32, #tpu.memory_space<vmem>> -> memref<128x8xf32, #tpu.memory_space<vmem>>
      %dma_start3A_149 = arith.constant 0 : i32
      %dma_start3A_150 = tpu.memref_slice %arg7[%dma_start3A_143, %dma_start3A_149] : memref<16x128xi32, #tpu.memory_space<vmem>> -> memref<1x128xi32, #tpu.memory_space<vmem>>
      %dma_start3A_151 = tpu.memref_squeeze %dma_start3A_150 : memref<1x128xi32, #tpu.memory_space<vmem>> -> memref<128xi32, #tpu.memory_space<vmem>>
      %dma_start3A_152 = arith.constant 0 : i32
      %dma_start3A_153 = arith.constant 0 : i32
      %dma_start3A_154 = tpu.memref_slice %arg4[%dma_start3A_152, %dma_start3A_153] : memref<100352x8xf32, #tpu.memory_space<hbm>> -> memref<100352x8xf32, #tpu.memory_space<hbm>>
      tpu.enqueue_indirect_dma source(%dma_start3A_154 : memref<100352x8xf32, #tpu.memory_space<hbm>>) target(%dma_start3A_148 : memref<128x8xf32, #tpu.memory_space<vmem>>) offsets(%dma_start3A_151 : memref<128xi32, #tpu.memory_space<vmem>>) semaphore(%arg11 : memref<!tpu.dma_semaphore, #tpu.memory_space<semaphore_mem>>)
      %dma_start3A_155 = arith.constant 11 : i32
      %dma_start3A_156 = arith.constant 11 : i32
      %dma_start3A_157 = arith.constant 0 : i32
      %dma_start3A_158 = arith.constant 0 : i32
      %dma_start3A_159 = tpu.memref_slice %arg9[%dma_start3A_156, %dma_start3A_157, %dma_start3A_158] : memref<16x128x8xf32, #tpu.memory_space<vmem>> -> memref<1x128x8xf32, #tpu.memory_space<vmem>>
      %dma_start3A_160 = tpu.memref_squeeze %dma_start3A_159 : memref<1x128x8xf32, #tpu.memory_space<vmem>> -> memref<128x8xf32, #tpu.memory_space<vmem>>
      %dma_start3A_161 = arith.constant 0 : i32
      %dma_start3A_162 = tpu.memref_slice %arg7[%dma_start3A_155, %dma_start3A_161] : memref<16x128xi32, #tpu.memory_space<vmem>> -> memref<1x128xi32, #tpu.memory_space<vmem>>
      %dma_start3A_163 = tpu.memref_squeeze %dma_start3A_162 : memref<1x128xi32, #tpu.memory_space<vmem>> -> memref<128xi32, #tpu.memory_space<vmem>>
      %dma_start3A_164 = arith.constant 0 : i32
      %dma_start3A_165 = arith.constant 0 : i32
      %dma_start3A_166 = tpu.memref_slice %arg4[%dma_start3A_164, %dma_start3A_165] : memref<100352x8xf32, #tpu.memory_space<hbm>> -> memref<100352x8xf32, #tpu.memory_space<hbm>>
      tpu.enqueue_indirect_dma source(%dma_start3A_166 : memref<100352x8xf32, #tpu.memory_space<hbm>>) target(%dma_start3A_160 : memref<128x8xf32, #tpu.memory_space<vmem>>) offsets(%dma_start3A_163 : memref<128xi32, #tpu.memory_space<vmem>>) semaphore(%arg11 : memref<!tpu.dma_semaphore, #tpu.memory_space<semaphore_mem>>)
      %dma_start3A_167 = arith.constant 12 : i32
      %dma_start3A_168 = arith.constant 12 : i32
      %dma_start3A_169 = arith.constant 0 : i32
      %dma_start3A_170 = arith.constant 0 : i32
      %dma_start3A_171 = tpu.memref_slice %arg9[%dma_start3A_168, %dma_start3A_169, %dma_start3A_170] : memref<16x128x8xf32, #tpu.memory_space<vmem>> -> memref<1x128x8xf32, #tpu.memory_space<vmem>>
      %dma_start3A_172 = tpu.memref_squeeze %dma_start3A_171 : memref<1x128x8xf32, #tpu.memory_space<vmem>> -> memref<128x8xf32, #tpu.memory_space<vmem>>
      %dma_start3A_173 = arith.constant 0 : i32
      %dma_start3A_174 = tpu.memref_slice %arg7[%dma_start3A_167, %dma_start3A_173] : memref<16x128xi32, #tpu.memory_space<vmem>> -> memref<1x128xi32, #tpu.memory_space<vmem>>
      %dma_start3A_175 = tpu.memref_squeeze %dma_start3A_174 : memref<1x128xi32, #tpu.memory_space<vmem>> -> memref<128xi32, #tpu.memory_space<vmem>>
      %dma_start3A_176 = arith.constant 0 : i32
      %dma_start3A_177 = arith.constant 0 : i32
      %dma_start3A_178 = tpu.memref_slice %arg4[%dma_start3A_176, %dma_start3A_177] : memref<100352x8xf32, #tpu.memory_space<hbm>> -> memref<100352x8xf32, #tpu.memory_space<hbm>>
      tpu.enqueue_indirect_dma source(%dma_start3A_178 : memref<100352x8xf32, #tpu.memory_space<hbm>>) target(%dma_start3A_172 : memref<128x8xf32, #tpu.memory_space<vmem>>) offsets(%dma_start3A_175 : memref<128xi32, #tpu.memory_space<vmem>>) semaphore(%arg11 : memref<!tpu.dma_semaphore, #tpu.memory_space<semaphore_mem>>)
      %dma_start3A_179 = arith.constant 13 : i32
      %dma_start3A_180 = arith.constant 13 : i32
      %dma_start3A_181 = arith.constant 0 : i32
      %dma_start3A_182 = arith.constant 0 : i32
      %dma_start3A_183 = tpu.memref_slice %arg9[%dma_start3A_180, %dma_start3A_181, %dma_start3A_182] : memref<16x128x8xf32, #tpu.memory_space<vmem>> -> memref<1x128x8xf32, #tpu.memory_space<vmem>>
      %dma_start3A_184 = tpu.memref_squeeze %dma_start3A_183 : memref<1x128x8xf32, #tpu.memory_space<vmem>> -> memref<128x8xf32, #tpu.memory_space<vmem>>
      %dma_start3A_185 = arith.constant 0 : i32
      %dma_start3A_186 = tpu.memref_slice %arg7[%dma_start3A_179, %dma_start3A_185] : memref<16x128xi32, #tpu.memory_space<vmem>> -> memref<1x128xi32, #tpu.memory_space<vmem>>
      %dma_start3A_187 = tpu.memref_squeeze %dma_start3A_186 : memref<1x128xi32, #tpu.memory_space<vmem>> -> memref<128xi32, #tpu.memory_space<vmem>>
      %dma_start3A_188 = arith.constant 0 : i32
      %dma_start3A_189 = arith.constant 0 : i32
      %dma_start3A_190 = tpu.memref_slice %arg4[%dma_start3A_188, %dma_start3A_189] : memref<100352x8xf32, #tpu.memory_space<hbm>> -> memref<100352x8xf32, #tpu.memory_space<hbm>>
      tpu.enqueue_indirect_dma source(%dma_start3A_190 : memref<100352x8xf32, #tpu.memory_space<hbm>>) target(%dma_start3A_184 : memref<128x8xf32, #tpu.memory_space<vmem>>) offsets(%dma_start3A_187 : memref<128xi32, #tpu.memory_space<vmem>>) semaphore(%arg11 : memref<!tpu.dma_semaphore, #tpu.memory_space<semaphore_mem>>)
      %dma_start3A_191 = arith.constant 14 : i32
      %dma_start3A_192 = arith.constant 14 : i32
      %dma_start3A_193 = arith.constant 0 : i32
      %dma_start3A_194 = arith.constant 0 : i32
      %dma_start3A_195 = tpu.memref_slice %arg9[%dma_start3A_192, %dma_start3A_193, %dma_start3A_194] : memref<16x128x8xf32, #tpu.memory_space<vmem>> -> memref<1x128x8xf32, #tpu.memory_space<vmem>>
      %dma_start3A_196 = tpu.memref_squeeze %dma_start3A_195 : memref<1x128x8xf32, #tpu.memory_space<vmem>> -> memref<128x8xf32, #tpu.memory_space<vmem>>
      %dma_start3A_197 = arith.constant 0 : i32
      %dma_start3A_198 = tpu.memref_slice %arg7[%dma_start3A_191, %dma_start3A_197] : memref<16x128xi32, #tpu.memory_space<vmem>> -> memref<1x128xi32, #tpu.memory_space<vmem>>
      %dma_start3A_199 = tpu.memref_squeeze %dma_start3A_198 : memref<1x128xi32, #tpu.memory_space<vmem>> -> memref<128xi32, #tpu.memory_space<vmem>>
      %dma_start3A_200 = arith.constant 0 : i32
      %dma_start3A_201 = arith.constant 0 : i32
      %dma_start3A_202 = tpu.memref_slice %arg4[%dma_start3A_200, %dma_start3A_201] : memref<100352x8xf32, #tpu.memory_space<hbm>> -> memref<100352x8xf32, #tpu.memory_space<hbm>>
      tpu.enqueue_indirect_dma source(%dma_start3A_202 : memref<100352x8xf32, #tpu.memory_space<hbm>>) target(%dma_start3A_196 : memref<128x8xf32, #tpu.memory_space<vmem>>) offsets(%dma_start3A_199 : memref<128xi32, #tpu.memory_space<vmem>>) semaphore(%arg11 : memref<!tpu.dma_semaphore, #tpu.memory_space<semaphore_mem>>)
      %dma_start3A_203 = arith.constant 15 : i32
      %dma_start3A_204 = arith.constant 15 : i32
      %dma_start3A_205 = arith.constant 0 : i32
      %dma_start3A_206 = arith.constant 0 : i32
      %dma_start3A_207 = tpu.memref_slice %arg9[%dma_start3A_204, %dma_start3A_205, %dma_start3A_206] : memref<16x128x8xf32, #tpu.memory_space<vmem>> -> memref<1x128x8xf32, #tpu.memory_space<vmem>>
      %dma_start3A_208 = tpu.memref_squeeze %dma_start3A_207 : memref<1x128x8xf32, #tpu.memory_space<vmem>> -> memref<128x8xf32, #tpu.memory_space<vmem>>
      %dma_start3A_209 = arith.constant 0 : i32
      %dma_start3A_210 = tpu.memref_slice %arg7[%dma_start3A_203, %dma_start3A_209] : memref<16x128xi32, #tpu.memory_space<vmem>> -> memref<1x128xi32, #tpu.memory_space<vmem>>
      %dma_start3A_211 = tpu.memref_squeeze %dma_start3A_210 : memref<1x128xi32, #tpu.memory_space<vmem>> -> memref<128xi32, #tpu.memory_space<vmem>>
      %dma_start3A_212 = arith.constant 0 : i32
      %dma_start3A_213 = arith.constant 0 : i32
      %dma_start3A_214 = tpu.memref_slice %arg4[%dma_start3A_212, %dma_start3A_213] : memref<100352x8xf32, #tpu.memory_space<hbm>> -> memref<100352x8xf32, #tpu.memory_space<hbm>>
      tpu.enqueue_indirect_dma source(%dma_start3A_214 : memref<100352x8xf32, #tpu.memory_space<hbm>>) target(%dma_start3A_208 : memref<128x8xf32, #tpu.memory_space<vmem>>) offsets(%dma_start3A_211 : memref<128xi32, #tpu.memory_space<vmem>>) semaphore(%arg11 : memref<!tpu.dma_semaphore, #tpu.memory_space<semaphore_mem>>)
      %dma_wait3A = arith.constant 0 : i32
      %dma_wait3A_215 = arith.constant 0 : i32
      %dma_wait3A_216 = arith.constant 0 : i32
      %dma_wait3A_217 = arith.constant 0 : i32
      %dma_wait3A_218 = tpu.memref_slice %arg9[%dma_wait3A_215, %dma_wait3A_216, %dma_wait3A_217] : memref<16x128x8xf32, #tpu.memory_space<vmem>> -> memref<1x128x8xf32, #tpu.memory_space<vmem>>
      %dma_wait3A_219 = tpu.memref_squeeze %dma_wait3A_218 : memref<1x128x8xf32, #tpu.memory_space<vmem>> -> memref<128x8xf32, #tpu.memory_space<vmem>>
      %dma_wait3A_220 = arith.constant 0 : i32
      %dma_wait3A_221 = tpu.memref_slice %arg7[%dma_wait3A, %dma_wait3A_220] : memref<16x128xi32, #tpu.memory_space<vmem>> -> memref<1x128xi32, #tpu.memory_space<vmem>>
      %dma_wait3A_222 = tpu.memref_squeeze %dma_wait3A_221 : memref<1x128xi32, #tpu.memory_space<vmem>> -> memref<128xi32, #tpu.memory_space<vmem>>
      %dma_wait3A_223 = arith.constant 0 : i32
      %dma_wait3A_224 = arith.constant 0 : i32
      %dma_wait3A_225 = tpu.memref_slice %arg4[%dma_wait3A_223, %dma_wait3A_224] : memref<100352x8xf32, #tpu.memory_space<hbm>> -> memref<100352x8xf32, #tpu.memory_space<hbm>>
      tpu.wait_indirect_dma semaphore(%arg11 : memref<!tpu.dma_semaphore, #tpu.memory_space<semaphore_mem>>) src(%dma_wait3A_225 : memref<100352x8xf32, #tpu.memory_space<hbm>>) dst(%dma_wait3A_219 : memref<128x8xf32, #tpu.memory_space<vmem>>)
      %dma_wait3A_226 = arith.constant 1 : i32
      %dma_wait3A_227 = arith.constant 1 : i32
      %dma_wait3A_228 = arith.constant 0 : i32
      %dma_wait3A_229 = arith.constant 0 : i32
      %dma_wait3A_230 = tpu.memref_slice %arg9[%dma_wait3A_227, %dma_wait3A_228, %dma_wait3A_229] : memref<16x128x8xf32, #tpu.memory_space<vmem>> -> memref<1x128x8xf32, #tpu.memory_space<vmem>>
      %dma_wait3A_231 = tpu.memref_squeeze %dma_wait3A_230 : memref<1x128x8xf32, #tpu.memory_space<vmem>> -> memref<128x8xf32, #tpu.memory_space<vmem>>
      %dma_wait3A_232 = arith.constant 0 : i32
      %dma_wait3A_233 = tpu.memref_slice %arg7[%dma_wait3A_226, %dma_wait3A_232] : memref<16x128xi32, #tpu.memory_space<vmem>> -> memref<1x128xi32, #tpu.memory_space<vmem>>
      %dma_wait3A_234 = tpu.memref_squeeze %dma_wait3A_233 : memref<1x128xi32, #tpu.memory_space<vmem>> -> memref<128xi32, #tpu.memory_space<vmem>>
      %dma_wait3A_235 = arith.constant 0 : i32
      %dma_wait3A_236 = arith.constant 0 : i32
      %dma_wait3A_237 = tpu.memref_slice %arg4[%dma_wait3A_235, %dma_wait3A_236] : memref<100352x8xf32, #tpu.memory_space<hbm>> -> memref<100352x8xf32, #tpu.memory_space<hbm>>
      tpu.wait_indirect_dma semaphore(%arg11 : memref<!tpu.dma_semaphore, #tpu.memory_space<semaphore_mem>>) src(%dma_wait3A_237 : memref<100352x8xf32, #tpu.memory_space<hbm>>) dst(%dma_wait3A_231 : memref<128x8xf32, #tpu.memory_space<vmem>>)
      %dma_wait3A_238 = arith.constant 2 : i32
      %dma_wait3A_239 = arith.constant 2 : i32
      %dma_wait3A_240 = arith.constant 0 : i32
      %dma_wait3A_241 = arith.constant 0 : i32
      %dma_wait3A_242 = tpu.memref_slice %arg9[%dma_wait3A_239, %dma_wait3A_240, %dma_wait3A_241] : memref<16x128x8xf32, #tpu.memory_space<vmem>> -> memref<1x128x8xf32, #tpu.memory_space<vmem>>
      %dma_wait3A_243 = tpu.memref_squeeze %dma_wait3A_242 : memref<1x128x8xf32, #tpu.memory_space<vmem>> -> memref<128x8xf32, #tpu.memory_space<vmem>>
      %dma_wait3A_244 = arith.constant 0 : i32
      %dma_wait3A_245 = tpu.memref_slice %arg7[%dma_wait3A_238, %dma_wait3A_244] : memref<16x128xi32, #tpu.memory_space<vmem>> -> memref<1x128xi32, #tpu.memory_space<vmem>>
      %dma_wait3A_246 = tpu.memref_squeeze %dma_wait3A_245 : memref<1x128xi32, #tpu.memory_space<vmem>> -> memref<128xi32, #tpu.memory_space<vmem>>
      %dma_wait3A_247 = arith.constant 0 : i32
      %dma_wait3A_248 = arith.constant 0 : i32
      %dma_wait3A_249 = tpu.memref_slice %arg4[%dma_wait3A_247, %dma_wait3A_248] : memref<100352x8xf32, #tpu.memory_space<hbm>> -> memref<100352x8xf32, #tpu.memory_space<hbm>>
      tpu.wait_indirect_dma semaphore(%arg11 : memref<!tpu.dma_semaphore, #tpu.memory_space<semaphore_mem>>) src(%dma_wait3A_249 : memref<100352x8xf32, #tpu.memory_space<hbm>>) dst(%dma_wait3A_243 : memref<128x8xf32, #tpu.memory_space<vmem>>)
      %dma_wait3A_250 = arith.constant 3 : i32
      %dma_wait3A_251 = arith.constant 3 : i32
      %dma_wait3A_252 = arith.constant 0 : i32
      %dma_wait3A_253 = arith.constant 0 : i32
      %dma_wait3A_254 = tpu.memref_slice %arg9[%dma_wait3A_251, %dma_wait3A_252, %dma_wait3A_253] : memref<16x128x8xf32, #tpu.memory_space<vmem>> -> memref<1x128x8xf32, #tpu.memory_space<vmem>>
      %dma_wait3A_255 = tpu.memref_squeeze %dma_wait3A_254 : memref<1x128x8xf32, #tpu.memory_space<vmem>> -> memref<128x8xf32, #tpu.memory_space<vmem>>
      %dma_wait3A_256 = arith.constant 0 : i32
      %dma_wait3A_257 = tpu.memref_slice %arg7[%dma_wait3A_250, %dma_wait3A_256] : memref<16x128xi32, #tpu.memory_space<vmem>> -> memref<1x128xi32, #tpu.memory_space<vmem>>
      %dma_wait3A_258 = tpu.memref_squeeze %dma_wait3A_257 : memref<1x128xi32, #tpu.memory_space<vmem>> -> memref<128xi32, #tpu.memory_space<vmem>>
      %dma_wait3A_259 = arith.constant 0 : i32
      %dma_wait3A_260 = arith.constant 0 : i32
      %dma_wait3A_261 = tpu.memref_slice %arg4[%dma_wait3A_259, %dma_wait3A_260] : memref<100352x8xf32, #tpu.memory_space<hbm>> -> memref<100352x8xf32, #tpu.memory_space<hbm>>
      tpu.wait_indirect_dma semaphore(%arg11 : memref<!tpu.dma_semaphore, #tpu.memory_space<semaphore_mem>>) src(%dma_wait3A_261 : memref<100352x8xf32, #tpu.memory_space<hbm>>) dst(%dma_wait3A_255 : memref<128x8xf32, #tpu.memory_space<vmem>>)
      %dma_wait3A_262 = arith.constant 4 : i32
      %dma_wait3A_263 = arith.constant 4 : i32
      %dma_wait3A_264 = arith.constant 0 : i32
      %dma_wait3A_265 = arith.constant 0 : i32
      %dma_wait3A_266 = tpu.memref_slice %arg9[%dma_wait3A_263, %dma_wait3A_264, %dma_wait3A_265] : memref<16x128x8xf32, #tpu.memory_space<vmem>> -> memref<1x128x8xf32, #tpu.memory_space<vmem>>
      %dma_wait3A_267 = tpu.memref_squeeze %dma_wait3A_266 : memref<1x128x8xf32, #tpu.memory_space<vmem>> -> memref<128x8xf32, #tpu.memory_space<vmem>>
      %dma_wait3A_268 = arith.constant 0 : i32
      %dma_wait3A_269 = tpu.memref_slice %arg7[%dma_wait3A_262, %dma_wait3A_268] : memref<16x128xi32, #tpu.memory_space<vmem>> -> memref<1x128xi32, #tpu.memory_space<vmem>>
      %dma_wait3A_270 = tpu.memref_squeeze %dma_wait3A_269 : memref<1x128xi32, #tpu.memory_space<vmem>> -> memref<128xi32, #tpu.memory_space<vmem>>
      %dma_wait3A_271 = arith.constant 0 : i32
      %dma_wait3A_272 = arith.constant 0 : i32
      %dma_wait3A_273 = tpu.memref_slice %arg4[%dma_wait3A_271, %dma_wait3A_272] : memref<100352x8xf32, #tpu.memory_space<hbm>> -> memref<100352x8xf32, #tpu.memory_space<hbm>>
      tpu.wait_indirect_dma semaphore(%arg11 : memref<!tpu.dma_semaphore, #tpu.memory_space<semaphore_mem>>) src(%dma_wait3A_273 : memref<100352x8xf32, #tpu.memory_space<hbm>>) dst(%dma_wait3A_267 : memref<128x8xf32, #tpu.memory_space<vmem>>)
      %dma_wait3A_274 = arith.constant 5 : i32
      %dma_wait3A_275 = arith.constant 5 : i32
      %dma_wait3A_276 = arith.constant 0 : i32
      %dma_wait3A_277 = arith.constant 0 : i32
      %dma_wait3A_278 = tpu.memref_slice %arg9[%dma_wait3A_275, %dma_wait3A_276, %dma_wait3A_277] : memref<16x128x8xf32, #tpu.memory_space<vmem>> -> memref<1x128x8xf32, #tpu.memory_space<vmem>>
      %dma_wait3A_279 = tpu.memref_squeeze %dma_wait3A_278 : memref<1x128x8xf32, #tpu.memory_space<vmem>> -> memref<128x8xf32, #tpu.memory_space<vmem>>
      %dma_wait3A_280 = arith.constant 0 : i32
      %dma_wait3A_281 = tpu.memref_slice %arg7[%dma_wait3A_274, %dma_wait3A_280] : memref<16x128xi32, #tpu.memory_space<vmem>> -> memref<1x128xi32, #tpu.memory_space<vmem>>
      %dma_wait3A_282 = tpu.memref_squeeze %dma_wait3A_281 : memref<1x128xi32, #tpu.memory_space<vmem>> -> memref<128xi32, #tpu.memory_space<vmem>>
      %dma_wait3A_283 = arith.constant 0 : i32
      %dma_wait3A_284 = arith.constant 0 : i32
      %dma_wait3A_285 = tpu.memref_slice %arg4[%dma_wait3A_283, %dma_wait3A_284] : memref<100352x8xf32, #tpu.memory_space<hbm>> -> memref<100352x8xf32, #tpu.memory_space<hbm>>
      tpu.wait_indirect_dma semaphore(%arg11 : memref<!tpu.dma_semaphore, #tpu.memory_space<semaphore_mem>>) src(%dma_wait3A_285 : memref<100352x8xf32, #tpu.memory_space<hbm>>) dst(%dma_wait3A_279 : memref<128x8xf32, #tpu.memory_space<vmem>>)
      %dma_wait3A_286 = arith.constant 6 : i32
      %dma_wait3A_287 = arith.constant 6 : i32
      %dma_wait3A_288 = arith.constant 0 : i32
      %dma_wait3A_289 = arith.constant 0 : i32
      %dma_wait3A_290 = tpu.memref_slice %arg9[%dma_wait3A_287, %dma_wait3A_288, %dma_wait3A_289] : memref<16x128x8xf32, #tpu.memory_space<vmem>> -> memref<1x128x8xf32, #tpu.memory_space<vmem>>
      %dma_wait3A_291 = tpu.memref_squeeze %dma_wait3A_290 : memref<1x128x8xf32, #tpu.memory_space<vmem>> -> memref<128x8xf32, #tpu.memory_space<vmem>>
      %dma_wait3A_292 = arith.constant 0 : i32
      %dma_wait3A_293 = tpu.memref_slice %arg7[%dma_wait3A_286, %dma_wait3A_292] : memref<16x128xi32, #tpu.memory_space<vmem>> -> memref<1x128xi32, #tpu.memory_space<vmem>>
      %dma_wait3A_294 = tpu.memref_squeeze %dma_wait3A_293 : memref<1x128xi32, #tpu.memory_space<vmem>> -> memref<128xi32, #tpu.memory_space<vmem>>
      %dma_wait3A_295 = arith.constant 0 : i32
      %dma_wait3A_296 = arith.constant 0 : i32
      %dma_wait3A_297 = tpu.memref_slice %arg4[%dma_wait3A_295, %dma_wait3A_296] : memref<100352x8xf32, #tpu.memory_space<hbm>> -> memref<100352x8xf32, #tpu.memory_space<hbm>>
      tpu.wait_indirect_dma semaphore(%arg11 : memref<!tpu.dma_semaphore, #tpu.memory_space<semaphore_mem>>) src(%dma_wait3A_297 : memref<100352x8xf32, #tpu.memory_space<hbm>>) dst(%dma_wait3A_291 : memref<128x8xf32, #tpu.memory_space<vmem>>)
      %dma_wait3A_298 = arith.constant 7 : i32
      %dma_wait3A_299 = arith.constant 7 : i32
      %dma_wait3A_300 = arith.constant 0 : i32
      %dma_wait3A_301 = arith.constant 0 : i32
      %dma_wait3A_302 = tpu.memref_slice %arg9[%dma_wait3A_299, %dma_wait3A_300, %dma_wait3A_301] : memref<16x128x8xf32, #tpu.memory_space<vmem>> -> memref<1x128x8xf32, #tpu.memory_space<vmem>>
      %dma_wait3A_303 = tpu.memref_squeeze %dma_wait3A_302 : memref<1x128x8xf32, #tpu.memory_space<vmem>> -> memref<128x8xf32, #tpu.memory_space<vmem>>
      %dma_wait3A_304 = arith.constant 0 : i32
      %dma_wait3A_305 = tpu.memref_slice %arg7[%dma_wait3A_298, %dma_wait3A_304] : memref<16x128xi32, #tpu.memory_space<vmem>> -> memref<1x128xi32, #tpu.memory_space<vmem>>
      %dma_wait3A_306 = tpu.memref_squeeze %dma_wait3A_305 : memref<1x128xi32, #tpu.memory_space<vmem>> -> memref<128xi32, #tpu.memory_space<vmem>>
      %dma_wait3A_307 = arith.constant 0 : i32
      %dma_wait3A_308 = arith.constant 0 : i32
      %dma_wait3A_309 = tpu.memref_slice %arg4[%dma_wait3A_307, %dma_wait3A_308] : memref<100352x8xf32, #tpu.memory_space<hbm>> -> memref<100352x8xf32, #tpu.memory_space<hbm>>
      tpu.wait_indirect_dma semaphore(%arg11 : memref<!tpu.dma_semaphore, #tpu.memory_space<semaphore_mem>>) src(%dma_wait3A_309 : memref<100352x8xf32, #tpu.memory_space<hbm>>) dst(%dma_wait3A_303 : memref<128x8xf32, #tpu.memory_space<vmem>>)
      %dma_wait3A_310 = arith.constant 8 : i32
      %dma_wait3A_311 = arith.constant 8 : i32
      %dma_wait3A_312 = arith.constant 0 : i32
      %dma_wait3A_313 = arith.constant 0 : i32
      %dma_wait3A_314 = tpu.memref_slice %arg9[%dma_wait3A_311, %dma_wait3A_312, %dma_wait3A_313] : memref<16x128x8xf32, #tpu.memory_space<vmem>> -> memref<1x128x8xf32, #tpu.memory_space<vmem>>
      %dma_wait3A_315 = tpu.memref_squeeze %dma_wait3A_314 : memref<1x128x8xf32, #tpu.memory_space<vmem>> -> memref<128x8xf32, #tpu.memory_space<vmem>>
      %dma_wait3A_316 = arith.constant 0 : i32
      %dma_wait3A_317 = tpu.memref_slice %arg7[%dma_wait3A_310, %dma_wait3A_316] : memref<16x128xi32, #tpu.memory_space<vmem>> -> memref<1x128xi32, #tpu.memory_space<vmem>>
      %dma_wait3A_318 = tpu.memref_squeeze %dma_wait3A_317 : memref<1x128xi32, #tpu.memory_space<vmem>> -> memref<128xi32, #tpu.memory_space<vmem>>
      %dma_wait3A_319 = arith.constant 0 : i32
      %dma_wait3A_320 = arith.constant 0 : i32
      %dma_wait3A_321 = tpu.memref_slice %arg4[%dma_wait3A_319, %dma_wait3A_320] : memref<100352x8xf32, #tpu.memory_space<hbm>> -> memref<100352x8xf32, #tpu.memory_space<hbm>>
      tpu.wait_indirect_dma semaphore(%arg11 : memref<!tpu.dma_semaphore, #tpu.memory_space<semaphore_mem>>) src(%dma_wait3A_321 : memref<100352x8xf32, #tpu.memory_space<hbm>>) dst(%dma_wait3A_315 : memref<128x8xf32, #tpu.memory_space<vmem>>)
      %dma_wait3A_322 = arith.constant 9 : i32
      %dma_wait3A_323 = arith.constant 9 : i32
      %dma_wait3A_324 = arith.constant 0 : i32
      %dma_wait3A_325 = arith.constant 0 : i32
      %dma_wait3A_326 = tpu.memref_slice %arg9[%dma_wait3A_323, %dma_wait3A_324, %dma_wait3A_325] : memref<16x128x8xf32, #tpu.memory_space<vmem>> -> memref<1x128x8xf32, #tpu.memory_space<vmem>>
      %dma_wait3A_327 = tpu.memref_squeeze %dma_wait3A_326 : memref<1x128x8xf32, #tpu.memory_space<vmem>> -> memref<128x8xf32, #tpu.memory_space<vmem>>
      %dma_wait3A_328 = arith.constant 0 : i32
      %dma_wait3A_329 = tpu.memref_slice %arg7[%dma_wait3A_322, %dma_wait3A_328] : memref<16x128xi32, #tpu.memory_space<vmem>> -> memref<1x128xi32, #tpu.memory_space<vmem>>
      %dma_wait3A_330 = tpu.memref_squeeze %dma_wait3A_329 : memref<1x128xi32, #tpu.memory_space<vmem>> -> memref<128xi32, #tpu.memory_space<vmem>>
      %dma_wait3A_331 = arith.constant 0 : i32
      %dma_wait3A_332 = arith.constant 0 : i32
      %dma_wait3A_333 = tpu.memref_slice %arg4[%dma_wait3A_331, %dma_wait3A_332] : memref<100352x8xf32, #tpu.memory_space<hbm>> -> memref<100352x8xf32, #tpu.memory_space<hbm>>
      tpu.wait_indirect_dma semaphore(%arg11 : memref<!tpu.dma_semaphore, #tpu.memory_space<semaphore_mem>>) src(%dma_wait3A_333 : memref<100352x8xf32, #tpu.memory_space<hbm>>) dst(%dma_wait3A_327 : memref<128x8xf32, #tpu.memory_space<vmem>>)
      %dma_wait3A_334 = arith.constant 10 : i32
      %dma_wait3A_335 = arith.constant 10 : i32
      %dma_wait3A_336 = arith.constant 0 : i32
      %dma_wait3A_337 = arith.constant 0 : i32
      %dma_wait3A_338 = tpu.memref_slice %arg9[%dma_wait3A_335, %dma_wait3A_336, %dma_wait3A_337] : memref<16x128x8xf32, #tpu.memory_space<vmem>> -> memref<1x128x8xf32, #tpu.memory_space<vmem>>
      %dma_wait3A_339 = tpu.memref_squeeze %dma_wait3A_338 : memref<1x128x8xf32, #tpu.memory_space<vmem>> -> memref<128x8xf32, #tpu.memory_space<vmem>>
      %dma_wait3A_340 = arith.constant 0 : i32
      %dma_wait3A_341 = tpu.memref_slice %arg7[%dma_wait3A_334, %dma_wait3A_340] : memref<16x128xi32, #tpu.memory_space<vmem>> -> memref<1x128xi32, #tpu.memory_space<vmem>>
      %dma_wait3A_342 = tpu.memref_squeeze %dma_wait3A_341 : memref<1x128xi32, #tpu.memory_space<vmem>> -> memref<128xi32, #tpu.memory_space<vmem>>
      %dma_wait3A_343 = arith.constant 0 : i32
      %dma_wait3A_344 = arith.constant 0 : i32
      %dma_wait3A_345 = tpu.memref_slice %arg4[%dma_wait3A_343, %dma_wait3A_344] : memref<100352x8xf32, #tpu.memory_space<hbm>> -> memref<100352x8xf32, #tpu.memory_space<hbm>>
      tpu.wait_indirect_dma semaphore(%arg11 : memref<!tpu.dma_semaphore, #tpu.memory_space<semaphore_mem>>) src(%dma_wait3A_345 : memref<100352x8xf32, #tpu.memory_space<hbm>>) dst(%dma_wait3A_339 : memref<128x8xf32, #tpu.memory_space<vmem>>)
      %dma_wait3A_346 = arith.constant 11 : i32
      %dma_wait3A_347 = arith.constant 11 : i32
      %dma_wait3A_348 = arith.constant 0 : i32
      %dma_wait3A_349 = arith.constant 0 : i32
      %dma_wait3A_350 = tpu.memref_slice %arg9[%dma_wait3A_347, %dma_wait3A_348, %dma_wait3A_349] : memref<16x128x8xf32, #tpu.memory_space<vmem>> -> memref<1x128x8xf32, #tpu.memory_space<vmem>>
      %dma_wait3A_351 = tpu.memref_squeeze %dma_wait3A_350 : memref<1x128x8xf32, #tpu.memory_space<vmem>> -> memref<128x8xf32, #tpu.memory_space<vmem>>
      %dma_wait3A_352 = arith.constant 0 : i32
      %dma_wait3A_353 = tpu.memref_slice %arg7[%dma_wait3A_346, %dma_wait3A_352] : memref<16x128xi32, #tpu.memory_space<vmem>> -> memref<1x128xi32, #tpu.memory_space<vmem>>
      %dma_wait3A_354 = tpu.memref_squeeze %dma_wait3A_353 : memref<1x128xi32, #tpu.memory_space<vmem>> -> memref<128xi32, #tpu.memory_space<vmem>>
      %dma_wait3A_355 = arith.constant 0 : i32
      %dma_wait3A_356 = arith.constant 0 : i32
      %dma_wait3A_357 = tpu.memref_slice %arg4[%dma_wait3A_355, %dma_wait3A_356] : memref<100352x8xf32, #tpu.memory_space<hbm>> -> memref<100352x8xf32, #tpu.memory_space<hbm>>
      tpu.wait_indirect_dma semaphore(%arg11 : memref<!tpu.dma_semaphore, #tpu.memory_space<semaphore_mem>>) src(%dma_wait3A_357 : memref<100352x8xf32, #tpu.memory_space<hbm>>) dst(%dma_wait3A_351 : memref<128x8xf32, #tpu.memory_space<vmem>>)
      %dma_wait3A_358 = arith.constant 12 : i32
      %dma_wait3A_359 = arith.constant 12 : i32
      %dma_wait3A_360 = arith.constant 0 : i32
      %dma_wait3A_361 = arith.constant 0 : i32
      %dma_wait3A_362 = tpu.memref_slice %arg9[%dma_wait3A_359, %dma_wait3A_360, %dma_wait3A_361] : memref<16x128x8xf32, #tpu.memory_space<vmem>> -> memref<1x128x8xf32, #tpu.memory_space<vmem>>
      %dma_wait3A_363 = tpu.memref_squeeze %dma_wait3A_362 : memref<1x128x8xf32, #tpu.memory_space<vmem>> -> memref<128x8xf32, #tpu.memory_space<vmem>>
      %dma_wait3A_364 = arith.constant 0 : i32
      %dma_wait3A_365 = tpu.memref_slice %arg7[%dma_wait3A_358, %dma_wait3A_364] : memref<16x128xi32, #tpu.memory_space<vmem>> -> memref<1x128xi32, #tpu.memory_space<vmem>>
      %dma_wait3A_366 = tpu.memref_squeeze %dma_wait3A_365 : memref<1x128xi32, #tpu.memory_space<vmem>> -> memref<128xi32, #tpu.memory_space<vmem>>
      %dma_wait3A_367 = arith.constant 0 : i32
      %dma_wait3A_368 = arith.constant 0 : i32
      %dma_wait3A_369 = tpu.memref_slice %arg4[%dma_wait3A_367, %dma_wait3A_368] : memref<100352x8xf32, #tpu.memory_space<hbm>> -> memref<100352x8xf32, #tpu.memory_space<hbm>>
      tpu.wait_indirect_dma semaphore(%arg11 : memref<!tpu.dma_semaphore, #tpu.memory_space<semaphore_mem>>) src(%dma_wait3A_369 : memref<100352x8xf32, #tpu.memory_space<hbm>>) dst(%dma_wait3A_363 : memref<128x8xf32, #tpu.memory_space<vmem>>)
      %dma_wait3A_370 = arith.constant 13 : i32
      %dma_wait3A_371 = arith.constant 13 : i32
      %dma_wait3A_372 = arith.constant 0 : i32
      %dma_wait3A_373 = arith.constant 0 : i32
      %dma_wait3A_374 = tpu.memref_slice %arg9[%dma_wait3A_371, %dma_wait3A_372, %dma_wait3A_373] : memref<16x128x8xf32, #tpu.memory_space<vmem>> -> memref<1x128x8xf32, #tpu.memory_space<vmem>>
      %dma_wait3A_375 = tpu.memref_squeeze %dma_wait3A_374 : memref<1x128x8xf32, #tpu.memory_space<vmem>> -> memref<128x8xf32, #tpu.memory_space<vmem>>
      %dma_wait3A_376 = arith.constant 0 : i32
      %dma_wait3A_377 = tpu.memref_slice %arg7[%dma_wait3A_370, %dma_wait3A_376] : memref<16x128xi32, #tpu.memory_space<vmem>> -> memref<1x128xi32, #tpu.memory_space<vmem>>
      %dma_wait3A_378 = tpu.memref_squeeze %dma_wait3A_377 : memref<1x128xi32, #tpu.memory_space<vmem>> -> memref<128xi32, #tpu.memory_space<vmem>>
      %dma_wait3A_379 = arith.constant 0 : i32
      %dma_wait3A_380 = arith.constant 0 : i32
      %dma_wait3A_381 = tpu.memref_slice %arg4[%dma_wait3A_379, %dma_wait3A_380] : memref<100352x8xf32, #tpu.memory_space<hbm>> -> memref<100352x8xf32, #tpu.memory_space<hbm>>
      tpu.wait_indirect_dma semaphore(%arg11 : memref<!tpu.dma_semaphore, #tpu.memory_space<semaphore_mem>>) src(%dma_wait3A_381 : memref<100352x8xf32, #tpu.memory_space<hbm>>) dst(%dma_wait3A_375 : memref<128x8xf32, #tpu.memory_space<vmem>>)
      %dma_wait3A_382 = arith.constant 14 : i32
      %dma_wait3A_383 = arith.constant 14 : i32
      %dma_wait3A_384 = arith.constant 0 : i32
      %dma_wait3A_385 = arith.constant 0 : i32
      %dma_wait3A_386 = tpu.memref_slice %arg9[%dma_wait3A_383, %dma_wait3A_384, %dma_wait3A_385] : memref<16x128x8xf32, #tpu.memory_space<vmem>> -> memref<1x128x8xf32, #tpu.memory_space<vmem>>
      %dma_wait3A_387 = tpu.memref_squeeze %dma_wait3A_386 : memref<1x128x8xf32, #tpu.memory_space<vmem>> -> memref<128x8xf32, #tpu.memory_space<vmem>>
      %dma_wait3A_388 = arith.constant 0 : i32
      %dma_wait3A_389 = tpu.memref_slice %arg7[%dma_wait3A_382, %dma_wait3A_388] : memref<16x128xi32, #tpu.memory_space<vmem>> -> memref<1x128xi32, #tpu.memory_space<vmem>>
      %dma_wait3A_390 = tpu.memref_squeeze %dma_wait3A_389 : memref<1x128xi32, #tpu.memory_space<vmem>> -> memref<128xi32, #tpu.memory_space<vmem>>
      %dma_wait3A_391 = arith.constant 0 : i32
      %dma_wait3A_392 = arith.constant 0 : i32
      %dma_wait3A_393 = tpu.memref_slice %arg4[%dma_wait3A_391, %dma_wait3A_392] : memref<100352x8xf32, #tpu.memory_space<hbm>> -> memref<100352x8xf32, #tpu.memory_space<hbm>>
      tpu.wait_indirect_dma semaphore(%arg11 : memref<!tpu.dma_semaphore, #tpu.memory_space<semaphore_mem>>) src(%dma_wait3A_393 : memref<100352x8xf32, #tpu.memory_space<hbm>>) dst(%dma_wait3A_387 : memref<128x8xf32, #tpu.memory_space<vmem>>)
      %dma_wait3A_394 = arith.constant 15 : i32
      %dma_wait3A_395 = arith.constant 15 : i32
      %dma_wait3A_396 = arith.constant 0 : i32
      %dma_wait3A_397 = arith.constant 0 : i32
      %dma_wait3A_398 = tpu.memref_slice %arg9[%dma_wait3A_395, %dma_wait3A_396, %dma_wait3A_397] : memref<16x128x8xf32, #tpu.memory_space<vmem>> -> memref<1x128x8xf32, #tpu.memory_space<vmem>>
      %dma_wait3A_399 = tpu.memref_squeeze %dma_wait3A_398 : memref<1x128x8xf32, #tpu.memory_space<vmem>> -> memref<128x8xf32, #tpu.memory_space<vmem>>
      %dma_wait3A_400 = arith.constant 0 : i32
      %dma_wait3A_401 = tpu.memref_slice %arg7[%dma_wait3A_394, %dma_wait3A_400] : memref<16x128xi32, #tpu.memory_space<vmem>> -> memref<1x128xi32, #tpu.memory_space<vmem>>
      %dma_wait3A_402 = tpu.memref_squeeze %dma_wait3A_401 : memref<1x128xi32, #tpu.memory_space<vmem>> -> memref<128xi32, #tpu.memory_space<vmem>>
      %dma_wait3A_403 = arith.constant 0 : i32
      %dma_wait3A_404 = arith.constant 0 : i32
      %dma_wait3A_405 = tpu.memref_slice %arg4[%dma_wait3A_403, %dma_wait3A_404] : memref<100352x8xf32, #tpu.memory_space<hbm>> -> memref<100352x8xf32, #tpu.memory_space<hbm>>
      tpu.wait_indirect_dma semaphore(%arg11 : memref<!tpu.dma_semaphore, #tpu.memory_space<semaphore_mem>>) src(%dma_wait3A_405 : memref<100352x8xf32, #tpu.memory_space<hbm>>) dst(%dma_wait3A_399 : memref<128x8xf32, #tpu.memory_space<vmem>>)
      %dma_start3A_406 = arith.constant 0 : i32
      %dma_start3A_407 = arith.constant 0 : i32
      %dma_start3A_408 = arith.constant 0 : i32
      %dma_start3A_409 = arith.constant 0 : i32
      %dma_start3A_410 = tpu.memref_slice %arg9[%dma_start3A_406, %dma_start3A_408, %dma_start3A_409] : memref<16x128x8xf32, #tpu.memory_space<vmem>> -> memref<1x128x8xf32, #tpu.memory_space<vmem>>
      %dma_start3A_411 = tpu.memref_squeeze %dma_start3A_410 : memref<1x128x8xf32, #tpu.memory_space<vmem>> -> memref<128x8xf32, #tpu.memory_space<vmem>>
      %dma_start3A_412 = arith.constant 0 : i32
      %dma_start3A_413 = tpu.memref_slice %arg8[%dma_start3A_407, %dma_start3A_412] : memref<16x128xi32, #tpu.memory_space<vmem>> -> memref<1x128xi32, #tpu.memory_space<vmem>>
      %dma_start3A_414 = tpu.memref_squeeze %dma_start3A_413 : memref<1x128xi32, #tpu.memory_space<vmem>> -> memref<128xi32, #tpu.memory_space<vmem>>
      %dma_start3A_415 = arith.constant 0 : i32
      %dma_start3A_416 = arith.constant 0 : i32
      %dma_start3A_417 = tpu.memref_slice %arg10[%dma_start3A_415, %dma_start3A_416] : memref<100352x8xf32, #tpu.memory_space<vmem_shared>> -> memref<100352x8xf32, #tpu.memory_space<vmem_shared>>
      tpu.enqueue_indirect_dma source(%dma_start3A_411 : memref<128x8xf32, #tpu.memory_space<vmem>>) target(%dma_start3A_417 : memref<100352x8xf32, #tpu.memory_space<vmem_shared>>) offsets(%dma_start3A_414 : memref<128xi32, #tpu.memory_space<vmem>>) semaphore(%arg12 : memref<!tpu.dma_semaphore, #tpu.memory_space<semaphore_mem>>) {add = true}
      %dma_start3A_418 = arith.constant 1 : i32
      %dma_start3A_419 = arith.constant 1 : i32
      %dma_start3A_420 = arith.constant 0 : i32
      %dma_start3A_421 = arith.constant 0 : i32
      %dma_start3A_422 = tpu.memref_slice %arg9[%dma_start3A_418, %dma_start3A_420, %dma_start3A_421] : memref<16x128x8xf32, #tpu.memory_space<vmem>> -> memref<1x128x8xf32, #tpu.memory_space<vmem>>
      %dma_start3A_423 = tpu.memref_squeeze %dma_start3A_422 : memref<1x128x8xf32, #tpu.memory_space<vmem>> -> memref<128x8xf32, #tpu.memory_space<vmem>>
      %dma_start3A_424 = arith.constant 0 : i32
      %dma_start3A_425 = tpu.memref_slice %arg8[%dma_start3A_419, %dma_start3A_424] : memref<16x128xi32, #tpu.memory_space<vmem>> -> memref<1x128xi32, #tpu.memory_space<vmem>>
      %dma_start3A_426 = tpu.memref_squeeze %dma_start3A_425 : memref<1x128xi32, #tpu.memory_space<vmem>> -> memref<128xi32, #tpu.memory_space<vmem>>
      %dma_start3A_427 = arith.constant 0 : i32
      %dma_start3A_428 = arith.constant 0 : i32
      %dma_start3A_429 = tpu.memref_slice %arg10[%dma_start3A_427, %dma_start3A_428] : memref<100352x8xf32, #tpu.memory_space<vmem_shared>> -> memref<100352x8xf32, #tpu.memory_space<vmem_shared>>
      tpu.enqueue_indirect_dma source(%dma_start3A_423 : memref<128x8xf32, #tpu.memory_space<vmem>>) target(%dma_start3A_429 : memref<100352x8xf32, #tpu.memory_space<vmem_shared>>) offsets(%dma_start3A_426 : memref<128xi32, #tpu.memory_space<vmem>>) semaphore(%arg12 : memref<!tpu.dma_semaphore, #tpu.memory_space<semaphore_mem>>) {add = true}
      %dma_start3A_430 = arith.constant 2 : i32
      %dma_start3A_431 = arith.constant 2 : i32
      %dma_start3A_432 = arith.constant 0 : i32
      %dma_start3A_433 = arith.constant 0 : i32
      %dma_start3A_434 = tpu.memref_slice %arg9[%dma_start3A_430, %dma_start3A_432, %dma_start3A_433] : memref<16x128x8xf32, #tpu.memory_space<vmem>> -> memref<1x128x8xf32, #tpu.memory_space<vmem>>
      %dma_start3A_435 = tpu.memref_squeeze %dma_start3A_434 : memref<1x128x8xf32, #tpu.memory_space<vmem>> -> memref<128x8xf32, #tpu.memory_space<vmem>>
      %dma_start3A_436 = arith.constant 0 : i32
      %dma_start3A_437 = tpu.memref_slice %arg8[%dma_start3A_431, %dma_start3A_436] : memref<16x128xi32, #tpu.memory_space<vmem>> -> memref<1x128xi32, #tpu.memory_space<vmem>>
      %dma_start3A_438 = tpu.memref_squeeze %dma_start3A_437 : memref<1x128xi32, #tpu.memory_space<vmem>> -> memref<128xi32, #tpu.memory_space<vmem>>
      %dma_start3A_439 = arith.constant 0 : i32
      %dma_start3A_440 = arith.constant 0 : i32
      %dma_start3A_441 = tpu.memref_slice %arg10[%dma_start3A_439, %dma_start3A_440] : memref<100352x8xf32, #tpu.memory_space<vmem_shared>> -> memref<100352x8xf32, #tpu.memory_space<vmem_shared>>
      tpu.enqueue_indirect_dma source(%dma_start3A_435 : memref<128x8xf32, #tpu.memory_space<vmem>>) target(%dma_start3A_441 : memref<100352x8xf32, #tpu.memory_space<vmem_shared>>) offsets(%dma_start3A_438 : memref<128xi32, #tpu.memory_space<vmem>>) semaphore(%arg12 : memref<!tpu.dma_semaphore, #tpu.memory_space<semaphore_mem>>) {add = true}
      %dma_start3A_442 = arith.constant 3 : i32
      %dma_start3A_443 = arith.constant 3 : i32
      %dma_start3A_444 = arith.constant 0 : i32
      %dma_start3A_445 = arith.constant 0 : i32
      %dma_start3A_446 = tpu.memref_slice %arg9[%dma_start3A_442, %dma_start3A_444, %dma_start3A_445] : memref<16x128x8xf32, #tpu.memory_space<vmem>> -> memref<1x128x8xf32, #tpu.memory_space<vmem>>
      %dma_start3A_447 = tpu.memref_squeeze %dma_start3A_446 : memref<1x128x8xf32, #tpu.memory_space<vmem>> -> memref<128x8xf32, #tpu.memory_space<vmem>>
      %dma_start3A_448 = arith.constant 0 : i32
      %dma_start3A_449 = tpu.memref_slice %arg8[%dma_start3A_443, %dma_start3A_448] : memref<16x128xi32, #tpu.memory_space<vmem>> -> memref<1x128xi32, #tpu.memory_space<vmem>>
      %dma_start3A_450 = tpu.memref_squeeze %dma_start3A_449 : memref<1x128xi32, #tpu.memory_space<vmem>> -> memref<128xi32, #tpu.memory_space<vmem>>
      %dma_start3A_451 = arith.constant 0 : i32
      %dma_start3A_452 = arith.constant 0 : i32
      %dma_start3A_453 = tpu.memref_slice %arg10[%dma_start3A_451, %dma_start3A_452] : memref<100352x8xf32, #tpu.memory_space<vmem_shared>> -> memref<100352x8xf32, #tpu.memory_space<vmem_shared>>
      tpu.enqueue_indirect_dma source(%dma_start3A_447 : memref<128x8xf32, #tpu.memory_space<vmem>>) target(%dma_start3A_453 : memref<100352x8xf32, #tpu.memory_space<vmem_shared>>) offsets(%dma_start3A_450 : memref<128xi32, #tpu.memory_space<vmem>>) semaphore(%arg12 : memref<!tpu.dma_semaphore, #tpu.memory_space<semaphore_mem>>) {add = true}
      %dma_start3A_454 = arith.constant 4 : i32
      %dma_start3A_455 = arith.constant 4 : i32
      %dma_start3A_456 = arith.constant 0 : i32
      %dma_start3A_457 = arith.constant 0 : i32
      %dma_start3A_458 = tpu.memref_slice %arg9[%dma_start3A_454, %dma_start3A_456, %dma_start3A_457] : memref<16x128x8xf32, #tpu.memory_space<vmem>> -> memref<1x128x8xf32, #tpu.memory_space<vmem>>
      %dma_start3A_459 = tpu.memref_squeeze %dma_start3A_458 : memref<1x128x8xf32, #tpu.memory_space<vmem>> -> memref<128x8xf32, #tpu.memory_space<vmem>>
      %dma_start3A_460 = arith.constant 0 : i32
      %dma_start3A_461 = tpu.memref_slice %arg8[%dma_start3A_455, %dma_start3A_460] : memref<16x128xi32, #tpu.memory_space<vmem>> -> memref<1x128xi32, #tpu.memory_space<vmem>>
      %dma_start3A_462 = tpu.memref_squeeze %dma_start3A_461 : memref<1x128xi32, #tpu.memory_space<vmem>> -> memref<128xi32, #tpu.memory_space<vmem>>
      %dma_start3A_463 = arith.constant 0 : i32
      %dma_start3A_464 = arith.constant 0 : i32
      %dma_start3A_465 = tpu.memref_slice %arg10[%dma_start3A_463, %dma_start3A_464] : memref<100352x8xf32, #tpu.memory_space<vmem_shared>> -> memref<100352x8xf32, #tpu.memory_space<vmem_shared>>
      tpu.enqueue_indirect_dma source(%dma_start3A_459 : memref<128x8xf32, #tpu.memory_space<vmem>>) target(%dma_start3A_465 : memref<100352x8xf32, #tpu.memory_space<vmem_shared>>) offsets(%dma_start3A_462 : memref<128xi32, #tpu.memory_space<vmem>>) semaphore(%arg12 : memref<!tpu.dma_semaphore, #tpu.memory_space<semaphore_mem>>) {add = true}
      %dma_start3A_466 = arith.constant 5 : i32
      %dma_start3A_467 = arith.constant 5 : i32
      %dma_start3A_468 = arith.constant 0 : i32
      %dma_start3A_469 = arith.constant 0 : i32
      %dma_start3A_470 = tpu.memref_slice %arg9[%dma_start3A_466, %dma_start3A_468, %dma_start3A_469] : memref<16x128x8xf32, #tpu.memory_space<vmem>> -> memref<1x128x8xf32, #tpu.memory_space<vmem>>
      %dma_start3A_471 = tpu.memref_squeeze %dma_start3A_470 : memref<1x128x8xf32, #tpu.memory_space<vmem>> -> memref<128x8xf32, #tpu.memory_space<vmem>>
      %dma_start3A_472 = arith.constant 0 : i32
      %dma_start3A_473 = tpu.memref_slice %arg8[%dma_start3A_467, %dma_start3A_472] : memref<16x128xi32, #tpu.memory_space<vmem>> -> memref<1x128xi32, #tpu.memory_space<vmem>>
      %dma_start3A_474 = tpu.memref_squeeze %dma_start3A_473 : memref<1x128xi32, #tpu.memory_space<vmem>> -> memref<128xi32, #tpu.memory_space<vmem>>
      %dma_start3A_475 = arith.constant 0 : i32
      %dma_start3A_476 = arith.constant 0 : i32
      %dma_start3A_477 = tpu.memref_slice %arg10[%dma_start3A_475, %dma_start3A_476] : memref<100352x8xf32, #tpu.memory_space<vmem_shared>> -> memref<100352x8xf32, #tpu.memory_space<vmem_shared>>
      tpu.enqueue_indirect_dma source(%dma_start3A_471 : memref<128x8xf32, #tpu.memory_space<vmem>>) target(%dma_start3A_477 : memref<100352x8xf32, #tpu.memory_space<vmem_shared>>) offsets(%dma_start3A_474 : memref<128xi32, #tpu.memory_space<vmem>>) semaphore(%arg12 : memref<!tpu.dma_semaphore, #tpu.memory_space<semaphore_mem>>) {add = true}
      %dma_start3A_478 = arith.constant 6 : i32
      %dma_start3A_479 = arith.constant 6 : i32
      %dma_start3A_480 = arith.constant 0 : i32
      %dma_start3A_481 = arith.constant 0 : i32
      %dma_start3A_482 = tpu.memref_slice %arg9[%dma_start3A_478, %dma_start3A_480, %dma_start3A_481] : memref<16x128x8xf32, #tpu.memory_space<vmem>> -> memref<1x128x8xf32, #tpu.memory_space<vmem>>
      %dma_start3A_483 = tpu.memref_squeeze %dma_start3A_482 : memref<1x128x8xf32, #tpu.memory_space<vmem>> -> memref<128x8xf32, #tpu.memory_space<vmem>>
      %dma_start3A_484 = arith.constant 0 : i32
      %dma_start3A_485 = tpu.memref_slice %arg8[%dma_start3A_479, %dma_start3A_484] : memref<16x128xi32, #tpu.memory_space<vmem>> -> memref<1x128xi32, #tpu.memory_space<vmem>>
      %dma_start3A_486 = tpu.memref_squeeze %dma_start3A_485 : memref<1x128xi32, #tpu.memory_space<vmem>> -> memref<128xi32, #tpu.memory_space<vmem>>
      %dma_start3A_487 = arith.constant 0 : i32
      %dma_start3A_488 = arith.constant 0 : i32
      %dma_start3A_489 = tpu.memref_slice %arg10[%dma_start3A_487, %dma_start3A_488] : memref<100352x8xf32, #tpu.memory_space<vmem_shared>> -> memref<100352x8xf32, #tpu.memory_space<vmem_shared>>
      tpu.enqueue_indirect_dma source(%dma_start3A_483 : memref<128x8xf32, #tpu.memory_space<vmem>>) target(%dma_start3A_489 : memref<100352x8xf32, #tpu.memory_space<vmem_shared>>) offsets(%dma_start3A_486 : memref<128xi32, #tpu.memory_space<vmem>>) semaphore(%arg12 : memref<!tpu.dma_semaphore, #tpu.memory_space<semaphore_mem>>) {add = true}
      %dma_start3A_490 = arith.constant 7 : i32
      %dma_start3A_491 = arith.constant 7 : i32
      %dma_start3A_492 = arith.constant 0 : i32
      %dma_start3A_493 = arith.constant 0 : i32
      %dma_start3A_494 = tpu.memref_slice %arg9[%dma_start3A_490, %dma_start3A_492, %dma_start3A_493] : memref<16x128x8xf32, #tpu.memory_space<vmem>> -> memref<1x128x8xf32, #tpu.memory_space<vmem>>
      %dma_start3A_495 = tpu.memref_squeeze %dma_start3A_494 : memref<1x128x8xf32, #tpu.memory_space<vmem>> -> memref<128x8xf32, #tpu.memory_space<vmem>>
      %dma_start3A_496 = arith.constant 0 : i32
      %dma_start3A_497 = tpu.memref_slice %arg8[%dma_start3A_491, %dma_start3A_496] : memref<16x128xi32, #tpu.memory_space<vmem>> -> memref<1x128xi32, #tpu.memory_space<vmem>>
      %dma_start3A_498 = tpu.memref_squeeze %dma_start3A_497 : memref<1x128xi32, #tpu.memory_space<vmem>> -> memref<128xi32, #tpu.memory_space<vmem>>
      %dma_start3A_499 = arith.constant 0 : i32
      %dma_start3A_500 = arith.constant 0 : i32
      %dma_start3A_501 = tpu.memref_slice %arg10[%dma_start3A_499, %dma_start3A_500] : memref<100352x8xf32, #tpu.memory_space<vmem_shared>> -> memref<100352x8xf32, #tpu.memory_space<vmem_shared>>
      tpu.enqueue_indirect_dma source(%dma_start3A_495 : memref<128x8xf32, #tpu.memory_space<vmem>>) target(%dma_start3A_501 : memref<100352x8xf32, #tpu.memory_space<vmem_shared>>) offsets(%dma_start3A_498 : memref<128xi32, #tpu.memory_space<vmem>>) semaphore(%arg12 : memref<!tpu.dma_semaphore, #tpu.memory_space<semaphore_mem>>) {add = true}
      %dma_start3A_502 = arith.constant 8 : i32
      %dma_start3A_503 = arith.constant 8 : i32
      %dma_start3A_504 = arith.constant 0 : i32
      %dma_start3A_505 = arith.constant 0 : i32
      %dma_start3A_506 = tpu.memref_slice %arg9[%dma_start3A_502, %dma_start3A_504, %dma_start3A_505] : memref<16x128x8xf32, #tpu.memory_space<vmem>> -> memref<1x128x8xf32, #tpu.memory_space<vmem>>
      %dma_start3A_507 = tpu.memref_squeeze %dma_start3A_506 : memref<1x128x8xf32, #tpu.memory_space<vmem>> -> memref<128x8xf32, #tpu.memory_space<vmem>>
      %dma_start3A_508 = arith.constant 0 : i32
      %dma_start3A_509 = tpu.memref_slice %arg8[%dma_start3A_503, %dma_start3A_508] : memref<16x128xi32, #tpu.memory_space<vmem>> -> memref<1x128xi32, #tpu.memory_space<vmem>>
      %dma_start3A_510 = tpu.memref_squeeze %dma_start3A_509 : memref<1x128xi32, #tpu.memory_space<vmem>> -> memref<128xi32, #tpu.memory_space<vmem>>
      %dma_start3A_511 = arith.constant 0 : i32
      %dma_start3A_512 = arith.constant 0 : i32
      %dma_start3A_513 = tpu.memref_slice %arg10[%dma_start3A_511, %dma_start3A_512] : memref<100352x8xf32, #tpu.memory_space<vmem_shared>> -> memref<100352x8xf32, #tpu.memory_space<vmem_shared>>
      tpu.enqueue_indirect_dma source(%dma_start3A_507 : memref<128x8xf32, #tpu.memory_space<vmem>>) target(%dma_start3A_513 : memref<100352x8xf32, #tpu.memory_space<vmem_shared>>) offsets(%dma_start3A_510 : memref<128xi32, #tpu.memory_space<vmem>>) semaphore(%arg12 : memref<!tpu.dma_semaphore, #tpu.memory_space<semaphore_mem>>) {add = true}
      %dma_start3A_514 = arith.constant 9 : i32
      %dma_start3A_515 = arith.constant 9 : i32
      %dma_start3A_516 = arith.constant 0 : i32
      %dma_start3A_517 = arith.constant 0 : i32
      %dma_start3A_518 = tpu.memref_slice %arg9[%dma_start3A_514, %dma_start3A_516, %dma_start3A_517] : memref<16x128x8xf32, #tpu.memory_space<vmem>> -> memref<1x128x8xf32, #tpu.memory_space<vmem>>
      %dma_start3A_519 = tpu.memref_squeeze %dma_start3A_518 : memref<1x128x8xf32, #tpu.memory_space<vmem>> -> memref<128x8xf32, #tpu.memory_space<vmem>>
      %dma_start3A_520 = arith.constant 0 : i32
      %dma_start3A_521 = tpu.memref_slice %arg8[%dma_start3A_515, %dma_start3A_520] : memref<16x128xi32, #tpu.memory_space<vmem>> -> memref<1x128xi32, #tpu.memory_space<vmem>>
      %dma_start3A_522 = tpu.memref_squeeze %dma_start3A_521 : memref<1x128xi32, #tpu.memory_space<vmem>> -> memref<128xi32, #tpu.memory_space<vmem>>
      %dma_start3A_523 = arith.constant 0 : i32
      %dma_start3A_524 = arith.constant 0 : i32
      %dma_start3A_525 = tpu.memref_slice %arg10[%dma_start3A_523, %dma_start3A_524] : memref<100352x8xf32, #tpu.memory_space<vmem_shared>> -> memref<100352x8xf32, #tpu.memory_space<vmem_shared>>
      tpu.enqueue_indirect_dma source(%dma_start3A_519 : memref<128x8xf32, #tpu.memory_space<vmem>>) target(%dma_start3A_525 : memref<100352x8xf32, #tpu.memory_space<vmem_shared>>) offsets(%dma_start3A_522 : memref<128xi32, #tpu.memory_space<vmem>>) semaphore(%arg12 : memref<!tpu.dma_semaphore, #tpu.memory_space<semaphore_mem>>) {add = true}
      %dma_start3A_526 = arith.constant 10 : i32
      %dma_start3A_527 = arith.constant 10 : i32
      %dma_start3A_528 = arith.constant 0 : i32
      %dma_start3A_529 = arith.constant 0 : i32
      %dma_start3A_530 = tpu.memref_slice %arg9[%dma_start3A_526, %dma_start3A_528, %dma_start3A_529] : memref<16x128x8xf32, #tpu.memory_space<vmem>> -> memref<1x128x8xf32, #tpu.memory_space<vmem>>
      %dma_start3A_531 = tpu.memref_squeeze %dma_start3A_530 : memref<1x128x8xf32, #tpu.memory_space<vmem>> -> memref<128x8xf32, #tpu.memory_space<vmem>>
      %dma_start3A_532 = arith.constant 0 : i32
      %dma_start3A_533 = tpu.memref_slice %arg8[%dma_start3A_527, %dma_start3A_532] : memref<16x128xi32, #tpu.memory_space<vmem>> -> memref<1x128xi32, #tpu.memory_space<vmem>>
      %dma_start3A_534 = tpu.memref_squeeze %dma_start3A_533 : memref<1x128xi32, #tpu.memory_space<vmem>> -> memref<128xi32, #tpu.memory_space<vmem>>
      %dma_start3A_535 = arith.constant 0 : i32
      %dma_start3A_536 = arith.constant 0 : i32
      %dma_start3A_537 = tpu.memref_slice %arg10[%dma_start3A_535, %dma_start3A_536] : memref<100352x8xf32, #tpu.memory_space<vmem_shared>> -> memref<100352x8xf32, #tpu.memory_space<vmem_shared>>
      tpu.enqueue_indirect_dma source(%dma_start3A_531 : memref<128x8xf32, #tpu.memory_space<vmem>>) target(%dma_start3A_537 : memref<100352x8xf32, #tpu.memory_space<vmem_shared>>) offsets(%dma_start3A_534 : memref<128xi32, #tpu.memory_space<vmem>>) semaphore(%arg12 : memref<!tpu.dma_semaphore, #tpu.memory_space<semaphore_mem>>) {add = true}
      %dma_start3A_538 = arith.constant 11 : i32
      %dma_start3A_539 = arith.constant 11 : i32
      %dma_start3A_540 = arith.constant 0 : i32
      %dma_start3A_541 = arith.constant 0 : i32
      %dma_start3A_542 = tpu.memref_slice %arg9[%dma_start3A_538, %dma_start3A_540, %dma_start3A_541] : memref<16x128x8xf32, #tpu.memory_space<vmem>> -> memref<1x128x8xf32, #tpu.memory_space<vmem>>
      %dma_start3A_543 = tpu.memref_squeeze %dma_start3A_542 : memref<1x128x8xf32, #tpu.memory_space<vmem>> -> memref<128x8xf32, #tpu.memory_space<vmem>>
      %dma_start3A_544 = arith.constant 0 : i32
      %dma_start3A_545 = tpu.memref_slice %arg8[%dma_start3A_539, %dma_start3A_544] : memref<16x128xi32, #tpu.memory_space<vmem>> -> memref<1x128xi32, #tpu.memory_space<vmem>>
      %dma_start3A_546 = tpu.memref_squeeze %dma_start3A_545 : memref<1x128xi32, #tpu.memory_space<vmem>> -> memref<128xi32, #tpu.memory_space<vmem>>
      %dma_start3A_547 = arith.constant 0 : i32
      %dma_start3A_548 = arith.constant 0 : i32
      %dma_start3A_549 = tpu.memref_slice %arg10[%dma_start3A_547, %dma_start3A_548] : memref<100352x8xf32, #tpu.memory_space<vmem_shared>> -> memref<100352x8xf32, #tpu.memory_space<vmem_shared>>
      tpu.enqueue_indirect_dma source(%dma_start3A_543 : memref<128x8xf32, #tpu.memory_space<vmem>>) target(%dma_start3A_549 : memref<100352x8xf32, #tpu.memory_space<vmem_shared>>) offsets(%dma_start3A_546 : memref<128xi32, #tpu.memory_space<vmem>>) semaphore(%arg12 : memref<!tpu.dma_semaphore, #tpu.memory_space<semaphore_mem>>) {add = true}
      %dma_start3A_550 = arith.constant 12 : i32
      %dma_start3A_551 = arith.constant 12 : i32
      %dma_start3A_552 = arith.constant 0 : i32
      %dma_start3A_553 = arith.constant 0 : i32
      %dma_start3A_554 = tpu.memref_slice %arg9[%dma_start3A_550, %dma_start3A_552, %dma_start3A_553] : memref<16x128x8xf32, #tpu.memory_space<vmem>> -> memref<1x128x8xf32, #tpu.memory_space<vmem>>
      %dma_start3A_555 = tpu.memref_squeeze %dma_start3A_554 : memref<1x128x8xf32, #tpu.memory_space<vmem>> -> memref<128x8xf32, #tpu.memory_space<vmem>>
      %dma_start3A_556 = arith.constant 0 : i32
      %dma_start3A_557 = tpu.memref_slice %arg8[%dma_start3A_551, %dma_start3A_556] : memref<16x128xi32, #tpu.memory_space<vmem>> -> memref<1x128xi32, #tpu.memory_space<vmem>>
      %dma_start3A_558 = tpu.memref_squeeze %dma_start3A_557 : memref<1x128xi32, #tpu.memory_space<vmem>> -> memref<128xi32, #tpu.memory_space<vmem>>
      %dma_start3A_559 = arith.constant 0 : i32
      %dma_start3A_560 = arith.constant 0 : i32
      %dma_start3A_561 = tpu.memref_slice %arg10[%dma_start3A_559, %dma_start3A_560] : memref<100352x8xf32, #tpu.memory_space<vmem_shared>> -> memref<100352x8xf32, #tpu.memory_space<vmem_shared>>
      tpu.enqueue_indirect_dma source(%dma_start3A_555 : memref<128x8xf32, #tpu.memory_space<vmem>>) target(%dma_start3A_561 : memref<100352x8xf32, #tpu.memory_space<vmem_shared>>) offsets(%dma_start3A_558 : memref<128xi32, #tpu.memory_space<vmem>>) semaphore(%arg12 : memref<!tpu.dma_semaphore, #tpu.memory_space<semaphore_mem>>) {add = true}
      %dma_start3A_562 = arith.constant 13 : i32
      %dma_start3A_563 = arith.constant 13 : i32
      %dma_start3A_564 = arith.constant 0 : i32
      %dma_start3A_565 = arith.constant 0 : i32
      %dma_start3A_566 = tpu.memref_slice %arg9[%dma_start3A_562, %dma_start3A_564, %dma_start3A_565] : memref<16x128x8xf32, #tpu.memory_space<vmem>> -> memref<1x128x8xf32, #tpu.memory_space<vmem>>
      %dma_start3A_567 = tpu.memref_squeeze %dma_start3A_566 : memref<1x128x8xf32, #tpu.memory_space<vmem>> -> memref<128x8xf32, #tpu.memory_space<vmem>>
      %dma_start3A_568 = arith.constant 0 : i32
      %dma_start3A_569 = tpu.memref_slice %arg8[%dma_start3A_563, %dma_start3A_568] : memref<16x128xi32, #tpu.memory_space<vmem>> -> memref<1x128xi32, #tpu.memory_space<vmem>>
      %dma_start3A_570 = tpu.memref_squeeze %dma_start3A_569 : memref<1x128xi32, #tpu.memory_space<vmem>> -> memref<128xi32, #tpu.memory_space<vmem>>
      %dma_start3A_571 = arith.constant 0 : i32
      %dma_start3A_572 = arith.constant 0 : i32
      %dma_start3A_573 = tpu.memref_slice %arg10[%dma_start3A_571, %dma_start3A_572] : memref<100352x8xf32, #tpu.memory_space<vmem_shared>> -> memref<100352x8xf32, #tpu.memory_space<vmem_shared>>
      tpu.enqueue_indirect_dma source(%dma_start3A_567 : memref<128x8xf32, #tpu.memory_space<vmem>>) target(%dma_start3A_573 : memref<100352x8xf32, #tpu.memory_space<vmem_shared>>) offsets(%dma_start3A_570 : memref<128xi32, #tpu.memory_space<vmem>>) semaphore(%arg12 : memref<!tpu.dma_semaphore, #tpu.memory_space<semaphore_mem>>) {add = true}
      %dma_start3A_574 = arith.constant 14 : i32
      %dma_start3A_575 = arith.constant 14 : i32
      %dma_start3A_576 = arith.constant 0 : i32
      %dma_start3A_577 = arith.constant 0 : i32
      %dma_start3A_578 = tpu.memref_slice %arg9[%dma_start3A_574, %dma_start3A_576, %dma_start3A_577] : memref<16x128x8xf32, #tpu.memory_space<vmem>> -> memref<1x128x8xf32, #tpu.memory_space<vmem>>
      %dma_start3A_579 = tpu.memref_squeeze %dma_start3A_578 : memref<1x128x8xf32, #tpu.memory_space<vmem>> -> memref<128x8xf32, #tpu.memory_space<vmem>>
      %dma_start3A_580 = arith.constant 0 : i32
      %dma_start3A_581 = tpu.memref_slice %arg8[%dma_start3A_575, %dma_start3A_580] : memref<16x128xi32, #tpu.memory_space<vmem>> -> memref<1x128xi32, #tpu.memory_space<vmem>>
      %dma_start3A_582 = tpu.memref_squeeze %dma_start3A_581 : memref<1x128xi32, #tpu.memory_space<vmem>> -> memref<128xi32, #tpu.memory_space<vmem>>
      %dma_start3A_583 = arith.constant 0 : i32
      %dma_start3A_584 = arith.constant 0 : i32
      %dma_start3A_585 = tpu.memref_slice %arg10[%dma_start3A_583, %dma_start3A_584] : memref<100352x8xf32, #tpu.memory_space<vmem_shared>> -> memref<100352x8xf32, #tpu.memory_space<vmem_shared>>
      tpu.enqueue_indirect_dma source(%dma_start3A_579 : memref<128x8xf32, #tpu.memory_space<vmem>>) target(%dma_start3A_585 : memref<100352x8xf32, #tpu.memory_space<vmem_shared>>) offsets(%dma_start3A_582 : memref<128xi32, #tpu.memory_space<vmem>>) semaphore(%arg12 : memref<!tpu.dma_semaphore, #tpu.memory_space<semaphore_mem>>) {add = true}
      %dma_start3A_586 = arith.constant 15 : i32
      %dma_start3A_587 = arith.constant 15 : i32
      %dma_start3A_588 = arith.constant 0 : i32
      %dma_start3A_589 = arith.constant 0 : i32
      %dma_start3A_590 = tpu.memref_slice %arg9[%dma_start3A_586, %dma_start3A_588, %dma_start3A_589] : memref<16x128x8xf32, #tpu.memory_space<vmem>> -> memref<1x128x8xf32, #tpu.memory_space<vmem>>
      %dma_start3A_591 = tpu.memref_squeeze %dma_start3A_590 : memref<1x128x8xf32, #tpu.memory_space<vmem>> -> memref<128x8xf32, #tpu.memory_space<vmem>>
      %dma_start3A_592 = arith.constant 0 : i32
      %dma_start3A_593 = tpu.memref_slice %arg8[%dma_start3A_587, %dma_start3A_592] : memref<16x128xi32, #tpu.memory_space<vmem>> -> memref<1x128xi32, #tpu.memory_space<vmem>>
      %dma_start3A_594 = tpu.memref_squeeze %dma_start3A_593 : memref<1x128xi32, #tpu.memory_space<vmem>> -> memref<128xi32, #tpu.memory_space<vmem>>
      %dma_start3A_595 = arith.constant 0 : i32
      %dma_start3A_596 = arith.constant 0 : i32
      %dma_start3A_597 = tpu.memref_slice %arg10[%dma_start3A_595, %dma_start3A_596] : memref<100352x8xf32, #tpu.memory_space<vmem_shared>> -> memref<100352x8xf32, #tpu.memory_space<vmem_shared>>
      tpu.enqueue_indirect_dma source(%dma_start3A_591 : memref<128x8xf32, #tpu.memory_space<vmem>>) target(%dma_start3A_597 : memref<100352x8xf32, #tpu.memory_space<vmem_shared>>) offsets(%dma_start3A_594 : memref<128xi32, #tpu.memory_space<vmem>>) semaphore(%arg12 : memref<!tpu.dma_semaphore, #tpu.memory_space<semaphore_mem>>) {add = true}
      %dma_wait3A_598 = arith.constant 0 : i32
      %dma_wait3A_599 = arith.constant 0 : i32
      %dma_wait3A_600 = arith.constant 0 : i32
      %dma_wait3A_601 = arith.constant 0 : i32
      %dma_wait3A_602 = tpu.memref_slice %arg9[%dma_wait3A_598, %dma_wait3A_600, %dma_wait3A_601] : memref<16x128x8xf32, #tpu.memory_space<vmem>> -> memref<1x128x8xf32, #tpu.memory_space<vmem>>
      %dma_wait3A_603 = tpu.memref_squeeze %dma_wait3A_602 : memref<1x128x8xf32, #tpu.memory_space<vmem>> -> memref<128x8xf32, #tpu.memory_space<vmem>>
      %dma_wait3A_604 = arith.constant 0 : i32
      %dma_wait3A_605 = tpu.memref_slice %arg8[%dma_wait3A_599, %dma_wait3A_604] : memref<16x128xi32, #tpu.memory_space<vmem>> -> memref<1x128xi32, #tpu.memory_space<vmem>>
      %dma_wait3A_606 = tpu.memref_squeeze %dma_wait3A_605 : memref<1x128xi32, #tpu.memory_space<vmem>> -> memref<128xi32, #tpu.memory_space<vmem>>
      %dma_wait3A_607 = arith.constant 0 : i32
      %dma_wait3A_608 = arith.constant 0 : i32
      %dma_wait3A_609 = tpu.memref_slice %arg10[%dma_wait3A_607, %dma_wait3A_608] : memref<100352x8xf32, #tpu.memory_space<vmem_shared>> -> memref<100352x8xf32, #tpu.memory_space<vmem_shared>>
      tpu.wait_indirect_dma semaphore(%arg12 : memref<!tpu.dma_semaphore, #tpu.memory_space<semaphore_mem>>) src(%dma_wait3A_603 : memref<128x8xf32, #tpu.memory_space<vmem>>) dst(%dma_wait3A_609 : memref<100352x8xf32, #tpu.memory_space<vmem_shared>>)
      %dma_wait3A_610 = arith.constant 1 : i32
      %dma_wait3A_611 = arith.constant 1 : i32
      %dma_wait3A_612 = arith.constant 0 : i32
      %dma_wait3A_613 = arith.constant 0 : i32
      %dma_wait3A_614 = tpu.memref_slice %arg9[%dma_wait3A_610, %dma_wait3A_612, %dma_wait3A_613] : memref<16x128x8xf32, #tpu.memory_space<vmem>> -> memref<1x128x8xf32, #tpu.memory_space<vmem>>
      %dma_wait3A_615 = tpu.memref_squeeze %dma_wait3A_614 : memref<1x128x8xf32, #tpu.memory_space<vmem>> -> memref<128x8xf32, #tpu.memory_space<vmem>>
      %dma_wait3A_616 = arith.constant 0 : i32
      %dma_wait3A_617 = tpu.memref_slice %arg8[%dma_wait3A_611, %dma_wait3A_616] : memref<16x128xi32, #tpu.memory_space<vmem>> -> memref<1x128xi32, #tpu.memory_space<vmem>>
      %dma_wait3A_618 = tpu.memref_squeeze %dma_wait3A_617 : memref<1x128xi32, #tpu.memory_space<vmem>> -> memref<128xi32, #tpu.memory_space<vmem>>
      %dma_wait3A_619 = arith.constant 0 : i32
      %dma_wait3A_620 = arith.constant 0 : i32
      %dma_wait3A_621 = tpu.memref_slice %arg10[%dma_wait3A_619, %dma_wait3A_620] : memref<100352x8xf32, #tpu.memory_space<vmem_shared>> -> memref<100352x8xf32, #tpu.memory_space<vmem_shared>>
      tpu.wait_indirect_dma semaphore(%arg12 : memref<!tpu.dma_semaphore, #tpu.memory_space<semaphore_mem>>) src(%dma_wait3A_615 : memref<128x8xf32, #tpu.memory_space<vmem>>) dst(%dma_wait3A_621 : memref<100352x8xf32, #tpu.memory_space<vmem_shared>>)
      %dma_wait3A_622 = arith.constant 2 : i32
      %dma_wait3A_623 = arith.constant 2 : i32
      %dma_wait3A_624 = arith.constant 0 : i32
      %dma_wait3A_625 = arith.constant 0 : i32
      %dma_wait3A_626 = tpu.memref_slice %arg9[%dma_wait3A_622, %dma_wait3A_624, %dma_wait3A_625] : memref<16x128x8xf32, #tpu.memory_space<vmem>> -> memref<1x128x8xf32, #tpu.memory_space<vmem>>
      %dma_wait3A_627 = tpu.memref_squeeze %dma_wait3A_626 : memref<1x128x8xf32, #tpu.memory_space<vmem>> -> memref<128x8xf32, #tpu.memory_space<vmem>>
      %dma_wait3A_628 = arith.constant 0 : i32
      %dma_wait3A_629 = tpu.memref_slice %arg8[%dma_wait3A_623, %dma_wait3A_628] : memref<16x128xi32, #tpu.memory_space<vmem>> -> memref<1x128xi32, #tpu.memory_space<vmem>>
      %dma_wait3A_630 = tpu.memref_squeeze %dma_wait3A_629 : memref<1x128xi32, #tpu.memory_space<vmem>> -> memref<128xi32, #tpu.memory_space<vmem>>
      %dma_wait3A_631 = arith.constant 0 : i32
      %dma_wait3A_632 = arith.constant 0 : i32
      %dma_wait3A_633 = tpu.memref_slice %arg10[%dma_wait3A_631, %dma_wait3A_632] : memref<100352x8xf32, #tpu.memory_space<vmem_shared>> -> memref<100352x8xf32, #tpu.memory_space<vmem_shared>>
      tpu.wait_indirect_dma semaphore(%arg12 : memref<!tpu.dma_semaphore, #tpu.memory_space<semaphore_mem>>) src(%dma_wait3A_627 : memref<128x8xf32, #tpu.memory_space<vmem>>) dst(%dma_wait3A_633 : memref<100352x8xf32, #tpu.memory_space<vmem_shared>>)
      %dma_wait3A_634 = arith.constant 3 : i32
      %dma_wait3A_635 = arith.constant 3 : i32
      %dma_wait3A_636 = arith.constant 0 : i32
      %dma_wait3A_637 = arith.constant 0 : i32
      %dma_wait3A_638 = tpu.memref_slice %arg9[%dma_wait3A_634, %dma_wait3A_636, %dma_wait3A_637] : memref<16x128x8xf32, #tpu.memory_space<vmem>> -> memref<1x128x8xf32, #tpu.memory_space<vmem>>
      %dma_wait3A_639 = tpu.memref_squeeze %dma_wait3A_638 : memref<1x128x8xf32, #tpu.memory_space<vmem>> -> memref<128x8xf32, #tpu.memory_space<vmem>>
      %dma_wait3A_640 = arith.constant 0 : i32
      %dma_wait3A_641 = tpu.memref_slice %arg8[%dma_wait3A_635, %dma_wait3A_640] : memref<16x128xi32, #tpu.memory_space<vmem>> -> memref<1x128xi32, #tpu.memory_space<vmem>>
      %dma_wait3A_642 = tpu.memref_squeeze %dma_wait3A_641 : memref<1x128xi32, #tpu.memory_space<vmem>> -> memref<128xi32, #tpu.memory_space<vmem>>
      %dma_wait3A_643 = arith.constant 0 : i32
      %dma_wait3A_644 = arith.constant 0 : i32
      %dma_wait3A_645 = tpu.memref_slice %arg10[%dma_wait3A_643, %dma_wait3A_644] : memref<100352x8xf32, #tpu.memory_space<vmem_shared>> -> memref<100352x8xf32, #tpu.memory_space<vmem_shared>>
      tpu.wait_indirect_dma semaphore(%arg12 : memref<!tpu.dma_semaphore, #tpu.memory_space<semaphore_mem>>) src(%dma_wait3A_639 : memref<128x8xf32, #tpu.memory_space<vmem>>) dst(%dma_wait3A_645 : memref<100352x8xf32, #tpu.memory_space<vmem_shared>>)
      %dma_wait3A_646 = arith.constant 4 : i32
      %dma_wait3A_647 = arith.constant 4 : i32
      %dma_wait3A_648 = arith.constant 0 : i32
      %dma_wait3A_649 = arith.constant 0 : i32
      %dma_wait3A_650 = tpu.memref_slice %arg9[%dma_wait3A_646, %dma_wait3A_648, %dma_wait3A_649] : memref<16x128x8xf32, #tpu.memory_space<vmem>> -> memref<1x128x8xf32, #tpu.memory_space<vmem>>
      %dma_wait3A_651 = tpu.memref_squeeze %dma_wait3A_650 : memref<1x128x8xf32, #tpu.memory_space<vmem>> -> memref<128x8xf32, #tpu.memory_space<vmem>>
      %dma_wait3A_652 = arith.constant 0 : i32
      %dma_wait3A_653 = tpu.memref_slice %arg8[%dma_wait3A_647, %dma_wait3A_652] : memref<16x128xi32, #tpu.memory_space<vmem>> -> memref<1x128xi32, #tpu.memory_space<vmem>>
      %dma_wait3A_654 = tpu.memref_squeeze %dma_wait3A_653 : memref<1x128xi32, #tpu.memory_space<vmem>> -> memref<128xi32, #tpu.memory_space<vmem>>
      %dma_wait3A_655 = arith.constant 0 : i32
      %dma_wait3A_656 = arith.constant 0 : i32
      %dma_wait3A_657 = tpu.memref_slice %arg10[%dma_wait3A_655, %dma_wait3A_656] : memref<100352x8xf32, #tpu.memory_space<vmem_shared>> -> memref<100352x8xf32, #tpu.memory_space<vmem_shared>>
      tpu.wait_indirect_dma semaphore(%arg12 : memref<!tpu.dma_semaphore, #tpu.memory_space<semaphore_mem>>) src(%dma_wait3A_651 : memref<128x8xf32, #tpu.memory_space<vmem>>) dst(%dma_wait3A_657 : memref<100352x8xf32, #tpu.memory_space<vmem_shared>>)
      %dma_wait3A_658 = arith.constant 5 : i32
      %dma_wait3A_659 = arith.constant 5 : i32
      %dma_wait3A_660 = arith.constant 0 : i32
      %dma_wait3A_661 = arith.constant 0 : i32
      %dma_wait3A_662 = tpu.memref_slice %arg9[%dma_wait3A_658, %dma_wait3A_660, %dma_wait3A_661] : memref<16x128x8xf32, #tpu.memory_space<vmem>> -> memref<1x128x8xf32, #tpu.memory_space<vmem>>
      %dma_wait3A_663 = tpu.memref_squeeze %dma_wait3A_662 : memref<1x128x8xf32, #tpu.memory_space<vmem>> -> memref<128x8xf32, #tpu.memory_space<vmem>>
      %dma_wait3A_664 = arith.constant 0 : i32
      %dma_wait3A_665 = tpu.memref_slice %arg8[%dma_wait3A_659, %dma_wait3A_664] : memref<16x128xi32, #tpu.memory_space<vmem>> -> memref<1x128xi32, #tpu.memory_space<vmem>>
      %dma_wait3A_666 = tpu.memref_squeeze %dma_wait3A_665 : memref<1x128xi32, #tpu.memory_space<vmem>> -> memref<128xi32, #tpu.memory_space<vmem>>
      %dma_wait3A_667 = arith.constant 0 : i32
      %dma_wait3A_668 = arith.constant 0 : i32
      %dma_wait3A_669 = tpu.memref_slice %arg10[%dma_wait3A_667, %dma_wait3A_668] : memref<100352x8xf32, #tpu.memory_space<vmem_shared>> -> memref<100352x8xf32, #tpu.memory_space<vmem_shared>>
      tpu.wait_indirect_dma semaphore(%arg12 : memref<!tpu.dma_semaphore, #tpu.memory_space<semaphore_mem>>) src(%dma_wait3A_663 : memref<128x8xf32, #tpu.memory_space<vmem>>) dst(%dma_wait3A_669 : memref<100352x8xf32, #tpu.memory_space<vmem_shared>>)
      %dma_wait3A_670 = arith.constant 6 : i32
      %dma_wait3A_671 = arith.constant 6 : i32
      %dma_wait3A_672 = arith.constant 0 : i32
      %dma_wait3A_673 = arith.constant 0 : i32
      %dma_wait3A_674 = tpu.memref_slice %arg9[%dma_wait3A_670, %dma_wait3A_672, %dma_wait3A_673] : memref<16x128x8xf32, #tpu.memory_space<vmem>> -> memref<1x128x8xf32, #tpu.memory_space<vmem>>
      %dma_wait3A_675 = tpu.memref_squeeze %dma_wait3A_674 : memref<1x128x8xf32, #tpu.memory_space<vmem>> -> memref<128x8xf32, #tpu.memory_space<vmem>>
      %dma_wait3A_676 = arith.constant 0 : i32
      %dma_wait3A_677 = tpu.memref_slice %arg8[%dma_wait3A_671, %dma_wait3A_676] : memref<16x128xi32, #tpu.memory_space<vmem>> -> memref<1x128xi32, #tpu.memory_space<vmem>>
      %dma_wait3A_678 = tpu.memref_squeeze %dma_wait3A_677 : memref<1x128xi32, #tpu.memory_space<vmem>> -> memref<128xi32, #tpu.memory_space<vmem>>
      %dma_wait3A_679 = arith.constant 0 : i32
      %dma_wait3A_680 = arith.constant 0 : i32
      %dma_wait3A_681 = tpu.memref_slice %arg10[%dma_wait3A_679, %dma_wait3A_680] : memref<100352x8xf32, #tpu.memory_space<vmem_shared>> -> memref<100352x8xf32, #tpu.memory_space<vmem_shared>>
      tpu.wait_indirect_dma semaphore(%arg12 : memref<!tpu.dma_semaphore, #tpu.memory_space<semaphore_mem>>) src(%dma_wait3A_675 : memref<128x8xf32, #tpu.memory_space<vmem>>) dst(%dma_wait3A_681 : memref<100352x8xf32, #tpu.memory_space<vmem_shared>>)
      %dma_wait3A_682 = arith.constant 7 : i32
      %dma_wait3A_683 = arith.constant 7 : i32
      %dma_wait3A_684 = arith.constant 0 : i32
      %dma_wait3A_685 = arith.constant 0 : i32
      %dma_wait3A_686 = tpu.memref_slice %arg9[%dma_wait3A_682, %dma_wait3A_684, %dma_wait3A_685] : memref<16x128x8xf32, #tpu.memory_space<vmem>> -> memref<1x128x8xf32, #tpu.memory_space<vmem>>
      %dma_wait3A_687 = tpu.memref_squeeze %dma_wait3A_686 : memref<1x128x8xf32, #tpu.memory_space<vmem>> -> memref<128x8xf32, #tpu.memory_space<vmem>>
      %dma_wait3A_688 = arith.constant 0 : i32
      %dma_wait3A_689 = tpu.memref_slice %arg8[%dma_wait3A_683, %dma_wait3A_688] : memref<16x128xi32, #tpu.memory_space<vmem>> -> memref<1x128xi32, #tpu.memory_space<vmem>>
      %dma_wait3A_690 = tpu.memref_squeeze %dma_wait3A_689 : memref<1x128xi32, #tpu.memory_space<vmem>> -> memref<128xi32, #tpu.memory_space<vmem>>
      %dma_wait3A_691 = arith.constant 0 : i32
      %dma_wait3A_692 = arith.constant 0 : i32
      %dma_wait3A_693 = tpu.memref_slice %arg10[%dma_wait3A_691, %dma_wait3A_692] : memref<100352x8xf32, #tpu.memory_space<vmem_shared>> -> memref<100352x8xf32, #tpu.memory_space<vmem_shared>>
      tpu.wait_indirect_dma semaphore(%arg12 : memref<!tpu.dma_semaphore, #tpu.memory_space<semaphore_mem>>) src(%dma_wait3A_687 : memref<128x8xf32, #tpu.memory_space<vmem>>) dst(%dma_wait3A_693 : memref<100352x8xf32, #tpu.memory_space<vmem_shared>>)
      %dma_wait3A_694 = arith.constant 8 : i32
      %dma_wait3A_695 = arith.constant 8 : i32
      %dma_wait3A_696 = arith.constant 0 : i32
      %dma_wait3A_697 = arith.constant 0 : i32
      %dma_wait3A_698 = tpu.memref_slice %arg9[%dma_wait3A_694, %dma_wait3A_696, %dma_wait3A_697] : memref<16x128x8xf32, #tpu.memory_space<vmem>> -> memref<1x128x8xf32, #tpu.memory_space<vmem>>
      %dma_wait3A_699 = tpu.memref_squeeze %dma_wait3A_698 : memref<1x128x8xf32, #tpu.memory_space<vmem>> -> memref<128x8xf32, #tpu.memory_space<vmem>>
      %dma_wait3A_700 = arith.constant 0 : i32
      %dma_wait3A_701 = tpu.memref_slice %arg8[%dma_wait3A_695, %dma_wait3A_700] : memref<16x128xi32, #tpu.memory_space<vmem>> -> memref<1x128xi32, #tpu.memory_space<vmem>>
      %dma_wait3A_702 = tpu.memref_squeeze %dma_wait3A_701 : memref<1x128xi32, #tpu.memory_space<vmem>> -> memref<128xi32, #tpu.memory_space<vmem>>
      %dma_wait3A_703 = arith.constant 0 : i32
      %dma_wait3A_704 = arith.constant 0 : i32
      %dma_wait3A_705 = tpu.memref_slice %arg10[%dma_wait3A_703, %dma_wait3A_704] : memref<100352x8xf32, #tpu.memory_space<vmem_shared>> -> memref<100352x8xf32, #tpu.memory_space<vmem_shared>>
      tpu.wait_indirect_dma semaphore(%arg12 : memref<!tpu.dma_semaphore, #tpu.memory_space<semaphore_mem>>) src(%dma_wait3A_699 : memref<128x8xf32, #tpu.memory_space<vmem>>) dst(%dma_wait3A_705 : memref<100352x8xf32, #tpu.memory_space<vmem_shared>>)
      %dma_wait3A_706 = arith.constant 9 : i32
      %dma_wait3A_707 = arith.constant 9 : i32
      %dma_wait3A_708 = arith.constant 0 : i32
      %dma_wait3A_709 = arith.constant 0 : i32
      %dma_wait3A_710 = tpu.memref_slice %arg9[%dma_wait3A_706, %dma_wait3A_708, %dma_wait3A_709] : memref<16x128x8xf32, #tpu.memory_space<vmem>> -> memref<1x128x8xf32, #tpu.memory_space<vmem>>
      %dma_wait3A_711 = tpu.memref_squeeze %dma_wait3A_710 : memref<1x128x8xf32, #tpu.memory_space<vmem>> -> memref<128x8xf32, #tpu.memory_space<vmem>>
      %dma_wait3A_712 = arith.constant 0 : i32
      %dma_wait3A_713 = tpu.memref_slice %arg8[%dma_wait3A_707, %dma_wait3A_712] : memref<16x128xi32, #tpu.memory_space<vmem>> -> memref<1x128xi32, #tpu.memory_space<vmem>>
      %dma_wait3A_714 = tpu.memref_squeeze %dma_wait3A_713 : memref<1x128xi32, #tpu.memory_space<vmem>> -> memref<128xi32, #tpu.memory_space<vmem>>
      %dma_wait3A_715 = arith.constant 0 : i32
      %dma_wait3A_716 = arith.constant 0 : i32
      %dma_wait3A_717 = tpu.memref_slice %arg10[%dma_wait3A_715, %dma_wait3A_716] : memref<100352x8xf32, #tpu.memory_space<vmem_shared>> -> memref<100352x8xf32, #tpu.memory_space<vmem_shared>>
      tpu.wait_indirect_dma semaphore(%arg12 : memref<!tpu.dma_semaphore, #tpu.memory_space<semaphore_mem>>) src(%dma_wait3A_711 : memref<128x8xf32, #tpu.memory_space<vmem>>) dst(%dma_wait3A_717 : memref<100352x8xf32, #tpu.memory_space<vmem_shared>>)
      %dma_wait3A_718 = arith.constant 10 : i32
      %dma_wait3A_719 = arith.constant 10 : i32
      %dma_wait3A_720 = arith.constant 0 : i32
      %dma_wait3A_721 = arith.constant 0 : i32
      %dma_wait3A_722 = tpu.memref_slice %arg9[%dma_wait3A_718, %dma_wait3A_720, %dma_wait3A_721] : memref<16x128x8xf32, #tpu.memory_space<vmem>> -> memref<1x128x8xf32, #tpu.memory_space<vmem>>
      %dma_wait3A_723 = tpu.memref_squeeze %dma_wait3A_722 : memref<1x128x8xf32, #tpu.memory_space<vmem>> -> memref<128x8xf32, #tpu.memory_space<vmem>>
      %dma_wait3A_724 = arith.constant 0 : i32
      %dma_wait3A_725 = tpu.memref_slice %arg8[%dma_wait3A_719, %dma_wait3A_724] : memref<16x128xi32, #tpu.memory_space<vmem>> -> memref<1x128xi32, #tpu.memory_space<vmem>>
      %dma_wait3A_726 = tpu.memref_squeeze %dma_wait3A_725 : memref<1x128xi32, #tpu.memory_space<vmem>> -> memref<128xi32, #tpu.memory_space<vmem>>
      %dma_wait3A_727 = arith.constant 0 : i32
      %dma_wait3A_728 = arith.constant 0 : i32
      %dma_wait3A_729 = tpu.memref_slice %arg10[%dma_wait3A_727, %dma_wait3A_728] : memref<100352x8xf32, #tpu.memory_space<vmem_shared>> -> memref<100352x8xf32, #tpu.memory_space<vmem_shared>>
      tpu.wait_indirect_dma semaphore(%arg12 : memref<!tpu.dma_semaphore, #tpu.memory_space<semaphore_mem>>) src(%dma_wait3A_723 : memref<128x8xf32, #tpu.memory_space<vmem>>) dst(%dma_wait3A_729 : memref<100352x8xf32, #tpu.memory_space<vmem_shared>>)
      %dma_wait3A_730 = arith.constant 11 : i32
      %dma_wait3A_731 = arith.constant 11 : i32
      %dma_wait3A_732 = arith.constant 0 : i32
      %dma_wait3A_733 = arith.constant 0 : i32
      %dma_wait3A_734 = tpu.memref_slice %arg9[%dma_wait3A_730, %dma_wait3A_732, %dma_wait3A_733] : memref<16x128x8xf32, #tpu.memory_space<vmem>> -> memref<1x128x8xf32, #tpu.memory_space<vmem>>
      %dma_wait3A_735 = tpu.memref_squeeze %dma_wait3A_734 : memref<1x128x8xf32, #tpu.memory_space<vmem>> -> memref<128x8xf32, #tpu.memory_space<vmem>>
      %dma_wait3A_736 = arith.constant 0 : i32
      %dma_wait3A_737 = tpu.memref_slice %arg8[%dma_wait3A_731, %dma_wait3A_736] : memref<16x128xi32, #tpu.memory_space<vmem>> -> memref<1x128xi32, #tpu.memory_space<vmem>>
      %dma_wait3A_738 = tpu.memref_squeeze %dma_wait3A_737 : memref<1x128xi32, #tpu.memory_space<vmem>> -> memref<128xi32, #tpu.memory_space<vmem>>
      %dma_wait3A_739 = arith.constant 0 : i32
      %dma_wait3A_740 = arith.constant 0 : i32
      %dma_wait3A_741 = tpu.memref_slice %arg10[%dma_wait3A_739, %dma_wait3A_740] : memref<100352x8xf32, #tpu.memory_space<vmem_shared>> -> memref<100352x8xf32, #tpu.memory_space<vmem_shared>>
      tpu.wait_indirect_dma semaphore(%arg12 : memref<!tpu.dma_semaphore, #tpu.memory_space<semaphore_mem>>) src(%dma_wait3A_735 : memref<128x8xf32, #tpu.memory_space<vmem>>) dst(%dma_wait3A_741 : memref<100352x8xf32, #tpu.memory_space<vmem_shared>>)
      %dma_wait3A_742 = arith.constant 12 : i32
      %dma_wait3A_743 = arith.constant 12 : i32
      %dma_wait3A_744 = arith.constant 0 : i32
      %dma_wait3A_745 = arith.constant 0 : i32
      %dma_wait3A_746 = tpu.memref_slice %arg9[%dma_wait3A_742, %dma_wait3A_744, %dma_wait3A_745] : memref<16x128x8xf32, #tpu.memory_space<vmem>> -> memref<1x128x8xf32, #tpu.memory_space<vmem>>
      %dma_wait3A_747 = tpu.memref_squeeze %dma_wait3A_746 : memref<1x128x8xf32, #tpu.memory_space<vmem>> -> memref<128x8xf32, #tpu.memory_space<vmem>>
      %dma_wait3A_748 = arith.constant 0 : i32
      %dma_wait3A_749 = tpu.memref_slice %arg8[%dma_wait3A_743, %dma_wait3A_748] : memref<16x128xi32, #tpu.memory_space<vmem>> -> memref<1x128xi32, #tpu.memory_space<vmem>>
      %dma_wait3A_750 = tpu.memref_squeeze %dma_wait3A_749 : memref<1x128xi32, #tpu.memory_space<vmem>> -> memref<128xi32, #tpu.memory_space<vmem>>
      %dma_wait3A_751 = arith.constant 0 : i32
      %dma_wait3A_752 = arith.constant 0 : i32
      %dma_wait3A_753 = tpu.memref_slice %arg10[%dma_wait3A_751, %dma_wait3A_752] : memref<100352x8xf32, #tpu.memory_space<vmem_shared>> -> memref<100352x8xf32, #tpu.memory_space<vmem_shared>>
      tpu.wait_indirect_dma semaphore(%arg12 : memref<!tpu.dma_semaphore, #tpu.memory_space<semaphore_mem>>) src(%dma_wait3A_747 : memref<128x8xf32, #tpu.memory_space<vmem>>) dst(%dma_wait3A_753 : memref<100352x8xf32, #tpu.memory_space<vmem_shared>>)
      %dma_wait3A_754 = arith.constant 13 : i32
      %dma_wait3A_755 = arith.constant 13 : i32
      %dma_wait3A_756 = arith.constant 0 : i32
      %dma_wait3A_757 = arith.constant 0 : i32
      %dma_wait3A_758 = tpu.memref_slice %arg9[%dma_wait3A_754, %dma_wait3A_756, %dma_wait3A_757] : memref<16x128x8xf32, #tpu.memory_space<vmem>> -> memref<1x128x8xf32, #tpu.memory_space<vmem>>
      %dma_wait3A_759 = tpu.memref_squeeze %dma_wait3A_758 : memref<1x128x8xf32, #tpu.memory_space<vmem>> -> memref<128x8xf32, #tpu.memory_space<vmem>>
      %dma_wait3A_760 = arith.constant 0 : i32
      %dma_wait3A_761 = tpu.memref_slice %arg8[%dma_wait3A_755, %dma_wait3A_760] : memref<16x128xi32, #tpu.memory_space<vmem>> -> memref<1x128xi32, #tpu.memory_space<vmem>>
      %dma_wait3A_762 = tpu.memref_squeeze %dma_wait3A_761 : memref<1x128xi32, #tpu.memory_space<vmem>> -> memref<128xi32, #tpu.memory_space<vmem>>
      %dma_wait3A_763 = arith.constant 0 : i32
      %dma_wait3A_764 = arith.constant 0 : i32
      %dma_wait3A_765 = tpu.memref_slice %arg10[%dma_wait3A_763, %dma_wait3A_764] : memref<100352x8xf32, #tpu.memory_space<vmem_shared>> -> memref<100352x8xf32, #tpu.memory_space<vmem_shared>>
      tpu.wait_indirect_dma semaphore(%arg12 : memref<!tpu.dma_semaphore, #tpu.memory_space<semaphore_mem>>) src(%dma_wait3A_759 : memref<128x8xf32, #tpu.memory_space<vmem>>) dst(%dma_wait3A_765 : memref<100352x8xf32, #tpu.memory_space<vmem_shared>>)
      %dma_wait3A_766 = arith.constant 14 : i32
      %dma_wait3A_767 = arith.constant 14 : i32
      %dma_wait3A_768 = arith.constant 0 : i32
      %dma_wait3A_769 = arith.constant 0 : i32
      %dma_wait3A_770 = tpu.memref_slice %arg9[%dma_wait3A_766, %dma_wait3A_768, %dma_wait3A_769] : memref<16x128x8xf32, #tpu.memory_space<vmem>> -> memref<1x128x8xf32, #tpu.memory_space<vmem>>
      %dma_wait3A_771 = tpu.memref_squeeze %dma_wait3A_770 : memref<1x128x8xf32, #tpu.memory_space<vmem>> -> memref<128x8xf32, #tpu.memory_space<vmem>>
      %dma_wait3A_772 = arith.constant 0 : i32
      %dma_wait3A_773 = tpu.memref_slice %arg8[%dma_wait3A_767, %dma_wait3A_772] : memref<16x128xi32, #tpu.memory_space<vmem>> -> memref<1x128xi32, #tpu.memory_space<vmem>>
      %dma_wait3A_774 = tpu.memref_squeeze %dma_wait3A_773 : memref<1x128xi32, #tpu.memory_space<vmem>> -> memref<128xi32, #tpu.memory_space<vmem>>
      %dma_wait3A_775 = arith.constant 0 : i32
      %dma_wait3A_776 = arith.constant 0 : i32
      %dma_wait3A_777 = tpu.memref_slice %arg10[%dma_wait3A_775, %dma_wait3A_776] : memref<100352x8xf32, #tpu.memory_space<vmem_shared>> -> memref<100352x8xf32, #tpu.memory_space<vmem_shared>>
      tpu.wait_indirect_dma semaphore(%arg12 : memref<!tpu.dma_semaphore, #tpu.memory_space<semaphore_mem>>) src(%dma_wait3A_771 : memref<128x8xf32, #tpu.memory_space<vmem>>) dst(%dma_wait3A_777 : memref<100352x8xf32, #tpu.memory_space<vmem_shared>>)
      %dma_wait3A_778 = arith.constant 15 : i32
      %dma_wait3A_779 = arith.constant 15 : i32
      %dma_wait3A_780 = arith.constant 0 : i32
      %dma_wait3A_781 = arith.constant 0 : i32
      %dma_wait3A_782 = tpu.memref_slice %arg9[%dma_wait3A_778, %dma_wait3A_780, %dma_wait3A_781] : memref<16x128x8xf32, #tpu.memory_space<vmem>> -> memref<1x128x8xf32, #tpu.memory_space<vmem>>
      %dma_wait3A_783 = tpu.memref_squeeze %dma_wait3A_782 : memref<1x128x8xf32, #tpu.memory_space<vmem>> -> memref<128x8xf32, #tpu.memory_space<vmem>>
      %dma_wait3A_784 = arith.constant 0 : i32
      %dma_wait3A_785 = tpu.memref_slice %arg8[%dma_wait3A_779, %dma_wait3A_784] : memref<16x128xi32, #tpu.memory_space<vmem>> -> memref<1x128xi32, #tpu.memory_space<vmem>>
      %dma_wait3A_786 = tpu.memref_squeeze %dma_wait3A_785 : memref<1x128xi32, #tpu.memory_space<vmem>> -> memref<128xi32, #tpu.memory_space<vmem>>
      %dma_wait3A_787 = arith.constant 0 : i32
      %dma_wait3A_788 = arith.constant 0 : i32
      %dma_wait3A_789 = tpu.memref_slice %arg10[%dma_wait3A_787, %dma_wait3A_788] : memref<100352x8xf32, #tpu.memory_space<vmem_shared>> -> memref<100352x8xf32, #tpu.memory_space<vmem_shared>>
      tpu.wait_indirect_dma semaphore(%arg12 : memref<!tpu.dma_semaphore, #tpu.memory_space<semaphore_mem>>) src(%dma_wait3A_783 : memref<128x8xf32, #tpu.memory_space<vmem>>) dst(%dma_wait3A_789 : memref<100352x8xf32, #tpu.memory_space<vmem_shared>>)
    }
    %scan3A_8 = arith.constant 50 : i32
    %barrier3A_9 = arith.constant 0 : index
    tpu.barrier barrier_id(%barrier3A_9)
    %mul3A_10 = arith.constant 6272 : i32
    %mul3A_11 = arith.muli %arg1, %mul3A_10 : i32
    %mul3A_12 = arith.constant 6272 : i32
    %mul3A_13 = arith.muli %arg1, %mul3A_12 : i32
    "tpu.region"() ({
      %run_scoped3A = tpu.sem_alloc : memref<!tpu.dma_semaphore, #tpu.memory_space<semaphore_mem>>
      %dma_start3A = arith.constant 0 : i32
      %dma_start3A_14 = tpu.memref_slice %arg6[%arg0, %mul3A_13, %dma_start3A] : memref<2x100352x8xf32, #tpu.memory_space<hbm>> -> memref<1x6272x8xf32, #tpu.memory_space<hbm>>
      %dma_start3A_15 = tpu.memref_squeeze %dma_start3A_14 : memref<1x6272x8xf32, #tpu.memory_space<hbm>> -> memref<6272x8xf32, #tpu.memory_space<hbm>>
      %dma_start3A_16 = arith.constant 0 : i32
      %dma_start3A_17 = tpu.memref_slice %arg10[%mul3A_11, %dma_start3A_16] : memref<100352x8xf32, #tpu.memory_space<vmem_shared>> -> memref<6272x8xf32, #tpu.memory_space<vmem_shared>>
      tpu.enqueue_dma source(%dma_start3A_17 : memref<6272x8xf32, #tpu.memory_space<vmem_shared>>) target(%dma_start3A_15 : memref<6272x8xf32, #tpu.memory_space<hbm>>) target_semaphore(%run_scoped3A : memref<!tpu.dma_semaphore, #tpu.memory_space<semaphore_mem>>)
      %dma_wait3A = arith.constant 0 : i32
      %dma_wait3A_18 = tpu.memref_slice %arg6[%arg0, %mul3A_13, %dma_wait3A] : memref<2x100352x8xf32, #tpu.memory_space<hbm>> -> memref<1x6272x8xf32, #tpu.memory_space<hbm>>
      %dma_wait3A_19 = tpu.memref_squeeze %dma_wait3A_18 : memref<1x6272x8xf32, #tpu.memory_space<hbm>> -> memref<6272x8xf32, #tpu.memory_space<hbm>>
      %dma_wait3A_20 = arith.constant 0 : i32
      %dma_wait3A_21 = tpu.memref_slice %arg10[%mul3A_11, %dma_wait3A_20] : memref<100352x8xf32, #tpu.memory_space<vmem_shared>> -> memref<6272x8xf32, #tpu.memory_space<vmem_shared>>
      tpu.wait_dma2 semaphore(%run_scoped3A : memref<!tpu.dma_semaphore, #tpu.memory_space<semaphore_mem>>) src(%dma_wait3A_21 : memref<6272x8xf32, #tpu.memory_space<vmem_shared>>) dst(%dma_wait3A_19 : memref<6272x8xf32, #tpu.memory_space<hbm>>)
      tpu.yield
    }) : () -> ()
    return
  }
}

module attributes {stable_mosaic.version = 14 : i64} {
  func.func @body(%arg0: i32, %arg1: i32, %arg2: memref<8x2048xf32, #tpu.memory_space<vmem>>, %arg3: memref<8x2xf32, #tpu.memory_space<vmem>>, %arg4: memref<128x128xf32, #tpu.memory_space<vmem>>, %arg5: memref<128x128xf32, #tpu.memory_space<vmem>>) attributes {dimension_semantics = [#tpu.dimension_semantics<arbitrary>, #tpu.dimension_semantics<arbitrary>], iteration_bounds = array<i64: 2, 489>, scalar_prefetch = 0 : i64, scratch_operands = 0 : i64, tpu.core_type = #tpu.core_type<tc>, window_params = [{transform_indices = @transform_0, window_bounds = array<i64: 8, 2048>}, {pipeline_mode = #tpu.pipeline_mode<synchronous>, transform_indices = @transform_1, window_bounds = array<i64: 8, 2>}, {pipeline_mode = #tpu.pipeline_mode<synchronous>, transform_indices = @transform_2, window_bounds = array<i64: 128, 128>}, {transform_indices = @transform_3, window_bounds = array<i64: 128, 128>}]} {
    %eq3A = arith.constant 0 : i32
    %eq3A_0 = arith.cmpi eq, %arg0, %eq3A : i32
    %get3A = arith.constant 0 : index
    %get3A_1 = arith.constant 0 : index
    %get3A_2 = vector.load %arg3[%get3A, %get3A_1] : memref<8x2xf32, #tpu.memory_space<vmem>>, vector<8x1xf32>
    %get3A_3 = arith.constant 0 : index
    %get3A_4 = arith.constant 1 : index
    %get3A_5 = vector.load %arg3[%get3A_3, %get3A_4] : memref<8x2xf32, #tpu.memory_space<vmem>>, vector<8x1xf32>
    %select_n3A = arith.select %eq3A_0, %get3A_2, %get3A_5 : vector<8x1xf32>
    %get3A_6 = arith.constant 0 : index
    %get3A_7 = arith.constant 0 : index
    %get3A_8 = vector.load %arg2[%get3A_6, %get3A_7] : memref<8x2048xf32, #tpu.memory_space<vmem>>, vector<8x2048xf32>
    %add3A = vector.broadcast %select_n3A : vector<8x1xf32> to vector<8x2048xf32>
    %add3A_9 = arith.addf %get3A_8, %add3A : vector<8x2048xf32>
    %max3A = arith.constant 0.000000e+00 : f32
    %max3A_10 = vector.broadcast %max3A : f32 to vector<8x2048xf32>
    %max3A_11 = arith.maximumf %add3A_9, %max3A_10 : vector<8x2048xf32>
    %slice3A = vector.extract_strided_slice %max3A_11 {offsets = [0, 0], sizes = [8, 128], strides = [1, 1]} : vector<8x2048xf32> to vector<8x128xf32>
    %slice3A_12 = vector.extract_strided_slice %max3A_11 {offsets = [0, 128], sizes = [8, 128], strides = [1, 1]} : vector<8x2048xf32> to vector<8x128xf32>
    %slice3A_13 = vector.extract_strided_slice %max3A_11 {offsets = [0, 256], sizes = [8, 128], strides = [1, 1]} : vector<8x2048xf32> to vector<8x128xf32>
    %slice3A_14 = vector.extract_strided_slice %max3A_11 {offsets = [0, 384], sizes = [8, 128], strides = [1, 1]} : vector<8x2048xf32> to vector<8x128xf32>
    %slice3A_15 = vector.extract_strided_slice %max3A_11 {offsets = [0, 512], sizes = [8, 128], strides = [1, 1]} : vector<8x2048xf32> to vector<8x128xf32>
    %slice3A_16 = vector.extract_strided_slice %max3A_11 {offsets = [0, 640], sizes = [8, 128], strides = [1, 1]} : vector<8x2048xf32> to vector<8x128xf32>
    %slice3A_17 = vector.extract_strided_slice %max3A_11 {offsets = [0, 768], sizes = [8, 128], strides = [1, 1]} : vector<8x2048xf32> to vector<8x128xf32>
    %slice3A_18 = vector.extract_strided_slice %max3A_11 {offsets = [0, 896], sizes = [8, 128], strides = [1, 1]} : vector<8x2048xf32> to vector<8x128xf32>
    %slice3A_19 = vector.extract_strided_slice %max3A_11 {offsets = [0, 1024], sizes = [8, 128], strides = [1, 1]} : vector<8x2048xf32> to vector<8x128xf32>
    %slice3A_20 = vector.extract_strided_slice %max3A_11 {offsets = [0, 1152], sizes = [8, 128], strides = [1, 1]} : vector<8x2048xf32> to vector<8x128xf32>
    %slice3A_21 = vector.extract_strided_slice %max3A_11 {offsets = [0, 1280], sizes = [8, 128], strides = [1, 1]} : vector<8x2048xf32> to vector<8x128xf32>
    %slice3A_22 = vector.extract_strided_slice %max3A_11 {offsets = [0, 1408], sizes = [8, 128], strides = [1, 1]} : vector<8x2048xf32> to vector<8x128xf32>
    %slice3A_23 = vector.extract_strided_slice %max3A_11 {offsets = [0, 1536], sizes = [8, 128], strides = [1, 1]} : vector<8x2048xf32> to vector<8x128xf32>
    %slice3A_24 = vector.extract_strided_slice %max3A_11 {offsets = [0, 1664], sizes = [8, 128], strides = [1, 1]} : vector<8x2048xf32> to vector<8x128xf32>
    %slice3A_25 = vector.extract_strided_slice %max3A_11 {offsets = [0, 1792], sizes = [8, 128], strides = [1, 1]} : vector<8x2048xf32> to vector<8x128xf32>
    %slice3A_26 = vector.extract_strided_slice %max3A_11 {offsets = [0, 1920], sizes = [8, 128], strides = [1, 1]} : vector<8x2048xf32> to vector<8x128xf32>
    %concatenate3A = tpu.concatenate %slice3A, %slice3A_12, %slice3A_13, %slice3A_14, %slice3A_15, %slice3A_16, %slice3A_17, %slice3A_18, %slice3A_19, %slice3A_20, %slice3A_21, %slice3A_22, %slice3A_23, %slice3A_24, %slice3A_25, %slice3A_26 in 0 : vector<8x128xf32>, vector<8x128xf32>, vector<8x128xf32>, vector<8x128xf32>, vector<8x128xf32>, vector<8x128xf32>, vector<8x128xf32>, vector<8x128xf32>, vector<8x128xf32>, vector<8x128xf32>, vector<8x128xf32>, vector<8x128xf32>, vector<8x128xf32>, vector<8x128xf32>, vector<8x128xf32>, vector<8x128xf32> -> vector<128x128xf32>
    %get3A_27 = arith.constant 0 : index
    %get3A_28 = arith.constant 0 : index
    %get3A_29 = vector.load %arg4[%get3A_27, %get3A_28] : memref<128x128xf32, #tpu.memory_space<vmem>>, vector<128x128xf32>
    %dot_general3A = arith.constant dense<0.000000e+00> : vector<128x128xf32>
    %dot_general3A_30 = tpu.matmul %concatenate3A, %get3A_29, %dot_general3A {dimension_numbers = #tpu.dot_dimension_numbers<[0], [0], [1], [1], [0, 1, 1, 1], [], []>, transpose_lhs_hint = false} : vector<128x128xf32>, vector<128x128xf32>, vector<128x128xf32> -> vector<128x128xf32>
    %swap3A = arith.constant 0 : index
    %swap3A_31 = arith.constant 0 : index
    %swap3A_32 = vector.load %arg5[%swap3A, %swap3A_31] : memref<128x128xf32, #tpu.memory_space<vmem>>, vector<128x128xf32>
    tpu.vector_store %arg5[%swap3A, %swap3A_31], %dot_general3A_30 {strides = array<i32>} : memref<128x128xf32, #tpu.memory_space<vmem>>, vector<128x128xf32>,
    return
  }
  func.func @transform_0(%arg0: i32, %arg1: i32) -> (i32, i32) {
    %c0_i32 = arith.constant 0 : i32
    %c0_i32_0 = arith.constant 0 : i32
    return %c0_i32, %arg1 : i32, i32
  }
  func.func @transform_1(%arg0: i32, %arg1: i32) -> (i32, i32) {
    %c0_i32 = arith.constant 0 : i32
    %c0_i32_0 = arith.constant 0 : i32
    %c0_i32_1 = arith.constant 0 : i32
    return %c0_i32, %c0_i32_0 : i32, i32
  }
  func.func @transform_2(%arg0: i32, %arg1: i32) -> (i32, i32) {
    %c0_i32 = arith.constant 0 : i32
    %c0_i32_0 = arith.constant 0 : i32
    %c0_i32_1 = arith.constant 0 : i32
    return %c0_i32, %c0_i32_0 : i32, i32
  }
  func.func @transform_3(%arg0: i32, %arg1: i32) -> (i32, i32) {
    %mul3A = arith.constant 489 : i32
    %mul3A_0 = arith.muli %arg0, %mul3A : i32
    %add3A = arith.addi %mul3A_0, %arg1 : i32
    %c0_i32 = arith.constant 0 : i32
    %c0_i32_1 = arith.constant 0 : i32
    return %add3A, %c0_i32 : i32, i32
  }
}

module attributes {stable_mosaic.version = 14 : i64} {
  func.func @body(%arg0: i32, %arg1: memref<165120x128xf32, #tpu.memory_space<any>>, %arg2: memref<4x2048xf32, #tpu.memory_space<vmem>>, %arg3: memref<64x128xf32, #tpu.memory_space<vmem>>, %arg4: memref<128x128xf32, #tpu.memory_space<vmem>>) attributes {dimension_semantics = [#tpu.dimension_semantics<arbitrary>], iteration_bounds = array<i64: 312>, scalar_prefetch = 0 : i64, scratch_operands = 0 : i64, tpu.core_type = #tpu.core_type<tc>, window_params = [{}, {transform_indices = @transform_1, window_bounds = array<i64: 4, 2048>}, {pipeline_mode = #tpu.pipeline_mode<synchronous>, transform_indices = @transform_2, window_bounds = array<i64: 64, 128>}, {transform_indices = @transform_3, window_bounds = array<i64: 128, 128>}]} {
    %get3A = arith.constant 0 : index
    %get3A_0 = arith.constant 0 : index
    %get3A_1 = vector.load %arg2[%get3A, %get3A_0] : memref<4x2048xf32, #tpu.memory_space<vmem>>, vector<4x2048xf32>
    %max3A = arith.constant 0.000000e+00 : f32
    %max3A_2 = vector.broadcast %max3A : f32 to vector<4x2048xf32>
    %max3A_3 = arith.maximumf %get3A_1, %max3A_2 : vector<4x2048xf32>
    %slice3A = vector.extract_strided_slice %max3A_3 {offsets = [0, 0], sizes = [4, 128], strides = [1, 1]} : vector<4x2048xf32> to vector<4x128xf32>
    %slice3A_4 = vector.extract_strided_slice %max3A_3 {offsets = [0, 128], sizes = [4, 128], strides = [1, 1]} : vector<4x2048xf32> to vector<4x128xf32>
    %slice3A_5 = vector.extract_strided_slice %max3A_3 {offsets = [0, 256], sizes = [4, 128], strides = [1, 1]} : vector<4x2048xf32> to vector<4x128xf32>
    %slice3A_6 = vector.extract_strided_slice %max3A_3 {offsets = [0, 384], sizes = [4, 128], strides = [1, 1]} : vector<4x2048xf32> to vector<4x128xf32>
    %slice3A_7 = vector.extract_strided_slice %max3A_3 {offsets = [0, 512], sizes = [4, 128], strides = [1, 1]} : vector<4x2048xf32> to vector<4x128xf32>
    %slice3A_8 = vector.extract_strided_slice %max3A_3 {offsets = [0, 640], sizes = [4, 128], strides = [1, 1]} : vector<4x2048xf32> to vector<4x128xf32>
    %slice3A_9 = vector.extract_strided_slice %max3A_3 {offsets = [0, 768], sizes = [4, 128], strides = [1, 1]} : vector<4x2048xf32> to vector<4x128xf32>
    %slice3A_10 = vector.extract_strided_slice %max3A_3 {offsets = [0, 896], sizes = [4, 128], strides = [1, 1]} : vector<4x2048xf32> to vector<4x128xf32>
    %slice3A_11 = vector.extract_strided_slice %max3A_3 {offsets = [0, 1024], sizes = [4, 128], strides = [1, 1]} : vector<4x2048xf32> to vector<4x128xf32>
    %slice3A_12 = vector.extract_strided_slice %max3A_3 {offsets = [0, 1152], sizes = [4, 128], strides = [1, 1]} : vector<4x2048xf32> to vector<4x128xf32>
    %slice3A_13 = vector.extract_strided_slice %max3A_3 {offsets = [0, 1280], sizes = [4, 128], strides = [1, 1]} : vector<4x2048xf32> to vector<4x128xf32>
    %slice3A_14 = vector.extract_strided_slice %max3A_3 {offsets = [0, 1408], sizes = [4, 128], strides = [1, 1]} : vector<4x2048xf32> to vector<4x128xf32>
    %slice3A_15 = vector.extract_strided_slice %max3A_3 {offsets = [0, 1536], sizes = [4, 128], strides = [1, 1]} : vector<4x2048xf32> to vector<4x128xf32>
    %slice3A_16 = vector.extract_strided_slice %max3A_3 {offsets = [0, 1664], sizes = [4, 128], strides = [1, 1]} : vector<4x2048xf32> to vector<4x128xf32>
    %slice3A_17 = vector.extract_strided_slice %max3A_3 {offsets = [0, 1792], sizes = [4, 128], strides = [1, 1]} : vector<4x2048xf32> to vector<4x128xf32>
    %slice3A_18 = vector.extract_strided_slice %max3A_3 {offsets = [0, 1920], sizes = [4, 128], strides = [1, 1]} : vector<4x2048xf32> to vector<4x128xf32>
    %concatenate3A = tpu.concatenate %slice3A, %slice3A_4, %slice3A_5, %slice3A_6, %slice3A_7, %slice3A_8, %slice3A_9, %slice3A_10, %slice3A_11, %slice3A_12, %slice3A_13, %slice3A_14, %slice3A_15, %slice3A_16, %slice3A_17, %slice3A_18 in 0 : vector<4x128xf32>, vector<4x128xf32>, vector<4x128xf32>, vector<4x128xf32>, vector<4x128xf32>, vector<4x128xf32>, vector<4x128xf32>, vector<4x128xf32>, vector<4x128xf32>, vector<4x128xf32>, vector<4x128xf32>, vector<4x128xf32>, vector<4x128xf32>, vector<4x128xf32>, vector<4x128xf32>, vector<4x128xf32> -> vector<64x128xf32>
    %get3A_19 = arith.constant 0 : index
    %get3A_20 = arith.constant 0 : index
    %get3A_21 = vector.load %arg3[%get3A_19, %get3A_20] : memref<64x128xf32, #tpu.memory_space<vmem>>, vector<64x128xf32>
    %dot_general3A = arith.constant dense<0.000000e+00> : vector<128x128xf32>
    %dot_general3A_22 = tpu.matmul %concatenate3A, %get3A_21, %dot_general3A {dimension_numbers = #tpu.dot_dimension_numbers<[0], [0], [1], [1], [0, 1, 1, 1], [], []>, transpose_lhs_hint = false} : vector<64x128xf32>, vector<64x128xf32>, vector<128x128xf32> -> vector<128x128xf32>
    %swap3A = arith.constant 0 : index
    %swap3A_23 = arith.constant 0 : index
    %swap3A_24 = vector.load %arg4[%swap3A, %swap3A_23] : memref<128x128xf32, #tpu.memory_space<vmem>>, vector<128x128xf32>
    tpu.vector_store %arg4[%swap3A, %swap3A_23], %dot_general3A_22 {strides = array<i32>} : memref<128x128xf32, #tpu.memory_space<vmem>>, vector<128x128xf32>,
    return
  }
  func.func @transform_1(%arg0: i32) -> (i32, i32) {
    %c0_i32 = arith.constant 0 : i32
    %c0_i32_0 = arith.constant 0 : i32
    return %c0_i32, %arg0 : i32, i32
  }
  func.func @transform_2(%arg0: i32) -> (i32, i32) {
    %c0_i32 = arith.constant 0 : i32
    %c0_i32_0 = arith.constant 0 : i32
    %c0_i32_1 = arith.constant 0 : i32
    return %c0_i32, %c0_i32_0 : i32, i32
  }
  func.func @transform_3(%arg0: i32) -> (i32, i32) {
    %add3A = arith.constant 978 : i32
    %add3A_0 = arith.addi %add3A, %arg0 : i32
    %c0_i32 = arith.constant 0 : i32
    %c0_i32_1 = arith.constant 0 : i32
    return %add3A_0, %c0_i32 : i32, i32
  }
}

module attributes {stable_mosaic.version = 14 : i64} {
  func.func @_tc1_body(%arg0: i32, %arg1: memref<2000x16xf32, #tpu.memory_space<vmem>>, %arg2: memref<2000x3xi32, #tpu.memory_space<vmem>>, %arg3: memref<2000x1xi32, #tpu.memory_space<vmem>>, %arg4: memref<2000x1xf32, #tpu.memory_space<vmem>>, %arg5: memref<2000x1xf32, #tpu.memory_space<vmem>>, %arg6: memref<1x8xf32, #tpu.memory_space<vmem>>, %arg7: memref<1x8xf32, #tpu.memory_space<vmem>>, %arg8: memref<2000x8xf32, #tpu.memory_space<vmem>>, %arg9: memref<2000x1xf32, #tpu.memory_space<vmem>>) attributes {dimension_semantics = [#tpu.dimension_semantics<arbitrary>], iteration_bounds = array<i64: 50>, scalar_prefetch = 0 : i64, scratch_operands = 0 : i64, tpu.core_type = #tpu.core_type<tc>, window_params = [{transform_indices = @transform_0, window_bounds = array<i64: 2000, 16>}, {transform_indices = @transform_1, window_bounds = array<i64: 2000, 3>}, {transform_indices = @transform_2, window_bounds = array<i64: 2000, 1>}, {transform_indices = @transform_3, window_bounds = array<i64: 2000, 1>}, {transform_indices = @transform_4, window_bounds = array<i64: 2000, 1>}, {pipeline_mode = #tpu.pipeline_mode<synchronous>, transform_indices = @transform_5, window_bounds = array<i64: 1, 8>}, {pipeline_mode = #tpu.pipeline_mode<synchronous>, transform_indices = @transform_6, window_bounds = array<i64: 1, 8>}, {transform_indices = @transform_7, window_bounds = array<i64: 2000, 8>}, {transform_indices = @transform_8, window_bounds = array<i64: 2000, 1>}]} {
    %get3A = arith.constant 0 : index
    %get3A_0 = arith.constant 2 : index
    %get3A_1 = vector.load %arg2[%get3A, %get3A_0] : memref<2000x3xi32, #tpu.memory_space<vmem>>, vector<2000x1xi32>
    %get3A_2 = arith.constant 0 : index
    %get3A_3 = arith.constant 0 : index
    %get3A_4 = vector.load %arg4[%get3A_2, %get3A_3] : memref<2000x1xf32, #tpu.memory_space<vmem>>, vector<2000x1xf32>
    %add3A = arith.constant 1.000000e+00 : f32
    %add3A_5 = vector.broadcast %add3A : f32 to vector<2000x1xf32>
    %add3A_6 = arith.addf %add3A_5, %get3A_4 : vector<2000x1xf32>
    %get3A_7 = arith.constant 0 : index
    %get3A_8 = arith.constant 0 : index
    %get3A_9 = vector.load %arg5[%get3A_7, %get3A_8] : memref<2000x1xf32, #tpu.memory_space<vmem>>, vector<2000x1xf32>
    %add3A_10 = arith.addf %add3A_6, %get3A_9 : vector<2000x1xf32>
    %rsqrt3A = math.rsqrt %add3A_10 : vector<2000x1xf32>
    %get3A_11 = arith.constant 0 : index
    %get3A_12 = arith.constant 0 : index
    %get3A_13 = vector.load %arg1[%get3A_11, %get3A_12] : memref<2000x16xf32, #tpu.memory_space<vmem>>, vector<2000x16xf32>
    %get3A_14 = arith.constant 0 : index
    %get3A_15 = arith.constant 0 : index
    %get3A_16 = vector.load %arg3[%get3A_14, %get3A_15] : memref<2000x1xi32, #tpu.memory_space<vmem>>, vector<2000x1xi32>
    %eq3A = arith.constant 0 : i32
    %eq3A_17 = vector.broadcast %eq3A : i32 to vector<2000x1xi32>
    %eq3A_18 = arith.cmpi eq, %get3A_16, %eq3A_17 : vector<2000x1xi32>
    %slice3A = vector.extract_strided_slice %get3A_13 {offsets = [0, 0], sizes = [2000, 8], strides = [1, 1]} : vector<2000x16xf32> to vector<2000x8xf32>
    %slice3A_19 = vector.extract_strided_slice %get3A_13 {offsets = [0, 8], sizes = [2000, 8], strides = [1, 1]} : vector<2000x16xf32> to vector<2000x8xf32>
    %broadcast_in_dim3A = vector.shape_cast %eq3A_18 : vector<2000x1xi1> to vector<2000x1xi1>
    %broadcast_in_dim3A_20 = vector.broadcast %broadcast_in_dim3A : vector<2000x1xi1> to vector<2000x8xi1>
    %select_n3A = arith.select %broadcast_in_dim3A_20, %slice3A, %slice3A_19 : vector<2000x8xi1>, vector<2000x8xf32>
    %eq3A_21 = arith.constant 0 : i32
    %eq3A_22 = vector.broadcast %eq3A_21 : i32 to vector<2000x1xi32>
    %eq3A_23 = arith.cmpi eq, %get3A_1, %eq3A_22 : vector<2000x1xi32>
    %get3A_24 = arith.constant 0 : index
    %get3A_25 = arith.constant 0 : index
    %get3A_26 = vector.load %arg6[%get3A_24, %get3A_25] : memref<1x8xf32, #tpu.memory_space<vmem>>, vector<1x8xf32>
    %get3A_27 = arith.constant 0 : index
    %get3A_28 = arith.constant 0 : index
    %get3A_29 = vector.load %arg7[%get3A_27, %get3A_28] : memref<1x8xf32, #tpu.memory_space<vmem>>, vector<1x8xf32>
    %broadcast_in_dim3A_30 = vector.shape_cast %eq3A_23 : vector<2000x1xi1> to vector<2000x1xi1>
    %broadcast_in_dim3A_31 = vector.broadcast %broadcast_in_dim3A_30 : vector<2000x1xi1> to vector<2000x8xi1>
    %broadcast_in_dim3A_32 = vector.shape_cast %get3A_26 : vector<1x8xf32> to vector<1x8xf32>
    %broadcast_in_dim3A_33 = vector.broadcast %broadcast_in_dim3A_32 : vector<1x8xf32> to vector<2000x8xf32>
    %broadcast_in_dim3A_34 = vector.shape_cast %get3A_29 : vector<1x8xf32> to vector<1x8xf32>
    %broadcast_in_dim3A_35 = vector.broadcast %broadcast_in_dim3A_34 : vector<1x8xf32> to vector<2000x8xf32>
    %select_n3A_36 = arith.select %broadcast_in_dim3A_31, %broadcast_in_dim3A_33, %broadcast_in_dim3A_35 : vector<2000x8xi1>, vector<2000x8xf32>
    %add3A_37 = arith.addf %select_n3A, %select_n3A_36 : vector<2000x8xf32>
    %mul3A = vector.broadcast %rsqrt3A : vector<2000x1xf32> to vector<2000x8xf32>
    %mul3A_38 = arith.mulf %mul3A, %add3A_37 : vector<2000x8xf32>
    %swap3A = arith.constant 0 : index
    %swap3A_39 = arith.constant 0 : index
    %swap3A_40 = vector.load %arg8[%swap3A, %swap3A_39] : memref<2000x8xf32, #tpu.memory_space<vmem>>, vector<2000x8xf32>
    tpu.vector_store %arg8[%swap3A, %swap3A_39], %mul3A_38 {strides = array<i32>} : memref<2000x8xf32, #tpu.memory_space<vmem>>, vector<2000x8xf32>,
    %swap3A_41 = arith.constant 0 : index
    %swap3A_42 = arith.constant 0 : index
    %swap3A_43 = vector.load %arg9[%swap3A_41, %swap3A_42] : memref<2000x1xf32, #tpu.memory_space<vmem>>, vector<2000x1xf32>
    tpu.vector_store %arg9[%swap3A_41, %swap3A_42], %rsqrt3A {strides = array<i32>} : memref<2000x1xf32, #tpu.memory_space<vmem>>, vector<2000x1xf32>,
    return
  }
  func.func @transform_0(%arg0: i32) -> (i32, i32) {
    %c0_i32 = arith.constant 0 : i32
    %c0_i32_0 = arith.constant 0 : i32
    return %arg0, %c0_i32 : i32, i32
  }
  func.func @transform_1(%arg0: i32) -> (i32, i32) {
    %c0_i32 = arith.constant 0 : i32
    %c0_i32_0 = arith.constant 0 : i32
    return %arg0, %c0_i32 : i32, i32
  }
  func.func @transform_2(%arg0: i32) -> (i32, i32) {
    %c0_i32 = arith.constant 0 : i32
    %c0_i32_0 = arith.constant 0 : i32
    return %arg0, %c0_i32 : i32, i32
  }
  func.func @transform_3(%arg0: i32) -> (i32, i32) {
    %c0_i32 = arith.constant 0 : i32
    %c0_i32_0 = arith.constant 0 : i32
    return %arg0, %c0_i32 : i32, i32
  }
  func.func @transform_4(%arg0: i32) -> (i32, i32) {
    %c0_i32 = arith.constant 0 : i32
    %c0_i32_0 = arith.constant 0 : i32
    return %arg0, %c0_i32 : i32, i32
  }
  func.func @transform_5(%arg0: i32) -> (i32, i32) {
    %c0_i32 = arith.constant 0 : i32
    %c0_i32_0 = arith.constant 0 : i32
    %c0_i32_1 = arith.constant 0 : i32
    return %c0_i32, %c0_i32_0 : i32, i32
  }
  func.func @transform_6(%arg0: i32) -> (i32, i32) {
    %c0_i32 = arith.constant 0 : i32
    %c0_i32_0 = arith.constant 0 : i32
    %c0_i32_1 = arith.constant 0 : i32
    return %c0_i32, %c0_i32_0 : i32, i32
  }
  func.func @transform_7(%arg0: i32) -> (i32, i32) {
    %c0_i32 = arith.constant 0 : i32
    %c0_i32_0 = arith.constant 0 : i32
    return %arg0, %c0_i32 : i32, i32
  }
  func.func @transform_8(%arg0: i32) -> (i32, i32) {
    %c0_i32 = arith.constant 0 : i32
    %c0_i32_0 = arith.constant 0 : i32
    return %arg0, %c0_i32 : i32, i32
  }
}

module attributes {stable_mosaic.version = 14 : i64} {
  func.func @_tc2_body(%arg0: i32, %arg1: memref<2000x8xf32, #tpu.memory_space<vmem>>, %arg2: memref<2000x8xf32, #tpu.memory_space<vmem>>, %arg3: memref<2000x8xf32, #tpu.memory_space<vmem>>, %arg4: memref<2000x1xf32, #tpu.memory_space<vmem>>, %arg5: memref<8x16xf32, #tpu.memory_space<vmem>>, %arg6: memref<1x16xf32, #tpu.memory_space<vmem>>, %arg7: memref<16x1xf32, #tpu.memory_space<vmem>>, %arg8: memref<2000x1xf32, #tpu.memory_space<vmem>>) attributes {dimension_semantics = [#tpu.dimension_semantics<arbitrary>], iteration_bounds = array<i64: 50>, scalar_prefetch = 0 : i64, scratch_operands = 0 : i64, tpu.core_type = #tpu.core_type<tc>, window_params = [{transform_indices = @transform_0, window_bounds = array<i64: 2000, 8>}, {transform_indices = @transform_1, window_bounds = array<i64: 2000, 8>}, {transform_indices = @transform_2, window_bounds = array<i64: 2000, 8>}, {transform_indices = @transform_3, window_bounds = array<i64: 2000, 1>}, {pipeline_mode = #tpu.pipeline_mode<synchronous>, transform_indices = @transform_4, window_bounds = array<i64: 8, 16>}, {pipeline_mode = #tpu.pipeline_mode<synchronous>, transform_indices = @transform_5, window_bounds = array<i64: 1, 16>}, {pipeline_mode = #tpu.pipeline_mode<synchronous>, transform_indices = @transform_6, window_bounds = array<i64: 16, 1>}, {transform_indices = @transform_7, window_bounds = array<i64: 2000, 1>}]} {
    %get3A = arith.constant 0 : index
    %get3A_0 = arith.constant 0 : index
    %get3A_1 = vector.load %arg4[%get3A, %get3A_0] : memref<2000x1xf32, #tpu.memory_space<vmem>>, vector<2000x1xf32>
    %get3A_2 = arith.constant 0 : index
    %get3A_3 = arith.constant 0 : index
    %get3A_4 = vector.load %arg1[%get3A_2, %get3A_3] : memref<2000x8xf32, #tpu.memory_space<vmem>>, vector<2000x8xf32>
    %get3A_5 = arith.constant 0 : index
    %get3A_6 = arith.constant 0 : index
    %get3A_7 = vector.load %arg2[%get3A_5, %get3A_6] : memref<2000x8xf32, #tpu.memory_space<vmem>>, vector<2000x8xf32>
    %add3A = arith.addf %get3A_4, %get3A_7 : vector<2000x8xf32>
    %get3A_8 = arith.constant 0 : index
    %get3A_9 = arith.constant 0 : index
    %get3A_10 = vector.load %arg3[%get3A_8, %get3A_9] : memref<2000x8xf32, #tpu.memory_space<vmem>>, vector<2000x8xf32>
    %add3A_11 = arith.addf %add3A, %get3A_10 : vector<2000x8xf32>
    %mul3A = vector.broadcast %get3A_1 : vector<2000x1xf32> to vector<2000x8xf32>
    %mul3A_12 = arith.mulf %mul3A, %add3A_11 : vector<2000x8xf32>
    %get3A_13 = arith.constant 0 : index
    %get3A_14 = arith.constant 0 : index
    %get3A_15 = vector.load %arg5[%get3A_13, %get3A_14] : memref<8x16xf32, #tpu.memory_space<vmem>>, vector<8x16xf32>
    %dot_general3A = arith.constant dense<0.000000e+00> : vector<2000x16xf32>
    %dot_general3A_16 = tpu.matmul %mul3A_12, %get3A_15, %dot_general3A {dimension_numbers = #tpu.dot_dimension_numbers<[1], [0], [0], [1], [0, 0, 1, 1], [], []>, transpose_lhs_hint = false} : vector<2000x8xf32>, vector<8x16xf32>, vector<2000x16xf32> -> vector<2000x16xf32>
    %get3A_17 = arith.constant 0 : index
    %get3A_18 = arith.constant 0 : index
    %get3A_19 = vector.load %arg6[%get3A_17, %get3A_18] : memref<1x16xf32, #tpu.memory_space<vmem>>, vector<1x16xf32>
    %add3A_20 = vector.broadcast %get3A_19 : vector<1x16xf32> to vector<2000x16xf32>
    %add3A_21 = arith.addf %dot_general3A_16, %add3A_20 : vector<2000x16xf32>
    %max3A = arith.constant 0.000000e+00 : f32
    %max3A_22 = vector.broadcast %max3A : f32 to vector<2000x16xf32>
    %max3A_23 = arith.maximumf %add3A_21, %max3A_22 : vector<2000x16xf32>
    %get3A_24 = arith.constant 0 : index
    %get3A_25 = arith.constant 0 : index
    %get3A_26 = vector.load %arg7[%get3A_24, %get3A_25] : memref<16x1xf32, #tpu.memory_space<vmem>>, vector<16x1xf32>
    %dot_general3A_27 = arith.constant dense<0.000000e+00> : vector<2000x1xf32>
    %dot_general3A_28 = tpu.matmul %max3A_23, %get3A_26, %dot_general3A_27 {dimension_numbers = #tpu.dot_dimension_numbers<[1], [0], [0], [1], [0, 0, 1, 1], [], []>, transpose_lhs_hint = false} : vector<2000x16xf32>, vector<16x1xf32>, vector<2000x1xf32> -> vector<2000x1xf32>
    %get3A_29 = arith.constant 0 : index
    %get3A_30 = arith.constant 0 : index
    %get3A_31 = vector.load %arg4[%get3A_29, %get3A_30] : memref<2000x1xf32, #tpu.memory_space<vmem>>, vector<2000x1xf32>
    %mul3A_32 = arith.mulf %get3A_31, %dot_general3A_28 : vector<2000x1xf32>
    %swap3A = arith.constant 0 : index
    %swap3A_33 = arith.constant 0 : index
    %swap3A_34 = vector.load %arg8[%swap3A, %swap3A_33] : memref<2000x1xf32, #tpu.memory_space<vmem>>, vector<2000x1xf32>
    tpu.vector_store %arg8[%swap3A, %swap3A_33], %mul3A_32 {strides = array<i32>} : memref<2000x1xf32, #tpu.memory_space<vmem>>, vector<2000x1xf32>,
    return
  }
  func.func @transform_0(%arg0: i32) -> (i32, i32) {
    %c0_i32 = arith.constant 0 : i32
    %c0_i32_0 = arith.constant 0 : i32
    return %arg0, %c0_i32 : i32, i32
  }
  func.func @transform_1(%arg0: i32) -> (i32, i32) {
    %c0_i32 = arith.constant 0 : i32
    %c0_i32_0 = arith.constant 0 : i32
    return %arg0, %c0_i32 : i32, i32
  }
  func.func @transform_2(%arg0: i32) -> (i32, i32) {
    %c0_i32 = arith.constant 0 : i32
    %c0_i32_0 = arith.constant 0 : i32
    return %arg0, %c0_i32 : i32, i32
  }
  func.func @transform_3(%arg0: i32) -> (i32, i32) {
    %c0_i32 = arith.constant 0 : i32
    %c0_i32_0 = arith.constant 0 : i32
    return %arg0, %c0_i32 : i32, i32
  }
  func.func @transform_4(%arg0: i32) -> (i32, i32) {
    %c0_i32 = arith.constant 0 : i32
    %c0_i32_0 = arith.constant 0 : i32
    %c0_i32_1 = arith.constant 0 : i32
    return %c0_i32, %c0_i32_0 : i32, i32
  }
  func.func @transform_5(%arg0: i32) -> (i32, i32) {
    %c0_i32 = arith.constant 0 : i32
    %c0_i32_0 = arith.constant 0 : i32
    %c0_i32_1 = arith.constant 0 : i32
    return %c0_i32, %c0_i32_0 : i32, i32
  }
  func.func @transform_6(%arg0: i32) -> (i32, i32) {
    %c0_i32 = arith.constant 0 : i32
    %c0_i32_0 = arith.constant 0 : i32
    %c0_i32_1 = arith.constant 0 : i32
    return %c0_i32, %c0_i32_0 : i32, i32
  }
  func.func @transform_7(%arg0: i32) -> (i32, i32) {
    %c0_i32 = arith.constant 0 : i32
    %c0_i32_0 = arith.constant 0 : i32
    return %arg0, %c0_i32 : i32, i32
  }
}

module attributes {stable_mosaic.version = 14 : i64} {
  func.func @_tc3_body(%arg0: i32, %arg1: memref<2000x1xf32, #tpu.memory_space<vmem>>, %arg2: memref<2000x1xf32, #tpu.memory_space<vmem>>, %arg3: memref<2000x1xf32, #tpu.memory_space<vmem>>, %arg4: memref<2000x1xf32, #tpu.memory_space<vmem>>, %arg5: memref<1x1xf32, #tpu.memory_space<vmem>>, %arg6: memref<2000x1xf32, #tpu.memory_space<vmem>>) attributes {dimension_semantics = [#tpu.dimension_semantics<arbitrary>], iteration_bounds = array<i64: 50>, scalar_prefetch = 0 : i64, scratch_operands = 0 : i64, tpu.core_type = #tpu.core_type<tc>, window_params = [{transform_indices = @transform_0, window_bounds = array<i64: 2000, 1>}, {transform_indices = @transform_1, window_bounds = array<i64: 2000, 1>}, {transform_indices = @transform_2, window_bounds = array<i64: 2000, 1>}, {transform_indices = @transform_3, window_bounds = array<i64: 2000, 1>}, {pipeline_mode = #tpu.pipeline_mode<synchronous>, transform_indices = @transform_4, window_bounds = array<i64: 1, 1>}, {transform_indices = @transform_5, window_bounds = array<i64: 2000, 1>}]} {
    %get3A = arith.constant 0 : index
    %get3A_0 = arith.constant 0 : index
    %get3A_1 = vector.load %arg4[%get3A, %get3A_0] : memref<2000x1xf32, #tpu.memory_space<vmem>>, vector<2000x1xf32>
    %get3A_2 = arith.constant 0 : index
    %get3A_3 = arith.constant 0 : index
    %get3A_4 = vector.load %arg1[%get3A_2, %get3A_3] : memref<2000x1xf32, #tpu.memory_space<vmem>>, vector<2000x1xf32>
    %get3A_5 = arith.constant 0 : index
    %get3A_6 = arith.constant 0 : index
    %get3A_7 = vector.load %arg2[%get3A_5, %get3A_6] : memref<2000x1xf32, #tpu.memory_space<vmem>>, vector<2000x1xf32>
    %add3A = arith.addf %get3A_4, %get3A_7 : vector<2000x1xf32>
    %get3A_8 = arith.constant 0 : index
    %get3A_9 = arith.constant 0 : index
    %get3A_10 = vector.load %arg3[%get3A_8, %get3A_9] : memref<2000x1xf32, #tpu.memory_space<vmem>>, vector<2000x1xf32>
    %add3A_11 = arith.addf %add3A, %get3A_10 : vector<2000x1xf32>
    %mul3A = arith.mulf %get3A_1, %add3A_11 : vector<2000x1xf32>
    %get3A_12 = arith.constant 0 : index
    %get3A_13 = arith.constant 0 : index
    %get3A_14 = vector.load %arg5[%get3A_12, %get3A_13] : memref<1x1xf32, #tpu.memory_space<vmem>>, vector<1x1xf32>
    %add3A_15 = vector.broadcast %get3A_14 : vector<1x1xf32> to vector<2000x1xf32>
    %add3A_16 = arith.addf %mul3A, %add3A_15 : vector<2000x1xf32>
    %swap3A = arith.constant 0 : index
    %swap3A_17 = arith.constant 0 : index
    %swap3A_18 = vector.load %arg6[%swap3A, %swap3A_17] : memref<2000x1xf32, #tpu.memory_space<vmem>>, vector<2000x1xf32>
    tpu.vector_store %arg6[%swap3A, %swap3A_17], %add3A_16 {strides = array<i32>} : memref<2000x1xf32, #tpu.memory_space<vmem>>, vector<2000x1xf32>,
    return
  }
  func.func @transform_0(%arg0: i32) -> (i32, i32) {
    %c0_i32 = arith.constant 0 : i32
    %c0_i32_0 = arith.constant 0 : i32
    return %arg0, %c0_i32 : i32, i32
  }
  func.func @transform_1(%arg0: i32) -> (i32, i32) {
    %c0_i32 = arith.constant 0 : i32
    %c0_i32_0 = arith.constant 0 : i32
    return %arg0, %c0_i32 : i32, i32
  }
  func.func @transform_2(%arg0: i32) -> (i32, i32) {
    %c0_i32 = arith.constant 0 : i32
    %c0_i32_0 = arith.constant 0 : i32
    return %arg0, %c0_i32 : i32, i32
  }
  func.func @transform_3(%arg0: i32) -> (i32, i32) {
    %c0_i32 = arith.constant 0 : i32
    %c0_i32_0 = arith.constant 0 : i32
    return %arg0, %c0_i32 : i32, i32
  }
  func.func @transform_4(%arg0: i32) -> (i32, i32) {
    %c0_i32 = arith.constant 0 : i32
    %c0_i32_0 = arith.constant 0 : i32
    %c0_i32_1 = arith.constant 0 : i32
    return %c0_i32, %c0_i32_0 : i32, i32
  }
  func.func @transform_5(%arg0: i32) -> (i32, i32) {
    %c0_i32 = arith.constant 0 : i32
    %c0_i32_0 = arith.constant 0 : i32
    return %arg0, %c0_i32 : i32, i32
  }
}

</mosaic_0001>

<sc_bundles>
// kernel: kernel.10.cloned.1.call-start
scs
__scs_entry_jumppad:
0x0: {  	(pc) =	sbr.rel $0x88, $3  }
0x1: {  	(tag) =	ssettag $0x0;
	lr =	simm.s32 $0x1  }
0x2: {  	[smem:$0x3F94] =	sst lr;
	_ =	strace $0xD0000000  }
0x3: {  	_ = 	snop  }
0x4: {  	_ = 	snop  }
0x5: {  	_ = 	snop  }
0x6: {  	_ = 	snop  }
0x7: {  	_ = 	snop  }
__scs_overlays_trampoline_lowered:
0x8: {  	[smem:$0x3FA3] =	sst s0  }
0x9: {  	[smem:$0x3FA4] =	sst s1  }
0xa: {  	[smem:$0x3FA5] =	sst s2  }
0xb: {  	[smem:$0x3FA6] =	sst s3  }
0xc: {  	[smem:$0x3FA7] =	sst s4  }
0xd: {  	[smem:$0x3FA8] =	sst s5  }
0xe: {  	[smem:$0x3FA9] =	sst s6  }
0xf: {  	[smem:$0x3FAA] =	sst s7  }
0x10: {  	[smem:$0x3FAB] =	sst s8  }
0x11: {  	[smem:$0x3FAC] =	sst s9;
	s0 =	simm.s32 @!p0 $0x0  }
0x12: {  	s1 =	sld [smem:$0x3F92];
	s0 =	simm.s32 @p0 $0x1  }
0x13: {  	[smem:$0x3FAD] =	sst s0;
	s0 =	simm.s32 @!p1 $0x0  }
0x14: {  	s2 =	sld [smem:$0x3F91];
	s0 =	simm.s32 @p1 $0x1  }
0x15: {  	[smem:$0x3FAE] =	sst s0;
	s0 =	simm.s32 @!p2 $0x0  }
0x16: {  	s3 =	sld [smem:$0x3FDB];
	s0 =	simm.s32 @p2 $0x1  }
0x17: {  	s4 =	simm.s32 $0x1BF5;
	[smem:$0x3FB0] =	sst s0  }
0x18: {  	s0 =	sld [smem:$0x3F93];
	_ =	swait.ge [sflag:s4], $0x0  }
0x19: {  	s7 =	sld [smem:$0x3F94]  }
0x1a: {  	s8 =	sadd.s32 $0xFFFFE003, lr  }
0x1b: {  	s9 =	sadd.s32 $0xFFFFFEF7, lr;
	s5 =	simm.s32 $0xFFFFFFFF;
	p2 =	slt.u32 s8, $0xFFFFF086  }
0x1c: {  	p1 =	slt.u32 s9, $0xF7A;
	s5 =	simm.s32 @!p2 $0x0  }
0x1d: {  	s5 =	simm.s32 @p1 $0x1;
	p0 =	seq.s32 s7, s2  }
0x1e: {  	s7 =	smul.u32 @!p0 $0xF7A, s2;
	p2 =	seq.s32 @!p0 s5, $0x0  }
0x1f: {  	s9 =	smul.u32 $0xF7A, s1;
	s8 =	simm.s32 @!p0 $0x1BF5;
	p2 =	por !p2, p0  }
0x20: {  	[sflag:s8] =	ssyncset.s32 @!p0 $0xFFFFF086;
	s6 =	sadd.s32 @!p0 s3, s7;
	s7 =	simm.s32 @!p0 $0x108  }
0x21: {  	s3 =	sadd.s32 s3, s9;
	s6 =	sadd.s32 @!p0 $0x88, s6;
	s7 =	simm.s32 @p2 $0x1082  }
0x22: {  	[simem:s7], [sflag:s8] =	dma.local @!p0 [hbm:s6], $0xF7A  }
0x23: {  	s9 =	sor.u32 $0xD0000000, s2;
	s6 =	simm.s32 $0x108;
	_ =	swait.ge @!p0 [sflag:s8], $0x0  }
0x24: {  	s3 =	sadd.s32 $0x88, s3;
	s6 =	simm.s32 @!p1 $0x1082;
	[sflag:s4] =	ssyncset.s32 $0xFFFFF086  }
0x25: {  	[simem:s6], [sflag:s4] =	dma.local [hbm:s3], $0xF7A  }
0x26: {  	[smem:$0x3F94] =	sst s1;
	(tag) =	ssettag s2;
	_ =	strace s9  }
0x27: {  	s1 =	sld [smem:$0x3FA4]  }
0x28: {  	s2 =	sld [smem:$0x3FA5]  }
0x29: {  	s4 =	sld [smem:$0x3FA7]  }
0x2a: {  	p0 =	seq.s32 s5, $0x0;
	s5 =	sld [smem:$0x3FA8]  }
0x2b: {  	s6 =	sld [smem:$0x3FA9]  }
0x2c: {  	s7 =	sld [smem:$0x3FAA]  }
0x2d: {  	s3 =	simm.s32 $0x108;
	s8 =	sld [smem:$0x3FAB]  }
0x2e: {  	s3 =	simm.s32 @!p0 $0x1082;
	s9 =	sld [smem:$0x3FAC]  }
0x2f: {  	lr =	sadd.s32 s0, s3;
	s0 =	sld [smem:$0x3FA3]  }
0x30: {  	s3 =	sld [smem:$0x3FA6]  }
0x31: {  	[smem:$0x3FAF] =	sst s10  }
0x32: {  	s10 =	sld [smem:$0x3FAD];
	_ =	sdelay $0x3  }
0x33: {  	p0 =	seq.s32 s10, $0x1;
	s10 =	sld [smem:$0x3FAF];
	_ =	sdelay $0x3  }
0x34: {  	[smem:$0x3FAF] =	sst s10  }
0x35: {  	s10 =	sld [smem:$0x3FAE];
	_ =	sdelay $0x3  }
0x36: {  	p1 =	seq.s32 s10, $0x1;
	s10 =	sld [smem:$0x3FAF];
	_ =	sdelay $0x3  }
0x37: {  	[smem:$0x3FAF] =	sst s10  }
0x38: {  	s10 =	sld [smem:$0x3FB0]  }
0x39: {  	_ = 	snop;
	(pc) =	sbr.ind lr, $3  }
0x3a: {  	_ = 	snop  }
0x3b: {  	_ = 	snop  }
0x3c: {  	p2 =	seq.s32 s10, $0x1;
	s10 =	sld [smem:$0x3FAF]  }
0x3d: {  	_ =	shalt  }
0x3e: {  	_ =	shalt  }
0x3f: {  	_ =	shalt  }
0x40: {  	_ =	shalt  }
0x41: {  	_ =	shalt  }
0x42: {  	_ =	shalt  }
0x43: {  	_ =	shalt  }
0x44: {  	_ =	shalt  }
0x45: {  	_ =	shalt  }
0x46: {  	_ =	shalt  }
0x47: {  	_ =	shalt  }
0x48: {  	_ =	shalt  }
0x49: {  	_ =	shalt  }
0x4a: {  	_ =	shalt  }
0x4b: {  	_ =	shalt  }
0x4c: {  	_ =	shalt  }
0x4d: {  	_ =	shalt  }
0x4e: {  	_ =	shalt  }
0x4f: {  	_ =	shalt  }
0x50: {  	_ =	shalt  }
0x51: {  	_ =	shalt  }
0x52: {  	_ =	shalt  }
0x53: {  	_ =	shalt  }
0x54: {  	_ =	shalt  }
0x55: {  	_ =	shalt  }
0x56: {  	_ =	shalt  }
0x57: {  	_ =	shalt  }
0x58: {  	_ =	shalt  }
0x59: {  	_ =	shalt  }
0x5a: {  	_ =	shalt  }
0x5b: {  	_ =	shalt  }
0x5c: {  	_ =	shalt  }
0x5d: {  	_ =	shalt  }
0x5e: {  	_ =	shalt  }
0x5f: {  	_ =	shalt  }
0x60: {  	_ =	shalt  }
0x61: {  	_ =	shalt  }
0x62: {  	_ =	shalt  }
0x63: {  	_ =	shalt  }
0x64: {  	_ =	shalt  }
0x65: {  	_ =	shalt  }
0x66: {  	_ =	shalt  }
0x67: {  	_ =	shalt  }
0x68: {  	_ =	shalt  }
0x69: {  	_ =	shalt  }
0x6a: {  	_ =	shalt  }
0x6b: {  	_ =	shalt  }
0x6c: {  	_ =	shalt  }
0x6d: {  	_ =	shalt  }
0x6e: {  	_ =	shalt  }
0x6f: {  	_ =	shalt  }
0x70: {  	_ =	shalt  }
0x71: {  	_ =	shalt  }
0x72: {  	_ =	shalt  }
0x73: {  	_ =	shalt  }
0x74: {  	_ =	shalt  }
0x75: {  	_ =	shalt  }
0x76: {  	_ =	shalt  }
0x77: {  	_ =	shalt  }
0x78: {  	_ =	shalt  }
0x79: {  	_ =	shalt  }
0x7a: {  	_ =	shalt  }
0x7b: {  	_ =	shalt  }
0x7c: {  	_ =	shalt  }
0x7d: {  	_ =	shalt  }
0x7e: {  	_ =	shalt  }
0x7f: {  	_ =	shalt  }
0x80: {  	_ =	shalt  }
0x81: {  	_ =	shalt  }
0x82: {  	_ =	shalt  }
0x83: {  	_ =	shalt  }
0x84: {  	_ =	shalt  }
0x85: {  	_ =	shalt  }
0x86: {  	_ =	shalt  }
0x87: {  	_ =	shalt  }
.Lfunc_end0:
.L_simem_size_0:
called_computation_lowered:
.L_overlay_start_0:
0x88: {  	s2 =	sld [smem:$0x3FD9]  }
0x89: {  	s3 =	sld [smem:$0x3FFE];
	_ =	sdelay $0x1  }
0x8a: {  	s1 =	srdreg.scid  }
0x8b: {  	s0 =	sand.u32 $0x1, s1  }
0x8c: {  	s16 =	sshll.u32 s0, $0xA;
	s2 =	sadd.s32 s3, s2  }
0x8d: {  	s2 =	sadd.s32 s2, s16  }
0x8e: {  	[smem:$0x3FBB] =	sst s2  }
0x8f: {  	_ = 	snop  }
0x90: {  	(tm) =	ssettm $0x1  }
0x91: {  	s17 =	sld [smem:$0x3FFB];
	_ =	sdelay $0x3  }
0x92: {  	_ =	strace s17  }
0x93: {  	s2 =	sld [smem:$0x3FFC];
	_ =	sdelay $0x3  }
0x94: {  	_ =	strace s2  }
0x95: {  	s2 =	sld [smem:$0x3FFD];
	_ =	sdelay $0x3  }
0x96: {  	_ =	strace s2  }
0x97: {  	_ =	strace $0x8FFFFFFF  }
0x98: {  	s18 =	sld [smem:$0x3FDB];
	_ =	sdelay $0x1  }
0x99: {  	s19 =	simm.s32 $_scs_section_size  }
0x9a: {  	s4 =	simm.s32 $_size__tile_overlayer_lowered;
	s5 =	simm.s32 $_tile_overlayer_lowered  }
0x9b: {  	s22 =	simm.s32 $0x1BFF;
	s21 =	sshll.u32 s5, $0x1;
	s2 =	sadd.s32 s19, s18  }
0x9c: {  	s6 =	simm.s32 $0x0;
	s20 =	sshll.u32 s4, $0x1;
	s4 =	sadd.s32 s21, s2  }
0x9d: {  	[timem:s6], [sflag:s22] =	dma.local [hbm:s4], s20  }
0x9e: {  	_ =	swait.ge [sflag:s22], s20  }
0x9f: {  	s3 =	ssub.s32 $0x0, s20;
	[sflag:s22] =	ssyncset.done $0x0  }
0xa0: {  	[sflag:s22] =	ssyncadd.s32 s3;
	_ =	sdelay $0x1  }
0xa1: {  	s23 =	simm.s32 $0x1B8B  }
0xa2: {  	_ =	swait.ge [sflag:s23], $0x1  }
0xa3: {  	[sflag:s23] =	ssyncset.done $0x0  }
0xa4: {  	s25 =	simm.s32 $0x1B8E;
	s24 =	sld [smem:$0x3FFE];
	[sflag:s23] =	ssyncadd.s32 $0xFFFFFFFF  }
0xa5: {  	s26 =	simm.s32 $execute0_lowered;
	[smem:$0x3FD2] =	sst s25  }
0xa6: {  	s4 =	sshll.u32 s26, $0x1;
	_ =	strace $0x80000046;
	[dreg:$0x1] =	wrdreg $0xFFFFFFFF  }
0xa7: {  	s28 =	simm.s32 $_size_execute0_lowered;
	s2 =	sadd.s32 s2, s4;
	[dreg:$0x0] =	wrdreg $0x0  }
0xa8: {  	s4 =	sshll.u32 s28, $0x1;
	[dreg:$0x2] =	wrdreg s2  }
0xa9: {  	[dreg:$0x3] =	wrdreg s4  }
0xaa: {  	[dreg:$0x4] =	wrdreg $0xC0  }
0xab: {  	_ =	task [dreg:s6], $0x5FFFF  }
0xac: {  	[dreg:$0x1] =	wrdreg $0xFFFFFFFF  }
0xad: {  	[dreg:$0x0] =	wrdreg $0x60  }
0xae: {  	[dreg:$0x2] =	wrdreg s24  }
0xaf: {  	[dreg:$0x3] =	wrdreg $0x4C800  }
0xb0: {  	[dreg:$0x4] =	wrdreg $0x9  }
0xb1: {  	_ =	task.clear_ibuf [dreg:s6], $0x5FFFF;
	_ =	strace $0x90000046  }
0xb2: {  	s29 =	simm.s32 $0x9;
	_ =	strace $0x80000048  }
0xb3: {  	_ =	swait.ge [sflag:s29], $0x1  }
0xb4: {  	[sflag:s29] =	ssyncadd.s32 $0xFFFFFFFF  }
0xb5: {  	_ =	strace $0x90000048  }
0xb6: {  	_ =	sfence  }
0xb7: {  	s30 =	sld [smem:$0x0];
	_ =	sdelay $0x2  }
0xb8: {  	s31 =	sshll.u32 s1, $0xD;
	s1 =	sshrl.u32 s1, $0x2  }
0xb9: {  	s3 =	sand.u32 $0x4000, s31;
	s1 =	sadd.s32 s1, s30  }
0xba: {  	s0 =	sor.u32 s3, s0;
	s1 =	sshll.u32 s1, $0x11  }
0xbb: {  	s0 =	sor.u32 s1, s0  }
0xbc: {  	s0 =	sadd.s32 $0x8F2B, s0  }
0xbd: {  	[sflag:s0] =	ssyncadd.remote.s32 $0x1  }
0xbe: {  	_ =	sfence.sel $0xFFFF  }
0xbf: {  	[dreg:$0x0] =	wrdreg $0xFFFFFFFF;
	(pc) =	sbr.abs _section_cstart, $3  }
0xc0: {  	[dreg:$0x1] =	wrdreg $0xFFFFFFFF  }
0xc1: {  	_ =	task.clear_ibuf [dreg:s6], $0x2FFFF;
	_ =	strace $0x9FFFFFFF  }
0xc2: {  	(tm) =	ssettm $0x7FFFFFFF  }
0xc3: {  	_ =	shalt  }
tec
execute0_lowered:
.L_overlay_start_1:
0x0: {  	(tag) =	ssettag $0x1  }
0x1: {  	s0 =	rddreg [dreg:$0x0]  }
0x2: {  	s1 =	rddreg [dreg:$0x1];
	s2 =	srdreg.scid  }
0x3: {  	s3 =	simm.s32 $0x0;
	s12 =	stileid.u32;
	s13 =	simm.s32 $0x3  }
0x4: {  	s14 =	simm.s32 $0x800;
	s15 =	simm.s32 $0x80;
	s16 =	simm.s32 $0xC00  }
0x5: {  	s31 =	simm.s32 $0x880;
	s17 =	simm.s32 $0x2C00;
	s18 =	simm.s32 $0xA80  }
0x6: {  	s19 =	simm.s32 $0x3400;
	s30 =	simm.s32 $0x0;
	s2 =	sand.u32 $0x1, s2  }
0x7: {  	[smem:$0x7FF] =	sst s3;
	s5 =	smul.u32 $0x19000, s12;
	s6 =	sshll.u32 s12, $0xC  }
0x8: {  	s21 =	smul.u32 $0x1880, s12;
	s25 =	sshll.u32 s12, $0x6;
	s26 =	sshll.u32 s12, $0xD  }
0x9: {  	s12 =	simm.s32 $0xA00;
	s4 =	smul.u32 $0x190000, s2;
	_ =	strace $0x80000047  }
0xa: {  	s20 =	sshll.u32 s2, $0x10;
	s23 =	smul.u32 $0x18800, s2;
	s10 =	ssub.s32 $0x2, s2  }
0xb: {  	s2 =	sshll.u32 s2, $0x11;
	s28 =	sor.u32 $0x1C03, s25;
	s25 =	simm.s32 $0x2  }
0xc: {  	s9 =	sshrl.u32 s21, $0x3;
	s11 =	sshrl.u32 s10, $0x1;
	[dreg:$0x4] =	wrdreg s28  }
0xd: {  	s4 =	sadd.s32 s5, s4;
	s5 =	sor.u32 s6, s20;
	s9 =	sadd.s32 s9, s0  }
0xe: {  	s24 =	ssub.s32 s10, s11;
	s6 =	sadd.s32 s21, s1;
	s20 =	simm.s32 $0xB00  }
0xf: {  	s4 =	sshrl.u32 s4, $0x3;
	s22 =	sshrl.u32 s5, $0x3;
	s5 =	sadd.s32 s21, s23  }
0x10: {  	s9 =	sadd.s32 $0x189800, s9;
	s29 =	sshrl.u32 s6, $0x3;
	s6 =	simm.s32 $0x980  }
0x11: {  	s21 =	simm.s32 $0x3C00;
	s23 =	simm.s32 $0x4400;
	s7 =	sadd.s32 s4, s0  }
0x12: {  	s8 =	sadd.s32 s22, s0;
	s4 =	sadd.s32 $0x55A400, s0;
	s5 =	sshrl.u32 s5, $0x3  }
0x13: {  	[dreg:$0x3] =	wrdreg s9;
	s9 =	simm.s32 $0x2400;
	s22 =	simm.s32 $0xB80  }
0x14: {  	[dreg:$0x8] =	wrdreg s29;
	s5 =	sadd.s32 s5, s0;
	s0 =	sadd.s32 s2, s0  }
0x15: {  	s2 =	smax.u32 s24, $0x1;
	s10 =	sadd.s32 $0x1EB400, s8;
	s11 =	sadd.s32 $0x1EF400, s7  }
0x16: {  	s7 =	simm.s32 $0x900;
	s8 =	simm.s32 $0x1C00;
	s24 =	simm.s32 $0x780  }
0x17: {  	s0 =	sadd.s32 s26, s0;
	s5 =	sadd.s32 $0x1CCA00, s5;
	[dreg:$0x6] =	wrdreg s2  }
0x18: {  	s2 =	simm.s32 $0x4C00;
	[dreg:$0x5] =	wrdreg s5;
	s0 =	sadd.s32 $0x18CA00, s0  }
0x19: {  	v0 =	vimm.f32 $1.000000000e+00;
	s5 =	simm.s32 $0x1400;
	[dreg:$0x7] =	wrdreg s0;
	s0 =	simm.s32 $0x1  }
.LBB2_1:
0x1a: {  	[dreg:$0x9] =	wrdreg s30  }
0x1b: {  	s26 =	rddreg [dreg:$0x3]  }
0x1c: {  	[spmem:s29], [sflag:s28] =	dma.local [hbm:s26], $0x310  }
0x1d: {  	_ =	swait.ge [sflag:s13], $0x310  }
0x1e: {  	[sflag:s13] =	ssyncset.done $0x0  }
0x1f: {  	s30 =	sadd.s32 $0x0, s10;
	[sflag:s13] =	ssyncadd.s32 $0xFFFFFCF0  }
0x20: {  	[tilespmem:s14], [sflag:$0x3] =	stream.linear.gather [hbm4b:s30+s3], $0x400, $0x38;
	[tilespmem:$0x6500] =	vst v63  }
0x21: {  	_ =	swait.ge [sflag:s13], $0x400  }
0x22: {  	[sflag:s13] =	ssyncset.done $0x0  }
0x23: {  	[sflag:s13] =	ssyncadd.s32 $0xFFFFFC00  }
0x24: {  	[tilespmem:s16], [sflag:$0x1] =	stream.indirect.gather [hbm4b:s4+s15], $0x10, s14, s15, $0xb8;
	[tilespmem:$0x6500] =	vst v63  }
0x25: {  	_ = 	snop  }
0x26: {  	[tilespmem:s5], [sflag:$0x1] =	stream.indirect.gather [hbm4b:s4+s15], $0x10, s31, s15, $0xb8;
	[tilespmem:$0x6500] =	vst v63  }
0x27: {  	_ = 	snop  }
0x28: {  	[tilespmem:s8], [sflag:$0x1] =	stream.indirect.gather [hbm4b:s4+s15], $0x10, s7, s15, $0xb8;
	[tilespmem:$0x6500] =	vst v63  }
0x29: {  	_ = 	snop  }
0x2a: {  	[tilespmem:s9], [sflag:$0x1] =	stream.indirect.gather [hbm4b:s4+s15], $0x10, s6, s15, $0xb8;
	[tilespmem:$0x6500] =	vst v63  }
0x2b: {  	_ = 	snop  }
0x2c: {  	[tilespmem:s17], [sflag:$0x1] =	stream.indirect.gather [hbm4b:s4+s15], $0x10, s12, s15, $0xb8;
	[tilespmem:$0x6500] =	vst v63  }
0x2d: {  	_ = 	snop  }
0x2e: {  	[tilespmem:s19], [sflag:$0x1] =	stream.indirect.gather [hbm4b:s4+s15], $0x10, s18, s15, $0xb8;
	[tilespmem:$0x6500] =	vst v63  }
0x2f: {  	_ = 	snop  }
0x30: {  	[tilespmem:s21], [sflag:$0x1] =	stream.indirect.gather [hbm4b:s4+s15], $0x10, s20, s15, $0xb8;
	[tilespmem:$0x6500] =	vst v63  }
0x31: {  	_ = 	snop  }
0x32: {  	[tilespmem:s23], [sflag:$0x1] =	stream.indirect.gather [hbm4b:s4+s15], $0x10, s22, s15, $0xb8;
	[tilespmem:$0x6500] =	vst v63  }
0x33: {  	_ =	swait.ge [sflag:s0], $0x800  }
0x34: {  	[sflag:s0] =	ssyncset.done $0x0  }
0x35: {  	[sflag:s0] =	ssyncadd.s32 $0xFFFFF800  }
0x36: {  	_ =	swait.ge [sflag:s0], $0x800  }
0x37: {  	[sflag:s0] =	ssyncset.done $0x0  }
0x38: {  	[sflag:s0] =	ssyncadd.s32 $0xFFFFF800  }
0x39: {  	_ =	swait.ge [sflag:s0], $0x800  }
0x3a: {  	[sflag:s0] =	ssyncset.done $0x0  }
0x3b: {  	[sflag:s0] =	ssyncadd.s32 $0xFFFFF800  }
0x3c: {  	_ =	swait.ge [sflag:s0], $0x800  }
0x3d: {  	[sflag:s0] =	ssyncset.done $0x0  }
0x3e: {  	[sflag:s0] =	ssyncadd.s32 $0xFFFFF800  }
0x3f: {  	_ =	swait.ge [sflag:s0], $0x800  }
0x40: {  	[sflag:s0] =	ssyncset.done $0x0  }
0x41: {  	[sflag:s0] =	ssyncadd.s32 $0xFFFFF800  }
0x42: {  	_ =	swait.ge [sflag:s0], $0x800  }
0x43: {  	[sflag:s0] =	ssyncset.done $0x0  }
0x44: {  	s28 =	simm.s32 $0x80;
	[sflag:s0] =	ssyncadd.s32 $0xFFFFF800  }
0x45: {  	s29 =	simm.s32 $0x100;
	s5 =	simm.s32 $0x1400;
	_ =	swait.ge [sflag:s0], $0x800  }
0x46: {  	s7 =	simm.s32 $0x900;
	s8 =	simm.s32 $0x1C00;
	[sflag:s0] =	ssyncset.done $0x0  }
0x47: {  	s6 =	simm.s32 $0x980;
	s9 =	simm.s32 $0x2400;
	[sflag:s0] =	ssyncadd.s32 $0xFFFFF800  }
0x48: {  	s12 =	simm.s32 $0xA00;
	s17 =	simm.s32 $0x2C00;
	_ =	swait.ge [sflag:s0], $0x800  }
0x49: {  	s18 =	simm.s32 $0xA80;
	s19 =	simm.s32 $0x3400;
	[sflag:s0] =	ssyncset.done $0x0  }
0x4a: {  	s20 =	simm.s32 $0xB00;
	s31 =	rddreg [dreg:$0x7];
	[sflag:s0] =	ssyncadd.s32 $0xFFFFF800  }
0x4b: {  	[hbm4b:s31+s3] =	stream.linear.scatter [tilespmem:s16], [sflag:$0x3], $0x4000, $0x38;
	[tilespmem:$0x6500] =	vst v63  }
0x4c: {  	s21 =	simm.s32 $0x3C00;
	s22 =	simm.s32 $0xB80;
	_ =	swait.ge [sflag:s13], $0x4000  }
0x4d: {  	s23 =	simm.s32 $0x4400;
	s26 =	sadd.s32 $0x800, s31;
	[sflag:s13] =	ssyncset.done $0x0  }
.LBB2_2:
0x4e: {  	s31 =	sadd.s32 s28, s10  }
0x4f: {  	[sflag:s13] =	ssyncadd.s32 $0xFFFFC000;
	s28 =	smov.u32 s29;
	s30 =	sadd.s32 $0x80, s29  }
0x50: {  	[tilespmem:s14], [sflag:$0x3] =	stream.linear.gather [hbm4b:s31+s3], $0x400, $0x38;
	[tilespmem:$0x6500] =	vst v63  }
0x51: {  	s31 =	simm.s32 $0x880  }
0x52: {  	p0 =	sne.s32 s29, $0x180;
	_ =	swait.ge [sflag:s13], $0x400  }
0x53: {  	[sflag:s13] =	ssyncset.done $0x0  }
0x54: {  	[sflag:s13] =	ssyncadd.s32 $0xFFFFFC00  }
0x55: {  	[tilespmem:s16], [sflag:$0x1] =	stream.indirect.gather [hbm4b:s4+s15], $0x10, s14, s15, $0xb8;
	[tilespmem:$0x6500] =	vst v63  }
0x56: {  	_ = 	snop  }
0x57: {  	[tilespmem:s5], [sflag:$0x1] =	stream.indirect.gather [hbm4b:s4+s15], $0x10, s31, s15, $0xb8;
	[tilespmem:$0x6500] =	vst v63  }
0x58: {  	_ = 	snop  }
0x59: {  	[tilespmem:s8], [sflag:$0x1] =	stream.indirect.gather [hbm4b:s4+s15], $0x10, s7, s15, $0xb8;
	[tilespmem:$0x6500] =	vst v63  }
0x5a: {  	_ = 	snop  }
0x5b: {  	[tilespmem:s9], [sflag:$0x1] =	stream.indirect.gather [hbm4b:s4+s15], $0x10, s6, s15, $0xb8;
	[tilespmem:$0x6500] =	vst v63  }
0x5c: {  	_ = 	snop  }
0x5d: {  	[tilespmem:s17], [sflag:$0x1] =	stream.indirect.gather [hbm4b:s4+s15], $0x10, s12, s15, $0xb8;
	[tilespmem:$0x6500] =	vst v63  }
0x5e: {  	_ = 	snop  }
0x5f: {  	[tilespmem:s19], [sflag:$0x1] =	stream.indirect.gather [hbm4b:s4+s15], $0x10, s18, s15, $0xb8;
	[tilespmem:$0x6500] =	vst v63  }
0x60: {  	_ = 	snop  }
0x61: {  	[tilespmem:s21], [sflag:$0x1] =	stream.indirect.gather [hbm4b:s4+s15], $0x10, s20, s15, $0xb8;
	[tilespmem:$0x6500] =	vst v63  }
0x62: {  	_ = 	snop  }
0x63: {  	[tilespmem:s23], [sflag:$0x1] =	stream.indirect.gather [hbm4b:s4+s15], $0x10, s22, s15, $0xb8;
	[tilespmem:$0x6500] =	vst v63  }
0x64: {  	_ =	swait.ge [sflag:s0], $0x800  }
0x65: {  	[sflag:s0] =	ssyncset.done $0x0  }
0x66: {  	[sflag:s0] =	ssyncadd.s32 $0xFFFFF800  }
0x67: {  	_ =	swait.ge [sflag:s0], $0x800  }
0x68: {  	[sflag:s0] =	ssyncset.done $0x0  }
0x69: {  	[sflag:s0] =	ssyncadd.s32 $0xFFFFF800  }
0x6a: {  	_ =	swait.ge [sflag:s0], $0x800  }
0x6b: {  	[sflag:s0] =	ssyncset.done $0x0  }
0x6c: {  	[sflag:s0] =	ssyncadd.s32 $0xFFFFF800  }
0x6d: {  	_ =	swait.ge [sflag:s0], $0x800  }
0x6e: {  	[sflag:s0] =	ssyncset.done $0x0  }
0x6f: {  	[sflag:s0] =	ssyncadd.s32 $0xFFFFF800  }
0x70: {  	_ =	swait.ge [sflag:s0], $0x800  }
0x71: {  	[sflag:s0] =	ssyncset.done $0x0  }
0x72: {  	[sflag:s0] =	ssyncadd.s32 $0xFFFFF800  }
0x73: {  	_ =	swait.ge [sflag:s0], $0x800  }
0x74: {  	[sflag:s0] =	ssyncset.done $0x0  }
0x75: {  	[sflag:s0] =	ssyncadd.s32 $0xFFFFF800  }
0x76: {  	_ =	swait.ge [sflag:s0], $0x800  }
0x77: {  	[sflag:s0] =	ssyncset.done $0x0  }
0x78: {  	[sflag:s0] =	ssyncadd.s32 $0xFFFFF800  }
0x79: {  	_ =	swait.ge [sflag:s0], $0x800  }
.Ltmp0:
0x7a: {  	[sflag:s0] =	ssyncset.done $0x0;
	(pc) =	sbr.rel @p0 .LBB2_2-.Ltmp0, $4  }
0x7b: {  	[sflag:s0] =	ssyncadd.s32 $0xFFFFF800  }
0x7c: {  	[hbm4b:s26+s3] =	stream.linear.scatter [tilespmem:s16], [sflag:$0x3], $0x4000, $0x38;
	[tilespmem:$0x6500] =	vst v63  }
0x7d: {  	_ =	swait.ge [sflag:s13], $0x4000  }
0x7e: {  	s29 =	smov.u32 s30;
	s26 =	sadd.s32 $0x800, s26;
	[sflag:s13] =	ssyncset.done $0x0  }
0x7f: {  	s28 =	sadd.s32 s28, s10;
	[sflag:s13] =	ssyncadd.s32 $0xFFFFC000  }
0x80: {  	[tilespmem:s14], [sflag:$0x3] =	stream.linear.gather [hbm4b:s28+s3], $0x400, $0x38;
	[tilespmem:$0x6500] =	vst v63  }
0x81: {  	_ =	swait.ge [sflag:s13], $0x400  }
0x82: {  	[sflag:s13] =	ssyncset.done $0x0  }
0x83: {  	[sflag:s13] =	ssyncadd.s32 $0xFFFFFC00  }
0x84: {  	[tilespmem:s16], [sflag:$0x1] =	stream.indirect.gather [hbm4b:s4+s15], $0x10, s14, s15, $0xb8;
	[tilespmem:$0x6500] =	vst v63  }
0x85: {  	_ = 	snop  }
0x86: {  	[tilespmem:s5], [sflag:$0x1] =	stream.indirect.gather [hbm4b:s4+s15], $0x10, s31, s15, $0xb8;
	[tilespmem:$0x6500] =	vst v63  }
0x87: {  	_ = 	snop  }
0x88: {  	[tilespmem:s8], [sflag:$0x1] =	stream.indirect.gather [hbm4b:s4+s15], $0x10, s7, s15, $0xb8;
	[tilespmem:$0x6500] =	vst v63  }
0x89: {  	_ = 	snop  }
0x8a: {  	[tilespmem:s9], [sflag:$0x1] =	stream.indirect.gather [hbm4b:s4+s15], $0x10, s6, s15, $0xb8;
	[tilespmem:$0x6500] =	vst v63  }
0x8b: {  	_ = 	snop  }
0x8c: {  	[tilespmem:s17], [sflag:$0x1] =	stream.indirect.gather [hbm4b:s4+s15], $0x10, s12, s15, $0xb8;
	[tilespmem:$0x6500] =	vst v63  }
0x8d: {  	_ = 	snop  }
0x8e: {  	[tilespmem:s19], [sflag:$0x1] =	stream.indirect.gather [hbm4b:s4+s15], $0x10, s18, s15, $0xb8;
	[tilespmem:$0x6500] =	vst v63  }
0x8f: {  	_ = 	snop  }
0x90: {  	[tilespmem:s21], [sflag:$0x1] =	stream.indirect.gather [hbm4b:s4+s15], $0x10, s20, s15, $0xb8;
	[tilespmem:$0x6500] =	vst v63  }
0x91: {  	_ = 	snop  }
0x92: {  	[tilespmem:s23], [sflag:$0x1] =	stream.indirect.gather [hbm4b:s4+s15], $0x10, s22, s15, $0xb8;
	[tilespmem:$0x6500] =	vst v63  }
0x93: {  	_ =	swait.ge [sflag:s0], $0x800  }
0x94: {  	[sflag:s0] =	ssyncset.done $0x0  }
0x95: {  	[sflag:s0] =	ssyncadd.s32 $0xFFFFF800  }
0x96: {  	_ =	swait.ge [sflag:s0], $0x800  }
0x97: {  	[sflag:s0] =	ssyncset.done $0x0  }
0x98: {  	[sflag:s0] =	ssyncadd.s32 $0xFFFFF800  }
0x99: {  	_ =	swait.ge [sflag:s0], $0x800  }
0x9a: {  	[sflag:s0] =	ssyncset.done $0x0  }
0x9b: {  	[sflag:s0] =	ssyncadd.s32 $0xFFFFF800  }
0x9c: {  	_ =	swait.ge [sflag:s0], $0x800  }
0x9d: {  	[sflag:s0] =	ssyncset.done $0x0  }
0x9e: {  	[sflag:s0] =	ssyncadd.s32 $0xFFFFF800  }
0x9f: {  	_ =	swait.ge [sflag:s0], $0x800  }
0xa0: {  	[sflag:s0] =	ssyncset.done $0x0  }
0xa1: {  	[sflag:s0] =	ssyncadd.s32 $0xFFFFF800  }
0xa2: {  	_ =	swait.ge [sflag:s0], $0x800  }
0xa3: {  	[sflag:s0] =	ssyncset.done $0x0  }
0xa4: {  	[sflag:s0] =	ssyncadd.s32 $0xFFFFF800  }
0xa5: {  	_ =	swait.ge [sflag:s0], $0x800  }
0xa6: {  	[sflag:s0] =	ssyncset.done $0x0  }
0xa7: {  	[sflag:s0] =	ssyncadd.s32 $0xFFFFF800  }
0xa8: {  	_ =	swait.ge [sflag:s0], $0x800  }
0xa9: {  	[sflag:s0] =	ssyncset.done $0x0  }
0xaa: {  	[sflag:s0] =	ssyncadd.s32 $0xFFFFF800  }
0xab: {  	[hbm4b:s26+s3] =	stream.linear.scatter [tilespmem:s16], [sflag:$0x3], $0x4000, $0x38;
	[tilespmem:$0x6500] =	vst v63  }
0xac: {  	_ =	swait.ge [sflag:s13], $0x4000  }
0xad: {  	[sflag:s13] =	ssyncset.done $0x0  }
0xae: {  	[sflag:s13] =	ssyncadd.s32 $0xFFFFC000  }
0xaf: {  	[tilespmem:$0x4C00] =	vst v0  }
0xb0: {  	[tilespmem:$0x4C10] =	vst v0  }
0xb1: {  	[tilespmem:$0x4C20] =	vst v0  }
0xb2: {  	[tilespmem:$0x4C30] =	vst v0  }
0xb3: {  	[tilespmem:$0x4C40] =	vst v0  }
0xb4: {  	[tilespmem:$0x4C50] =	vst v0  }
0xb5: {  	[tilespmem:$0x4C60] =	vst v0  }
0xb6: {  	[tilespmem:$0x4C70] =	vst v0  }
0xb7: {  	s30 =	sadd.s32 $0x0, s11;
	[bflag:$0x0] =	sbarrier.arrive $0xFFFF  }
0xb8: {  	[tilespmem:s3], [sflag:$0x3] =	stream.linear.gather [hbm4b:s30+s3], $0x800, $0x38;
	[tilespmem:$0x6500] =	vst v63  }
0xb9: {  	_ =	swait.ge [sflag:s13], $0x800  }
0xba: {  	[sflag:s13] =	ssyncset.done $0x0  }
0xbb: {  	[sflag:s13] =	ssyncadd.s32 $0xFFFFF800  }
0xbc: {  	[spmem:s1] =	stream.indirect.scatter.add.f32 [tilespmem:s2], [sflag:$0x2], $0x1, s3, s15, $0xb8;
	[tilespmem:$0x6500] =	vst v63  }
0xbd: {  	_ = 	snop  }
0xbe: {  	[spmem:s1] =	stream.indirect.scatter.add.f32 [tilespmem:s2], [sflag:$0x2], $0x1, s15, s15, $0xb8;
	[tilespmem:$0x6500] =	vst v63  }
0xbf: {  	s5 =	simm.s32 $0x100  }
0xc0: {  	[spmem:s1] =	stream.indirect.scatter.add.f32 [tilespmem:s2], [sflag:$0x2], $0x1, s5, s15, $0xb8;
	[tilespmem:$0x6500] =	vst v63  }
0xc1: {  	s6 =	simm.s32 $0x180  }
0xc2: {  	[spmem:s1] =	stream.indirect.scatter.add.f32 [tilespmem:s2], [sflag:$0x2], $0x1, s6, s15, $0xb8;
	[tilespmem:$0x6500] =	vst v63  }
0xc3: {  	s7 =	simm.s32 $0x200  }
0xc4: {  	[spmem:s1] =	stream.indirect.scatter.add.f32 [tilespmem:s2], [sflag:$0x2], $0x1, s7, s15, $0xb8;
	[tilespmem:$0x6500] =	vst v63  }
0xc5: {  	s8 =	simm.s32 $0x280  }
0xc6: {  	[spmem:s1] =	stream.indirect.scatter.add.f32 [tilespmem:s2], [sflag:$0x2], $0x1, s8, s15, $0xb8;
	[tilespmem:$0x6500] =	vst v63  }
0xc7: {  	s9 =	simm.s32 $0x300  }
0xc8: {  	[spmem:s1] =	stream.indirect.scatter.add.f32 [tilespmem:s2], [sflag:$0x2], $0x1, s9, s15, $0xb8;
	[tilespmem:$0x6500] =	vst v63  }
0xc9: {  	s12 =	simm.s32 $0x380  }
0xca: {  	[spmem:s1] =	stream.indirect.scatter.add.f32 [tilespmem:s2], [sflag:$0x2], $0x1, s12, s15, $0xb8;
	[tilespmem:$0x6500] =	vst v63  }
0xcb: {  	s17 =	simm.s32 $0x400  }
0xcc: {  	[spmem:s1] =	stream.indirect.scatter.add.f32 [tilespmem:s2], [sflag:$0x2], $0x1, s17, s15, $0xb8;
	[tilespmem:$0x6500] =	vst v63  }
0xcd: {  	s18 =	simm.s32 $0x480  }
0xce: {  	[spmem:s1] =	stream.indirect.scatter.add.f32 [tilespmem:s2], [sflag:$0x2], $0x1, s18, s15, $0xb8;
	[tilespmem:$0x6500] =	vst v63  }
0xcf: {  	s19 =	simm.s32 $0x500  }
0xd0: {  	[spmem:s1] =	stream.indirect.scatter.add.f32 [tilespmem:s2], [sflag:$0x2], $0x1, s19, s15, $0xb8;
	[tilespmem:$0x6500] =	vst v63  }
0xd1: {  	s20 =	simm.s32 $0x580  }
0xd2: {  	[spmem:s1] =	stream.indirect.scatter.add.f32 [tilespmem:s2], [sflag:$0x2], $0x1, s20, s15, $0xb8;
	[tilespmem:$0x6500] =	vst v63  }
0xd3: {  	s21 =	simm.s32 $0x600  }
0xd4: {  	[spmem:s1] =	stream.indirect.scatter.add.f32 [tilespmem:s2], [sflag:$0x2], $0x1, s21, s15, $0xb8;
	[tilespmem:$0x6500] =	vst v63  }
0xd5: {  	s22 =	simm.s32 $0x680  }
0xd6: {  	[spmem:s1] =	stream.indirect.scatter.add.f32 [tilespmem:s2], [sflag:$0x2], $0x1, s22, s15, $0xb8;
	[tilespmem:$0x6500] =	vst v63  }
0xd7: {  	s23 =	simm.s32 $0x700  }
0xd8: {  	[spmem:s1] =	stream.indirect.scatter.add.f32 [tilespmem:s2], [sflag:$0x2], $0x1, s23, s15, $0xb8;
	[tilespmem:$0x6500] =	vst v63  }
0xd9: {  	_ = 	snop  }
0xda: {  	[spmem:s1] =	stream.indirect.scatter.add.f32 [tilespmem:s2], [sflag:$0x2], $0x1, s24, s15, $0xb8;
	[tilespmem:$0x6500] =	vst v63  }
0xdb: {  	_ =	swait.ge [sflag:s25], $0x80  }
0xdc: {  	[sflag:s25] =	ssyncset.done $0x0  }
0xdd: {  	[sflag:s25] =	ssyncadd.s32 $0xFFFFFF80  }
0xde: {  	_ =	swait.ge [sflag:s25], $0x80  }
0xdf: {  	[sflag:s25] =	ssyncset.done $0x0  }
0xe0: {  	[sflag:s25] =	ssyncadd.s32 $0xFFFFFF80  }
0xe1: {  	_ =	swait.ge [sflag:s25], $0x80  }
0xe2: {  	[sflag:s25] =	ssyncset.done $0x0  }
0xe3: {  	[sflag:s25] =	ssyncadd.s32 $0xFFFFFF80  }
0xe4: {  	_ =	swait.ge [sflag:s25], $0x80  }
0xe5: {  	[sflag:s25] =	ssyncset.done $0x0  }
0xe6: {  	[sflag:s25] =	ssyncadd.s32 $0xFFFFFF80  }
0xe7: {  	_ =	swait.ge [sflag:s25], $0x80  }
0xe8: {  	[sflag:s25] =	ssyncset.done $0x0  }
0xe9: {  	[sflag:s25] =	ssyncadd.s32 $0xFFFFFF80  }
0xea: {  	_ =	swait.ge [sflag:s25], $0x80  }
0xeb: {  	[sflag:s25] =	ssyncset.done $0x0  }
0xec: {  	[sflag:s25] =	ssyncadd.s32 $0xFFFFFF80  }
0xed: {  	_ =	swait.ge [sflag:s25], $0x80  }
0xee: {  	[sflag:s25] =	ssyncset.done $0x0  }
0xef: {  	[sflag:s25] =	ssyncadd.s32 $0xFFFFFF80  }
0xf0: {  	_ =	swait.ge [sflag:s25], $0x80  }
0xf1: {  	[sflag:s25] =	ssyncset.done $0x0  }
0xf2: {  	[sflag:s25] =	ssyncadd.s32 $0xFFFFFF80  }
0xf3: {  	_ =	swait.ge [sflag:s25], $0x80  }
0xf4: {  	[sflag:s25] =	ssyncset.done $0x0  }
0xf5: {  	[sflag:s25] =	ssyncadd.s32 $0xFFFFFF80  }
0xf6: {  	_ =	swait.ge [sflag:s25], $0x80  }
0xf7: {  	[sflag:s25] =	ssyncset.done $0x0  }
0xf8: {  	[sflag:s25] =	ssyncadd.s32 $0xFFFFFF80  }
0xf9: {  	_ =	swait.ge [sflag:s25], $0x80  }
0xfa: {  	[sflag:s25] =	ssyncset.done $0x0  }
0xfb: {  	[sflag:s25] =	ssyncadd.s32 $0xFFFFFF80  }
0xfc: {  	_ =	swait.ge [sflag:s25], $0x80  }
0xfd: {  	[sflag:s25] =	ssyncset.done $0x0  }
0xfe: {  	[sflag:s25] =	ssyncadd.s32 $0xFFFFFF80  }
0xff: {  	_ =	swait.ge [sflag:s25], $0x80  }
0x100: {  	[sflag:s25] =	ssyncset.done $0x0  }
0x101: {  	[sflag:s25] =	ssyncadd.s32 $0xFFFFFF80  }
0x102: {  	_ =	swait.ge [sflag:s25], $0x80  }
0x103: {  	[sflag:s25] =	ssyncset.done $0x0  }
0x104: {  	[sflag:s25] =	ssyncadd.s32 $0xFFFFFF80  }
0x105: {  	_ =	swait.ge [sflag:s25], $0x80  }
0x106: {  	[sflag:s25] =	ssyncset.done $0x0  }
0x107: {  	[sflag:s25] =	ssyncadd.s32 $0xFFFFFF80  }
0x108: {  	_ =	swait.ge [sflag:s25], $0x80  }
0x109: {  	s29 =	simm.s32 $0x200;
	s26 =	simm.s32 $0x100;
	[sflag:s25] =	ssyncset.done $0x0  }
.LBB2_4:
0x10a: {  	s30 =	sadd.s32 s26, s11  }
0x10b: {  	[sflag:s25] =	ssyncadd.s32 $0xFFFFFF80;
	s26 =	smov.u32 s29;
	s28 =	sadd.s32 $0x100, s29  }
0x10c: {  	[tilespmem:s3], [sflag:$0x3] =	stream.linear.gather [hbm4b:s30+s3], $0x800, $0x38;
	[tilespmem:$0x6500] =	vst v63  }
0x10d: {  	p0 =	sne.s32 s29, $0x3100;
	_ =	swait.ge [sflag:s13], $0x800  }
0x10e: {  	[sflag:s13] =	ssyncset.done $0x0  }
0x10f: {  	[sflag:s13] =	ssyncadd.s32 $0xFFFFF800  }
0x110: {  	[spmem:s1] =	stream.indirect.scatter.add.f32 [tilespmem:s2], [sflag:$0x2], $0x1, s3, s15, $0xb8;
	[tilespmem:$0x6500] =	vst v63  }
0x111: {  	_ = 	snop  }
0x112: {  	[spmem:s1] =	stream.indirect.scatter.add.f32 [tilespmem:s2], [sflag:$0x2], $0x1, s15, s15, $0xb8;
	[tilespmem:$0x6500] =	vst v63  }
0x113: {  	_ = 	snop  }
0x114: {  	[spmem:s1] =	stream.indirect.scatter.add.f32 [tilespmem:s2], [sflag:$0x2], $0x1, s5, s15, $0xb8;
	[tilespmem:$0x6500] =	vst v63  }
0x115: {  	_ = 	snop  }
0x116: {  	[spmem:s1] =	stream.indirect.scatter.add.f32 [tilespmem:s2], [sflag:$0x2], $0x1, s6, s15, $0xb8;
	[tilespmem:$0x6500] =	vst v63  }
0x117: {  	_ = 	snop  }
0x118: {  	[spmem:s1] =	stream.indirect.scatter.add.f32 [tilespmem:s2], [sflag:$0x2], $0x1, s7, s15, $0xb8;
	[tilespmem:$0x6500] =	vst v63  }
0x119: {  	_ = 	snop  }
0x11a: {  	[spmem:s1] =	stream.indirect.scatter.add.f32 [tilespmem:s2], [sflag:$0x2], $0x1, s8, s15, $0xb8;
	[tilespmem:$0x6500] =	vst v63  }
0x11b: {  	_ = 	snop  }
0x11c: {  	[spmem:s1] =	stream.indirect.scatter.add.f32 [tilespmem:s2], [sflag:$0x2], $0x1, s9, s15, $0xb8;
	[tilespmem:$0x6500] =	vst v63  }
0x11d: {  	_ = 	snop  }
0x11e: {  	[spmem:s1] =	stream.indirect.scatter.add.f32 [tilespmem:s2], [sflag:$0x2], $0x1, s12, s15, $0xb8;
	[tilespmem:$0x6500] =	vst v63  }
0x11f: {  	_ = 	snop  }
0x120: {  	[spmem:s1] =	stream.indirect.scatter.add.f32 [tilespmem:s2], [sflag:$0x2], $0x1, s17, s15, $0xb8;
	[tilespmem:$0x6500] =	vst v63  }
0x121: {  	_ = 	snop  }
0x122: {  	[spmem:s1] =	stream.indirect.scatter.add.f32 [tilespmem:s2], [sflag:$0x2], $0x1, s18, s15, $0xb8;
	[tilespmem:$0x6500] =	vst v63  }
0x123: {  	_ = 	snop  }
0x124: {  	[spmem:s1] =	stream.indirect.scatter.add.f32 [tilespmem:s2], [sflag:$0x2], $0x1, s19, s15, $0xb8;
	[tilespmem:$0x6500] =	vst v63  }
0x125: {  	_ = 	snop  }
0x126: {  	[spmem:s1] =	stream.indirect.scatter.add.f32 [tilespmem:s2], [sflag:$0x2], $0x1, s20, s15, $0xb8;
	[tilespmem:$0x6500] =	vst v63  }
0x127: {  	_ = 	snop  }
0x128: {  	[spmem:s1] =	stream.indirect.scatter.add.f32 [tilespmem:s2], [sflag:$0x2], $0x1, s21, s15, $0xb8;
	[tilespmem:$0x6500] =	vst v63  }
0x129: {  	_ = 	snop  }
0x12a: {  	[spmem:s1] =	stream.indirect.scatter.add.f32 [tilespmem:s2], [sflag:$0x2], $0x1, s22, s15, $0xb8;
	[tilespmem:$0x6500] =	vst v63  }
0x12b: {  	_ = 	snop  }
0x12c: {  	[spmem:s1] =	stream.indirect.scatter.add.f32 [tilespmem:s2], [sflag:$0x2], $0x1, s23, s15, $0xb8;
	[tilespmem:$0x6500] =	vst v63  }
0x12d: {  	_ = 	snop  }
0x12e: {  	[spmem:s1] =	stream.indirect.scatter.add.f32 [tilespmem:s2], [sflag:$0x2], $0x1, s24, s15, $0xb8;
	[tilespmem:$0x6500] =	vst v63  }
0x12f: {  	_ =	swait.ge [sflag:s25], $0x80  }
0x130: {  	[sflag:s25] =	ssyncset.done $0x0  }
0x131: {  	[sflag:s25] =	ssyncadd.s32 $0xFFFFFF80  }
0x132: {  	_ =	swait.ge [sflag:s25], $0x80  }
0x133: {  	[sflag:s25] =	ssyncset.done $0x0  }
0x134: {  	[sflag:s25] =	ssyncadd.s32 $0xFFFFFF80  }
0x135: {  	_ =	swait.ge [sflag:s25], $0x80  }
0x136: {  	[sflag:s25] =	ssyncset.done $0x0  }
0x137: {  	[sflag:s25] =	ssyncadd.s32 $0xFFFFFF80  }
0x138: {  	_ =	swait.ge [sflag:s25], $0x80  }
0x139: {  	[sflag:s25] =	ssyncset.done $0x0  }
0x13a: {  	[sflag:s25] =	ssyncadd.s32 $0xFFFFFF80  }
0x13b: {  	_ =	swait.ge [sflag:s25], $0x80  }
0x13c: {  	[sflag:s25] =	ssyncset.done $0x0  }
0x13d: {  	[sflag:s25] =	ssyncadd.s32 $0xFFFFFF80  }
0x13e: {  	_ =	swait.ge [sflag:s25], $0x80  }
0x13f: {  	[sflag:s25] =	ssyncset.done $0x0  }
0x140: {  	[sflag:s25] =	ssyncadd.s32 $0xFFFFFF80  }
0x141: {  	_ =	swait.ge [sflag:s25], $0x80  }
0x142: {  	[sflag:s25] =	ssyncset.done $0x0  }
0x143: {  	[sflag:s25] =	ssyncadd.s32 $0xFFFFFF80  }
0x144: {  	_ =	swait.ge [sflag:s25], $0x80  }
0x145: {  	[sflag:s25] =	ssyncset.done $0x0  }
0x146: {  	[sflag:s25] =	ssyncadd.s32 $0xFFFFFF80  }
0x147: {  	_ =	swait.ge [sflag:s25], $0x80  }
0x148: {  	[sflag:s25] =	ssyncset.done $0x0  }
0x149: {  	[sflag:s25] =	ssyncadd.s32 $0xFFFFFF80  }
0x14a: {  	_ =	swait.ge [sflag:s25], $0x80  }
0x14b: {  	[sflag:s25] =	ssyncset.done $0x0  }
0x14c: {  	[sflag:s25] =	ssyncadd.s32 $0xFFFFFF80  }
0x14d: {  	_ =	swait.ge [sflag:s25], $0x80  }
0x14e: {  	[sflag:s25] =	ssyncset.done $0x0  }
0x14f: {  	[sflag:s25] =	ssyncadd.s32 $0xFFFFFF80  }
0x150: {  	_ =	swait.ge [sflag:s25], $0x80  }
0x151: {  	[sflag:s25] =	ssyncset.done $0x0  }
0x152: {  	[sflag:s25] =	ssyncadd.s32 $0xFFFFFF80  }
0x153: {  	_ =	swait.ge [sflag:s25], $0x80  }
0x154: {  	[sflag:s25] =	ssyncset.done $0x0  }
0x155: {  	[sflag:s25] =	ssyncadd.s32 $0xFFFFFF80  }
0x156: {  	_ =	swait.ge [sflag:s25], $0x80  }
0x157: {  	[sflag:s25] =	ssyncset.done $0x0  }
0x158: {  	[sflag:s25] =	ssyncadd.s32 $0xFFFFFF80  }
.Ltmp1:
0x159: {  	_ =	swait.ge [sflag:s25], $0x80;
	(pc) =	sbr.rel @p0 .LBB2_4-.Ltmp1, $4  }
0x15a: {  	[sflag:s25] =	ssyncset.done $0x0  }
0x15b: {  	[sflag:s25] =	ssyncadd.s32 $0xFFFFFF80  }
0x15c: {  	_ =	swait.ge [sflag:s25], $0x80  }
0x15d: {  	s29 =	smov.u32 s28;
	[sflag:s25] =	ssyncset.done $0x0  }
0x15e: {  	s26 =	sadd.s32 s26, s11;
	[sflag:s25] =	ssyncadd.s32 $0xFFFFFF80  }
0x15f: {  	[tilespmem:s3], [sflag:$0x3] =	stream.linear.gather [hbm4b:s26+s3], $0x800, $0x38;
	[tilespmem:$0x6500] =	vst v63  }
0x160: {  	_ =	swait.ge [sflag:s13], $0x800  }
0x161: {  	[sflag:s13] =	ssyncset.done $0x0  }
0x162: {  	[sflag:s13] =	ssyncadd.s32 $0xFFFFF800  }
0x163: {  	[spmem:s1] =	stream.indirect.scatter.add.f32 [tilespmem:s2], [sflag:$0x2], $0x1, s3, s15, $0xb8;
	[tilespmem:$0x6500] =	vst v63  }
0x164: {  	_ = 	snop  }
0x165: {  	[spmem:s1] =	stream.indirect.scatter.add.f32 [tilespmem:s2], [sflag:$0x2], $0x1, s15, s15, $0xb8;
	[tilespmem:$0x6500] =	vst v63  }
0x166: {  	_ = 	snop  }
0x167: {  	[spmem:s1] =	stream.indirect.scatter.add.f32 [tilespmem:s2], [sflag:$0x2], $0x1, s5, s15, $0xb8;
	[tilespmem:$0x6500] =	vst v63  }
0x168: {  	_ = 	snop  }
0x169: {  	[spmem:s1] =	stream.indirect.scatter.add.f32 [tilespmem:s2], [sflag:$0x2], $0x1, s6, s15, $0xb8;
	[tilespmem:$0x6500] =	vst v63  }
0x16a: {  	_ = 	snop  }
0x16b: {  	[spmem:s1] =	stream.indirect.scatter.add.f32 [tilespmem:s2], [sflag:$0x2], $0x1, s7, s15, $0xb8;
	[tilespmem:$0x6500] =	vst v63  }
0x16c: {  	_ = 	snop  }
0x16d: {  	[spmem:s1] =	stream.indirect.scatter.add.f32 [tilespmem:s2], [sflag:$0x2], $0x1, s8, s15, $0xb8;
	[tilespmem:$0x6500] =	vst v63  }
0x16e: {  	_ = 	snop  }
0x16f: {  	[spmem:s1] =	stream.indirect.scatter.add.f32 [tilespmem:s2], [sflag:$0x2], $0x1, s9, s15, $0xb8;
	[tilespmem:$0x6500] =	vst v63  }
0x170: {  	_ = 	snop  }
0x171: {  	[spmem:s1] =	stream.indirect.scatter.add.f32 [tilespmem:s2], [sflag:$0x2], $0x1, s12, s15, $0xb8;
	[tilespmem:$0x6500] =	vst v63  }
0x172: {  	_ = 	snop  }
0x173: {  	[spmem:s1] =	stream.indirect.scatter.add.f32 [tilespmem:s2], [sflag:$0x2], $0x1, s17, s15, $0xb8;
	[tilespmem:$0x6500] =	vst v63  }
0x174: {  	_ = 	snop  }
0x175: {  	[spmem:s1] =	stream.indirect.scatter.add.f32 [tilespmem:s2], [sflag:$0x2], $0x1, s18, s15, $0xb8;
	[tilespmem:$0x6500] =	vst v63  }
0x176: {  	_ = 	snop  }
0x177: {  	[spmem:s1] =	stream.indirect.scatter.add.f32 [tilespmem:s2], [sflag:$0x2], $0x1, s19, s15, $0xb8;
	[tilespmem:$0x6500] =	vst v63  }
0x178: {  	_ = 	snop  }
0x179: {  	[spmem:s1] =	stream.indirect.scatter.add.f32 [tilespmem:s2], [sflag:$0x2], $0x1, s20, s15, $0xb8;
	[tilespmem:$0x6500] =	vst v63  }
0x17a: {  	_ = 	snop  }
0x17b: {  	[spmem:s1] =	stream.indirect.scatter.add.f32 [tilespmem:s2], [sflag:$0x2], $0x1, s21, s15, $0xb8;
	[tilespmem:$0x6500] =	vst v63  }
0x17c: {  	_ = 	snop  }
0x17d: {  	[spmem:s1] =	stream.indirect.scatter.add.f32 [tilespmem:s2], [sflag:$0x2], $0x1, s22, s15, $0xb8;
	[tilespmem:$0x6500] =	vst v63  }
0x17e: {  	_ = 	snop  }
0x17f: {  	[spmem:s1] =	stream.indirect.scatter.add.f32 [tilespmem:s2], [sflag:$0x2], $0x1, s23, s15, $0xb8;
	[tilespmem:$0x6500] =	vst v63  }
0x180: {  	_ = 	snop  }
0x181: {  	[spmem:s1] =	stream.indirect.scatter.add.f32 [tilespmem:s2], [sflag:$0x2], $0x1, s24, s15, $0xb8;
	[tilespmem:$0x6500] =	vst v63  }
0x182: {  	_ =	swait.ge [sflag:s25], $0x80  }
0x183: {  	[sflag:s25] =	ssyncset.done $0x0  }
0x184: {  	[sflag:s25] =	ssyncadd.s32 $0xFFFFFF80  }
0x185: {  	_ =	swait.ge [sflag:s25], $0x80  }
0x186: {  	[sflag:s25] =	ssyncset.done $0x0  }
0x187: {  	[sflag:s25] =	ssyncadd.s32 $0xFFFFFF80  }
0x188: {  	_ =	swait.ge [sflag:s25], $0x80  }
0x189: {  	[sflag:s25] =	ssyncset.done $0x0  }
0x18a: {  	[sflag:s25] =	ssyncadd.s32 $0xFFFFFF80  }
0x18b: {  	_ =	swait.ge [sflag:s25], $0x80  }
0x18c: {  	[sflag:s25] =	ssyncset.done $0x0  }
0x18d: {  	[sflag:s25] =	ssyncadd.s32 $0xFFFFFF80  }
0x18e: {  	_ =	swait.ge [sflag:s25], $0x80  }
0x18f: {  	[sflag:s25] =	ssyncset.done $0x0  }
0x190: {  	[sflag:s25] =	ssyncadd.s32 $0xFFFFFF80  }
0x191: {  	_ =	swait.ge [sflag:s25], $0x80  }
0x192: {  	[sflag:s25] =	ssyncset.done $0x0  }
0x193: {  	[sflag:s25] =	ssyncadd.s32 $0xFFFFFF80  }
0x194: {  	_ =	swait.ge [sflag:s25], $0x80  }
0x195: {  	[sflag:s25] =	ssyncset.done $0x0  }
0x196: {  	[sflag:s25] =	ssyncadd.s32 $0xFFFFFF80  }
0x197: {  	_ =	swait.ge [sflag:s25], $0x80  }
0x198: {  	[sflag:s25] =	ssyncset.done $0x0  }
0x199: {  	[sflag:s25] =	ssyncadd.s32 $0xFFFFFF80  }
0x19a: {  	_ =	swait.ge [sflag:s25], $0x80  }
0x19b: {  	[sflag:s25] =	ssyncset.done $0x0  }
0x19c: {  	[sflag:s25] =	ssyncadd.s32 $0xFFFFFF80  }
0x19d: {  	_ =	swait.ge [sflag:s25], $0x80  }
0x19e: {  	[sflag:s25] =	ssyncset.done $0x0  }
0x19f: {  	[sflag:s25] =	ssyncadd.s32 $0xFFFFFF80  }
0x1a0: {  	_ =	swait.ge [sflag:s25], $0x80  }
0x1a1: {  	[sflag:s25] =	ssyncset.done $0x0  }
0x1a2: {  	[sflag:s25] =	ssyncadd.s32 $0xFFFFFF80  }
0x1a3: {  	_ =	swait.ge [sflag:s25], $0x80  }
0x1a4: {  	[sflag:s25] =	ssyncset.done $0x0  }
0x1a5: {  	[sflag:s25] =	ssyncadd.s32 $0xFFFFFF80  }
0x1a6: {  	_ =	swait.ge [sflag:s25], $0x80  }
0x1a7: {  	[sflag:s25] =	ssyncset.done $0x0  }
0x1a8: {  	[sflag:s25] =	ssyncadd.s32 $0xFFFFFF80  }
0x1a9: {  	_ =	swait.ge [sflag:s25], $0x80  }
0x1aa: {  	[sflag:s25] =	ssyncset.done $0x0  }
0x1ab: {  	[sflag:s25] =	ssyncadd.s32 $0xFFFFFF80  }
0x1ac: {  	_ =	swait.ge [sflag:s25], $0x80  }
0x1ad: {  	[sflag:s25] =	ssyncset.done $0x0  }
0x1ae: {  	[sflag:s25] =	ssyncadd.s32 $0xFFFFFF80  }
0x1af: {  	_ =	swait.ge [sflag:s25], $0x80  }
0x1b0: {  	[sflag:s25] =	ssyncset.done $0x0  }
0x1b1: {  	[sflag:s25] =	ssyncadd.s32 $0xFFFFFF80  }
0x1b2: {  	[bflag:$0x0] =	sbarrier.arrive $0xFFFF  }
0x1b3: {  	s28 =	rddreg [dreg:$0x4]  }
0x1b4: {  	s22 =	rddreg [dreg:$0x5]  }
0x1b5: {  	s29 =	rddreg [dreg:$0x8]  }
0x1b6: {  	[hbm:s22], [sflag:s28] =	dma.local [spmem:s29], $0x310  }
0x1b7: {  	_ =	swait.ge [sflag:s13], $0x310  }
0x1b8: {  	s30 =	rddreg [dreg:$0x9]  }
0x1b9: {  	s23 =	rddreg [dreg:$0x6];
	s30 =	sadd.s32 $0x1, s30  }
0x1ba: {  	s5 =	simm.s32 $0x1400;
	p0 =	sne.s32 s30, s23  }
.Ltmp2:
0x1bb: {  	s6 =	simm.s32 $0x980;
	s7 =	simm.s32 $0x900;
	(pc) =	sbr.rel @p0 .LBB2_1-.Ltmp2, $4  }
0x1bc: {  	s8 =	simm.s32 $0x1C00;
	s9 =	simm.s32 $0x2400;
	s12 =	simm.s32 $0xA00  }
0x1bd: {  	s17 =	simm.s32 $0x2C00;
	s18 =	simm.s32 $0xA80;
	s19 =	simm.s32 $0x3400  }
0x1be: {  	s20 =	simm.s32 $0xB00;
	s21 =	simm.s32 $0x3C00;
	[sflag:s13] =	ssyncset.done $0x0  }
0x1bf: {  	s22 =	simm.s32 $0xB80;
	[sflag:s13] =	ssyncadd.s32 $0xFFFFFCF0;
	s23 =	simm.s32 $0x4400  }
0x1c0: {  	_ =	sfence.sel $0x180000  }
0x1c1: {  	[bflag:$0x0] =	sbarrier.arrive $0xFFFF  }
0x1c2: {  	_ =	strace $0x90000047  }
0x1c3: {  	s0 =	stileid.u32;
	[bflag:$0x2] =	sbarrier.arrive $0xFFFF  }
0x1c4: {  	p0 =	sne.s32 s0, $0x0;
	s0 =	rddreg [dreg:$0x2]  }
0x1c5: {  	s0 =	sadd.s32 @!p0 $0x100000, s0  }
0x1c6: {  	[sflag:s0] =	ssyncadd.tile.s32 @!p0 $0x1;
	_ =	shalt  }
.Lfunc_end2:
_tile_overlayer_lowered:
.L_overlay_start_2:
0x1c7: {  	(tag) =	ssettag $0x2  }
0x1c8: {  	s0 =	rddreg [dreg:$0x0];
	s2 =	stileid.u32  }
0x1c9: {  	s1 =	rddreg [dreg:$0x1];
	p0 =	sne.s32 s2, $0x0  }
0x1ca: {  	s3 =	rddreg [dreg:$0x2];
	[bflag:$0x3] =	sbarrier.arrive $0xFFFF;
	s2 =	simm.s32 @!p0 $0x1C03  }
0x1cb: {  	[timem:s3], [sflag:s2] =	dma.local @!p0 [hbm:s0], s1  }
0x1cc: {  	s0 =	simm.s32 @!p0 $0x3  }
0x1cd: {  	_ =	swait.ge @!p0 [sflag:s0], s1  }
0x1ce: {  	s1 =	ssub.s32 @!p0 $0x0, s1;
	[sflag:s0] =	ssyncset.done @!p0 $0x0  }
0x1cf: {  	[sflag:s0] =	ssyncadd.s32 @!p0 s1  }
0x1d0: {  	[bflag:$0x3] =	sbarrier.arrive $0xFFFF  }
0x1d1: {  	_ =	shalt  }

// kernel: kernel.13.cloned.1.call-start
scs
__scs_entry_jumppad:
0x0: {  	(pc) =	sbr.rel $0x88, $3  }
0x1: {  	(tag) =	ssettag $0x0;
	lr =	simm.s32 $0x1  }
0x2: {  	[smem:$0x3F94] =	sst lr;
	_ =	strace $0xD0000000  }
0x3: {  	_ = 	snop  }
0x4: {  	_ = 	snop  }
0x5: {  	_ = 	snop  }
0x6: {  	_ = 	snop  }
0x7: {  	_ = 	snop  }
__scs_overlays_trampoline_lowered:
0x8: {  	[smem:$0x3FA3] =	sst s0  }
0x9: {  	[smem:$0x3FA4] =	sst s1  }
0xa: {  	[smem:$0x3FA5] =	sst s2  }
0xb: {  	[smem:$0x3FA6] =	sst s3  }
0xc: {  	[smem:$0x3FA7] =	sst s4  }
0xd: {  	[smem:$0x3FA8] =	sst s5  }
0xe: {  	[smem:$0x3FA9] =	sst s6  }
0xf: {  	[smem:$0x3FAA] =	sst s7  }
0x10: {  	[smem:$0x3FAB] =	sst s8  }
0x11: {  	[smem:$0x3FAC] =	sst s9;
	s0 =	simm.s32 @!p0 $0x0  }
0x12: {  	s1 =	sld [smem:$0x3F92];
	s0 =	simm.s32 @p0 $0x1  }
0x13: {  	[smem:$0x3FAD] =	sst s0;
	s0 =	simm.s32 @!p1 $0x0  }
0x14: {  	s2 =	sld [smem:$0x3F91];
	s0 =	simm.s32 @p1 $0x1  }
0x15: {  	[smem:$0x3FAE] =	sst s0;
	s0 =	simm.s32 @!p2 $0x0  }
0x16: {  	s3 =	sld [smem:$0x3FDB];
	s0 =	simm.s32 @p2 $0x1  }
0x17: {  	s4 =	simm.s32 $0x1BF5;
	[smem:$0x3FB0] =	sst s0  }
0x18: {  	s0 =	sld [smem:$0x3F93];
	_ =	swait.ge [sflag:s4], $0x0  }
0x19: {  	s7 =	sld [smem:$0x3F94]  }
0x1a: {  	s8 =	sadd.s32 $0xFFFFE003, lr  }
0x1b: {  	s9 =	sadd.s32 $0xFFFFFEF7, lr;
	s5 =	simm.s32 $0xFFFFFFFF;
	p2 =	slt.u32 s8, $0xFFFFF086  }
0x1c: {  	p1 =	slt.u32 s9, $0xF7A;
	s5 =	simm.s32 @!p2 $0x0  }
0x1d: {  	s5 =	simm.s32 @p1 $0x1;
	p0 =	seq.s32 s7, s2  }
0x1e: {  	s7 =	smul.u32 @!p0 $0xF7A, s2;
	p2 =	seq.s32 @!p0 s5, $0x0  }
0x1f: {  	s9 =	smul.u32 $0xF7A, s1;
	s8 =	simm.s32 @!p0 $0x1BF5;
	p2 =	por !p2, p0  }
0x20: {  	[sflag:s8] =	ssyncset.s32 @!p0 $0xFFFFF086;
	s6 =	sadd.s32 @!p0 s3, s7;
	s7 =	simm.s32 @!p0 $0x108  }
0x21: {  	s3 =	sadd.s32 s3, s9;
	s6 =	sadd.s32 @!p0 $0x88, s6;
	s7 =	simm.s32 @p2 $0x1082  }
0x22: {  	[simem:s7], [sflag:s8] =	dma.local @!p0 [hbm:s6], $0xF7A  }
0x23: {  	s9 =	sor.u32 $0xD0000000, s2;
	s6 =	simm.s32 $0x108;
	_ =	swait.ge @!p0 [sflag:s8], $0x0  }
0x24: {  	s3 =	sadd.s32 $0x88, s3;
	s6 =	simm.s32 @!p1 $0x1082;
	[sflag:s4] =	ssyncset.s32 $0xFFFFF086  }
0x25: {  	[simem:s6], [sflag:s4] =	dma.local [hbm:s3], $0xF7A  }
0x26: {  	[smem:$0x3F94] =	sst s1;
	(tag) =	ssettag s2;
	_ =	strace s9  }
0x27: {  	s1 =	sld [smem:$0x3FA4]  }
0x28: {  	s2 =	sld [smem:$0x3FA5]  }
0x29: {  	s4 =	sld [smem:$0x3FA7]  }
0x2a: {  	p0 =	seq.s32 s5, $0x0;
	s5 =	sld [smem:$0x3FA8]  }
0x2b: {  	s6 =	sld [smem:$0x3FA9]  }
0x2c: {  	s7 =	sld [smem:$0x3FAA]  }
0x2d: {  	s3 =	simm.s32 $0x108;
	s8 =	sld [smem:$0x3FAB]  }
0x2e: {  	s3 =	simm.s32 @!p0 $0x1082;
	s9 =	sld [smem:$0x3FAC]  }
0x2f: {  	lr =	sadd.s32 s0, s3;
	s0 =	sld [smem:$0x3FA3]  }
0x30: {  	s3 =	sld [smem:$0x3FA6]  }
0x31: {  	[smem:$0x3FAF] =	sst s10  }
0x32: {  	s10 =	sld [smem:$0x3FAD];
	_ =	sdelay $0x3  }
0x33: {  	p0 =	seq.s32 s10, $0x1;
	s10 =	sld [smem:$0x3FAF];
	_ =	sdelay $0x3  }
0x34: {  	[smem:$0x3FAF] =	sst s10  }
0x35: {  	s10 =	sld [smem:$0x3FAE];
	_ =	sdelay $0x3  }
0x36: {  	p1 =	seq.s32 s10, $0x1;
	s10 =	sld [smem:$0x3FAF];
	_ =	sdelay $0x3  }
0x37: {  	[smem:$0x3FAF] =	sst s10  }
0x38: {  	s10 =	sld [smem:$0x3FB0]  }
0x39: {  	_ = 	snop;
	(pc) =	sbr.ind lr, $3  }
0x3a: {  	_ = 	snop  }
0x3b: {  	_ = 	snop  }
0x3c: {  	p2 =	seq.s32 s10, $0x1;
	s10 =	sld [smem:$0x3FAF]  }
0x3d: {  	_ =	shalt  }
0x3e: {  	_ =	shalt  }
0x3f: {  	_ =	shalt  }
0x40: {  	_ =	shalt  }
0x41: {  	_ =	shalt  }
0x42: {  	_ =	shalt  }
0x43: {  	_ =	shalt  }
0x44: {  	_ =	shalt  }
0x45: {  	_ =	shalt  }
0x46: {  	_ =	shalt  }
0x47: {  	_ =	shalt  }
0x48: {  	_ =	shalt  }
0x49: {  	_ =	shalt  }
0x4a: {  	_ =	shalt  }
0x4b: {  	_ =	shalt  }
0x4c: {  	_ =	shalt  }
0x4d: {  	_ =	shalt  }
0x4e: {  	_ =	shalt  }
0x4f: {  	_ =	shalt  }
0x50: {  	_ =	shalt  }
0x51: {  	_ =	shalt  }
0x52: {  	_ =	shalt  }
0x53: {  	_ =	shalt  }
0x54: {  	_ =	shalt  }
0x55: {  	_ =	shalt  }
0x56: {  	_ =	shalt  }
0x57: {  	_ =	shalt  }
0x58: {  	_ =	shalt  }
0x59: {  	_ =	shalt  }
0x5a: {  	_ =	shalt  }
0x5b: {  	_ =	shalt  }
0x5c: {  	_ =	shalt  }
0x5d: {  	_ =	shalt  }
0x5e: {  	_ =	shalt  }
0x5f: {  	_ =	shalt  }
0x60: {  	_ =	shalt  }
0x61: {  	_ =	shalt  }
0x62: {  	_ =	shalt  }
0x63: {  	_ =	shalt  }
0x64: {  	_ =	shalt  }
0x65: {  	_ =	shalt  }
0x66: {  	_ =	shalt  }
0x67: {  	_ =	shalt  }
0x68: {  	_ =	shalt  }
0x69: {  	_ =	shalt  }
0x6a: {  	_ =	shalt  }
0x6b: {  	_ =	shalt  }
0x6c: {  	_ =	shalt  }
0x6d: {  	_ =	shalt  }
0x6e: {  	_ =	shalt  }
0x6f: {  	_ =	shalt  }
0x70: {  	_ =	shalt  }
0x71: {  	_ =	shalt  }
0x72: {  	_ =	shalt  }
0x73: {  	_ =	shalt  }
0x74: {  	_ =	shalt  }
0x75: {  	_ =	shalt  }
0x76: {  	_ =	shalt  }
0x77: {  	_ =	shalt  }
0x78: {  	_ =	shalt  }
0x79: {  	_ =	shalt  }
0x7a: {  	_ =	shalt  }
0x7b: {  	_ =	shalt  }
0x7c: {  	_ =	shalt  }
0x7d: {  	_ =	shalt  }
0x7e: {  	_ =	shalt  }
0x7f: {  	_ =	shalt  }
0x80: {  	_ =	shalt  }
0x81: {  	_ =	shalt  }
0x82: {  	_ =	shalt  }
0x83: {  	_ =	shalt  }
0x84: {  	_ =	shalt  }
0x85: {  	_ =	shalt  }
0x86: {  	_ =	shalt  }
0x87: {  	_ =	shalt  }
.Lfunc_end0:
.L_simem_size_0:
called_computation.1_lowered:
.L_overlay_start_0:
0x88: {  	s2 =	sld [smem:$0x3FD9]  }
0x89: {  	s3 =	sld [smem:$0x3FFE];
	_ =	sdelay $0x1  }
0x8a: {  	s1 =	srdreg.scid  }
0x8b: {  	s0 =	sand.u32 $0x1, s1  }
0x8c: {  	s16 =	sshll.u32 s0, $0xA;
	s2 =	sadd.s32 s3, s2  }
0x8d: {  	s2 =	sadd.s32 s2, s16  }
0x8e: {  	[smem:$0x3FBB] =	sst s2  }
0x8f: {  	_ = 	snop  }
0x90: {  	(tm) =	ssettm $0x1  }
0x91: {  	s17 =	sld [smem:$0x3FFB];
	_ =	sdelay $0x3  }
0x92: {  	_ =	strace s17  }
0x93: {  	s2 =	sld [smem:$0x3FFC];
	_ =	sdelay $0x3  }
0x94: {  	_ =	strace s2  }
0x95: {  	s2 =	sld [smem:$0x3FFD];
	_ =	sdelay $0x3  }
0x96: {  	_ =	strace s2  }
0x97: {  	_ =	strace $0x8FFFFFFF  }
0x98: {  	s18 =	sld [smem:$0x3FDB];
	_ =	sdelay $0x1  }
0x99: {  	s19 =	simm.s32 $_scs_section_size  }
0x9a: {  	s4 =	simm.s32 $_size__tile_overlayer_lowered;
	s5 =	simm.s32 $_tile_overlayer_lowered  }
0x9b: {  	s22 =	simm.s32 $0x1BFF;
	s21 =	sshll.u32 s5, $0x1;
	s2 =	sadd.s32 s19, s18  }
0x9c: {  	s6 =	simm.s32 $0x0;
	s20 =	sshll.u32 s4, $0x1;
	s4 =	sadd.s32 s21, s2  }
0x9d: {  	[timem:s6], [sflag:s22] =	dma.local [hbm:s4], s20  }
0x9e: {  	_ =	swait.ge [sflag:s22], s20  }
0x9f: {  	s3 =	ssub.s32 $0x0, s20;
	[sflag:s22] =	ssyncset.done $0x0  }
0xa0: {  	[sflag:s22] =	ssyncadd.s32 s3;
	_ =	sdelay $0x1  }
0xa1: {  	s23 =	simm.s32 $0x1B8B  }
0xa2: {  	_ =	swait.ge [sflag:s23], $0x1  }
0xa3: {  	[sflag:s23] =	ssyncset.done $0x0  }
0xa4: {  	s25 =	simm.s32 $0x1B8E;
	s24 =	sld [smem:$0x3FFE];
	[sflag:s23] =	ssyncadd.s32 $0xFFFFFFFF  }
0xa5: {  	s26 =	simm.s32 $execute0_lowered;
	[smem:$0x3FD2] =	sst s25  }
0xa6: {  	s4 =	sshll.u32 s26, $0x1;
	_ =	strace $0x80000049;
	[dreg:$0x1] =	wrdreg $0xFFFFFFFF  }
0xa7: {  	s28 =	simm.s32 $_size_execute0_lowered;
	s2 =	sadd.s32 s2, s4;
	[dreg:$0x0] =	wrdreg $0x0  }
0xa8: {  	s4 =	sshll.u32 s28, $0x1;
	[dreg:$0x2] =	wrdreg s2  }
0xa9: {  	[dreg:$0x3] =	wrdreg s4  }
0xaa: {  	[dreg:$0x4] =	wrdreg $0xC0  }
0xab: {  	_ =	task [dreg:s6], $0x5FFFF  }
0xac: {  	[dreg:$0x1] =	wrdreg $0xFFFFFFFF  }
0xad: {  	[dreg:$0x0] =	wrdreg $0x60  }
0xae: {  	[dreg:$0x2] =	wrdreg s24  }
0xaf: {  	[dreg:$0x3] =	wrdreg $0x50000  }
0xb0: {  	[dreg:$0x4] =	wrdreg $0x9  }
0xb1: {  	_ =	task.clear_ibuf [dreg:s6], $0x5FFFF;
	_ =	strace $0x90000049  }
0xb2: {  	s29 =	simm.s32 $0x9;
	_ =	strace $0x8000004B  }
0xb3: {  	_ =	swait.ge [sflag:s29], $0x1  }
0xb4: {  	[sflag:s29] =	ssyncadd.s32 $0xFFFFFFFF  }
0xb5: {  	_ =	strace $0x9000004B  }
0xb6: {  	_ =	sfence  }
0xb7: {  	s30 =	sld [smem:$0x0];
	_ =	sdelay $0x2  }
0xb8: {  	s31 =	sshll.u32 s1, $0xD;
	s1 =	sshrl.u32 s1, $0x2  }
0xb9: {  	s3 =	sand.u32 $0x4000, s31;
	s1 =	sadd.s32 s1, s30  }
0xba: {  	s0 =	sor.u32 s3, s0;
	s1 =	sshll.u32 s1, $0x11  }
0xbb: {  	s0 =	sor.u32 s1, s0  }
0xbc: {  	s0 =	sadd.s32 $0x8F2B, s0  }
0xbd: {  	[sflag:s0] =	ssyncadd.remote.s32 $0x1  }
0xbe: {  	_ =	sfence.sel $0xFFFF  }
0xbf: {  	[dreg:$0x0] =	wrdreg $0xFFFFFFFF;
	(pc) =	sbr.abs _section_cstart, $3  }
0xc0: {  	[dreg:$0x1] =	wrdreg $0xFFFFFFFF  }
0xc1: {  	_ =	task.clear_ibuf [dreg:s6], $0x2FFFF;
	_ =	strace $0x9FFFFFFF  }
0xc2: {  	(tm) =	ssettm $0x7FFFFFFF  }
0xc3: {  	_ =	shalt  }
tec
execute0_lowered:
.L_overlay_start_1:
0x0: {  	(tag) =	ssettag $0x1  }
0x1: {  	s0 =	srdreg.scid  }
0x2: {  	s1 =	rddreg [dreg:$0x0];
	s10 =	stileid.u32  }
0x3: {  	s2 =	rddreg [dreg:$0x1];
	s3 =	simm.s32 $0x0;
	s18 =	simm.s32 $0x100  }
0x4: {  	s19 =	simm.s32 $0x180;
	s20 =	simm.s32 $0x200;
	[smem:$0x7FF] =	sst s3  }
0x5: {  	s22 =	simm.s32 $0x280;
	_ =	strace $0x8000004A;
	[dreg:$0x5] =	wrdreg s18  }
0x6: {  	s23 =	simm.s32 $0x300;
	s24 =	simm.s32 $0x380;
	[dreg:$0x6] =	wrdreg s19  }
0x7: {  	s25 =	simm.s32 $0x400;
	s11 =	simm.s32 $0x600;
	[dreg:$0x7] =	wrdreg s20  }
0x8: {  	s12 =	simm.s32 $0x680;
	s13 =	simm.s32 $0x700;
	[dreg:$0x8] =	wrdreg s22  }
0x9: {  	s14 =	simm.s32 $0x780;
	s5 =	smul.u32 $0x19000, s10;
	[dreg:$0x9] =	wrdreg s23  }
0xa: {  	s15 =	simm.s32 $0x880;
	s17 =	smul.u32 $0xC400, s10;
	[dreg:$0xa] =	wrdreg s24  }
0xb: {  	s26 =	sshll.u32 s10, $0x6;
	s10 =	simm.s32 $0x580;
	[dreg:$0xb] =	wrdreg s25  }
0xc: {  	s16 =	simm.s32 $0x900;
	s28 =	simm.s32 $0x4800;
	[dreg:$0xe] =	wrdreg s10  }
0xd: {  	s29 =	simm.s32 $0x4C00;
	s0 =	sand.u32 $0x1, s0;
	[dreg:$0xf] =	wrdreg s11  }
0xe: {  	s30 =	simm.s32 $0x1;
	s4 =	smul.u32 $0x190000, s0;
	[dreg:$0x10] =	wrdreg s12  }
0xf: {  	s31 =	simm.s32 $0xE80;
	s8 =	smul.u32 $0xC4000, s0;
	[dreg:$0x11] =	wrdreg s13  }
0x10: {  	s0 =	ssub.s32 $0x2, s0;
	s10 =	simm.s32 $0x3;
	[dreg:$0x12] =	wrdreg s14  }
0x11: {  	s11 =	simm.s32 $0x800;
	s12 =	simm.s32 $0x80;
	[dreg:$0x13] =	wrdreg s15  }
0x12: {  	s13 =	simm.s32 $0x1000;
	s14 =	simm.s32 $0x1400;
	[dreg:$0x14] =	wrdreg s16  }
0x13: {  	s15 =	simm.s32 $0x1800;
	s18 =	simm.s32 $0xA00;
	s16 =	simm.s32 $0x1C00  }
0x14: {  	s19 =	simm.s32 $0xA80;
	s20 =	simm.s32 $0xB00;
	[dreg:$0x16] =	wrdreg s18  }
0x15: {  	s22 =	simm.s32 $0xC00;
	s23 =	simm.s32 $0xC80;
	[dreg:$0x17] =	wrdreg s19  }
0x16: {  	s24 =	simm.s32 $0xD00;
	s25 =	simm.s32 $0xD80;
	[dreg:$0x18] =	wrdreg s20  }
0x17: {  	s7 =	sshrl.u32 s17, $0x3;
	s21 =	sshrl.u32 s0, $0x1;
	[dreg:$0x1a] =	wrdreg s22  }
0x18: {  	s18 =	simm.s32 $0x2400;
	s19 =	simm.s32 $0x2800;
	[dreg:$0x1b] =	wrdreg s23  }
0x19: {  	s20 =	simm.s32 $0x2C00;
	s22 =	simm.s32 $0x3400;
	[dreg:$0x1c] =	wrdreg s24  }
0x1a: {  	s23 =	simm.s32 $0x3800;
	[dreg:$0x1d] =	wrdreg s25;
	s4 =	sadd.s32 s5, s4  }
0x1b: {  	s7 =	sadd.s32 s7, s1;
	s8 =	sadd.s32 s17, s8;
	s0 =	ssub.s32 s0, s21  }
0x1c: {  	s5 =	sadd.s32 s17, s2;
	s17 =	simm.s32 $0x980;
	s21 =	simm.s32 $0xB80  }
0x1d: {  	s4 =	sshrl.u32 s4, $0x3;
	s8 =	sshrl.u32 s8, $0x3;
	[dreg:$0x15] =	wrdreg s17  }
0x1e: {  	s7 =	sadd.s32 $0x1A5200, s7;
	s0 =	smax.u32 s0, $0x1;
	[dreg:$0x19] =	wrdreg s21  }
0x1f: {  	s6 =	sadd.s32 s4, s1;
	s4 =	sadd.s32 $0x18CA00, s1;
	[dreg:$0x1f] =	wrdreg s7  }
0x20: {  	s1 =	sadd.s32 s8, s1;
	s8 =	simm.s32 $0x480;
	[smem:$0x7FB] =	sst s0  }
0x21: {  	s7 =	sor.u32 $0x1C03, s26;
	s26 =	simm.s32 $0xE00;
	[dreg:$0xc] =	wrdreg s8  }
0x22: {  	s24 =	simm.s32 $0x3C00;
	s25 =	simm.s32 $0x4000;
	[dreg:$0x1e] =	wrdreg s26  }
0x23: {  	s17 =	simm.s32 $0x2000;
	s9 =	sadd.s32 $0x253400, s6;
	[smem:$0x7FC] =	sst s7  }
0x24: {  	s21 =	simm.s32 $0x3000;
	s6 =	sadd.s32 $0x2B7400, s6;
	[dreg:$0x3] =	wrdreg s9  }
0x25: {  	s0 =	simm.s32 $0xF80;
	s1 =	sadd.s32 $0x1BDA00, s1;
	[dreg:$0x4] =	wrdreg s6  }
0x26: {  	s8 =	sshrl.u32 s5, $0x3;
	s26 =	simm.s32 $0x4400;
	[smem:$0x7FA] =	sst s1  }
0x27: {  	s5 =	simm.s32 $0x2;
	s9 =	simm.s32 $0x500;
	[smem:$0x7FD] =	sst s8  }
0x28: {  	s1 =	simm.s32 $0xF00;
	[dreg:$0xd] =	wrdreg s9;
	s9 =	simm.s32 $0x0  }
.LBB2_1:
0x29: {  	[smem:$0x7F9] =	sst s9  }
0x2a: {  	s6 =	rddreg [dreg:$0x1f]  }
0x2b: {  	[spmem:s8], [sflag:s7] =	dma.local [hbm:s6], $0x1880  }
0x2c: {  	_ =	swait.ge [sflag:s10], $0x1880  }
0x2d: {  	[sflag:s10] =	ssyncset.done $0x0  }
0x2e: {  	[sflag:s10] =	ssyncadd.s32 $0xFFFFE780  }
0x2f: {  	[bflag:$0x0] =	sbarrier.arrive $0xFFFF  }
0x30: {  	s7 =	rddreg [dreg:$0x4]  }
0x31: {  	s6 =	sadd.s32 $0x0, s7  }
0x32: {  	[tilespmem:s3], [sflag:$0x3] =	stream.linear.gather [hbm4b:s6+s3], $0x800, $0x38;
	[tilespmem:$0x11400] =	vst v63  }
0x33: {  	_ =	swait.ge [sflag:s10], $0x800  }
0x34: {  	s8 =	rddreg [dreg:$0x3];
	[sflag:s10] =	ssyncset.done $0x0  }
0x35: {  	[sflag:s10] =	ssyncadd.s32 $0xFFFFF800;
	s6 =	sadd.s32 $0x0, s8  }
0x36: {  	[tilespmem:s11], [sflag:$0x3] =	stream.linear.gather [hbm4b:s6+s3], $0x800, $0x38;
	[tilespmem:$0x11400] =	vst v63  }
0x37: {  	_ =	swait.ge [sflag:s10], $0x800  }
0x38: {  	[sflag:s10] =	ssyncset.done $0x0  }
0x39: {  	[sflag:s10] =	ssyncadd.s32 $0xFFFFF800  }
0x3a: {  	[tilespmem:s13], [sflag:$0x1] =	stream.indirect.gather [hbm4b:s4+s12], $0x8, s3, s12, $0xb8;
	[tilespmem:$0x11400] =	vst v63  }
0x3b: {  	_ = 	snop  }
0x3c: {  	[tilespmem:s14], [sflag:$0x1] =	stream.indirect.gather [hbm4b:s4+s12], $0x8, s12, s12, $0xb8;
	[tilespmem:$0x11400] =	vst v63  }
0x3d: {  	s9 =	rddreg [dreg:$0x5]  }
0x3e: {  	[tilespmem:s15], [sflag:$0x1] =	stream.indirect.gather [hbm4b:s4+s12], $0x8, s9, s12, $0xb8;
	[tilespmem:$0x11400] =	vst v63  }
0x3f: {  	s7 =	rddreg [dreg:$0x6]  }
0x40: {  	[tilespmem:s16], [sflag:$0x1] =	stream.indirect.gather [hbm4b:s4+s12], $0x8, s7, s12, $0xb8;
	[tilespmem:$0x11400] =	vst v63  }
0x41: {  	s9 =	rddreg [dreg:$0x7]  }
0x42: {  	[tilespmem:s17], [sflag:$0x1] =	stream.indirect.gather [hbm4b:s4+s12], $0x8, s9, s12, $0xb8;
	[tilespmem:$0x11400] =	vst v63  }
0x43: {  	s7 =	rddreg [dreg:$0x8]  }
0x44: {  	[tilespmem:s18], [sflag:$0x1] =	stream.indirect.gather [hbm4b:s4+s12], $0x8, s7, s12, $0xb8;
	[tilespmem:$0x11400] =	vst v63  }
0x45: {  	s9 =	rddreg [dreg:$0x9]  }
0x46: {  	[tilespmem:s19], [sflag:$0x1] =	stream.indirect.gather [hbm4b:s4+s12], $0x8, s9, s12, $0xb8;
	[tilespmem:$0x11400] =	vst v63  }
0x47: {  	s7 =	rddreg [dreg:$0xa]  }
0x48: {  	[tilespmem:s20], [sflag:$0x1] =	stream.indirect.gather [hbm4b:s4+s12], $0x8, s7, s12, $0xb8;
	[tilespmem:$0x11400] =	vst v63  }
0x49: {  	s9 =	rddreg [dreg:$0xb]  }
0x4a: {  	[tilespmem:s21], [sflag:$0x1] =	stream.indirect.gather [hbm4b:s4+s12], $0x8, s9, s12, $0xb8;
	[tilespmem:$0x11400] =	vst v63  }
0x4b: {  	s7 =	rddreg [dreg:$0xc]  }
0x4c: {  	[tilespmem:s22], [sflag:$0x1] =	stream.indirect.gather [hbm4b:s4+s12], $0x8, s7, s12, $0xb8;
	[tilespmem:$0x11400] =	vst v63  }
0x4d: {  	s9 =	rddreg [dreg:$0xd]  }
0x4e: {  	[tilespmem:s23], [sflag:$0x1] =	stream.indirect.gather [hbm4b:s4+s12], $0x8, s9, s12, $0xb8;
	[tilespmem:$0x11400] =	vst v63  }
0x4f: {  	s7 =	rddreg [dreg:$0xe]  }
0x50: {  	[tilespmem:s24], [sflag:$0x1] =	stream.indirect.gather [hbm4b:s4+s12], $0x8, s7, s12, $0xb8;
	[tilespmem:$0x11400] =	vst v63  }
0x51: {  	s9 =	rddreg [dreg:$0xf]  }
0x52: {  	[tilespmem:s25], [sflag:$0x1] =	stream.indirect.gather [hbm4b:s4+s12], $0x8, s9, s12, $0xb8;
	[tilespmem:$0x11400] =	vst v63  }
0x53: {  	s7 =	rddreg [dreg:$0x10]  }
0x54: {  	[tilespmem:s26], [sflag:$0x1] =	stream.indirect.gather [hbm4b:s4+s12], $0x8, s7, s12, $0xb8;
	[tilespmem:$0x11400] =	vst v63  }
0x55: {  	s9 =	rddreg [dreg:$0x11]  }
0x56: {  	[tilespmem:s28], [sflag:$0x1] =	stream.indirect.gather [hbm4b:s4+s12], $0x8, s9, s12, $0xb8;
	[tilespmem:$0x11400] =	vst v63  }
0x57: {  	s7 =	rddreg [dreg:$0x12]  }
0x58: {  	[tilespmem:s29], [sflag:$0x1] =	stream.indirect.gather [hbm4b:s4+s12], $0x8, s7, s12, $0xb8;
	[tilespmem:$0x11400] =	vst v63  }
0x59: {  	_ =	swait.ge [sflag:s30], $0x400  }
0x5a: {  	[sflag:s30] =	ssyncset.done $0x0  }
0x5b: {  	[sflag:s30] =	ssyncadd.s32 $0xFFFFFC00  }
0x5c: {  	_ =	swait.ge [sflag:s30], $0x400  }
0x5d: {  	[sflag:s30] =	ssyncset.done $0x0  }
0x5e: {  	[sflag:s30] =	ssyncadd.s32 $0xFFFFFC00  }
0x5f: {  	_ =	swait.ge [sflag:s30], $0x400  }
0x60: {  	[sflag:s30] =	ssyncset.done $0x0  }
0x61: {  	[sflag:s30] =	ssyncadd.s32 $0xFFFFFC00  }
0x62: {  	_ =	swait.ge [sflag:s30], $0x400  }
0x63: {  	[sflag:s30] =	ssyncset.done $0x0  }
0x64: {  	[sflag:s30] =	ssyncadd.s32 $0xFFFFFC00  }
0x65: {  	_ =	swait.ge [sflag:s30], $0x400  }
0x66: {  	[sflag:s30] =	ssyncset.done $0x0  }
0x67: {  	[sflag:s30] =	ssyncadd.s32 $0xFFFFFC00  }
0x68: {  	_ =	swait.ge [sflag:s30], $0x400  }
0x69: {  	[sflag:s30] =	ssyncset.done $0x0  }
0x6a: {  	[sflag:s30] =	ssyncadd.s32 $0xFFFFFC00  }
0x6b: {  	_ =	swait.ge [sflag:s30], $0x400  }
0x6c: {  	[sflag:s30] =	ssyncset.done $0x0  }
0x6d: {  	[sflag:s30] =	ssyncadd.s32 $0xFFFFFC00  }
0x6e: {  	_ =	swait.ge [sflag:s30], $0x400  }
0x6f: {  	[sflag:s30] =	ssyncset.done $0x0  }
0x70: {  	[sflag:s30] =	ssyncadd.s32 $0xFFFFFC00  }
0x71: {  	_ =	swait.ge [sflag:s30], $0x400  }
0x72: {  	[sflag:s30] =	ssyncset.done $0x0  }
0x73: {  	[sflag:s30] =	ssyncadd.s32 $0xFFFFFC00  }
0x74: {  	_ =	swait.ge [sflag:s30], $0x400  }
0x75: {  	[sflag:s30] =	ssyncset.done $0x0  }
0x76: {  	[sflag:s30] =	ssyncadd.s32 $0xFFFFFC00  }
0x77: {  	_ =	swait.ge [sflag:s30], $0x400  }
0x78: {  	[sflag:s30] =	ssyncset.done $0x0  }
0x79: {  	[sflag:s30] =	ssyncadd.s32 $0xFFFFFC00  }
0x7a: {  	_ =	swait.ge [sflag:s30], $0x400  }
0x7b: {  	[sflag:s30] =	ssyncset.done $0x0  }
0x7c: {  	[sflag:s30] =	ssyncadd.s32 $0xFFFFFC00  }
0x7d: {  	_ =	swait.ge [sflag:s30], $0x400  }
0x7e: {  	[sflag:s30] =	ssyncset.done $0x0  }
0x7f: {  	[sflag:s30] =	ssyncadd.s32 $0xFFFFFC00  }
0x80: {  	_ =	swait.ge [sflag:s30], $0x400  }
0x81: {  	[sflag:s30] =	ssyncset.done $0x0  }
0x82: {  	[sflag:s30] =	ssyncadd.s32 $0xFFFFFC00  }
0x83: {  	_ =	swait.ge [sflag:s30], $0x400  }
0x84: {  	[sflag:s30] =	ssyncset.done $0x0  }
0x85: {  	[sflag:s30] =	ssyncadd.s32 $0xFFFFFC00  }
0x86: {  	_ =	swait.ge [sflag:s30], $0x400  }
0x87: {  	[sflag:s30] =	ssyncset.done $0x0  }
0x88: {  	[sflag:s30] =	ssyncadd.s32 $0xFFFFFC00  }
0x89: {  	[spmem:s2] =	stream.indirect.scatter.add.f32 [tilespmem:s13], [sflag:$0x2], $0x8, s11, s12, $0xb8;
	[tilespmem:$0x11400] =	vst v63  }
0x8a: {  	s8 =	rddreg [dreg:$0x13]  }
0x8b: {  	[spmem:s2] =	stream.indirect.scatter.add.f32 [tilespmem:s14], [sflag:$0x2], $0x8, s8, s12, $0xb8;
	[tilespmem:$0x11400] =	vst v63  }
0x8c: {  	s9 =	rddreg [dreg:$0x14]  }
0x8d: {  	[spmem:s2] =	stream.indirect.scatter.add.f32 [tilespmem:s15], [sflag:$0x2], $0x8, s9, s12, $0xb8;
	[tilespmem:$0x11400] =	vst v63  }
0x8e: {  	s7 =	rddreg [dreg:$0x15]  }
0x8f: {  	[spmem:s2] =	stream.indirect.scatter.add.f32 [tilespmem:s16], [sflag:$0x2], $0x8, s7, s12, $0xb8;
	[tilespmem:$0x11400] =	vst v63  }
0x90: {  	s9 =	rddreg [dreg:$0x16]  }
0x91: {  	[spmem:s2] =	stream.indirect.scatter.add.f32 [tilespmem:s17], [sflag:$0x2], $0x8, s9, s12, $0xb8;
	[tilespmem:$0x11400] =	vst v63  }
0x92: {  	s7 =	rddreg [dreg:$0x17]  }
0x93: {  	[spmem:s2] =	stream.indirect.scatter.add.f32 [tilespmem:s18], [sflag:$0x2], $0x8, s7, s12, $0xb8;
	[tilespmem:$0x11400] =	vst v63  }
0x94: {  	s9 =	rddreg [dreg:$0x18]  }
0x95: {  	[spmem:s2] =	stream.indirect.scatter.add.f32 [tilespmem:s19], [sflag:$0x2], $0x8, s9, s12, $0xb8;
	[tilespmem:$0x11400] =	vst v63  }
0x96: {  	s7 =	rddreg [dreg:$0x19]  }
0x97: {  	[spmem:s2] =	stream.indirect.scatter.add.f32 [tilespmem:s20], [sflag:$0x2], $0x8, s7, s12, $0xb8;
	[tilespmem:$0x11400] =	vst v63  }
0x98: {  	s9 =	rddreg [dreg:$0x1a]  }
0x99: {  	[spmem:s2] =	stream.indirect.scatter.add.f32 [tilespmem:s21], [sflag:$0x2], $0x8, s9, s12, $0xb8;
	[tilespmem:$0x11400] =	vst v63  }
0x9a: {  	s7 =	rddreg [dreg:$0x1b]  }
0x9b: {  	[spmem:s2] =	stream.indirect.scatter.add.f32 [tilespmem:s22], [sflag:$0x2], $0x8, s7, s12, $0xb8;
	[tilespmem:$0x11400] =	vst v63  }
0x9c: {  	s9 =	rddreg [dreg:$0x1c]  }
0x9d: {  	[spmem:s2] =	stream.indirect.scatter.add.f32 [tilespmem:s23], [sflag:$0x2], $0x8, s9, s12, $0xb8;
	[tilespmem:$0x11400] =	vst v63  }
0x9e: {  	s7 =	rddreg [dreg:$0x1d]  }
0x9f: {  	[spmem:s2] =	stream.indirect.scatter.add.f32 [tilespmem:s24], [sflag:$0x2], $0x8, s7, s12, $0xb8;
	[tilespmem:$0x11400] =	vst v63  }
0xa0: {  	s9 =	rddreg [dreg:$0x1e]  }
0xa1: {  	[spmem:s2] =	stream.indirect.scatter.add.f32 [tilespmem:s25], [sflag:$0x2], $0x8, s9, s12, $0xb8;
	[tilespmem:$0x11400] =	vst v63  }
0xa2: {  	_ = 	snop  }
0xa3: {  	[spmem:s2] =	stream.indirect.scatter.add.f32 [tilespmem:s26], [sflag:$0x2], $0x8, s31, s12, $0xb8;
	[tilespmem:$0x11400] =	vst v63  }
0xa4: {  	_ = 	snop  }
0xa5: {  	[spmem:s2] =	stream.indirect.scatter.add.f32 [tilespmem:s28], [sflag:$0x2], $0x8, s1, s12, $0xb8;
	[tilespmem:$0x11400] =	vst v63  }
0xa6: {  	_ = 	snop  }
0xa7: {  	[spmem:s2] =	stream.indirect.scatter.add.f32 [tilespmem:s29], [sflag:$0x2], $0x8, s0, s12, $0xb8;
	[tilespmem:$0x11400] =	vst v63  }
0xa8: {  	_ =	swait.ge [sflag:s5], $0x400  }
0xa9: {  	[sflag:s5] =	ssyncset.done $0x0  }
0xaa: {  	[sflag:s5] =	ssyncadd.s32 $0xFFFFFC00  }
0xab: {  	_ =	swait.ge [sflag:s5], $0x400  }
0xac: {  	[sflag:s5] =	ssyncset.done $0x0  }
0xad: {  	[sflag:s5] =	ssyncadd.s32 $0xFFFFFC00  }
0xae: {  	_ =	swait.ge [sflag:s5], $0x400  }
0xaf: {  	[sflag:s5] =	ssyncset.done $0x0  }
0xb0: {  	[sflag:s5] =	ssyncadd.s32 $0xFFFFFC00  }
0xb1: {  	_ =	swait.ge [sflag:s5], $0x400  }
0xb2: {  	[sflag:s5] =	ssyncset.done $0x0  }
0xb3: {  	[sflag:s5] =	ssyncadd.s32 $0xFFFFFC00  }
0xb4: {  	_ =	swait.ge [sflag:s5], $0x400  }
0xb5: {  	[sflag:s5] =	ssyncset.done $0x0  }
0xb6: {  	[sflag:s5] =	ssyncadd.s32 $0xFFFFFC00  }
0xb7: {  	_ =	swait.ge [sflag:s5], $0x400  }
0xb8: {  	[sflag:s5] =	ssyncset.done $0x0  }
0xb9: {  	[sflag:s5] =	ssyncadd.s32 $0xFFFFFC00  }
0xba: {  	_ =	swait.ge [sflag:s5], $0x400  }
0xbb: {  	[sflag:s5] =	ssyncset.done $0x0  }
0xbc: {  	[sflag:s5] =	ssyncadd.s32 $0xFFFFFC00  }
0xbd: {  	_ =	swait.ge [sflag:s5], $0x400  }
0xbe: {  	[sflag:s5] =	ssyncset.done $0x0  }
0xbf: {  	[sflag:s5] =	ssyncadd.s32 $0xFFFFFC00  }
0xc0: {  	_ =	swait.ge [sflag:s5], $0x400  }
0xc1: {  	[sflag:s5] =	ssyncset.done $0x0  }
0xc2: {  	[sflag:s5] =	ssyncadd.s32 $0xFFFFFC00  }
0xc3: {  	_ =	swait.ge [sflag:s5], $0x400  }
0xc4: {  	[sflag:s5] =	ssyncset.done $0x0  }
0xc5: {  	[sflag:s5] =	ssyncadd.s32 $0xFFFFFC00  }
0xc6: {  	_ =	swait.ge [sflag:s5], $0x400  }
0xc7: {  	[sflag:s5] =	ssyncset.done $0x0  }
0xc8: {  	[sflag:s5] =	ssyncadd.s32 $0xFFFFFC00  }
0xc9: {  	_ =	swait.ge [sflag:s5], $0x400  }
0xca: {  	[sflag:s5] =	ssyncset.done $0x0  }
0xcb: {  	[sflag:s5] =	ssyncadd.s32 $0xFFFFFC00  }
0xcc: {  	_ =	swait.ge [sflag:s5], $0x400  }
0xcd: {  	[sflag:s5] =	ssyncset.done $0x0  }
0xce: {  	[sflag:s5] =	ssyncadd.s32 $0xFFFFFC00  }
0xcf: {  	_ =	swait.ge [sflag:s5], $0x400  }
0xd0: {  	[sflag:s5] =	ssyncset.done $0x0  }
0xd1: {  	[sflag:s5] =	ssyncadd.s32 $0xFFFFFC00  }
0xd2: {  	_ =	swait.ge [sflag:s5], $0x400  }
0xd3: {  	[sflag:s5] =	ssyncset.done $0x0  }
0xd4: {  	[sflag:s5] =	ssyncadd.s32 $0xFFFFFC00  }
0xd5: {  	s6 =	simm.s32 $0x200;
	_ =	swait.ge [sflag:s5], $0x400  }
0xd6: {  	s8 =	simm.s32 $0x100;
	s9 =	rddreg [dreg:$0x4];
	[sflag:s5] =	ssyncset.done $0x0  }
.LBB2_2:
0xd7: {  	[sflag:s5] =	ssyncadd.s32 $0xFFFFFC00;
	s9 =	sadd.s32 s8, s9  }
0xd8: {  	[tilespmem:s3], [sflag:$0x3] =	stream.linear.gather [hbm4b:s9+s3], $0x800, $0x38;
	[tilespmem:$0x11400] =	vst v63  }
0xd9: {  	_ =	swait.ge [sflag:s10], $0x800  }
0xda: {  	s9 =	rddreg [dreg:$0x3];
	[sflag:s10] =	ssyncset.done $0x0  }
0xdb: {  	[sflag:s10] =	ssyncadd.s32 $0xFFFFF800;
	s9 =	sadd.s32 s8, s9  }
0xdc: {  	[tilespmem:s11], [sflag:$0x3] =	stream.linear.gather [hbm4b:s9+s3], $0x800, $0x38;
	[tilespmem:$0x11400] =	vst v63  }
0xdd: {  	_ =	swait.ge [sflag:s10], $0x800  }
0xde: {  	[sflag:s10] =	ssyncset.done $0x0  }
0xdf: {  	[sflag:s10] =	ssyncadd.s32 $0xFFFFF800  }
0xe0: {  	[tilespmem:s13], [sflag:$0x1] =	stream.indirect.gather [hbm4b:s4+s12], $0x8, s3, s12, $0xb8;
	[tilespmem:$0x11400] =	vst v63  }
0xe1: {  	s7 =	smov.u32 s6  }
0xe2: {  	[tilespmem:s14], [sflag:$0x1] =	stream.indirect.gather [hbm4b:s4+s12], $0x8, s12, s12, $0xb8;
	[tilespmem:$0x11400] =	vst v63  }
0xe3: {  	s8 =	smov.u32 s7;
	s7 =	rddreg [dreg:$0x5]  }
0xe4: {  	[tilespmem:s15], [sflag:$0x1] =	stream.indirect.gather [hbm4b:s4+s12], $0x8, s7, s12, $0xb8;
	[tilespmem:$0x11400] =	vst v63  }
0xe5: {  	s9 =	rddreg [dreg:$0x6]  }
0xe6: {  	[tilespmem:s16], [sflag:$0x1] =	stream.indirect.gather [hbm4b:s4+s12], $0x8, s9, s12, $0xb8;
	[tilespmem:$0x11400] =	vst v63  }
0xe7: {  	s7 =	rddreg [dreg:$0x7]  }
0xe8: {  	[tilespmem:s17], [sflag:$0x1] =	stream.indirect.gather [hbm4b:s4+s12], $0x8, s7, s12, $0xb8;
	[tilespmem:$0x11400] =	vst v63  }
0xe9: {  	s9 =	rddreg [dreg:$0x8]  }
0xea: {  	[tilespmem:s18], [sflag:$0x1] =	stream.indirect.gather [hbm4b:s4+s12], $0x8, s9, s12, $0xb8;
	[tilespmem:$0x11400] =	vst v63  }
0xeb: {  	s7 =	rddreg [dreg:$0x9]  }
0xec: {  	[tilespmem:s19], [sflag:$0x1] =	stream.indirect.gather [hbm4b:s4+s12], $0x8, s7, s12, $0xb8;
	[tilespmem:$0x11400] =	vst v63  }
0xed: {  	s9 =	rddreg [dreg:$0xa]  }
0xee: {  	[tilespmem:s20], [sflag:$0x1] =	stream.indirect.gather [hbm4b:s4+s12], $0x8, s9, s12, $0xb8;
	[tilespmem:$0x11400] =	vst v63  }
0xef: {  	s7 =	rddreg [dreg:$0xb]  }
0xf0: {  	[tilespmem:s21], [sflag:$0x1] =	stream.indirect.gather [hbm4b:s4+s12], $0x8, s7, s12, $0xb8;
	[tilespmem:$0x11400] =	vst v63  }
0xf1: {  	s9 =	rddreg [dreg:$0xc]  }
0xf2: {  	[tilespmem:s22], [sflag:$0x1] =	stream.indirect.gather [hbm4b:s4+s12], $0x8, s9, s12, $0xb8;
	[tilespmem:$0x11400] =	vst v63  }
0xf3: {  	s7 =	rddreg [dreg:$0xd]  }
0xf4: {  	[tilespmem:s23], [sflag:$0x1] =	stream.indirect.gather [hbm4b:s4+s12], $0x8, s7, s12, $0xb8;
	[tilespmem:$0x11400] =	vst v63  }
0xf5: {  	s9 =	rddreg [dreg:$0xe]  }
0xf6: {  	[tilespmem:s24], [sflag:$0x1] =	stream.indirect.gather [hbm4b:s4+s12], $0x8, s9, s12, $0xb8;
	[tilespmem:$0x11400] =	vst v63  }
0xf7: {  	s7 =	rddreg [dreg:$0xf]  }
0xf8: {  	[tilespmem:s25], [sflag:$0x1] =	stream.indirect.gather [hbm4b:s4+s12], $0x8, s7, s12, $0xb8;
	[tilespmem:$0x11400] =	vst v63  }
0xf9: {  	s9 =	rddreg [dreg:$0x10]  }
0xfa: {  	[tilespmem:s26], [sflag:$0x1] =	stream.indirect.gather [hbm4b:s4+s12], $0x8, s9, s12, $0xb8;
	[tilespmem:$0x11400] =	vst v63  }
0xfb: {  	s7 =	rddreg [dreg:$0x11]  }
0xfc: {  	[tilespmem:s28], [sflag:$0x1] =	stream.indirect.gather [hbm4b:s4+s12], $0x8, s7, s12, $0xb8;
	[tilespmem:$0x11400] =	vst v63  }
0xfd: {  	s9 =	rddreg [dreg:$0x12]  }
0xfe: {  	[tilespmem:s29], [sflag:$0x1] =	stream.indirect.gather [hbm4b:s4+s12], $0x8, s9, s12, $0xb8;
	[tilespmem:$0x11400] =	vst v63  }
0xff: {  	_ =	swait.ge [sflag:s30], $0x400  }
0x100: {  	[sflag:s30] =	ssyncset.done $0x0  }
0x101: {  	[sflag:s30] =	ssyncadd.s32 $0xFFFFFC00  }
0x102: {  	_ =	swait.ge [sflag:s30], $0x400  }
0x103: {  	[sflag:s30] =	ssyncset.done $0x0  }
0x104: {  	[sflag:s30] =	ssyncadd.s32 $0xFFFFFC00  }
0x105: {  	_ =	swait.ge [sflag:s30], $0x400  }
0x106: {  	[sflag:s30] =	ssyncset.done $0x0  }
0x107: {  	[sflag:s30] =	ssyncadd.s32 $0xFFFFFC00  }
0x108: {  	_ =	swait.ge [sflag:s30], $0x400  }
0x109: {  	[sflag:s30] =	ssyncset.done $0x0  }
0x10a: {  	[sflag:s30] =	ssyncadd.s32 $0xFFFFFC00  }
0x10b: {  	_ =	swait.ge [sflag:s30], $0x400  }
0x10c: {  	[sflag:s30] =	ssyncset.done $0x0  }
0x10d: {  	[sflag:s30] =	ssyncadd.s32 $0xFFFFFC00  }
0x10e: {  	_ =	swait.ge [sflag:s30], $0x400  }
0x10f: {  	[sflag:s30] =	ssyncset.done $0x0  }
0x110: {  	[sflag:s30] =	ssyncadd.s32 $0xFFFFFC00  }
0x111: {  	_ =	swait.ge [sflag:s30], $0x400  }
0x112: {  	[sflag:s30] =	ssyncset.done $0x0  }
0x113: {  	[sflag:s30] =	ssyncadd.s32 $0xFFFFFC00  }
0x114: {  	_ =	swait.ge [sflag:s30], $0x400  }
0x115: {  	[sflag:s30] =	ssyncset.done $0x0  }
0x116: {  	[sflag:s30] =	ssyncadd.s32 $0xFFFFFC00  }
0x117: {  	_ =	swait.ge [sflag:s30], $0x400  }
0x118: {  	[sflag:s30] =	ssyncset.done $0x0  }
0x119: {  	[sflag:s30] =	ssyncadd.s32 $0xFFFFFC00  }
0x11a: {  	_ =	swait.ge [sflag:s30], $0x400  }
0x11b: {  	[sflag:s30] =	ssyncset.done $0x0  }
0x11c: {  	[sflag:s30] =	ssyncadd.s32 $0xFFFFFC00  }
0x11d: {  	_ =	swait.ge [sflag:s30], $0x400  }
0x11e: {  	[sflag:s30] =	ssyncset.done $0x0  }
0x11f: {  	[sflag:s30] =	ssyncadd.s32 $0xFFFFFC00  }
0x120: {  	_ =	swait.ge [sflag:s30], $0x400  }
0x121: {  	[sflag:s30] =	ssyncset.done $0x0  }
0x122: {  	[sflag:s30] =	ssyncadd.s32 $0xFFFFFC00  }
0x123: {  	_ =	swait.ge [sflag:s30], $0x400  }
0x124: {  	[sflag:s30] =	ssyncset.done $0x0  }
0x125: {  	[sflag:s30] =	ssyncadd.s32 $0xFFFFFC00  }
0x126: {  	_ =	swait.ge [sflag:s30], $0x400  }
0x127: {  	[sflag:s30] =	ssyncset.done $0x0  }
0x128: {  	[sflag:s30] =	ssyncadd.s32 $0xFFFFFC00  }
0x129: {  	_ =	swait.ge [sflag:s30], $0x400  }
0x12a: {  	[sflag:s30] =	ssyncset.done $0x0  }
0x12b: {  	[sflag:s30] =	ssyncadd.s32 $0xFFFFFC00  }
0x12c: {  	_ =	swait.ge [sflag:s30], $0x400  }
0x12d: {  	[sflag:s30] =	ssyncset.done $0x0  }
0x12e: {  	[sflag:s30] =	ssyncadd.s32 $0xFFFFFC00  }
0x12f: {  	[spmem:s2] =	stream.indirect.scatter.add.f32 [tilespmem:s13], [sflag:$0x2], $0x8, s11, s12, $0xb8;
	[tilespmem:$0x11400] =	vst v63  }
0x130: {  	s7 =	rddreg [dreg:$0x13]  }
0x131: {  	[spmem:s2] =	stream.indirect.scatter.add.f32 [tilespmem:s14], [sflag:$0x2], $0x8, s7, s12, $0xb8;
	[tilespmem:$0x11400] =	vst v63  }
0x132: {  	s9 =	rddreg [dreg:$0x14]  }
0x133: {  	[spmem:s2] =	stream.indirect.scatter.add.f32 [tilespmem:s15], [sflag:$0x2], $0x8, s9, s12, $0xb8;
	[tilespmem:$0x11400] =	vst v63  }
0x134: {  	s7 =	rddreg [dreg:$0x15]  }
0x135: {  	[spmem:s2] =	stream.indirect.scatter.add.f32 [tilespmem:s16], [sflag:$0x2], $0x8, s7, s12, $0xb8;
	[tilespmem:$0x11400] =	vst v63  }
0x136: {  	s9 =	rddreg [dreg:$0x16]  }
0x137: {  	[spmem:s2] =	stream.indirect.scatter.add.f32 [tilespmem:s17], [sflag:$0x2], $0x8, s9, s12, $0xb8;
	[tilespmem:$0x11400] =	vst v63  }
0x138: {  	s7 =	rddreg [dreg:$0x17]  }
0x139: {  	[spmem:s2] =	stream.indirect.scatter.add.f32 [tilespmem:s18], [sflag:$0x2], $0x8, s7, s12, $0xb8;
	[tilespmem:$0x11400] =	vst v63  }
0x13a: {  	s9 =	rddreg [dreg:$0x18]  }
0x13b: {  	[spmem:s2] =	stream.indirect.scatter.add.f32 [tilespmem:s19], [sflag:$0x2], $0x8, s9, s12, $0xb8;
	[tilespmem:$0x11400] =	vst v63  }
0x13c: {  	s7 =	rddreg [dreg:$0x19]  }
0x13d: {  	[spmem:s2] =	stream.indirect.scatter.add.f32 [tilespmem:s20], [sflag:$0x2], $0x8, s7, s12, $0xb8;
	[tilespmem:$0x11400] =	vst v63  }
0x13e: {  	s9 =	rddreg [dreg:$0x1a]  }
0x13f: {  	[spmem:s2] =	stream.indirect.scatter.add.f32 [tilespmem:s21], [sflag:$0x2], $0x8, s9, s12, $0xb8;
	[tilespmem:$0x11400] =	vst v63  }
0x140: {  	s7 =	rddreg [dreg:$0x1b]  }
0x141: {  	[spmem:s2] =	stream.indirect.scatter.add.f32 [tilespmem:s22], [sflag:$0x2], $0x8, s7, s12, $0xb8;
	[tilespmem:$0x11400] =	vst v63  }
0x142: {  	s9 =	rddreg [dreg:$0x1c]  }
0x143: {  	[spmem:s2] =	stream.indirect.scatter.add.f32 [tilespmem:s23], [sflag:$0x2], $0x8, s9, s12, $0xb8;
	[tilespmem:$0x11400] =	vst v63  }
0x144: {  	s7 =	rddreg [dreg:$0x1d]  }
0x145: {  	[spmem:s2] =	stream.indirect.scatter.add.f32 [tilespmem:s24], [sflag:$0x2], $0x8, s7, s12, $0xb8;
	[tilespmem:$0x11400] =	vst v63  }
0x146: {  	s9 =	rddreg [dreg:$0x1e]  }
0x147: {  	[spmem:s2] =	stream.indirect.scatter.add.f32 [tilespmem:s25], [sflag:$0x2], $0x8, s9, s12, $0xb8;
	[tilespmem:$0x11400] =	vst v63  }
0x148: {  	_ = 	snop  }
0x149: {  	[spmem:s2] =	stream.indirect.scatter.add.f32 [tilespmem:s26], [sflag:$0x2], $0x8, s31, s12, $0xb8;
	[tilespmem:$0x11400] =	vst v63  }
0x14a: {  	_ = 	snop  }
0x14b: {  	[spmem:s2] =	stream.indirect.scatter.add.f32 [tilespmem:s28], [sflag:$0x2], $0x8, s1, s12, $0xb8;
	[tilespmem:$0x11400] =	vst v63  }
0x14c: {  	_ = 	snop  }
0x14d: {  	[spmem:s2] =	stream.indirect.scatter.add.f32 [tilespmem:s29], [sflag:$0x2], $0x8, s0, s12, $0xb8;
	[tilespmem:$0x11400] =	vst v63  }
0x14e: {  	_ =	swait.ge [sflag:s5], $0x400  }
0x14f: {  	[sflag:s5] =	ssyncset.done $0x0  }
0x150: {  	[sflag:s5] =	ssyncadd.s32 $0xFFFFFC00  }
0x151: {  	_ =	swait.ge [sflag:s5], $0x400  }
0x152: {  	[sflag:s5] =	ssyncset.done $0x0  }
0x153: {  	[sflag:s5] =	ssyncadd.s32 $0xFFFFFC00  }
0x154: {  	_ =	swait.ge [sflag:s5], $0x400  }
0x155: {  	[sflag:s5] =	ssyncset.done $0x0  }
0x156: {  	[sflag:s5] =	ssyncadd.s32 $0xFFFFFC00  }
0x157: {  	_ =	swait.ge [sflag:s5], $0x400  }
0x158: {  	[sflag:s5] =	ssyncset.done $0x0  }
0x159: {  	[sflag:s5] =	ssyncadd.s32 $0xFFFFFC00  }
0x15a: {  	_ =	swait.ge [sflag:s5], $0x400  }
0x15b: {  	[sflag:s5] =	ssyncset.done $0x0  }
0x15c: {  	[sflag:s5] =	ssyncadd.s32 $0xFFFFFC00  }
0x15d: {  	_ =	swait.ge [sflag:s5], $0x400  }
0x15e: {  	[sflag:s5] =	ssyncset.done $0x0  }
0x15f: {  	[sflag:s5] =	ssyncadd.s32 $0xFFFFFC00  }
0x160: {  	_ =	swait.ge [sflag:s5], $0x400  }
0x161: {  	[sflag:s5] =	ssyncset.done $0x0  }
0x162: {  	[sflag:s5] =	ssyncadd.s32 $0xFFFFFC00  }
0x163: {  	_ =	swait.ge [sflag:s5], $0x400  }
0x164: {  	[sflag:s5] =	ssyncset.done $0x0  }
0x165: {  	[sflag:s5] =	ssyncadd.s32 $0xFFFFFC00  }
0x166: {  	_ =	swait.ge [sflag:s5], $0x400  }
0x167: {  	[sflag:s5] =	ssyncset.done $0x0  }
0x168: {  	[sflag:s5] =	ssyncadd.s32 $0xFFFFFC00  }
0x169: {  	_ =	swait.ge [sflag:s5], $0x400  }
0x16a: {  	[sflag:s5] =	ssyncset.done $0x0  }
0x16b: {  	[sflag:s5] =	ssyncadd.s32 $0xFFFFFC00  }
0x16c: {  	_ =	swait.ge [sflag:s5], $0x400  }
0x16d: {  	[sflag:s5] =	ssyncset.done $0x0  }
0x16e: {  	[sflag:s5] =	ssyncadd.s32 $0xFFFFFC00  }
0x16f: {  	_ =	swait.ge [sflag:s5], $0x400  }
0x170: {  	[sflag:s5] =	ssyncset.done $0x0  }
0x171: {  	[sflag:s5] =	ssyncadd.s32 $0xFFFFFC00  }
0x172: {  	_ =	swait.ge [sflag:s5], $0x400  }
0x173: {  	[sflag:s5] =	ssyncset.done $0x0  }
0x174: {  	[sflag:s5] =	ssyncadd.s32 $0xFFFFFC00  }
0x175: {  	_ =	swait.ge [sflag:s5], $0x400  }
0x176: {  	[sflag:s5] =	ssyncset.done $0x0  }
0x177: {  	p0 =	sne.s32 s6, $0x3100;
	[sflag:s5] =	ssyncadd.s32 $0xFFFFFC00  }
.Ltmp0:
0x178: {  	_ =	swait.ge [sflag:s5], $0x400;
	(pc) =	sbr.rel @p0 .LBB2_2-.Ltmp0, $4  }
0x179: {  	[sflag:s5] =	ssyncset.done $0x0  }
0x17a: {  	[sflag:s5] =	ssyncadd.s32 $0xFFFFFC00  }
0x17b: {  	_ =	swait.ge [sflag:s5], $0x400  }
0x17c: {  	s6 =	sadd.s32 $0x100, s6;
	s9 =	rddreg [dreg:$0x4];
	[sflag:s5] =	ssyncset.done $0x0  }
0x17d: {  	[sflag:s5] =	ssyncadd.s32 $0xFFFFFC00;
	s6 =	sadd.s32 s8, s9  }
0x17e: {  	[tilespmem:s3], [sflag:$0x3] =	stream.linear.gather [hbm4b:s6+s3], $0x800, $0x38;
	[tilespmem:$0x11400] =	vst v63  }
0x17f: {  	_ =	swait.ge [sflag:s10], $0x800  }
0x180: {  	s7 =	rddreg [dreg:$0x3];
	[sflag:s10] =	ssyncset.done $0x0  }
0x181: {  	[sflag:s10] =	ssyncadd.s32 $0xFFFFF800;
	s6 =	sadd.s32 s8, s7  }
0x182: {  	[tilespmem:s11], [sflag:$0x3] =	stream.linear.gather [hbm4b:s6+s3], $0x800, $0x38;
	[tilespmem:$0x11400] =	vst v63  }
0x183: {  	_ =	swait.ge [sflag:s10], $0x800  }
0x184: {  	[sflag:s10] =	ssyncset.done $0x0  }
0x185: {  	[sflag:s10] =	ssyncadd.s32 $0xFFFFF800  }
0x186: {  	[tilespmem:s13], [sflag:$0x1] =	stream.indirect.gather [hbm4b:s4+s12], $0x8, s3, s12, $0xb8;
	[tilespmem:$0x11400] =	vst v63  }
0x187: {  	_ = 	snop  }
0x188: {  	[tilespmem:s14], [sflag:$0x1] =	stream.indirect.gather [hbm4b:s4+s12], $0x8, s12, s12, $0xb8;
	[tilespmem:$0x11400] =	vst v63  }
0x189: {  	s9 =	rddreg [dreg:$0x5]  }
0x18a: {  	[tilespmem:s15], [sflag:$0x1] =	stream.indirect.gather [hbm4b:s4+s12], $0x8, s9, s12, $0xb8;
	[tilespmem:$0x11400] =	vst v63  }
0x18b: {  	s7 =	rddreg [dreg:$0x6]  }
0x18c: {  	[tilespmem:s16], [sflag:$0x1] =	stream.indirect.gather [hbm4b:s4+s12], $0x8, s7, s12, $0xb8;
	[tilespmem:$0x11400] =	vst v63  }
0x18d: {  	s8 =	rddreg [dreg:$0x7]  }
0x18e: {  	[tilespmem:s17], [sflag:$0x1] =	stream.indirect.gather [hbm4b:s4+s12], $0x8, s8, s12, $0xb8;
	[tilespmem:$0x11400] =	vst v63  }
0x18f: {  	s9 =	rddreg [dreg:$0x8]  }
0x190: {  	[tilespmem:s18], [sflag:$0x1] =	stream.indirect.gather [hbm4b:s4+s12], $0x8, s9, s12, $0xb8;
	[tilespmem:$0x11400] =	vst v63  }
0x191: {  	s8 =	rddreg [dreg:$0x9]  }
0x192: {  	[tilespmem:s19], [sflag:$0x1] =	stream.indirect.gather [hbm4b:s4+s12], $0x8, s8, s12, $0xb8;
	[tilespmem:$0x11400] =	vst v63  }
0x193: {  	s9 =	rddreg [dreg:$0xa]  }
0x194: {  	[tilespmem:s20], [sflag:$0x1] =	stream.indirect.gather [hbm4b:s4+s12], $0x8, s9, s12, $0xb8;
	[tilespmem:$0x11400] =	vst v63  }
0x195: {  	s8 =	rddreg [dreg:$0xb]  }
0x196: {  	[tilespmem:s21], [sflag:$0x1] =	stream.indirect.gather [hbm4b:s4+s12], $0x8, s8, s12, $0xb8;
	[tilespmem:$0x11400] =	vst v63  }
0x197: {  	s9 =	rddreg [dreg:$0xc]  }
0x198: {  	[tilespmem:s22], [sflag:$0x1] =	stream.indirect.gather [hbm4b:s4+s12], $0x8, s9, s12, $0xb8;
	[tilespmem:$0x11400] =	vst v63  }
0x199: {  	s8 =	rddreg [dreg:$0xd]  }
0x19a: {  	[tilespmem:s23], [sflag:$0x1] =	stream.indirect.gather [hbm4b:s4+s12], $0x8, s8, s12, $0xb8;
	[tilespmem:$0x11400] =	vst v63  }
0x19b: {  	s9 =	rddreg [dreg:$0xe]  }
0x19c: {  	[tilespmem:s24], [sflag:$0x1] =	stream.indirect.gather [hbm4b:s4+s12], $0x8, s9, s12, $0xb8;
	[tilespmem:$0x11400] =	vst v63  }
0x19d: {  	s8 =	rddreg [dreg:$0xf]  }
0x19e: {  	[tilespmem:s25], [sflag:$0x1] =	stream.indirect.gather [hbm4b:s4+s12], $0x8, s8, s12, $0xb8;
	[tilespmem:$0x11400] =	vst v63  }
0x19f: {  	s9 =	rddreg [dreg:$0x10]  }
0x1a0: {  	[tilespmem:s26], [sflag:$0x1] =	stream.indirect.gather [hbm4b:s4+s12], $0x8, s9, s12, $0xb8;
	[tilespmem:$0x11400] =	vst v63  }
0x1a1: {  	s8 =	rddreg [dreg:$0x11]  }
0x1a2: {  	[tilespmem:s28], [sflag:$0x1] =	stream.indirect.gather [hbm4b:s4+s12], $0x8, s8, s12, $0xb8;
	[tilespmem:$0x11400] =	vst v63  }
0x1a3: {  	s9 =	rddreg [dreg:$0x12]  }
0x1a4: {  	[tilespmem:s29], [sflag:$0x1] =	stream.indirect.gather [hbm4b:s4+s12], $0x8, s9, s12, $0xb8;
	[tilespmem:$0x11400] =	vst v63  }
0x1a5: {  	_ =	swait.ge [sflag:s30], $0x400  }
0x1a6: {  	[sflag:s30] =	ssyncset.done $0x0  }
0x1a7: {  	[sflag:s30] =	ssyncadd.s32 $0xFFFFFC00  }
0x1a8: {  	_ =	swait.ge [sflag:s30], $0x400  }
0x1a9: {  	[sflag:s30] =	ssyncset.done $0x0  }
0x1aa: {  	[sflag:s30] =	ssyncadd.s32 $0xFFFFFC00  }
0x1ab: {  	_ =	swait.ge [sflag:s30], $0x400  }
0x1ac: {  	[sflag:s30] =	ssyncset.done $0x0  }
0x1ad: {  	[sflag:s30] =	ssyncadd.s32 $0xFFFFFC00  }
0x1ae: {  	_ =	swait.ge [sflag:s30], $0x400  }
0x1af: {  	[sflag:s30] =	ssyncset.done $0x0  }
0x1b0: {  	[sflag:s30] =	ssyncadd.s32 $0xFFFFFC00  }
0x1b1: {  	_ =	swait.ge [sflag:s30], $0x400  }
0x1b2: {  	[sflag:s30] =	ssyncset.done $0x0  }
0x1b3: {  	[sflag:s30] =	ssyncadd.s32 $0xFFFFFC00  }
0x1b4: {  	_ =	swait.ge [sflag:s30], $0x400  }
0x1b5: {  	[sflag:s30] =	ssyncset.done $0x0  }
0x1b6: {  	[sflag:s30] =	ssyncadd.s32 $0xFFFFFC00  }
0x1b7: {  	_ =	swait.ge [sflag:s30], $0x400  }
0x1b8: {  	[sflag:s30] =	ssyncset.done $0x0  }
0x1b9: {  	[sflag:s30] =	ssyncadd.s32 $0xFFFFFC00  }
0x1ba: {  	_ =	swait.ge [sflag:s30], $0x400  }
0x1bb: {  	[sflag:s30] =	ssyncset.done $0x0  }
0x1bc: {  	[sflag:s30] =	ssyncadd.s32 $0xFFFFFC00  }
0x1bd: {  	_ =	swait.ge [sflag:s30], $0x400  }
0x1be: {  	[sflag:s30] =	ssyncset.done $0x0  }
0x1bf: {  	[sflag:s30] =	ssyncadd.s32 $0xFFFFFC00  }
0x1c0: {  	_ =	swait.ge [sflag:s30], $0x400  }
0x1c1: {  	[sflag:s30] =	ssyncset.done $0x0  }
0x1c2: {  	[sflag:s30] =	ssyncadd.s32 $0xFFFFFC00  }
0x1c3: {  	_ =	swait.ge [sflag:s30], $0x400  }
0x1c4: {  	[sflag:s30] =	ssyncset.done $0x0  }
0x1c5: {  	[sflag:s30] =	ssyncadd.s32 $0xFFFFFC00  }
0x1c6: {  	_ =	swait.ge [sflag:s30], $0x400  }
0x1c7: {  	[sflag:s30] =	ssyncset.done $0x0  }
0x1c8: {  	[sflag:s30] =	ssyncadd.s32 $0xFFFFFC00  }
0x1c9: {  	_ =	swait.ge [sflag:s30], $0x400  }
0x1ca: {  	[sflag:s30] =	ssyncset.done $0x0  }
0x1cb: {  	[sflag:s30] =	ssyncadd.s32 $0xFFFFFC00  }
0x1cc: {  	_ =	swait.ge [sflag:s30], $0x400  }
0x1cd: {  	[sflag:s30] =	ssyncset.done $0x0  }
0x1ce: {  	[sflag:s30] =	ssyncadd.s32 $0xFFFFFC00  }
0x1cf: {  	_ =	swait.ge [sflag:s30], $0x400  }
0x1d0: {  	[sflag:s30] =	ssyncset.done $0x0  }
0x1d1: {  	[sflag:s30] =	ssyncadd.s32 $0xFFFFFC00  }
0x1d2: {  	_ =	swait.ge [sflag:s30], $0x400  }
0x1d3: {  	[sflag:s30] =	ssyncset.done $0x0  }
0x1d4: {  	[sflag:s30] =	ssyncadd.s32 $0xFFFFFC00  }
0x1d5: {  	[spmem:s2] =	stream.indirect.scatter.add.f32 [tilespmem:s13], [sflag:$0x2], $0x8, s11, s12, $0xb8;
	[tilespmem:$0x11400] =	vst v63  }
0x1d6: {  	s7 =	rddreg [dreg:$0x13]  }
0x1d7: {  	[spmem:s2] =	stream.indirect.scatter.add.f32 [tilespmem:s14], [sflag:$0x2], $0x8, s7, s12, $0xb8;
	[tilespmem:$0x11400] =	vst v63  }
0x1d8: {  	s8 =	rddreg [dreg:$0x14]  }
0x1d9: {  	[spmem:s2] =	stream.indirect.scatter.add.f32 [tilespmem:s15], [sflag:$0x2], $0x8, s8, s12, $0xb8;
	[tilespmem:$0x11400] =	vst v63  }
0x1da: {  	s9 =	rddreg [dreg:$0x15]  }
0x1db: {  	[spmem:s2] =	stream.indirect.scatter.add.f32 [tilespmem:s16], [sflag:$0x2], $0x8, s9, s12, $0xb8;
	[tilespmem:$0x11400] =	vst v63  }
0x1dc: {  	s8 =	rddreg [dreg:$0x16]  }
0x1dd: {  	[spmem:s2] =	stream.indirect.scatter.add.f32 [tilespmem:s17], [sflag:$0x2], $0x8, s8, s12, $0xb8;
	[tilespmem:$0x11400] =	vst v63  }
0x1de: {  	s9 =	rddreg [dreg:$0x17]  }
0x1df: {  	[spmem:s2] =	stream.indirect.scatter.add.f32 [tilespmem:s18], [sflag:$0x2], $0x8, s9, s12, $0xb8;
	[tilespmem:$0x11400] =	vst v63  }
0x1e0: {  	s8 =	rddreg [dreg:$0x18]  }
0x1e1: {  	[spmem:s2] =	stream.indirect.scatter.add.f32 [tilespmem:s19], [sflag:$0x2], $0x8, s8, s12, $0xb8;
	[tilespmem:$0x11400] =	vst v63  }
0x1e2: {  	s9 =	rddreg [dreg:$0x19]  }
0x1e3: {  	[spmem:s2] =	stream.indirect.scatter.add.f32 [tilespmem:s20], [sflag:$0x2], $0x8, s9, s12, $0xb8;
	[tilespmem:$0x11400] =	vst v63  }
0x1e4: {  	s8 =	rddreg [dreg:$0x1a]  }
0x1e5: {  	[spmem:s2] =	stream.indirect.scatter.add.f32 [tilespmem:s21], [sflag:$0x2], $0x8, s8, s12, $0xb8;
	[tilespmem:$0x11400] =	vst v63  }
0x1e6: {  	s9 =	rddreg [dreg:$0x1b]  }
0x1e7: {  	[spmem:s2] =	stream.indirect.scatter.add.f32 [tilespmem:s22], [sflag:$0x2], $0x8, s9, s12, $0xb8;
	[tilespmem:$0x11400] =	vst v63  }
0x1e8: {  	s8 =	rddreg [dreg:$0x1c]  }
0x1e9: {  	[spmem:s2] =	stream.indirect.scatter.add.f32 [tilespmem:s23], [sflag:$0x2], $0x8, s8, s12, $0xb8;
	[tilespmem:$0x11400] =	vst v63  }
0x1ea: {  	s9 =	rddreg [dreg:$0x1d]  }
0x1eb: {  	[spmem:s2] =	stream.indirect.scatter.add.f32 [tilespmem:s24], [sflag:$0x2], $0x8, s9, s12, $0xb8;
	[tilespmem:$0x11400] =	vst v63  }
0x1ec: {  	s8 =	rddreg [dreg:$0x1e]  }
0x1ed: {  	[spmem:s2] =	stream.indirect.scatter.add.f32 [tilespmem:s25], [sflag:$0x2], $0x8, s8, s12, $0xb8;
	[tilespmem:$0x11400] =	vst v63  }
0x1ee: {  	_ = 	snop  }
0x1ef: {  	[spmem:s2] =	stream.indirect.scatter.add.f32 [tilespmem:s26], [sflag:$0x2], $0x8, s31, s12, $0xb8;
	[tilespmem:$0x11400] =	vst v63  }
0x1f0: {  	_ = 	snop  }
0x1f1: {  	[spmem:s2] =	stream.indirect.scatter.add.f32 [tilespmem:s28], [sflag:$0x2], $0x8, s1, s12, $0xb8;
	[tilespmem:$0x11400] =	vst v63  }
0x1f2: {  	_ = 	snop  }
0x1f3: {  	[spmem:s2] =	stream.indirect.scatter.add.f32 [tilespmem:s29], [sflag:$0x2], $0x8, s0, s12, $0xb8;
	[tilespmem:$0x11400] =	vst v63  }
0x1f4: {  	_ =	swait.ge [sflag:s5], $0x400  }
0x1f5: {  	[sflag:s5] =	ssyncset.done $0x0  }
0x1f6: {  	[sflag:s5] =	ssyncadd.s32 $0xFFFFFC00  }
0x1f7: {  	_ =	swait.ge [sflag:s5], $0x400  }
0x1f8: {  	[sflag:s5] =	ssyncset.done $0x0  }
0x1f9: {  	[sflag:s5] =	ssyncadd.s32 $0xFFFFFC00  }
0x1fa: {  	_ =	swait.ge [sflag:s5], $0x400  }
0x1fb: {  	[sflag:s5] =	ssyncset.done $0x0  }
0x1fc: {  	[sflag:s5] =	ssyncadd.s32 $0xFFFFFC00  }
0x1fd: {  	_ =	swait.ge [sflag:s5], $0x400  }
0x1fe: {  	[sflag:s5] =	ssyncset.done $0x0  }
0x1ff: {  	[sflag:s5] =	ssyncadd.s32 $0xFFFFFC00  }
0x200: {  	_ =	swait.ge [sflag:s5], $0x400  }
0x201: {  	[sflag:s5] =	ssyncset.done $0x0  }
0x202: {  	[sflag:s5] =	ssyncadd.s32 $0xFFFFFC00  }
0x203: {  	_ =	swait.ge [sflag:s5], $0x400  }
0x204: {  	[sflag:s5] =	ssyncset.done $0x0  }
0x205: {  	[sflag:s5] =	ssyncadd.s32 $0xFFFFFC00  }
0x206: {  	_ =	swait.ge [sflag:s5], $0x400  }
0x207: {  	[sflag:s5] =	ssyncset.done $0x0  }
0x208: {  	[sflag:s5] =	ssyncadd.s32 $0xFFFFFC00  }
0x209: {  	_ =	swait.ge [sflag:s5], $0x400  }
0x20a: {  	[sflag:s5] =	ssyncset.done $0x0  }
0x20b: {  	[sflag:s5] =	ssyncadd.s32 $0xFFFFFC00  }
0x20c: {  	_ =	swait.ge [sflag:s5], $0x400  }
0x20d: {  	[sflag:s5] =	ssyncset.done $0x0  }
0x20e: {  	[sflag:s5] =	ssyncadd.s32 $0xFFFFFC00  }
0x20f: {  	_ =	swait.ge [sflag:s5], $0x400  }
0x210: {  	[sflag:s5] =	ssyncset.done $0x0  }
0x211: {  	[sflag:s5] =	ssyncadd.s32 $0xFFFFFC00  }
0x212: {  	_ =	swait.ge [sflag:s5], $0x400  }
0x213: {  	[sflag:s5] =	ssyncset.done $0x0  }
0x214: {  	[sflag:s5] =	ssyncadd.s32 $0xFFFFFC00  }
0x215: {  	_ =	swait.ge [sflag:s5], $0x400  }
0x216: {  	[sflag:s5] =	ssyncset.done $0x0  }
0x217: {  	[sflag:s5] =	ssyncadd.s32 $0xFFFFFC00  }
0x218: {  	_ =	swait.ge [sflag:s5], $0x400  }
0x219: {  	[sflag:s5] =	ssyncset.done $0x0  }
0x21a: {  	[sflag:s5] =	ssyncadd.s32 $0xFFFFFC00  }
0x21b: {  	_ =	swait.ge [sflag:s5], $0x400  }
0x21c: {  	[sflag:s5] =	ssyncset.done $0x0  }
0x21d: {  	[sflag:s5] =	ssyncadd.s32 $0xFFFFFC00  }
0x21e: {  	_ =	swait.ge [sflag:s5], $0x400  }
0x21f: {  	[sflag:s5] =	ssyncset.done $0x0  }
0x220: {  	[sflag:s5] =	ssyncadd.s32 $0xFFFFFC00  }
0x221: {  	_ =	swait.ge [sflag:s5], $0x400  }
0x222: {  	[sflag:s5] =	ssyncset.done $0x0  }
0x223: {  	[sflag:s5] =	ssyncadd.s32 $0xFFFFFC00  }
0x224: {  	[bflag:$0x0] =	sbarrier.arrive $0xFFFF  }
0x225: {  	s7 =	sld [smem:$0x7FC]  }
0x226: {  	s9 =	sld [smem:$0x7FA]  }
0x227: {  	s8 =	sld [smem:$0x7FD];
	_ =	sdelay $0x2  }
0x228: {  	[hbm:s9], [sflag:s7] =	dma.local [spmem:s8], $0x1880  }
0x229: {  	_ =	swait.ge [sflag:s10], $0x1880  }
0x22a: {  	s6 =	sld [smem:$0x7F9];
	_ =	sdelay $0x2  }
0x22b: {  	s9 =	sadd.s32 $0x1, s6;
	s6 =	sld [smem:$0x7FB];
	_ =	sdelay $0x2  }
0x22c: {  	p0 =	sne.s32 s9, s6  }
.Ltmp1:
0x22d: {  	_ = 	snop;
	(pc) =	sbr.rel @p0 .LBB2_1-.Ltmp1, $3  }
0x22e: {  	_ =	sdelay $0x1  }
0x22f: {  	[sflag:s10] =	ssyncset.done $0x0  }
0x230: {  	[sflag:s10] =	ssyncadd.s32 $0xFFFFE780  }
0x231: {  	_ =	sfence.sel $0x180000  }
0x232: {  	[bflag:$0x0] =	sbarrier.arrive $0xFFFF  }
0x233: {  	_ =	strace $0x9000004A  }
0x234: {  	s0 =	stileid.u32;
	[bflag:$0x2] =	sbarrier.arrive $0xFFFF  }
0x235: {  	p0 =	sne.s32 s0, $0x0;
	s0 =	rddreg [dreg:$0x2]  }
0x236: {  	s0 =	sadd.s32 @!p0 $0x100000, s0  }
0x237: {  	[sflag:s0] =	ssyncadd.tile.s32 @!p0 $0x1;
	_ =	shalt  }
.Lfunc_end2:
_tile_overlayer_lowered:
.L_overlay_start_2:
0x238: {  	(tag) =	ssettag $0x2  }
0x239: {  	s0 =	rddreg [dreg:$0x0];
	s2 =	stileid.u32  }
0x23a: {  	s1 =	rddreg [dreg:$0x1];
	p0 =	sne.s32 s2, $0x0  }
0x23b: {  	s3 =	rddreg [dreg:$0x2];
	[bflag:$0x3] =	sbarrier.arrive $0xFFFF;
	s2 =	simm.s32 @!p0 $0x1C03  }
0x23c: {  	[timem:s3], [sflag:s2] =	dma.local @!p0 [hbm:s0], s1  }
0x23d: {  	s0 =	simm.s32 @!p0 $0x3  }
0x23e: {  	_ =	swait.ge @!p0 [sflag:s0], s1  }
0x23f: {  	s1 =	ssub.s32 @!p0 $0x0, s1;
	[sflag:s0] =	ssyncset.done @!p0 $0x0  }
0x240: {  	[sflag:s0] =	ssyncadd.s32 @!p0 s1  }
0x241: {  	[bflag:$0x3] =	sbarrier.arrive $0xFFFF  }
0x242: {  	_ =	shalt  }

// kernel: kernel.16.cloned.1.call-start
scs
__scs_entry_jumppad:
0x0: {  	(pc) =	sbr.rel $0x88, $3  }
0x1: {  	(tag) =	ssettag $0x0;
	lr =	simm.s32 $0x1  }
0x2: {  	[smem:$0x3F94] =	sst lr;
	_ =	strace $0xD0000000  }
0x3: {  	_ = 	snop  }
0x4: {  	_ = 	snop  }
0x5: {  	_ = 	snop  }
0x6: {  	_ = 	snop  }
0x7: {  	_ = 	snop  }
__scs_overlays_trampoline_lowered:
0x8: {  	[smem:$0x3FA3] =	sst s0  }
0x9: {  	[smem:$0x3FA4] =	sst s1  }
0xa: {  	[smem:$0x3FA5] =	sst s2  }
0xb: {  	[smem:$0x3FA6] =	sst s3  }
0xc: {  	[smem:$0x3FA7] =	sst s4  }
0xd: {  	[smem:$0x3FA8] =	sst s5  }
0xe: {  	[smem:$0x3FA9] =	sst s6  }
0xf: {  	[smem:$0x3FAA] =	sst s7  }
0x10: {  	[smem:$0x3FAB] =	sst s8  }
0x11: {  	[smem:$0x3FAC] =	sst s9;
	s0 =	simm.s32 @!p0 $0x0  }
0x12: {  	s1 =	sld [smem:$0x3F92];
	s0 =	simm.s32 @p0 $0x1  }
0x13: {  	[smem:$0x3FAD] =	sst s0;
	s0 =	simm.s32 @!p1 $0x0  }
0x14: {  	s2 =	sld [smem:$0x3F91];
	s0 =	simm.s32 @p1 $0x1  }
0x15: {  	[smem:$0x3FAE] =	sst s0;
	s0 =	simm.s32 @!p2 $0x0  }
0x16: {  	s3 =	sld [smem:$0x3FDB];
	s0 =	simm.s32 @p2 $0x1  }
0x17: {  	s4 =	simm.s32 $0x1BF5;
	[smem:$0x3FB0] =	sst s0  }
0x18: {  	s0 =	sld [smem:$0x3F93];
	_ =	swait.ge [sflag:s4], $0x0  }
0x19: {  	s7 =	sld [smem:$0x3F94]  }
0x1a: {  	s8 =	sadd.s32 $0xFFFFE003, lr  }
0x1b: {  	s9 =	sadd.s32 $0xFFFFFEF7, lr;
	s5 =	simm.s32 $0xFFFFFFFF;
	p2 =	slt.u32 s8, $0xFFFFF086  }
0x1c: {  	p1 =	slt.u32 s9, $0xF7A;
	s5 =	simm.s32 @!p2 $0x0  }
0x1d: {  	s5 =	simm.s32 @p1 $0x1;
	p0 =	seq.s32 s7, s2  }
0x1e: {  	s7 =	smul.u32 @!p0 $0xF7A, s2;
	p2 =	seq.s32 @!p0 s5, $0x0  }
0x1f: {  	s9 =	smul.u32 $0xF7A, s1;
	s8 =	simm.s32 @!p0 $0x1BF5;
	p2 =	por !p2, p0  }
0x20: {  	[sflag:s8] =	ssyncset.s32 @!p0 $0xFFFFF086;
	s6 =	sadd.s32 @!p0 s3, s7;
	s7 =	simm.s32 @!p0 $0x108  }
0x21: {  	s3 =	sadd.s32 s3, s9;
	s6 =	sadd.s32 @!p0 $0x88, s6;
	s7 =	simm.s32 @p2 $0x1082  }
0x22: {  	[simem:s7], [sflag:s8] =	dma.local @!p0 [hbm:s6], $0xF7A  }
0x23: {  	s9 =	sor.u32 $0xD0000000, s2;
	s6 =	simm.s32 $0x108;
	_ =	swait.ge @!p0 [sflag:s8], $0x0  }
0x24: {  	s3 =	sadd.s32 $0x88, s3;
	s6 =	simm.s32 @!p1 $0x1082;
	[sflag:s4] =	ssyncset.s32 $0xFFFFF086  }
0x25: {  	[simem:s6], [sflag:s4] =	dma.local [hbm:s3], $0xF7A  }
0x26: {  	[smem:$0x3F94] =	sst s1;
	(tag) =	ssettag s2;
	_ =	strace s9  }
0x27: {  	s1 =	sld [smem:$0x3FA4]  }
0x28: {  	s2 =	sld [smem:$0x3FA5]  }
0x29: {  	s4 =	sld [smem:$0x3FA7]  }
0x2a: {  	p0 =	seq.s32 s5, $0x0;
	s5 =	sld [smem:$0x3FA8]  }
0x2b: {  	s6 =	sld [smem:$0x3FA9]  }
0x2c: {  	s7 =	sld [smem:$0x3FAA]  }
0x2d: {  	s3 =	simm.s32 $0x108;
	s8 =	sld [smem:$0x3FAB]  }
0x2e: {  	s3 =	simm.s32 @!p0 $0x1082;
	s9 =	sld [smem:$0x3FAC]  }
0x2f: {  	lr =	sadd.s32 s0, s3;
	s0 =	sld [smem:$0x3FA3]  }
0x30: {  	s3 =	sld [smem:$0x3FA6]  }
0x31: {  	[smem:$0x3FAF] =	sst s10  }
0x32: {  	s10 =	sld [smem:$0x3FAD];
	_ =	sdelay $0x3  }
0x33: {  	p0 =	seq.s32 s10, $0x1;
	s10 =	sld [smem:$0x3FAF];
	_ =	sdelay $0x3  }
0x34: {  	[smem:$0x3FAF] =	sst s10  }
0x35: {  	s10 =	sld [smem:$0x3FAE];
	_ =	sdelay $0x3  }
0x36: {  	p1 =	seq.s32 s10, $0x1;
	s10 =	sld [smem:$0x3FAF];
	_ =	sdelay $0x3  }
0x37: {  	[smem:$0x3FAF] =	sst s10  }
0x38: {  	s10 =	sld [smem:$0x3FB0]  }
0x39: {  	_ = 	snop;
	(pc) =	sbr.ind lr, $3  }
0x3a: {  	_ = 	snop  }
0x3b: {  	_ = 	snop  }
0x3c: {  	p2 =	seq.s32 s10, $0x1;
	s10 =	sld [smem:$0x3FAF]  }
0x3d: {  	_ =	shalt  }
0x3e: {  	_ =	shalt  }
0x3f: {  	_ =	shalt  }
0x40: {  	_ =	shalt  }
0x41: {  	_ =	shalt  }
0x42: {  	_ =	shalt  }
0x43: {  	_ =	shalt  }
0x44: {  	_ =	shalt  }
0x45: {  	_ =	shalt  }
0x46: {  	_ =	shalt  }
0x47: {  	_ =	shalt  }
0x48: {  	_ =	shalt  }
0x49: {  	_ =	shalt  }
0x4a: {  	_ =	shalt  }
0x4b: {  	_ =	shalt  }
0x4c: {  	_ =	shalt  }
0x4d: {  	_ =	shalt  }
0x4e: {  	_ =	shalt  }
0x4f: {  	_ =	shalt  }
0x50: {  	_ =	shalt  }
0x51: {  	_ =	shalt  }
0x52: {  	_ =	shalt  }
0x53: {  	_ =	shalt  }
0x54: {  	_ =	shalt  }
0x55: {  	_ =	shalt  }
0x56: {  	_ =	shalt  }
0x57: {  	_ =	shalt  }
0x58: {  	_ =	shalt  }
0x59: {  	_ =	shalt  }
0x5a: {  	_ =	shalt  }
0x5b: {  	_ =	shalt  }
0x5c: {  	_ =	shalt  }
0x5d: {  	_ =	shalt  }
0x5e: {  	_ =	shalt  }
0x5f: {  	_ =	shalt  }
0x60: {  	_ =	shalt  }
0x61: {  	_ =	shalt  }
0x62: {  	_ =	shalt  }
0x63: {  	_ =	shalt  }
0x64: {  	_ =	shalt  }
0x65: {  	_ =	shalt  }
0x66: {  	_ =	shalt  }
0x67: {  	_ =	shalt  }
0x68: {  	_ =	shalt  }
0x69: {  	_ =	shalt  }
0x6a: {  	_ =	shalt  }
0x6b: {  	_ =	shalt  }
0x6c: {  	_ =	shalt  }
0x6d: {  	_ =	shalt  }
0x6e: {  	_ =	shalt  }
0x6f: {  	_ =	shalt  }
0x70: {  	_ =	shalt  }
0x71: {  	_ =	shalt  }
0x72: {  	_ =	shalt  }
0x73: {  	_ =	shalt  }
0x74: {  	_ =	shalt  }
0x75: {  	_ =	shalt  }
0x76: {  	_ =	shalt  }
0x77: {  	_ =	shalt  }
0x78: {  	_ =	shalt  }
0x79: {  	_ =	shalt  }
0x7a: {  	_ =	shalt  }
0x7b: {  	_ =	shalt  }
0x7c: {  	_ =	shalt  }
0x7d: {  	_ =	shalt  }
0x7e: {  	_ =	shalt  }
0x7f: {  	_ =	shalt  }
0x80: {  	_ =	shalt  }
0x81: {  	_ =	shalt  }
0x82: {  	_ =	shalt  }
0x83: {  	_ =	shalt  }
0x84: {  	_ =	shalt  }
0x85: {  	_ =	shalt  }
0x86: {  	_ =	shalt  }
0x87: {  	_ =	shalt  }
.Lfunc_end0:
.L_simem_size_0:
called_computation.2_lowered:
.L_overlay_start_0:
0x88: {  	s2 =	sld [smem:$0x3FD9]  }
0x89: {  	s3 =	sld [smem:$0x3FFE];
	_ =	sdelay $0x1  }
0x8a: {  	s1 =	srdreg.scid  }
0x8b: {  	s0 =	sand.u32 $0x1, s1  }
0x8c: {  	s16 =	sshll.u32 s0, $0xA;
	s2 =	sadd.s32 s3, s2  }
0x8d: {  	s2 =	sadd.s32 s2, s16  }
0x8e: {  	[smem:$0x3FBB] =	sst s2  }
0x8f: {  	_ = 	snop  }
0x90: {  	(tm) =	ssettm $0x1  }
0x91: {  	s17 =	sld [smem:$0x3FFB];
	_ =	sdelay $0x3  }
0x92: {  	_ =	strace s17  }
0x93: {  	s2 =	sld [smem:$0x3FFC];
	_ =	sdelay $0x3  }
0x94: {  	_ =	strace s2  }
0x95: {  	s2 =	sld [smem:$0x3FFD];
	_ =	sdelay $0x3  }
0x96: {  	_ =	strace s2  }
0x97: {  	_ =	strace $0x8FFFFFFF  }
0x98: {  	s18 =	sld [smem:$0x3FDB];
	_ =	sdelay $0x1  }
0x99: {  	s19 =	simm.s32 $_scs_section_size  }
0x9a: {  	s4 =	simm.s32 $_size__tile_overlayer_lowered;
	s5 =	simm.s32 $_tile_overlayer_lowered  }
0x9b: {  	s22 =	simm.s32 $0x1BFF;
	s21 =	sshll.u32 s5, $0x1;
	s2 =	sadd.s32 s19, s18  }
0x9c: {  	s6 =	simm.s32 $0x0;
	s20 =	sshll.u32 s4, $0x1;
	s4 =	sadd.s32 s21, s2  }
0x9d: {  	[timem:s6], [sflag:s22] =	dma.local [hbm:s4], s20  }
0x9e: {  	_ =	swait.ge [sflag:s22], s20  }
0x9f: {  	s3 =	ssub.s32 $0x0, s20;
	[sflag:s22] =	ssyncset.done $0x0  }
0xa0: {  	[sflag:s22] =	ssyncadd.s32 s3;
	_ =	sdelay $0x1  }
0xa1: {  	s23 =	simm.s32 $0x1B8B  }
0xa2: {  	_ =	swait.ge [sflag:s23], $0x1  }
0xa3: {  	[sflag:s23] =	ssyncset.done $0x0  }
0xa4: {  	s25 =	simm.s32 $0x1B8E;
	s24 =	sld [smem:$0x3FFE];
	[sflag:s23] =	ssyncadd.s32 $0xFFFFFFFF  }
0xa5: {  	s26 =	simm.s32 $execute0_lowered;
	[smem:$0x3FD2] =	sst s25  }
0xa6: {  	s4 =	sshll.u32 s26, $0x1;
	_ =	strace $0x8000004C;
	[dreg:$0x1] =	wrdreg $0xFFFFFFFF  }
0xa7: {  	s28 =	simm.s32 $_size_execute0_lowered;
	s2 =	sadd.s32 s2, s4;
	[dreg:$0x0] =	wrdreg $0x0  }
0xa8: {  	s4 =	sshll.u32 s28, $0x1;
	[dreg:$0x2] =	wrdreg s2  }
0xa9: {  	[dreg:$0x3] =	wrdreg s4  }
0xaa: {  	[dreg:$0x4] =	wrdreg $0xC0  }
0xab: {  	_ =	task [dreg:s6], $0x5FFFF  }
0xac: {  	[dreg:$0x1] =	wrdreg $0xFFFFFFFF  }
0xad: {  	[dreg:$0x0] =	wrdreg $0x60  }
0xae: {  	[dreg:$0x2] =	wrdreg s24  }
0xaf: {  	[dreg:$0x3] =	wrdreg $0x18000  }
0xb0: {  	[dreg:$0x4] =	wrdreg $0x9  }
0xb1: {  	_ =	task.clear_ibuf [dreg:s6], $0x5FFFF;
	_ =	strace $0x9000004C  }
0xb2: {  	s29 =	simm.s32 $0x9;
	_ =	strace $0x8000004E  }
0xb3: {  	_ =	swait.ge [sflag:s29], $0x1  }
0xb4: {  	[sflag:s29] =	ssyncadd.s32 $0xFFFFFFFF  }
0xb5: {  	_ =	strace $0x9000004E  }
0xb6: {  	_ =	sfence  }
0xb7: {  	s30 =	sld [smem:$0x0];
	_ =	sdelay $0x2  }
0xb8: {  	s31 =	sshll.u32 s1, $0xD;
	s1 =	sshrl.u32 s1, $0x2  }
0xb9: {  	s3 =	sand.u32 $0x4000, s31;
	s1 =	sadd.s32 s1, s30  }
0xba: {  	s0 =	sor.u32 s3, s0;
	s1 =	sshll.u32 s1, $0x11  }
0xbb: {  	s0 =	sor.u32 s1, s0  }
0xbc: {  	s0 =	sadd.s32 $0x8F2B, s0  }
0xbd: {  	[sflag:s0] =	ssyncadd.remote.s32 $0x1  }
0xbe: {  	_ =	sfence.sel $0xFFFF  }
0xbf: {  	[dreg:$0x0] =	wrdreg $0xFFFFFFFF;
	(pc) =	sbr.abs _section_cstart, $3  }
0xc0: {  	[dreg:$0x1] =	wrdreg $0xFFFFFFFF  }
0xc1: {  	_ =	task.clear_ibuf [dreg:s6], $0x2FFFF;
	_ =	strace $0x9FFFFFFF  }
0xc2: {  	(tm) =	ssettm $0x7FFFFFFF  }
0xc3: {  	_ =	shalt  }
tec
execute0_lowered:
.L_overlay_start_1:
0x0: {  	(tag) =	ssettag $0x1  }
0x1: {  	s0 =	srdreg.scid  }
0x2: {  	s1 =	rddreg [dreg:$0x0];
	s10 =	stileid.u32  }
0x3: {  	s2 =	rddreg [dreg:$0x1];
	s3 =	simm.s32 $0x0;
	s18 =	simm.s32 $0x100  }
0x4: {  	s19 =	simm.s32 $0x180;
	s20 =	simm.s32 $0x200;
	[smem:$0x7FF] =	sst s3  }
0x5: {  	s22 =	simm.s32 $0x280;
	_ =	strace $0x8000004D;
	[dreg:$0x5] =	wrdreg s18  }
0x6: {  	s23 =	simm.s32 $0x300;
	s24 =	simm.s32 $0x380;
	[dreg:$0x6] =	wrdreg s19  }
0x7: {  	s25 =	simm.s32 $0x400;
	s11 =	simm.s32 $0x600;
	[dreg:$0x7] =	wrdreg s20  }
0x8: {  	s12 =	simm.s32 $0x680;
	s13 =	simm.s32 $0x700;
	[dreg:$0x8] =	wrdreg s22  }
0x9: {  	s14 =	simm.s32 $0x780;
	s5 =	smul.u32 $0x19000, s10;
	[dreg:$0x9] =	wrdreg s23  }
0xa: {  	s15 =	simm.s32 $0x880;
	s17 =	smul.u32 $0x1880, s10;
	[dreg:$0xa] =	wrdreg s24  }
0xb: {  	s26 =	sshll.u32 s10, $0x6;
	s10 =	simm.s32 $0x580;
	[dreg:$0xb] =	wrdreg s25  }
0xc: {  	s16 =	simm.s32 $0x900;
	s28 =	simm.s32 $0x1700;
	[dreg:$0xe] =	wrdreg s10  }
0xd: {  	s29 =	simm.s32 $0x1780;
	s0 =	sand.u32 $0x1, s0;
	[dreg:$0xf] =	wrdreg s11  }
0xe: {  	s30 =	simm.s32 $0x1;
	s4 =	smul.u32 $0x190000, s0;
	[dreg:$0x10] =	wrdreg s12  }
0xf: {  	s31 =	simm.s32 $0xE80;
	s8 =	smul.u32 $0x18800, s0;
	[dreg:$0x11] =	wrdreg s13  }
0x10: {  	s0 =	ssub.s32 $0x2, s0;
	s10 =	simm.s32 $0x3;
	[dreg:$0x12] =	wrdreg s14  }
0x11: {  	s11 =	simm.s32 $0x800;
	s12 =	simm.s32 $0x80;
	[dreg:$0x13] =	wrdreg s15  }
0x12: {  	s13 =	simm.s32 $0x1000;
	s14 =	simm.s32 $0x1080;
	[dreg:$0x14] =	wrdreg s16  }
0x13: {  	s15 =	simm.s32 $0x1100;
	s18 =	simm.s32 $0xA00;
	s16 =	simm.s32 $0x1180  }
0x14: {  	s19 =	simm.s32 $0xA80;
	s20 =	simm.s32 $0xB00;
	[dreg:$0x16] =	wrdreg s18  }
0x15: {  	s22 =	simm.s32 $0xC00;
	s23 =	simm.s32 $0xC80;
	[dreg:$0x17] =	wrdreg s19  }
0x16: {  	s24 =	simm.s32 $0xD00;
	s25 =	simm.s32 $0xD80;
	[dreg:$0x18] =	wrdreg s20  }
0x17: {  	s7 =	sshrl.u32 s17, $0x3;
	s21 =	sshrl.u32 s0, $0x1;
	[dreg:$0x1a] =	wrdreg s22  }
0x18: {  	s18 =	simm.s32 $0x1280;
	s19 =	simm.s32 $0x1300;
	[dreg:$0x1b] =	wrdreg s23  }
0x19: {  	s20 =	simm.s32 $0x1380;
	s22 =	simm.s32 $0x1480;
	[dreg:$0x1c] =	wrdreg s24  }
0x1a: {  	s23 =	simm.s32 $0x1500;
	[dreg:$0x1d] =	wrdreg s25;
	s4 =	sadd.s32 s5, s4  }
0x1b: {  	s7 =	sadd.s32 s7, s1;
	s8 =	sadd.s32 s17, s8;
	s0 =	ssub.s32 s0, s21  }
0x1c: {  	s5 =	sadd.s32 s17, s2;
	s17 =	simm.s32 $0x980;
	s21 =	simm.s32 $0xB80  }
0x1d: {  	s4 =	sshrl.u32 s4, $0x3;
	s8 =	sshrl.u32 s8, $0x3;
	[dreg:$0x15] =	wrdreg s17  }
0x1e: {  	s7 =	sadd.s32 $0x189800, s7;
	s0 =	smax.u32 s0, $0x1;
	[dreg:$0x19] =	wrdreg s21  }
0x1f: {  	s6 =	sadd.s32 s4, s1;
	s4 =	sadd.s32 $0x18CA00, s1;
	[dreg:$0x1f] =	wrdreg s7  }
0x20: {  	s1 =	sadd.s32 s8, s1;
	s8 =	simm.s32 $0x480;
	[smem:$0x7FB] =	sst s0  }
0x21: {  	s7 =	sor.u32 $0x1C03, s26;
	s26 =	simm.s32 $0xE00;
	[dreg:$0xc] =	wrdreg s8  }
0x22: {  	s24 =	simm.s32 $0x1580;
	s25 =	simm.s32 $0x1600;
	[dreg:$0x1e] =	wrdreg s26  }
0x23: {  	s17 =	simm.s32 $0x1200;
	s9 =	sadd.s32 $0x253400, s6;
	[smem:$0x7FC] =	sst s7  }
0x24: {  	s21 =	simm.s32 $0x1400;
	s6 =	sadd.s32 $0x2B7400, s6;
	[dreg:$0x3] =	wrdreg s9  }
0x25: {  	s0 =	simm.s32 $0xF80;
	s1 =	sadd.s32 $0x18FC00, s1;
	[dreg:$0x4] =	wrdreg s6  }
0x26: {  	s8 =	sshrl.u32 s5, $0x3;
	s26 =	simm.s32 $0x1680;
	[smem:$0x7FA] =	sst s1  }
0x27: {  	s5 =	simm.s32 $0x2;
	s9 =	simm.s32 $0x500;
	[smem:$0x7FD] =	sst s8  }
0x28: {  	s1 =	simm.s32 $0xF00;
	[dreg:$0xd] =	wrdreg s9;
	s9 =	simm.s32 $0x0  }
.LBB2_1:
0x29: {  	[smem:$0x7F9] =	sst s9  }
0x2a: {  	s6 =	rddreg [dreg:$0x1f]  }
0x2b: {  	[spmem:s8], [sflag:s7] =	dma.local [hbm:s6], $0x310  }
0x2c: {  	_ =	swait.ge [sflag:s10], $0x310  }
0x2d: {  	[sflag:s10] =	ssyncset.done $0x0  }
0x2e: {  	[sflag:s10] =	ssyncadd.s32 $0xFFFFFCF0  }
0x2f: {  	[bflag:$0x0] =	sbarrier.arrive $0xFFFF  }
0x30: {  	s7 =	rddreg [dreg:$0x4]  }
0x31: {  	s6 =	sadd.s32 $0x0, s7  }
0x32: {  	[tilespmem:s3], [sflag:$0x3] =	stream.linear.gather [hbm4b:s6+s3], $0x800, $0x38;
	[tilespmem:$0x3080] =	vst v63  }
0x33: {  	_ =	swait.ge [sflag:s10], $0x800  }
0x34: {  	s8 =	rddreg [dreg:$0x3];
	[sflag:s10] =	ssyncset.done $0x0  }
0x35: {  	[sflag:s10] =	ssyncadd.s32 $0xFFFFF800;
	s6 =	sadd.s32 $0x0, s8  }
0x36: {  	[tilespmem:s11], [sflag:$0x3] =	stream.linear.gather [hbm4b:s6+s3], $0x800, $0x38;
	[tilespmem:$0x3080] =	vst v63  }
0x37: {  	_ =	swait.ge [sflag:s10], $0x800  }
0x38: {  	[sflag:s10] =	ssyncset.done $0x0  }
0x39: {  	[sflag:s10] =	ssyncadd.s32 $0xFFFFF800  }
0x3a: {  	[tilespmem:s13], [sflag:$0x1] =	stream.indirect.gather [hbm4b:s4+s12], $0x1, s3, s12, $0xb8;
	[tilespmem:$0x3080] =	vst v63  }
0x3b: {  	_ = 	snop  }
0x3c: {  	[tilespmem:s14], [sflag:$0x1] =	stream.indirect.gather [hbm4b:s4+s12], $0x1, s12, s12, $0xb8;
	[tilespmem:$0x3080] =	vst v63  }
0x3d: {  	s9 =	rddreg [dreg:$0x5]  }
0x3e: {  	[tilespmem:s15], [sflag:$0x1] =	stream.indirect.gather [hbm4b:s4+s12], $0x1, s9, s12, $0xb8;
	[tilespmem:$0x3080] =	vst v63  }
0x3f: {  	s7 =	rddreg [dreg:$0x6]  }
0x40: {  	[tilespmem:s16], [sflag:$0x1] =	stream.indirect.gather [hbm4b:s4+s12], $0x1, s7, s12, $0xb8;
	[tilespmem:$0x3080] =	vst v63  }
0x41: {  	s9 =	rddreg [dreg:$0x7]  }
0x42: {  	[tilespmem:s17], [sflag:$0x1] =	stream.indirect.gather [hbm4b:s4+s12], $0x1, s9, s12, $0xb8;
	[tilespmem:$0x3080] =	vst v63  }
0x43: {  	s7 =	rddreg [dreg:$0x8]  }
0x44: {  	[tilespmem:s18], [sflag:$0x1] =	stream.indirect.gather [hbm4b:s4+s12], $0x1, s7, s12, $0xb8;
	[tilespmem:$0x3080] =	vst v63  }
0x45: {  	s9 =	rddreg [dreg:$0x9]  }
0x46: {  	[tilespmem:s19], [sflag:$0x1] =	stream.indirect.gather [hbm4b:s4+s12], $0x1, s9, s12, $0xb8;
	[tilespmem:$0x3080] =	vst v63  }
0x47: {  	s7 =	rddreg [dreg:$0xa]  }
0x48: {  	[tilespmem:s20], [sflag:$0x1] =	stream.indirect.gather [hbm4b:s4+s12], $0x1, s7, s12, $0xb8;
	[tilespmem:$0x3080] =	vst v63  }
0x49: {  	s9 =	rddreg [dreg:$0xb]  }
0x4a: {  	[tilespmem:s21], [sflag:$0x1] =	stream.indirect.gather [hbm4b:s4+s12], $0x1, s9, s12, $0xb8;
	[tilespmem:$0x3080] =	vst v63  }
0x4b: {  	s7 =	rddreg [dreg:$0xc]  }
0x4c: {  	[tilespmem:s22], [sflag:$0x1] =	stream.indirect.gather [hbm4b:s4+s12], $0x1, s7, s12, $0xb8;
	[tilespmem:$0x3080] =	vst v63  }
0x4d: {  	s9 =	rddreg [dreg:$0xd]  }
0x4e: {  	[tilespmem:s23], [sflag:$0x1] =	stream.indirect.gather [hbm4b:s4+s12], $0x1, s9, s12, $0xb8;
	[tilespmem:$0x3080] =	vst v63  }
0x4f: {  	s7 =	rddreg [dreg:$0xe]  }
0x50: {  	[tilespmem:s24], [sflag:$0x1] =	stream.indirect.gather [hbm4b:s4+s12], $0x1, s7, s12, $0xb8;
	[tilespmem:$0x3080] =	vst v63  }
0x51: {  	s9 =	rddreg [dreg:$0xf]  }
0x52: {  	[tilespmem:s25], [sflag:$0x1] =	stream.indirect.gather [hbm4b:s4+s12], $0x1, s9, s12, $0xb8;
	[tilespmem:$0x3080] =	vst v63  }
0x53: {  	s7 =	rddreg [dreg:$0x10]  }
0x54: {  	[tilespmem:s26], [sflag:$0x1] =	stream.indirect.gather [hbm4b:s4+s12], $0x1, s7, s12, $0xb8;
	[tilespmem:$0x3080] =	vst v63  }
0x55: {  	s9 =	rddreg [dreg:$0x11]  }
0x56: {  	[tilespmem:s28], [sflag:$0x1] =	stream.indirect.gather [hbm4b:s4+s12], $0x1, s9, s12, $0xb8;
	[tilespmem:$0x3080] =	vst v63  }
0x57: {  	s7 =	rddreg [dreg:$0x12]  }
0x58: {  	[tilespmem:s29], [sflag:$0x1] =	stream.indirect.gather [hbm4b:s4+s12], $0x1, s7, s12, $0xb8;
	[tilespmem:$0x3080] =	vst v63  }
0x59: {  	_ =	swait.ge [sflag:s30], $0x80  }
0x5a: {  	[sflag:s30] =	ssyncset.done $0x0  }
0x5b: {  	[sflag:s30] =	ssyncadd.s32 $0xFFFFFF80  }
0x5c: {  	_ =	swait.ge [sflag:s30], $0x80  }
0x5d: {  	[sflag:s30] =	ssyncset.done $0x0  }
0x5e: {  	[sflag:s30] =	ssyncadd.s32 $0xFFFFFF80  }
0x5f: {  	_ =	swait.ge [sflag:s30], $0x80  }
0x60: {  	[sflag:s30] =	ssyncset.done $0x0  }
0x61: {  	[sflag:s30] =	ssyncadd.s32 $0xFFFFFF80  }
0x62: {  	_ =	swait.ge [sflag:s30], $0x80  }
0x63: {  	[sflag:s30] =	ssyncset.done $0x0  }
0x64: {  	[sflag:s30] =	ssyncadd.s32 $0xFFFFFF80  }
0x65: {  	_ =	swait.ge [sflag:s30], $0x80  }
0x66: {  	[sflag:s30] =	ssyncset.done $0x0  }
0x67: {  	[sflag:s30] =	ssyncadd.s32 $0xFFFFFF80  }
0x68: {  	_ =	swait.ge [sflag:s30], $0x80  }
0x69: {  	[sflag:s30] =	ssyncset.done $0x0  }
0x6a: {  	[sflag:s30] =	ssyncadd.s32 $0xFFFFFF80  }
0x6b: {  	_ =	swait.ge [sflag:s30], $0x80  }
0x6c: {  	[sflag:s30] =	ssyncset.done $0x0  }
0x6d: {  	[sflag:s30] =	ssyncadd.s32 $0xFFFFFF80  }
0x6e: {  	_ =	swait.ge [sflag:s30], $0x80  }
0x6f: {  	[sflag:s30] =	ssyncset.done $0x0  }
0x70: {  	[sflag:s30] =	ssyncadd.s32 $0xFFFFFF80  }
0x71: {  	_ =	swait.ge [sflag:s30], $0x80  }
0x72: {  	[sflag:s30] =	ssyncset.done $0x0  }
0x73: {  	[sflag:s30] =	ssyncadd.s32 $0xFFFFFF80  }
0x74: {  	_ =	swait.ge [sflag:s30], $0x80  }
0x75: {  	[sflag:s30] =	ssyncset.done $0x0  }
0x76: {  	[sflag:s30] =	ssyncadd.s32 $0xFFFFFF80  }
0x77: {  	_ =	swait.ge [sflag:s30], $0x80  }
0x78: {  	[sflag:s30] =	ssyncset.done $0x0  }
0x79: {  	[sflag:s30] =	ssyncadd.s32 $0xFFFFFF80  }
0x7a: {  	_ =	swait.ge [sflag:s30], $0x80  }
0x7b: {  	[sflag:s30] =	ssyncset.done $0x0  }
0x7c: {  	[sflag:s30] =	ssyncadd.s32 $0xFFFFFF80  }
0x7d: {  	_ =	swait.ge [sflag:s30], $0x80  }
0x7e: {  	[sflag:s30] =	ssyncset.done $0x0  }
0x7f: {  	[sflag:s30] =	ssyncadd.s32 $0xFFFFFF80  }
0x80: {  	_ =	swait.ge [sflag:s30], $0x80  }
0x81: {  	[sflag:s30] =	ssyncset.done $0x0  }
0x82: {  	[sflag:s30] =	ssyncadd.s32 $0xFFFFFF80  }
0x83: {  	_ =	swait.ge [sflag:s30], $0x80  }
0x84: {  	[sflag:s30] =	ssyncset.done $0x0  }
0x85: {  	[sflag:s30] =	ssyncadd.s32 $0xFFFFFF80  }
0x86: {  	_ =	swait.ge [sflag:s30], $0x80  }
0x87: {  	[sflag:s30] =	ssyncset.done $0x0  }
0x88: {  	[sflag:s30] =	ssyncadd.s32 $0xFFFFFF80  }
0x89: {  	[spmem:s2] =	stream.indirect.scatter.add.f32 [tilespmem:s13], [sflag:$0x2], $0x1, s11, s12, $0xb8;
	[tilespmem:$0x3080] =	vst v63  }
0x8a: {  	s8 =	rddreg [dreg:$0x13]  }
0x8b: {  	[spmem:s2] =	stream.indirect.scatter.add.f32 [tilespmem:s14], [sflag:$0x2], $0x1, s8, s12, $0xb8;
	[tilespmem:$0x3080] =	vst v63  }
0x8c: {  	s9 =	rddreg [dreg:$0x14]  }
0x8d: {  	[spmem:s2] =	stream.indirect.scatter.add.f32 [tilespmem:s15], [sflag:$0x2], $0x1, s9, s12, $0xb8;
	[tilespmem:$0x3080] =	vst v63  }
0x8e: {  	s7 =	rddreg [dreg:$0x15]  }
0x8f: {  	[spmem:s2] =	stream.indirect.scatter.add.f32 [tilespmem:s16], [sflag:$0x2], $0x1, s7, s12, $0xb8;
	[tilespmem:$0x3080] =	vst v63  }
0x90: {  	s9 =	rddreg [dreg:$0x16]  }
0x91: {  	[spmem:s2] =	stream.indirect.scatter.add.f32 [tilespmem:s17], [sflag:$0x2], $0x1, s9, s12, $0xb8;
	[tilespmem:$0x3080] =	vst v63  }
0x92: {  	s7 =	rddreg [dreg:$0x17]  }
0x93: {  	[spmem:s2] =	stream.indirect.scatter.add.f32 [tilespmem:s18], [sflag:$0x2], $0x1, s7, s12, $0xb8;
	[tilespmem:$0x3080] =	vst v63  }
0x94: {  	s9 =	rddreg [dreg:$0x18]  }
0x95: {  	[spmem:s2] =	stream.indirect.scatter.add.f32 [tilespmem:s19], [sflag:$0x2], $0x1, s9, s12, $0xb8;
	[tilespmem:$0x3080] =	vst v63  }
0x96: {  	s7 =	rddreg [dreg:$0x19]  }
0x97: {  	[spmem:s2] =	stream.indirect.scatter.add.f32 [tilespmem:s20], [sflag:$0x2], $0x1, s7, s12, $0xb8;
	[tilespmem:$0x3080] =	vst v63  }
0x98: {  	s9 =	rddreg [dreg:$0x1a]  }
0x99: {  	[spmem:s2] =	stream.indirect.scatter.add.f32 [tilespmem:s21], [sflag:$0x2], $0x1, s9, s12, $0xb8;
	[tilespmem:$0x3080] =	vst v63  }
0x9a: {  	s7 =	rddreg [dreg:$0x1b]  }
0x9b: {  	[spmem:s2] =	stream.indirect.scatter.add.f32 [tilespmem:s22], [sflag:$0x2], $0x1, s7, s12, $0xb8;
	[tilespmem:$0x3080] =	vst v63  }
0x9c: {  	s9 =	rddreg [dreg:$0x1c]  }
0x9d: {  	[spmem:s2] =	stream.indirect.scatter.add.f32 [tilespmem:s23], [sflag:$0x2], $0x1, s9, s12, $0xb8;
	[tilespmem:$0x3080] =	vst v63  }
0x9e: {  	s7 =	rddreg [dreg:$0x1d]  }
0x9f: {  	[spmem:s2] =	stream.indirect.scatter.add.f32 [tilespmem:s24], [sflag:$0x2], $0x1, s7, s12, $0xb8;
	[tilespmem:$0x3080] =	vst v63  }
0xa0: {  	s9 =	rddreg [dreg:$0x1e]  }
0xa1: {  	[spmem:s2] =	stream.indirect.scatter.add.f32 [tilespmem:s25], [sflag:$0x2], $0x1, s9, s12, $0xb8;
	[tilespmem:$0x3080] =	vst v63  }
0xa2: {  	_ = 	snop  }
0xa3: {  	[spmem:s2] =	stream.indirect.scatter.add.f32 [tilespmem:s26], [sflag:$0x2], $0x1, s31, s12, $0xb8;
	[tilespmem:$0x3080] =	vst v63  }
0xa4: {  	_ = 	snop  }
0xa5: {  	[spmem:s2] =	stream.indirect.scatter.add.f32 [tilespmem:s28], [sflag:$0x2], $0x1, s1, s12, $0xb8;
	[tilespmem:$0x3080] =	vst v63  }
0xa6: {  	_ = 	snop  }
0xa7: {  	[spmem:s2] =	stream.indirect.scatter.add.f32 [tilespmem:s29], [sflag:$0x2], $0x1, s0, s12, $0xb8;
	[tilespmem:$0x3080] =	vst v63  }
0xa8: {  	_ =	swait.ge [sflag:s5], $0x80  }
0xa9: {  	[sflag:s5] =	ssyncset.done $0x0  }
0xaa: {  	[sflag:s5] =	ssyncadd.s32 $0xFFFFFF80  }
0xab: {  	_ =	swait.ge [sflag:s5], $0x80  }
0xac: {  	[sflag:s5] =	ssyncset.done $0x0  }
0xad: {  	[sflag:s5] =	ssyncadd.s32 $0xFFFFFF80  }
0xae: {  	_ =	swait.ge [sflag:s5], $0x80  }
0xaf: {  	[sflag:s5] =	ssyncset.done $0x0  }
0xb0: {  	[sflag:s5] =	ssyncadd.s32 $0xFFFFFF80  }
0xb1: {  	_ =	swait.ge [sflag:s5], $0x80  }
0xb2: {  	[sflag:s5] =	ssyncset.done $0x0  }
0xb3: {  	[sflag:s5] =	ssyncadd.s32 $0xFFFFFF80  }
0xb4: {  	_ =	swait.ge [sflag:s5], $0x80  }
0xb5: {  	[sflag:s5] =	ssyncset.done $0x0  }
0xb6: {  	[sflag:s5] =	ssyncadd.s32 $0xFFFFFF80  }
0xb7: {  	_ =	swait.ge [sflag:s5], $0x80  }
0xb8: {  	[sflag:s5] =	ssyncset.done $0x0  }
0xb9: {  	[sflag:s5] =	ssyncadd.s32 $0xFFFFFF80  }
0xba: {  	_ =	swait.ge [sflag:s5], $0x80  }
0xbb: {  	[sflag:s5] =	ssyncset.done $0x0  }
0xbc: {  	[sflag:s5] =	ssyncadd.s32 $0xFFFFFF80  }
0xbd: {  	_ =	swait.ge [sflag:s5], $0x80  }
0xbe: {  	[sflag:s5] =	ssyncset.done $0x0  }
0xbf: {  	[sflag:s5] =	ssyncadd.s32 $0xFFFFFF80  }
0xc0: {  	_ =	swait.ge [sflag:s5], $0x80  }
0xc1: {  	[sflag:s5] =	ssyncset.done $0x0  }
0xc2: {  	[sflag:s5] =	ssyncadd.s32 $0xFFFFFF80  }
0xc3: {  	_ =	swait.ge [sflag:s5], $0x80  }
0xc4: {  	[sflag:s5] =	ssyncset.done $0x0  }
0xc5: {  	[sflag:s5] =	ssyncadd.s32 $0xFFFFFF80  }
0xc6: {  	_ =	swait.ge [sflag:s5], $0x80  }
0xc7: {  	[sflag:s5] =	ssyncset.done $0x0  }
0xc8: {  	[sflag:s5] =	ssyncadd.s32 $0xFFFFFF80  }
0xc9: {  	_ =	swait.ge [sflag:s5], $0x80  }
0xca: {  	[sflag:s5] =	ssyncset.done $0x0  }
0xcb: {  	[sflag:s5] =	ssyncadd.s32 $0xFFFFFF80  }
0xcc: {  	_ =	swait.ge [sflag:s5], $0x80  }
0xcd: {  	[sflag:s5] =	ssyncset.done $0x0  }
0xce: {  	[sflag:s5] =	ssyncadd.s32 $0xFFFFFF80  }
0xcf: {  	_ =	swait.ge [sflag:s5], $0x80  }
0xd0: {  	[sflag:s5] =	ssyncset.done $0x0  }
0xd1: {  	[sflag:s5] =	ssyncadd.s32 $0xFFFFFF80  }
0xd2: {  	_ =	swait.ge [sflag:s5], $0x80  }
0xd3: {  	[sflag:s5] =	ssyncset.done $0x0  }
0xd4: {  	[sflag:s5] =	ssyncadd.s32 $0xFFFFFF80  }
0xd5: {  	s6 =	simm.s32 $0x200;
	_ =	swait.ge [sflag:s5], $0x80  }
0xd6: {  	s8 =	simm.s32 $0x100;
	s9 =	rddreg [dreg:$0x4];
	[sflag:s5] =	ssyncset.done $0x0  }
.LBB2_2:
0xd7: {  	[sflag:s5] =	ssyncadd.s32 $0xFFFFFF80;
	s9 =	sadd.s32 s8, s9  }
0xd8: {  	[tilespmem:s3], [sflag:$0x3] =	stream.linear.gather [hbm4b:s9+s3], $0x800, $0x38;
	[tilespmem:$0x3080] =	vst v63  }
0xd9: {  	_ =	swait.ge [sflag:s10], $0x800  }
0xda: {  	s9 =	rddreg [dreg:$0x3];
	[sflag:s10] =	ssyncset.done $0x0  }
0xdb: {  	[sflag:s10] =	ssyncadd.s32 $0xFFFFF800;
	s9 =	sadd.s32 s8, s9  }
0xdc: {  	[tilespmem:s11], [sflag:$0x3] =	stream.linear.gather [hbm4b:s9+s3], $0x800, $0x38;
	[tilespmem:$0x3080] =	vst v63  }
0xdd: {  	_ =	swait.ge [sflag:s10], $0x800  }
0xde: {  	[sflag:s10] =	ssyncset.done $0x0  }
0xdf: {  	[sflag:s10] =	ssyncadd.s32 $0xFFFFF800  }
0xe0: {  	[tilespmem:s13], [sflag:$0x1] =	stream.indirect.gather [hbm4b:s4+s12], $0x1, s3, s12, $0xb8;
	[tilespmem:$0x3080] =	vst v63  }
0xe1: {  	s7 =	smov.u32 s6  }
0xe2: {  	[tilespmem:s14], [sflag:$0x1] =	stream.indirect.gather [hbm4b:s4+s12], $0x1, s12, s12, $0xb8;
	[tilespmem:$0x3080] =	vst v63  }
0xe3: {  	s8 =	smov.u32 s7;
	s7 =	rddreg [dreg:$0x5]  }
0xe4: {  	[tilespmem:s15], [sflag:$0x1] =	stream.indirect.gather [hbm4b:s4+s12], $0x1, s7, s12, $0xb8;
	[tilespmem:$0x3080] =	vst v63  }
0xe5: {  	s9 =	rddreg [dreg:$0x6]  }
0xe6: {  	[tilespmem:s16], [sflag:$0x1] =	stream.indirect.gather [hbm4b:s4+s12], $0x1, s9, s12, $0xb8;
	[tilespmem:$0x3080] =	vst v63  }
0xe7: {  	s7 =	rddreg [dreg:$0x7]  }
0xe8: {  	[tilespmem:s17], [sflag:$0x1] =	stream.indirect.gather [hbm4b:s4+s12], $0x1, s7, s12, $0xb8;
	[tilespmem:$0x3080] =	vst v63  }
0xe9: {  	s9 =	rddreg [dreg:$0x8]  }
0xea: {  	[tilespmem:s18], [sflag:$0x1] =	stream.indirect.gather [hbm4b:s4+s12], $0x1, s9, s12, $0xb8;
	[tilespmem:$0x3080] =	vst v63  }
0xeb: {  	s7 =	rddreg [dreg:$0x9]  }
0xec: {  	[tilespmem:s19], [sflag:$0x1] =	stream.indirect.gather [hbm4b:s4+s12], $0x1, s7, s12, $0xb8;
	[tilespmem:$0x3080] =	vst v63  }
0xed: {  	s9 =	rddreg [dreg:$0xa]  }
0xee: {  	[tilespmem:s20], [sflag:$0x1] =	stream.indirect.gather [hbm4b:s4+s12], $0x1, s9, s12, $0xb8;
	[tilespmem:$0x3080] =	vst v63  }
0xef: {  	s7 =	rddreg [dreg:$0xb]  }
0xf0: {  	[tilespmem:s21], [sflag:$0x1] =	stream.indirect.gather [hbm4b:s4+s12], $0x1, s7, s12, $0xb8;
	[tilespmem:$0x3080] =	vst v63  }
0xf1: {  	s9 =	rddreg [dreg:$0xc]  }
0xf2: {  	[tilespmem:s22], [sflag:$0x1] =	stream.indirect.gather [hbm4b:s4+s12], $0x1, s9, s12, $0xb8;
	[tilespmem:$0x3080] =	vst v63  }
0xf3: {  	s7 =	rddreg [dreg:$0xd]  }
0xf4: {  	[tilespmem:s23], [sflag:$0x1] =	stream.indirect.gather [hbm4b:s4+s12], $0x1, s7, s12, $0xb8;
	[tilespmem:$0x3080] =	vst v63  }
0xf5: {  	s9 =	rddreg [dreg:$0xe]  }
0xf6: {  	[tilespmem:s24], [sflag:$0x1] =	stream.indirect.gather [hbm4b:s4+s12], $0x1, s9, s12, $0xb8;
	[tilespmem:$0x3080] =	vst v63  }
0xf7: {  	s7 =	rddreg [dreg:$0xf]  }
0xf8: {  	[tilespmem:s25], [sflag:$0x1] =	stream.indirect.gather [hbm4b:s4+s12], $0x1, s7, s12, $0xb8;
	[tilespmem:$0x3080] =	vst v63  }
0xf9: {  	s9 =	rddreg [dreg:$0x10]  }
0xfa: {  	[tilespmem:s26], [sflag:$0x1] =	stream.indirect.gather [hbm4b:s4+s12], $0x1, s9, s12, $0xb8;
	[tilespmem:$0x3080] =	vst v63  }
0xfb: {  	s7 =	rddreg [dreg:$0x11]  }
0xfc: {  	[tilespmem:s28], [sflag:$0x1] =	stream.indirect.gather [hbm4b:s4+s12], $0x1, s7, s12, $0xb8;
	[tilespmem:$0x3080] =	vst v63  }
0xfd: {  	s9 =	rddreg [dreg:$0x12]  }
0xfe: {  	[tilespmem:s29], [sflag:$0x1] =	stream.indirect.gather [hbm4b:s4+s12], $0x1, s9, s12, $0xb8;
	[tilespmem:$0x3080] =	vst v63  }
0xff: {  	_ =	swait.ge [sflag:s30], $0x80  }
0x100: {  	[sflag:s30] =	ssyncset.done $0x0  }
0x101: {  	[sflag:s30] =	ssyncadd.s32 $0xFFFFFF80  }
0x102: {  	_ =	swait.ge [sflag:s30], $0x80  }
0x103: {  	[sflag:s30] =	ssyncset.done $0x0  }
0x104: {  	[sflag:s30] =	ssyncadd.s32 $0xFFFFFF80  }
0x105: {  	_ =	swait.ge [sflag:s30], $0x80  }
0x106: {  	[sflag:s30] =	ssyncset.done $0x0  }
0x107: {  	[sflag:s30] =	ssyncadd.s32 $0xFFFFFF80  }
0x108: {  	_ =	swait.ge [sflag:s30], $0x80  }
0x109: {  	[sflag:s30] =	ssyncset.done $0x0  }
0x10a: {  	[sflag:s30] =	ssyncadd.s32 $0xFFFFFF80  }
0x10b: {  	_ =	swait.ge [sflag:s30], $0x80  }
0x10c: {  	[sflag:s30] =	ssyncset.done $0x0  }
0x10d: {  	[sflag:s30] =	ssyncadd.s32 $0xFFFFFF80  }
0x10e: {  	_ =	swait.ge [sflag:s30], $0x80  }
0x10f: {  	[sflag:s30] =	ssyncset.done $0x0  }
0x110: {  	[sflag:s30] =	ssyncadd.s32 $0xFFFFFF80  }
0x111: {  	_ =	swait.ge [sflag:s30], $0x80  }
0x112: {  	[sflag:s30] =	ssyncset.done $0x0  }
0x113: {  	[sflag:s30] =	ssyncadd.s32 $0xFFFFFF80  }
0x114: {  	_ =	swait.ge [sflag:s30], $0x80  }
0x115: {  	[sflag:s30] =	ssyncset.done $0x0  }
0x116: {  	[sflag:s30] =	ssyncadd.s32 $0xFFFFFF80  }
0x117: {  	_ =	swait.ge [sflag:s30], $0x80  }
0x118: {  	[sflag:s30] =	ssyncset.done $0x0  }
0x119: {  	[sflag:s30] =	ssyncadd.s32 $0xFFFFFF80  }
0x11a: {  	_ =	swait.ge [sflag:s30], $0x80  }
0x11b: {  	[sflag:s30] =	ssyncset.done $0x0  }
0x11c: {  	[sflag:s30] =	ssyncadd.s32 $0xFFFFFF80  }
0x11d: {  	_ =	swait.ge [sflag:s30], $0x80  }
0x11e: {  	[sflag:s30] =	ssyncset.done $0x0  }
0x11f: {  	[sflag:s30] =	ssyncadd.s32 $0xFFFFFF80  }
0x120: {  	_ =	swait.ge [sflag:s30], $0x80  }
0x121: {  	[sflag:s30] =	ssyncset.done $0x0  }
0x122: {  	[sflag:s30] =	ssyncadd.s32 $0xFFFFFF80  }
0x123: {  	_ =	swait.ge [sflag:s30], $0x80  }
0x124: {  	[sflag:s30] =	ssyncset.done $0x0  }
0x125: {  	[sflag:s30] =	ssyncadd.s32 $0xFFFFFF80  }
0x126: {  	_ =	swait.ge [sflag:s30], $0x80  }
0x127: {  	[sflag:s30] =	ssyncset.done $0x0  }
0x128: {  	[sflag:s30] =	ssyncadd.s32 $0xFFFFFF80  }
0x129: {  	_ =	swait.ge [sflag:s30], $0x80  }
0x12a: {  	[sflag:s30] =	ssyncset.done $0x0  }
0x12b: {  	[sflag:s30] =	ssyncadd.s32 $0xFFFFFF80  }
0x12c: {  	_ =	swait.ge [sflag:s30], $0x80  }
0x12d: {  	[sflag:s30] =	ssyncset.done $0x0  }
0x12e: {  	[sflag:s30] =	ssyncadd.s32 $0xFFFFFF80  }
0x12f: {  	[spmem:s2] =	stream.indirect.scatter.add.f32 [tilespmem:s13], [sflag:$0x2], $0x1, s11, s12, $0xb8;
	[tilespmem:$0x3080] =	vst v63  }
0x130: {  	s7 =	rddreg [dreg:$0x13]  }
0x131: {  	[spmem:s2] =	stream.indirect.scatter.add.f32 [tilespmem:s14], [sflag:$0x2], $0x1, s7, s12, $0xb8;
	[tilespmem:$0x3080] =	vst v63  }
0x132: {  	s9 =	rddreg [dreg:$0x14]  }
0x133: {  	[spmem:s2] =	stream.indirect.scatter.add.f32 [tilespmem:s15], [sflag:$0x2], $0x1, s9, s12, $0xb8;
	[tilespmem:$0x3080] =	vst v63  }
0x134: {  	s7 =	rddreg [dreg:$0x15]  }
0x135: {  	[spmem:s2] =	stream.indirect.scatter.add.f32 [tilespmem:s16], [sflag:$0x2], $0x1, s7, s12, $0xb8;
	[tilespmem:$0x3080] =	vst v63  }
0x136: {  	s9 =	rddreg [dreg:$0x16]  }
0x137: {  	[spmem:s2] =	stream.indirect.scatter.add.f32 [tilespmem:s17], [sflag:$0x2], $0x1, s9, s12, $0xb8;
	[tilespmem:$0x3080] =	vst v63  }
0x138: {  	s7 =	rddreg [dreg:$0x17]  }
0x139: {  	[spmem:s2] =	stream.indirect.scatter.add.f32 [tilespmem:s18], [sflag:$0x2], $0x1, s7, s12, $0xb8;
	[tilespmem:$0x3080] =	vst v63  }
0x13a: {  	s9 =	rddreg [dreg:$0x18]  }
0x13b: {  	[spmem:s2] =	stream.indirect.scatter.add.f32 [tilespmem:s19], [sflag:$0x2], $0x1, s9, s12, $0xb8;
	[tilespmem:$0x3080] =	vst v63  }
0x13c: {  	s7 =	rddreg [dreg:$0x19]  }
0x13d: {  	[spmem:s2] =	stream.indirect.scatter.add.f32 [tilespmem:s20], [sflag:$0x2], $0x1, s7, s12, $0xb8;
	[tilespmem:$0x3080] =	vst v63  }
0x13e: {  	s9 =	rddreg [dreg:$0x1a]  }
0x13f: {  	[spmem:s2] =	stream.indirect.scatter.add.f32 [tilespmem:s21], [sflag:$0x2], $0x1, s9, s12, $0xb8;
	[tilespmem:$0x3080] =	vst v63  }
0x140: {  	s7 =	rddreg [dreg:$0x1b]  }
0x141: {  	[spmem:s2] =	stream.indirect.scatter.add.f32 [tilespmem:s22], [sflag:$0x2], $0x1, s7, s12, $0xb8;
	[tilespmem:$0x3080] =	vst v63  }
0x142: {  	s9 =	rddreg [dreg:$0x1c]  }
0x143: {  	[spmem:s2] =	stream.indirect.scatter.add.f32 [tilespmem:s23], [sflag:$0x2], $0x1, s9, s12, $0xb8;
	[tilespmem:$0x3080] =	vst v63  }
0x144: {  	s7 =	rddreg [dreg:$0x1d]  }
0x145: {  	[spmem:s2] =	stream.indirect.scatter.add.f32 [tilespmem:s24], [sflag:$0x2], $0x1, s7, s12, $0xb8;
	[tilespmem:$0x3080] =	vst v63  }
0x146: {  	s9 =	rddreg [dreg:$0x1e]  }
0x147: {  	[spmem:s2] =	stream.indirect.scatter.add.f32 [tilespmem:s25], [sflag:$0x2], $0x1, s9, s12, $0xb8;
	[tilespmem:$0x3080] =	vst v63  }
0x148: {  	_ = 	snop  }
0x149: {  	[spmem:s2] =	stream.indirect.scatter.add.f32 [tilespmem:s26], [sflag:$0x2], $0x1, s31, s12, $0xb8;
	[tilespmem:$0x3080] =	vst v63  }
0x14a: {  	_ = 	snop  }
0x14b: {  	[spmem:s2] =	stream.indirect.scatter.add.f32 [tilespmem:s28], [sflag:$0x2], $0x1, s1, s12, $0xb8;
	[tilespmem:$0x3080] =	vst v63  }
0x14c: {  	_ = 	snop  }
0x14d: {  	[spmem:s2] =	stream.indirect.scatter.add.f32 [tilespmem:s29], [sflag:$0x2], $0x1, s0, s12, $0xb8;
	[tilespmem:$0x3080] =	vst v63  }
0x14e: {  	_ =	swait.ge [sflag:s5], $0x80  }
0x14f: {  	[sflag:s5] =	ssyncset.done $0x0  }
0x150: {  	[sflag:s5] =	ssyncadd.s32 $0xFFFFFF80  }
0x151: {  	_ =	swait.ge [sflag:s5], $0x80  }
0x152: {  	[sflag:s5] =	ssyncset.done $0x0  }
0x153: {  	[sflag:s5] =	ssyncadd.s32 $0xFFFFFF80  }
0x154: {  	_ =	swait.ge [sflag:s5], $0x80  }
0x155: {  	[sflag:s5] =	ssyncset.done $0x0  }
0x156: {  	[sflag:s5] =	ssyncadd.s32 $0xFFFFFF80  }
0x157: {  	_ =	swait.ge [sflag:s5], $0x80  }
0x158: {  	[sflag:s5] =	ssyncset.done $0x0  }
0x159: {  	[sflag:s5] =	ssyncadd.s32 $0xFFFFFF80  }
0x15a: {  	_ =	swait.ge [sflag:s5], $0x80  }
0x15b: {  	[sflag:s5] =	ssyncset.done $0x0  }
0x15c: {  	[sflag:s5] =	ssyncadd.s32 $0xFFFFFF80  }
0x15d: {  	_ =	swait.ge [sflag:s5], $0x80  }
0x15e: {  	[sflag:s5] =	ssyncset.done $0x0  }
0x15f: {  	[sflag:s5] =	ssyncadd.s32 $0xFFFFFF80  }
0x160: {  	_ =	swait.ge [sflag:s5], $0x80  }
0x161: {  	[sflag:s5] =	ssyncset.done $0x0  }
0x162: {  	[sflag:s5] =	ssyncadd.s32 $0xFFFFFF80  }
0x163: {  	_ =	swait.ge [sflag:s5], $0x80  }
0x164: {  	[sflag:s5] =	ssyncset.done $0x0  }
0x165: {  	[sflag:s5] =	ssyncadd.s32 $0xFFFFFF80  }
0x166: {  	_ =	swait.ge [sflag:s5], $0x80  }
0x167: {  	[sflag:s5] =	ssyncset.done $0x0  }
0x168: {  	[sflag:s5] =	ssyncadd.s32 $0xFFFFFF80  }
0x169: {  	_ =	swait.ge [sflag:s5], $0x80  }
0x16a: {  	[sflag:s5] =	ssyncset.done $0x0  }
0x16b: {  	[sflag:s5] =	ssyncadd.s32 $0xFFFFFF80  }
0x16c: {  	_ =	swait.ge [sflag:s5], $0x80  }
0x16d: {  	[sflag:s5] =	ssyncset.done $0x0  }
0x16e: {  	[sflag:s5] =	ssyncadd.s32 $0xFFFFFF80  }
0x16f: {  	_ =	swait.ge [sflag:s5], $0x80  }
0x170: {  	[sflag:s5] =	ssyncset.done $0x0  }
0x171: {  	[sflag:s5] =	ssyncadd.s32 $0xFFFFFF80  }
0x172: {  	_ =	swait.ge [sflag:s5], $0x80  }
0x173: {  	[sflag:s5] =	ssyncset.done $0x0  }
0x174: {  	[sflag:s5] =	ssyncadd.s32 $0xFFFFFF80  }
0x175: {  	_ =	swait.ge [sflag:s5], $0x80  }
0x176: {  	[sflag:s5] =	ssyncset.done $0x0  }
0x177: {  	p0 =	sne.s32 s6, $0x3100;
	[sflag:s5] =	ssyncadd.s32 $0xFFFFFF80  }
.Ltmp0:
0x178: {  	_ =	swait.ge [sflag:s5], $0x80;
	(pc) =	sbr.rel @p0 .LBB2_2-.Ltmp0, $4  }
0x179: {  	[sflag:s5] =	ssyncset.done $0x0  }
0x17a: {  	[sflag:s5] =	ssyncadd.s32 $0xFFFFFF80  }
0x17b: {  	_ =	swait.ge [sflag:s5], $0x80  }
0x17c: {  	s6 =	sadd.s32 $0x100, s6;
	s9 =	rddreg [dreg:$0x4];
	[sflag:s5] =	ssyncset.done $0x0  }
0x17d: {  	[sflag:s5] =	ssyncadd.s32 $0xFFFFFF80;
	s6 =	sadd.s32 s8, s9  }
0x17e: {  	[tilespmem:s3], [sflag:$0x3] =	stream.linear.gather [hbm4b:s6+s3], $0x800, $0x38;
	[tilespmem:$0x3080] =	vst v63  }
0x17f: {  	_ =	swait.ge [sflag:s10], $0x800  }
0x180: {  	s7 =	rddreg [dreg:$0x3];
	[sflag:s10] =	ssyncset.done $0x0  }
0x181: {  	[sflag:s10] =	ssyncadd.s32 $0xFFFFF800;
	s6 =	sadd.s32 s8, s7  }
0x182: {  	[tilespmem:s11], [sflag:$0x3] =	stream.linear.gather [hbm4b:s6+s3], $0x800, $0x38;
	[tilespmem:$0x3080] =	vst v63  }
0x183: {  	_ =	swait.ge [sflag:s10], $0x800  }
0x184: {  	[sflag:s10] =	ssyncset.done $0x0  }
0x185: {  	[sflag:s10] =	ssyncadd.s32 $0xFFFFF800  }
0x186: {  	[tilespmem:s13], [sflag:$0x1] =	stream.indirect.gather [hbm4b:s4+s12], $0x1, s3, s12, $0xb8;
	[tilespmem:$0x3080] =	vst v63  }
0x187: {  	_ = 	snop  }
0x188: {  	[tilespmem:s14], [sflag:$0x1] =	stream.indirect.gather [hbm4b:s4+s12], $0x1, s12, s12, $0xb8;
	[tilespmem:$0x3080] =	vst v63  }
0x189: {  	s9 =	rddreg [dreg:$0x5]  }
0x18a: {  	[tilespmem:s15], [sflag:$0x1] =	stream.indirect.gather [hbm4b:s4+s12], $0x1, s9, s12, $0xb8;
	[tilespmem:$0x3080] =	vst v63  }
0x18b: {  	s7 =	rddreg [dreg:$0x6]  }
0x18c: {  	[tilespmem:s16], [sflag:$0x1] =	stream.indirect.gather [hbm4b:s4+s12], $0x1, s7, s12, $0xb8;
	[tilespmem:$0x3080] =	vst v63  }
0x18d: {  	s8 =	rddreg [dreg:$0x7]  }
0x18e: {  	[tilespmem:s17], [sflag:$0x1] =	stream.indirect.gather [hbm4b:s4+s12], $0x1, s8, s12, $0xb8;
	[tilespmem:$0x3080] =	vst v63  }
0x18f: {  	s9 =	rddreg [dreg:$0x8]  }
0x190: {  	[tilespmem:s18], [sflag:$0x1] =	stream.indirect.gather [hbm4b:s4+s12], $0x1, s9, s12, $0xb8;
	[tilespmem:$0x3080] =	vst v63  }
0x191: {  	s8 =	rddreg [dreg:$0x9]  }
0x192: {  	[tilespmem:s19], [sflag:$0x1] =	stream.indirect.gather [hbm4b:s4+s12], $0x1, s8, s12, $0xb8;
	[tilespmem:$0x3080] =	vst v63  }
0x193: {  	s9 =	rddreg [dreg:$0xa]  }
0x194: {  	[tilespmem:s20], [sflag:$0x1] =	stream.indirect.gather [hbm4b:s4+s12], $0x1, s9, s12, $0xb8;
	[tilespmem:$0x3080] =	vst v63  }
0x195: {  	s8 =	rddreg [dreg:$0xb]  }
0x196: {  	[tilespmem:s21], [sflag:$0x1] =	stream.indirect.gather [hbm4b:s4+s12], $0x1, s8, s12, $0xb8;
	[tilespmem:$0x3080] =	vst v63  }
0x197: {  	s9 =	rddreg [dreg:$0xc]  }
0x198: {  	[tilespmem:s22], [sflag:$0x1] =	stream.indirect.gather [hbm4b:s4+s12], $0x1, s9, s12, $0xb8;
	[tilespmem:$0x3080] =	vst v63  }
0x199: {  	s8 =	rddreg [dreg:$0xd]  }
0x19a: {  	[tilespmem:s23], [sflag:$0x1] =	stream.indirect.gather [hbm4b:s4+s12], $0x1, s8, s12, $0xb8;
	[tilespmem:$0x3080] =	vst v63  }
0x19b: {  	s9 =	rddreg [dreg:$0xe]  }
0x19c: {  	[tilespmem:s24], [sflag:$0x1] =	stream.indirect.gather [hbm4b:s4+s12], $0x1, s9, s12, $0xb8;
	[tilespmem:$0x3080] =	vst v63  }
0x19d: {  	s8 =	rddreg [dreg:$0xf]  }
0x19e: {  	[tilespmem:s25], [sflag:$0x1] =	stream.indirect.gather [hbm4b:s4+s12], $0x1, s8, s12, $0xb8;
	[tilespmem:$0x3080] =	vst v63  }
0x19f: {  	s9 =	rddreg [dreg:$0x10]  }
0x1a0: {  	[tilespmem:s26], [sflag:$0x1] =	stream.indirect.gather [hbm4b:s4+s12], $0x1, s9, s12, $0xb8;
	[tilespmem:$0x3080] =	vst v63  }
0x1a1: {  	s8 =	rddreg [dreg:$0x11]  }
0x1a2: {  	[tilespmem:s28], [sflag:$0x1] =	stream.indirect.gather [hbm4b:s4+s12], $0x1, s8, s12, $0xb8;
	[tilespmem:$0x3080] =	vst v63  }
0x1a3: {  	s9 =	rddreg [dreg:$0x12]  }
0x1a4: {  	[tilespmem:s29], [sflag:$0x1] =	stream.indirect.gather [hbm4b:s4+s12], $0x1, s9, s12, $0xb8;
	[tilespmem:$0x3080] =	vst v63  }
0x1a5: {  	_ =	swait.ge [sflag:s30], $0x80  }
0x1a6: {  	[sflag:s30] =	ssyncset.done $0x0  }
0x1a7: {  	[sflag:s30] =	ssyncadd.s32 $0xFFFFFF80  }
0x1a8: {  	_ =	swait.ge [sflag:s30], $0x80  }
0x1a9: {  	[sflag:s30] =	ssyncset.done $0x0  }
0x1aa: {  	[sflag:s30] =	ssyncadd.s32 $0xFFFFFF80  }
0x1ab: {  	_ =	swait.ge [sflag:s30], $0x80  }
0x1ac: {  	[sflag:s30] =	ssyncset.done $0x0  }
0x1ad: {  	[sflag:s30] =	ssyncadd.s32 $0xFFFFFF80  }
0x1ae: {  	_ =	swait.ge [sflag:s30], $0x80  }
0x1af: {  	[sflag:s30] =	ssyncset.done $0x0  }
0x1b0: {  	[sflag:s30] =	ssyncadd.s32 $0xFFFFFF80  }
0x1b1: {  	_ =	swait.ge [sflag:s30], $0x80  }
0x1b2: {  	[sflag:s30] =	ssyncset.done $0x0  }
0x1b3: {  	[sflag:s30] =	ssyncadd.s32 $0xFFFFFF80  }
0x1b4: {  	_ =	swait.ge [sflag:s30], $0x80  }
0x1b5: {  	[sflag:s30] =	ssyncset.done $0x0  }
0x1b6: {  	[sflag:s30] =	ssyncadd.s32 $0xFFFFFF80  }
0x1b7: {  	_ =	swait.ge [sflag:s30], $0x80  }
0x1b8: {  	[sflag:s30] =	ssyncset.done $0x0  }
0x1b9: {  	[sflag:s30] =	ssyncadd.s32 $0xFFFFFF80  }
0x1ba: {  	_ =	swait.ge [sflag:s30], $0x80  }
0x1bb: {  	[sflag:s30] =	ssyncset.done $0x0  }
0x1bc: {  	[sflag:s30] =	ssyncadd.s32 $0xFFFFFF80  }
0x1bd: {  	_ =	swait.ge [sflag:s30], $0x80  }
0x1be: {  	[sflag:s30] =	ssyncset.done $0x0  }
0x1bf: {  	[sflag:s30] =	ssyncadd.s32 $0xFFFFFF80  }
0x1c0: {  	_ =	swait.ge [sflag:s30], $0x80  }
0x1c1: {  	[sflag:s30] =	ssyncset.done $0x0  }
0x1c2: {  	[sflag:s30] =	ssyncadd.s32 $0xFFFFFF80  }
0x1c3: {  	_ =	swait.ge [sflag:s30], $0x80  }
0x1c4: {  	[sflag:s30] =	ssyncset.done $0x0  }
0x1c5: {  	[sflag:s30] =	ssyncadd.s32 $0xFFFFFF80  }
0x1c6: {  	_ =	swait.ge [sflag:s30], $0x80  }
0x1c7: {  	[sflag:s30] =	ssyncset.done $0x0  }
0x1c8: {  	[sflag:s30] =	ssyncadd.s32 $0xFFFFFF80  }
0x1c9: {  	_ =	swait.ge [sflag:s30], $0x80  }
0x1ca: {  	[sflag:s30] =	ssyncset.done $0x0  }
0x1cb: {  	[sflag:s30] =	ssyncadd.s32 $0xFFFFFF80  }
0x1cc: {  	_ =	swait.ge [sflag:s30], $0x80  }
0x1cd: {  	[sflag:s30] =	ssyncset.done $0x0  }
0x1ce: {  	[sflag:s30] =	ssyncadd.s32 $0xFFFFFF80  }
0x1cf: {  	_ =	swait.ge [sflag:s30], $0x80  }
0x1d0: {  	[sflag:s30] =	ssyncset.done $0x0  }
0x1d1: {  	[sflag:s30] =	ssyncadd.s32 $0xFFFFFF80  }
0x1d2: {  	_ =	swait.ge [sflag:s30], $0x80  }
0x1d3: {  	[sflag:s30] =	ssyncset.done $0x0  }
0x1d4: {  	[sflag:s30] =	ssyncadd.s32 $0xFFFFFF80  }
0x1d5: {  	[spmem:s2] =	stream.indirect.scatter.add.f32 [tilespmem:s13], [sflag:$0x2], $0x1, s11, s12, $0xb8;
	[tilespmem:$0x3080] =	vst v63  }
0x1d6: {  	s7 =	rddreg [dreg:$0x13]  }
0x1d7: {  	[spmem:s2] =	stream.indirect.scatter.add.f32 [tilespmem:s14], [sflag:$0x2], $0x1, s7, s12, $0xb8;
	[tilespmem:$0x3080] =	vst v63  }
0x1d8: {  	s8 =	rddreg [dreg:$0x14]  }
0x1d9: {  	[spmem:s2] =	stream.indirect.scatter.add.f32 [tilespmem:s15], [sflag:$0x2], $0x1, s8, s12, $0xb8;
	[tilespmem:$0x3080] =	vst v63  }
0x1da: {  	s9 =	rddreg [dreg:$0x15]  }
0x1db: {  	[spmem:s2] =	stream.indirect.scatter.add.f32 [tilespmem:s16], [sflag:$0x2], $0x1, s9, s12, $0xb8;
	[tilespmem:$0x3080] =	vst v63  }
0x1dc: {  	s8 =	rddreg [dreg:$0x16]  }
0x1dd: {  	[spmem:s2] =	stream.indirect.scatter.add.f32 [tilespmem:s17], [sflag:$0x2], $0x1, s8, s12, $0xb8;
	[tilespmem:$0x3080] =	vst v63  }
0x1de: {  	s9 =	rddreg [dreg:$0x17]  }
0x1df: {  	[spmem:s2] =	stream.indirect.scatter.add.f32 [tilespmem:s18], [sflag:$0x2], $0x1, s9, s12, $0xb8;
	[tilespmem:$0x3080] =	vst v63  }
0x1e0: {  	s8 =	rddreg [dreg:$0x18]  }
0x1e1: {  	[spmem:s2] =	stream.indirect.scatter.add.f32 [tilespmem:s19], [sflag:$0x2], $0x1, s8, s12, $0xb8;
	[tilespmem:$0x3080] =	vst v63  }
0x1e2: {  	s9 =	rddreg [dreg:$0x19]  }
0x1e3: {  	[spmem:s2] =	stream.indirect.scatter.add.f32 [tilespmem:s20], [sflag:$0x2], $0x1, s9, s12, $0xb8;
	[tilespmem:$0x3080] =	vst v63  }
0x1e4: {  	s8 =	rddreg [dreg:$0x1a]  }
0x1e5: {  	[spmem:s2] =	stream.indirect.scatter.add.f32 [tilespmem:s21], [sflag:$0x2], $0x1, s8, s12, $0xb8;
	[tilespmem:$0x3080] =	vst v63  }
0x1e6: {  	s9 =	rddreg [dreg:$0x1b]  }
0x1e7: {  	[spmem:s2] =	stream.indirect.scatter.add.f32 [tilespmem:s22], [sflag:$0x2], $0x1, s9, s12, $0xb8;
	[tilespmem:$0x3080] =	vst v63  }
0x1e8: {  	s8 =	rddreg [dreg:$0x1c]  }
0x1e9: {  	[spmem:s2] =	stream.indirect.scatter.add.f32 [tilespmem:s23], [sflag:$0x2], $0x1, s8, s12, $0xb8;
	[tilespmem:$0x3080] =	vst v63  }
0x1ea: {  	s9 =	rddreg [dreg:$0x1d]  }
0x1eb: {  	[spmem:s2] =	stream.indirect.scatter.add.f32 [tilespmem:s24], [sflag:$0x2], $0x1, s9, s12, $0xb8;
	[tilespmem:$0x3080] =	vst v63  }
0x1ec: {  	s8 =	rddreg [dreg:$0x1e]  }
0x1ed: {  	[spmem:s2] =	stream.indirect.scatter.add.f32 [tilespmem:s25], [sflag:$0x2], $0x1, s8, s12, $0xb8;
	[tilespmem:$0x3080] =	vst v63  }
0x1ee: {  	_ = 	snop  }
0x1ef: {  	[spmem:s2] =	stream.indirect.scatter.add.f32 [tilespmem:s26], [sflag:$0x2], $0x1, s31, s12, $0xb8;
	[tilespmem:$0x3080] =	vst v63  }
0x1f0: {  	_ = 	snop  }
0x1f1: {  	[spmem:s2] =	stream.indirect.scatter.add.f32 [tilespmem:s28], [sflag:$0x2], $0x1, s1, s12, $0xb8;
	[tilespmem:$0x3080] =	vst v63  }
0x1f2: {  	_ = 	snop  }
0x1f3: {  	[spmem:s2] =	stream.indirect.scatter.add.f32 [tilespmem:s29], [sflag:$0x2], $0x1, s0, s12, $0xb8;
	[tilespmem:$0x3080] =	vst v63  }
0x1f4: {  	_ =	swait.ge [sflag:s5], $0x80  }
0x1f5: {  	[sflag:s5] =	ssyncset.done $0x0  }
0x1f6: {  	[sflag:s5] =	ssyncadd.s32 $0xFFFFFF80  }
0x1f7: {  	_ =	swait.ge [sflag:s5], $0x80  }
0x1f8: {  	[sflag:s5] =	ssyncset.done $0x0  }
0x1f9: {  	[sflag:s5] =	ssyncadd.s32 $0xFFFFFF80  }
0x1fa: {  	_ =	swait.ge [sflag:s5], $0x80  }
0x1fb: {  	[sflag:s5] =	ssyncset.done $0x0  }
0x1fc: {  	[sflag:s5] =	ssyncadd.s32 $0xFFFFFF80  }
0x1fd: {  	_ =	swait.ge [sflag:s5], $0x80  }
0x1fe: {  	[sflag:s5] =	ssyncset.done $0x0  }
0x1ff: {  	[sflag:s5] =	ssyncadd.s32 $0xFFFFFF80  }
0x200: {  	_ =	swait.ge [sflag:s5], $0x80  }
0x201: {  	[sflag:s5] =	ssyncset.done $0x0  }
0x202: {  	[sflag:s5] =	ssyncadd.s32 $0xFFFFFF80  }
0x203: {  	_ =	swait.ge [sflag:s5], $0x80  }
0x204: {  	[sflag:s5] =	ssyncset.done $0x0  }
0x205: {  	[sflag:s5] =	ssyncadd.s32 $0xFFFFFF80  }
0x206: {  	_ =	swait.ge [sflag:s5], $0x80  }
0x207: {  	[sflag:s5] =	ssyncset.done $0x0  }
0x208: {  	[sflag:s5] =	ssyncadd.s32 $0xFFFFFF80  }
0x209: {  	_ =	swait.ge [sflag:s5], $0x80  }
0x20a: {  	[sflag:s5] =	ssyncset.done $0x0  }
0x20b: {  	[sflag:s5] =	ssyncadd.s32 $0xFFFFFF80  }
0x20c: {  	_ =	swait.ge [sflag:s5], $0x80  }
0x20d: {  	[sflag:s5] =	ssyncset.done $0x0  }
0x20e: {  	[sflag:s5] =	ssyncadd.s32 $0xFFFFFF80  }
0x20f: {  	_ =	swait.ge [sflag:s5], $0x80  }
0x210: {  	[sflag:s5] =	ssyncset.done $0x0  }
0x211: {  	[sflag:s5] =	ssyncadd.s32 $0xFFFFFF80  }
0x212: {  	_ =	swait.ge [sflag:s5], $0x80  }
0x213: {  	[sflag:s5] =	ssyncset.done $0x0  }
0x214: {  	[sflag:s5] =	ssyncadd.s32 $0xFFFFFF80  }
0x215: {  	_ =	swait.ge [sflag:s5], $0x80  }
0x216: {  	[sflag:s5] =	ssyncset.done $0x0  }
0x217: {  	[sflag:s5] =	ssyncadd.s32 $0xFFFFFF80  }
0x218: {  	_ =	swait.ge [sflag:s5], $0x80  }
0x219: {  	[sflag:s5] =	ssyncset.done $0x0  }
0x21a: {  	[sflag:s5] =	ssyncadd.s32 $0xFFFFFF80  }
0x21b: {  	_ =	swait.ge [sflag:s5], $0x80  }
0x21c: {  	[sflag:s5] =	ssyncset.done $0x0  }
0x21d: {  	[sflag:s5] =	ssyncadd.s32 $0xFFFFFF80  }
0x21e: {  	_ =	swait.ge [sflag:s5], $0x80  }
0x21f: {  	[sflag:s5] =	ssyncset.done $0x0  }
0x220: {  	[sflag:s5] =	ssyncadd.s32 $0xFFFFFF80  }
0x221: {  	_ =	swait.ge [sflag:s5], $0x80  }
0x222: {  	[sflag:s5] =	ssyncset.done $0x0  }
0x223: {  	[sflag:s5] =	ssyncadd.s32 $0xFFFFFF80  }
0x224: {  	[bflag:$0x0] =	sbarrier.arrive $0xFFFF  }
0x225: {  	s7 =	sld [smem:$0x7FC]  }
0x226: {  	s9 =	sld [smem:$0x7FA]  }
0x227: {  	s8 =	sld [smem:$0x7FD];
	_ =	sdelay $0x2  }
0x228: {  	[hbm:s9], [sflag:s7] =	dma.local [spmem:s8], $0x310  }
0x229: {  	_ =	swait.ge [sflag:s10], $0x310  }
0x22a: {  	s6 =	sld [smem:$0x7F9];
	_ =	sdelay $0x2  }
0x22b: {  	s9 =	sadd.s32 $0x1, s6;
	s6 =	sld [smem:$0x7FB];
	_ =	sdelay $0x2  }
0x22c: {  	p0 =	sne.s32 s9, s6  }
.Ltmp1:
0x22d: {  	_ = 	snop;
	(pc) =	sbr.rel @p0 .LBB2_1-.Ltmp1, $3  }
0x22e: {  	_ =	sdelay $0x1  }
0x22f: {  	[sflag:s10] =	ssyncset.done $0x0  }
0x230: {  	[sflag:s10] =	ssyncadd.s32 $0xFFFFFCF0  }
0x231: {  	_ =	sfence.sel $0x180000  }
0x232: {  	[bflag:$0x0] =	sbarrier.arrive $0xFFFF  }
0x233: {  	_ =	strace $0x9000004D  }
0x234: {  	s0 =	stileid.u32;
	[bflag:$0x2] =	sbarrier.arrive $0xFFFF  }
0x235: {  	p0 =	sne.s32 s0, $0x0;
	s0 =	rddreg [dreg:$0x2]  }
0x236: {  	s0 =	sadd.s32 @!p0 $0x100000, s0  }
0x237: {  	[sflag:s0] =	ssyncadd.tile.s32 @!p0 $0x1;
	_ =	shalt  }
.Lfunc_end2:
_tile_overlayer_lowered:
.L_overlay_start_2:
0x238: {  	(tag) =	ssettag $0x2  }
0x239: {  	s0 =	rddreg [dreg:$0x0];
	s2 =	stileid.u32  }
0x23a: {  	s1 =	rddreg [dreg:$0x1];
	p0 =	sne.s32 s2, $0x0  }
0x23b: {  	s3 =	rddreg [dreg:$0x2];
	[bflag:$0x3] =	sbarrier.arrive $0xFFFF;
	s2 =	simm.s32 @!p0 $0x1C03  }
0x23c: {  	[timem:s3], [sflag:s2] =	dma.local @!p0 [hbm:s0], s1  }
0x23d: {  	s0 =	simm.s32 @!p0 $0x3  }
0x23e: {  	_ =	swait.ge @!p0 [sflag:s0], s1  }
0x23f: {  	s1 =	ssub.s32 @!p0 $0x0, s1;
	[sflag:s0] =	ssyncset.done @!p0 $0x0  }
0x240: {  	[sflag:s0] =	ssyncadd.s32 @!p0 s1  }
0x241: {  	[bflag:$0x3] =	sbarrier.arrive $0xFFFF  }
0x242: {  	_ =	shalt  }

</sc_bundles>
